<compile_context>
chip_gen: v7x
topology: tpu7x:2x2x1
jax: 0.10.2.dev20260603
libtpu: 0.0.44.dev20260713+nightly
codegen_flags: <defaults>
</compile_context>

<pallas_src>
import functools

import numpy as np
import jax
import jax.numpy as jnp
from jax import lax
from jax.experimental import pallas as pl
from jax.experimental.pallas import tpu as pltpu
from jax.experimental.pallas import tpu_sc as plsc

H = W = 224
N = H * W
_RADII = [1, 2, 3, 4, 5, 6]
_RW = [1.0, 0.6, 0.4, 0.3, 0.2, 0.1]
_TAU = 0.15


def _build_static():
    d = {}
    for r, w in zip(_RADII, _RW):
        for dy in range(-r, r + 1):
            for dx in range(-r, r + 1):
                if (dx == 0 and dy == 0) or dx * dx + dy * dy > r * r:
                    continue
                d[(dy, dx)] = d.get((dy, dx), 0.0) + w
    offs = sorted(d.items(), key=lambda kv: kv[0][0] * W + kv[0][1])
    slots = []
    diag_j = None
    for (dy, dx), w in offs:
        if dy * W + dx > 0 and diag_j is None:
            diag_j = len(slots)
            slots.append((0, 0, None))
        slots.append((dy, dx, w))
    if diag_j is None:
        diag_j = len(slots)
        slots.append((0, 0, None))
    k = len(slots)

    dys = np.array([s[0] for s in slots], np.int64)
    dxs = np.array([s[1] for s in slots], np.int64)
    deltas = dys * W + dxs

    yy, xx = np.meshgrid(np.arange(H, dtype=np.int64),
                         np.arange(W, dtype=np.int64), indexing="ij")
    yf = yy.reshape(-1)
    xf = xx.reshape(-1)
    ny = yf[:, None] + dys[None, :]
    nx = xf[:, None] + dxs[None, :]
    valid = (ny >= 0) & (ny < H) & (nx >= 0) & (nx < W)

    pix = np.arange(N, dtype=np.int64)
    rows = np.broadcast_to(pix[:, None], (N, k))[valid]
    cols = (pix[:, None] + deltas[None, :])[valid]
    jj = np.broadcast_to(np.arange(k, dtype=np.int64)[None, :], (N, k))
    d2idx = (yf[:, None] * k + jj) * 256 + xf[:, None]
    sel = d2idx[valid]

    indices = np.stack([rows, cols]).astype(np.int32)
    rowlens = valid.reshape(H, W * k).sum(axis=1).astype(np.int64)
    return slots, diag_j, k, indices, sel.astype(np.int32), rowlens


_SLOTS, _DIAG_J, _K, _INDICES, _SEL, _ROWLENS = _build_static()
_NNZ = _SEL.shape[0]

_BY = 32
_WPAD = 256
_WOUT = 256

_BY_GROUPS = {}
for _j, (_dy, _dx, _w) in enumerate(_SLOTS):
    if _w is not None:
        _BY_GROUPS.setdefault(_dy, []).append((_j, _dx, _w))


def _stencil_body(planes_ref, out_ref):
    yb = pl.program_id(0) * _BY
    tall = [planes_ref[ch, pl.ds(yb, _BY + 16), :] for ch in range(3)]
    ctr = [t[6:6 + _BY, 6:6 + W] for t in tall]
    rowi = jax.lax.broadcasted_iota(jnp.int32, (_BY, W), 0) + yb
    coli = jax.lax.broadcasted_iota(jnp.int32, (_BY, W), 1)
    one = jnp.ones((_BY, W), jnp.float32)
    zero = jnp.zeros((_BY, W), jnp.float32)
    oky = {dy: (jnp.where((rowi + dy >= 0) & (rowi + dy < H), one, zero)
                if dy else one)
           for dy in range(-6, 7)}
    okx = {dx: (jnp.where((coli + dx >= 0) & (coli + dx < W), one, zero)
                if dx else one)
           for dx in range(-6, 7)}
    accs = [zero, zero, zero, zero]
    for dy, group in sorted(_BY_GROUPS.items()):
        rsh = [t[6 + dy:6 + dy + _BY, :] for t in tall]
        for j, dx, w in group:
            sh = [r[:, 6 + dx:6 + dx + W] for r in rsh]
            d2 = ((ctr[0] - sh[0]) ** 2 + (ctr[1] - sh[1]) ** 2
                  + (ctr[2] - sh[2]) ** 2)
            ew = w * jnp.exp(jnp.sqrt(d2) * (-1.0 / _TAU))
            ewm = ew * (oky[dy] * okx[dx])
            accs[j % 4] = accs[j % 4] + ewm
            out_ref[:, j * _WOUT:j * _WOUT + W] = -ewm
    out_ref[:, _DIAG_J * _WOUT:_DIAG_J * _WOUT + W] = (
        (accs[0] + accs[1]) + (accs[2] + accs[3]))


def _dense_weights(image, interpret=False):
    img = image.astype(jnp.float32)
    planes = jnp.transpose(img, (2, 0, 1))
    planes = jnp.pad(planes, ((0, 0), (6, _BY + 10), (6, _WPAD - W - 6)))
    return pl.pallas_call(
        _stencil_body,
        grid=(H // _BY + 1,),
        in_specs=[pl.BlockSpec((3, H + _BY + 16, _WPAD), lambda i: (0, 0, 0))],
        out_specs=pl.BlockSpec((_BY, _K * _WOUT), lambda i: (i, 0)),
        out_shape=jax.ShapeDtypeStruct((H + _BY, _K * _WOUT), jnp.float32),
        interpret=interpret,
    )(planes)



_LANES = 128
_NW = 32
_PLANE = _K * _WOUT
_RING = 2 * _PLANE
_SB = 80
_SUBBLK = _SB * _LANES
_NSB = 18
_ROWS_PER_W = 1360
_OCLAMP = _NNZ - _SUBBLK

_SELM = (_SEL % _RING).astype(np.int32)

_T = np.concatenate([[0], np.cumsum(_ROWLENS)]).astype(np.int64)
_C0 = int(_T[6])
_LMID = int(_T[7] - _T[6])
_C218 = int(_T[218])
assert all(int(_T[y + 1] - _T[y]) == _LMID for y in range(6, 218))
assert int(_ROWLENS.min()) > _SUBBLK
_TTOP = [int(_T[y]) for y in range(1, 6)]
_TBOT = [int(_T[y]) for y in range(219, 225)]


def _yfun(o):
    y_top = sum((o >= t).astype(jnp.int32) for t in _TTOP)
    y_mid = (6 + (o - _C0) // _LMID).astype(jnp.int32)
    y_bot = 218 + sum((o >= t).astype(jnp.int32) for t in _TBOT)
    return jnp.where(o < _C0, y_top, jnp.where(o < _C218, y_mid, y_bot))


def _sc_compact(d2pad, selm):
    mesh = plsc.VectorSubcoreMesh(core_axis_name="c", subcore_axis_name="s")

    @functools.partial(
        pl.kernel,
        mesh=mesh,
        out_type=jax.ShapeDtypeStruct((_NNZ,), jnp.float32),
        compiler_params=pltpu.CompilerParams(needs_layout_passes=False),
        scratch_types=[
            pltpu.VMEM((_RING,), jnp.float32),
            pltpu.VMEM((_SUBBLK,), jnp.int32),
            pltpu.VMEM((_SUBBLK,), jnp.int32),
            pltpu.VMEM((_SUBBLK,), jnp.float32),
            pltpu.VMEM((_SUBBLK,), jnp.float32),
            pltpu.SemaphoreType.DMA,
            pltpu.SemaphoreType.DMA,
        ],
    )
    def gather_kernel(d2_hbm, selm_hbm, out_hbm, plane_v,
                      ia, ib, da, db, isem, osem):
        wid = lax.axis_index("s") * 2 + lax.axis_index("c")
        obase = wid * (_ROWS_PER_W * _LANES)

        def o_of(i):
            return jnp.minimum(obase + i * _SUBBLK, _OCLAMP)

        y0 = _yfun(obase)
        pltpu.sync_copy(d2_hbm.at[pl.ds(y0 * _PLANE, _PLANE)],
                        plane_v.at[pl.ds((y0 % 2) * _PLANE, _PLANE)])
        pltpu.async_copy(selm_hbm.at[pl.ds(o_of(0), _SUBBLK)], ia, isem)

        idx_bufs = (ia, ib)
        dat_bufs = (da, db)

        def pair(p, ycur):
            stores = []
            for q in range(2):
                i = 2 * p + q
                idx_v = idx_bufs[q]
                dat_v = dat_bufs[q]
                pltpu.make_async_copy(
                    selm_hbm.at[pl.ds(o_of(i), _SUBBLK)], idx_v, isem).wait()
                pltpu.async_copy(
                    selm_hbm.at[pl.ds(o_of(i + 1), _SUBBLK)],
                    idx_bufs[1 - q], isem)
                o = o_of(i)
                ynew = _yfun(o + _SUBBLK - 1)

                @pl.when(ynew != ycur)
                def _():
                    pltpu.sync_copy(
                        d2_hbm.at[pl.ds(ynew * _PLANE, _PLANE)],
                        plane_v.at[pl.ds((ynew % 2) * _PLANE, _PLANE)])

                @plsc.parallel_loop(0, _SUBBLK, 16, unroll=8)
                def _gather(off):
                    idx = idx_v[pl.ds(off, 16)]
                    dat_v[pl.ds(off, 16)] = plsc.load_gather(plane_v, [idx])
                stores.append(pltpu.async_copy(
                    dat_v, out_hbm.at[pl.ds(o, _SUBBLK)], osem))
                ycur = ynew
            for st in stores:
                st.wait()
            return ycur

        lax.fori_loop(0, _NSB // 2, pair, y0)
        pltpu.make_async_copy(
            selm_hbm.at[pl.ds(o_of(_NSB), _SUBBLK)], ia, isem).wait()

    return gather_kernel(d2pad, selm)


def kernel(image):
    d2pad = _dense_weights(image).reshape(-1)
    vals = _sc_compact(d2pad, jnp.asarray(_SELM))
    return jnp.asarray(_INDICES), vals

# --- scband reference (transcript-rebuilt; emitter-appended) ---
"""Pipeline reference for scband-image-laplacian-builder-67250597921256 (READ-ONLY COPY).

The authoritative reference and input builder live on the scoring server;
editing this copy changes nothing except your own understanding.
"""

import jax, jax.numpy as jnp
import numpy as np

RADII = [1, 2, 3, 4, 5, 6]
RW = [1.0, 0.6, 0.4, 0.3, 0.2, 0.1]
EDGE_THRESHOLD = 0.15


def _offsets():
    # Enumerate multi-radius offsets exactly like the torch loop, then coalesce
    # duplicate (dy, dx) pairs by summing their radius weights. This is
    # mathematically identical to torch's sparse coalesce() because duplicate
    # (src, dst) entries share the same color_diff factor.
    d = {}
    for r, w in zip(RADII, RW):
        for dy in range(-r, r + 1):
            for dx in range(-r, r + 1):
                if (dx == 0 and dy == 0) or dx * dx + dy * dy > r * r:
                    continue
                key = (dy, dx)
                d[key] = d.get(key, 0.0) + w
    keys = list(d.keys())
    dys = np.array([k[0] for k in keys], dtype=np.int32)
    dxs = np.array([k[1] for k in keys], dtype=np.int32)
    ws = np.array([d[k] for k in keys], dtype=np.float32)
    return dys, dxs, ws


def setup_inputs(seed: int = 0):
    key = jax.random.key(seed)
    image = jax.random.uniform(key, (224, 224, 3), dtype=jnp.float32)
    return {"image": image}


def reference(image):
    H, W = image.shape[0], image.shape[1]
    n = H * W
    img = image.astype(jnp.float32)
    img = jnp.where(img.max() > 1.0, img / 255.0, img)
    flat = img.reshape(-1, 3)

    dys, dxs, ws = _offsets()
    k = int(ws.shape[0])

    yy, xx = np.meshgrid(np.arange(H, dtype=np.int32), np.arange(W, dtype=np.int32), indexing="ij")
    yyf = yy.reshape(-1)
    xxf = xx.reshape(-1)
    dst_y = yyf[:, None] + dys[None, :]
    dst_x = xxf[:, None] + dxs[None, :]
    valid = (dst_y >= 0) & (dst_y < H) & (dst_x >= 0) & (dst_x < W)

    src_idx = np.broadcast_to(np.arange(n, dtype=np.int32)[:, None], (n, k))
    dst_idx = (dst_y * W + dst_x).astype(np.int32)
    src_flat = jnp.asarray(src_idx[valid])
    dst_flat = jnp.asarray(dst_idx[valid])
    w_flat = jnp.asarray(np.broadcast_to(ws[None, :], (n, k))[valid])

    color_diff = jnp.linalg.norm(jnp.take(flat, src_flat, axis=0) - jnp.take(flat, dst_flat, axis=0), axis=-1)
    edge_w = w_flat * jnp.exp(-color_diff / EDGE_THRESHOLD)
    vals = -edge_w

    degrees = jnp.zeros((n,), jnp.float32).at[src_flat].add(edge_w)

    diag = jnp.arange(n)
    rows = jnp.concatenate([src_flat, diag])
    cols = jnp.concatenate([dst_flat, diag])
    allvals = jnp.concatenate([vals, degrees])

    # Emulate torch.sparse_coo_tensor(...).coalesce(): entries sorted by (row, col).
    order = jnp.lexsort((cols, rows))
    indices = jnp.stack([rows[order], cols[order]])
    return indices, jnp.take(allvals, order)

if __name__ == "__main__":
    import jax
    _d = setup_inputs()
    print(jax.jit(kernel)(*tuple(_d.values())))

</pallas_src>

<mosaic_0001>
#map = affine_map<(d0, d1) -> (0)>
module attributes {stable_mosaic.version = 14 : i64} {
  func.func @gather_kernel(%arg0: i32, %arg1: i32, %arg2: memref<7405568xf32, #tpu.memory_space<hbm>>, %arg3: memref<5542400xi32, #tpu.memory_space<hbm>>, %arg4: memref<5542400xf32, #tpu.memory_space<hbm>>, %arg5: memref<57856xf32, #tpu.memory_space<vmem>>, %arg6: memref<10240xi32, #tpu.memory_space<vmem>>, %arg7: memref<10240xi32, #tpu.memory_space<vmem>>, %arg8: memref<10240xf32, #tpu.memory_space<vmem>>, %arg9: memref<10240xf32, #tpu.memory_space<vmem>>, %arg10: memref<!tpu.dma_semaphore, #tpu.memory_space<semaphore_mem>>, %arg11: memref<!tpu.dma_semaphore, #tpu.memory_space<semaphore_mem>>) attributes {dimension_semantics = [#tpu.dimension_semantics<core_parallel>, #tpu.dimension_semantics<subcore_parallel>], iteration_bounds = array<i64: 2, 16>, scalar_prefetch = 0 : i64, scratch_operands = 7 : i64, tpu.core_type = #tpu.core_type<sc_vector_subcore>, window_params = [{transform_indices = #map}, {transform_indices = #map}, {transform_indices = #map}]} {
    %mul3A = arith.constant 2 : i32
    %mul3A_0 = arith.muli %arg1, %mul3A : i32
    %add3A = arith.addi %mul3A_0, %arg0 : i32
    %mul3A_1 = arith.constant 174080 : i32
    %mul3A_2 = arith.muli %add3A, %mul3A_1 : i32
    %ge3A = arith.constant 13948 : i32
    %ge3A_3 = arith.cmpi sge, %mul3A_2, %ge3A : i32
    %convert_element_type3A = arith.extui %ge3A_3 : i1 to i32
    %add3A_4 = arith.constant 0 : i32
    %add3A_5 = arith.addi %add3A_4, %convert_element_type3A : i32
    %ge3A_6 = arith.constant 30330 : i32
    %ge3A_7 = arith.cmpi sge, %mul3A_2, %ge3A_6 : i32
    %convert_element_type3A_8 = arith.extui %ge3A_7 : i1 to i32
    %add3A_9 = arith.addi %add3A_5, %convert_element_type3A_8 : i32
    %ge3A_10 = arith.constant 49146 : i32
    %ge3A_11 = arith.cmpi sge, %mul3A_2, %ge3A_10 : i32
    %convert_element_type3A_12 = arith.extui %ge3A_11 : i1 to i32
    %add3A_13 = arith.addi %add3A_9, %convert_element_type3A_12 : i32
    %ge3A_14 = arith.constant 70396 : i32
    %ge3A_15 = arith.cmpi sge, %mul3A_2, %ge3A_14 : i32
    %convert_element_type3A_16 = arith.extui %ge3A_15 : i1 to i32
    %add3A_17 = arith.addi %add3A_13, %convert_element_type3A_16 : i32
    %ge3A_18 = arith.constant 93642 : i32
    %ge3A_19 = arith.cmpi sge, %mul3A_2, %ge3A_18 : i32
    %convert_element_type3A_20 = arith.extui %ge3A_19 : i1 to i32
    %add3A_21 = arith.addi %add3A_17, %convert_element_type3A_20 : i32
    %sub3A = arith.constant 118444 : i32
    %sub3A_22 = arith.subi %mul3A_2, %sub3A : i32
    %jit3A = arith.constant 25026 : i32
    %div3A = arith.divsi %sub3A_22, %jit3A : i32
    %sign3A = arith.constant 0 : i32
    %sign3A_23 = arith.cmpi sgt, %sub3A_22, %sign3A : i32
    %sign3A_24 = arith.extui %sign3A_23 : i1 to i32
    %sign3A_25 = arith.constant 0 : i32
    %sign3A_26 = arith.cmpi slt, %sub3A_22, %sign3A_25 : i32
    %sign3A_27 = arith.extui %sign3A_26 : i1 to i32
    %sign3A_28 = arith.subi %sign3A_24, %sign3A_27 : i32
    %sign3A_29 = arith.constant 0 : i32
    %sign3A_30 = arith.cmpi sgt, %jit3A, %sign3A_29 : i32
    %sign3A_31 = arith.extui %sign3A_30 : i1 to i32
    %sign3A_32 = arith.constant 0 : i32
    %sign3A_33 = arith.cmpi slt, %jit3A, %sign3A_32 : i32
    %sign3A_34 = arith.extui %sign3A_33 : i1 to i32
    %sign3A_35 = arith.subi %sign3A_31, %sign3A_34 : i32
    %ne3A = arith.cmpi ne, %sign3A_28, %sign3A_35 : i32
    %rem3A = arith.remsi %sub3A_22, %jit3A : i32
    %ne3A_36 = arith.constant 0 : i32
    %ne3A_37 = arith.cmpi ne, %rem3A, %ne3A_36 : i32
    %and3A = arith.andi %ne3A, %ne3A_37 : i1
    %sub3A_38 = arith.constant 1 : i32
    %sub3A_39 = arith.subi %div3A, %sub3A_38 : i32
    %select_n3A = arith.select %and3A, %sub3A_39, %div3A : i32
    %add3A_40 = arith.constant 6 : i32
    %add3A_41 = arith.addi %add3A_40, %select_n3A : i32
    %ge3A_42 = arith.constant 5448758 : i32
    %ge3A_43 = arith.cmpi sge, %mul3A_2, %ge3A_42 : i32
    %convert_element_type3A_44 = arith.extui %ge3A_43 : i1 to i32
    %add3A_45 = arith.constant 0 : i32
    %add3A_46 = arith.addi %add3A_45, %convert_element_type3A_44 : i32
    %ge3A_47 = arith.constant 5472004 : i32
    %ge3A_48 = arith.cmpi sge, %mul3A_2, %ge3A_47 : i32
    %convert_element_type3A_49 = arith.extui %ge3A_48 : i1 to i32
    %add3A_50 = arith.addi %add3A_46, %convert_element_type3A_49 : i32
    %ge3A_51 = arith.constant 5493254 : i32
    %ge3A_52 = arith.cmpi sge, %mul3A_2, %ge3A_51 : i32
    %convert_element_type3A_53 = arith.extui %ge3A_52 : i1 to i32
    %add3A_54 = arith.addi %add3A_50, %convert_element_type3A_53 : i32
    %ge3A_55 = arith.constant 5512070 : i32
    %ge3A_56 = arith.cmpi sge, %mul3A_2, %ge3A_55 : i32
    %convert_element_type3A_57 = arith.extui %ge3A_56 : i1 to i32
    %add3A_58 = arith.addi %add3A_54, %convert_element_type3A_57 : i32
    %ge3A_59 = arith.constant 5528452 : i32
    %ge3A_60 = arith.cmpi sge, %mul3A_2, %ge3A_59 : i32
    %convert_element_type3A_61 = arith.extui %ge3A_60 : i1 to i32
    %add3A_62 = arith.addi %add3A_58, %convert_element_type3A_61 : i32
    %ge3A_63 = arith.constant 5542400 : i32
    %ge3A_64 = arith.cmpi sge, %mul3A_2, %ge3A_63 : i32
    %convert_element_type3A_65 = arith.extui %ge3A_64 : i1 to i32
    %add3A_66 = arith.addi %add3A_62, %convert_element_type3A_65 : i32
    %add3A_67 = arith.constant 218 : i32
    %add3A_68 = arith.addi %add3A_67, %add3A_66 : i32
    %lt3A = arith.constant 118444 : i32
    %lt3A_69 = arith.cmpi slt, %mul3A_2, %lt3A : i32
    %lt3A_70 = arith.constant 5423956 : i32
    %lt3A_71 = arith.cmpi slt, %mul3A_2, %lt3A_70 : i32
    %select_n3A_72 = arith.select %lt3A_71, %add3A_41, %add3A_68 : i32
    %select_n3A_73 = arith.select %lt3A_69, %add3A_21, %select_n3A_72 : i32
    %mul3A_74 = arith.constant 28928 : i32
    %mul3A_75 = arith.muli %select_n3A_73, %mul3A_74 : i32
    %jit3A_76 = arith.constant 2 : i32
    %eq3A = arith.constant 0 : i32
    %eq3A_77 = arith.cmpi eq, %jit3A_76, %eq3A : i32
    %jit3A_78 = arith.constant 1 : i32
    %select_n3A_79 = arith.select %eq3A_77, %jit3A_78, %jit3A_76 : i32
    %rem3A_80 = arith.remsi %select_n3A_73, %select_n3A_79 : i32
    %ne3A_81 = arith.constant 0 : i32
    %ne3A_82 = arith.cmpi ne, %rem3A_80, %ne3A_81 : i32
    %lt3A_83 = arith.constant 0 : i32
    %lt3A_84 = arith.cmpi slt, %rem3A_80, %lt3A_83 : i32
    %lt3A_85 = arith.constant 0 : i32
    %lt3A_86 = arith.cmpi slt, %select_n3A_79, %lt3A_85 : i32
    %ne3A_87 = arith.xori %lt3A_84, %lt3A_86 : i1
    %and3A_88 = arith.andi %ne3A_87, %ne3A_82 : i1
    %add3A_89 = arith.addi %rem3A_80, %select_n3A_79 : i32
    %select_n3A_90 = arith.select %and3A_88, %add3A_89, %rem3A_80 : i32
    %mul3A_91 = arith.constant 28928 : i32
    %mul3A_92 = arith.muli %select_n3A_90, %mul3A_91 : i32
    "tpu.region"() ({
      %run_scoped3A = tpu.sem_alloc : memref<!tpu.dma_semaphore, #tpu.memory_space<semaphore_mem>>
      %dma_start3A_107 = tpu.memref_slice %arg5[%mul3A_92] : memref<57856xf32, #tpu.memory_space<vmem>> -> memref<28928xf32, #tpu.memory_space<vmem>>
      %dma_start3A_108 = tpu.memref_slice %arg2[%mul3A_75] : memref<7405568xf32, #tpu.memory_space<hbm>> -> memref<28928xf32, #tpu.memory_space<hbm>>
      %dma_start3A_109 = tpu.memref_slice %arg5[%mul3A_92] : memref<57856xf32, #tpu.memory_space<vmem>> -> memref<28928xf32, #tpu.memory_space<vmem>>
      %dma_start3A_110 = tpu.memref_slice %arg2[%mul3A_75] : memref<7405568xf32, #tpu.memory_space<hbm>> -> memref<28928xf32, #tpu.memory_space<hbm>>
      tpu.enqueue_dma source(%dma_start3A_110 : memref<28928xf32, #tpu.memory_space<hbm>>) target(%dma_start3A_109 : memref<28928xf32, #tpu.memory_space<vmem>>) target_semaphore(%run_scoped3A : memref<!tpu.dma_semaphore, #tpu.memory_space<semaphore_mem>>)
      %dma_wait3A_111 = tpu.memref_slice %arg5[%mul3A_92] : memref<57856xf32, #tpu.memory_space<vmem>> -> memref<28928xf32, #tpu.memory_space<vmem>>
      %dma_wait3A_112 = tpu.memref_slice %arg2[%mul3A_75] : memref<7405568xf32, #tpu.memory_space<hbm>> -> memref<28928xf32, #tpu.memory_space<hbm>>
      %dma_wait3A_113 = tpu.memref_slice %arg5[%mul3A_92] : memref<57856xf32, #tpu.memory_space<vmem>> -> memref<28928xf32, #tpu.memory_space<vmem>>
      %dma_wait3A_114 = tpu.memref_slice %arg2[%mul3A_75] : memref<7405568xf32, #tpu.memory_space<hbm>> -> memref<28928xf32, #tpu.memory_space<hbm>>
      tpu.wait_dma2 semaphore(%run_scoped3A : memref<!tpu.dma_semaphore, #tpu.memory_space<semaphore_mem>>) src(%dma_wait3A_114 : memref<28928xf32, #tpu.memory_space<hbm>>) dst(%dma_wait3A_113 : memref<28928xf32, #tpu.memory_space<vmem>>)
      tpu.yield
    }) : () -> ()
    %add3A_93 = arith.constant 0 : i32
    %add3A_94 = arith.addi %mul3A_2, %add3A_93 : i32
    %min3A = arith.constant 5532160 : i32
    %min3A_95 = arith.minsi %add3A_94, %min3A : i32
    %dma_start3A = tpu.memref_slice %arg3[%min3A_95] : memref<5542400xi32, #tpu.memory_space<hbm>> -> memref<10240xi32, #tpu.memory_space<hbm>>
    %dma_start3A_96 = tpu.memref_slice %arg3[%min3A_95] : memref<5542400xi32, #tpu.memory_space<hbm>> -> memref<10240xi32, #tpu.memory_space<hbm>>
    tpu.enqueue_dma source(%dma_start3A_96 : memref<10240xi32, #tpu.memory_space<hbm>>) target(%arg6 : memref<10240xi32, #tpu.memory_space<vmem>>) target_semaphore(%arg10 : memref<!tpu.dma_semaphore, #tpu.memory_space<semaphore_mem>>)
    %scan3A = arith.constant 0 : i32
    %scan3A_97 = arith.constant 9 : i32
    %scan3A_98 = arith.addi %scan3A, %scan3A_97 : i32
    %scan3A_99 = arith.constant 1 : i32
    %scan3A_100 = scf.for %scan3A_107 = %scan3A to %scan3A_98 step %scan3A_99 iter_args(%scan3A_108 = %select_n3A_73) -> (i32)  : i32 {
      %mul3A_109 = arith.constant 2 : i32
      %mul3A_110 = arith.muli %mul3A_109, %scan3A_107 : i32
      %add3A_111 = arith.constant 0 : i32
      %add3A_112 = arith.addi %mul3A_110, %add3A_111 : i32
      %mul3A_113 = arith.constant 10240 : i32
      %mul3A_114 = arith.muli %add3A_112, %mul3A_113 : i32
      %add3A_115 = arith.addi %mul3A_2, %mul3A_114 : i32
      %min3A_116 = arith.constant 5532160 : i32
      %min3A_117 = arith.minsi %add3A_115, %min3A_116 : i32
      %dma_wait3A_118 = tpu.memref_slice %arg3[%min3A_117] : memref<5542400xi32, #tpu.memory_space<hbm>> -> memref<10240xi32, #tpu.memory_space<hbm>>
      %dma_wait3A_119 = tpu.memref_slice %arg3[%min3A_117] : memref<5542400xi32, #tpu.memory_space<hbm>> -> memref<10240xi32, #tpu.memory_space<hbm>>
      tpu.wait_dma2 semaphore(%arg10 : memref<!tpu.dma_semaphore, #tpu.memory_space<semaphore_mem>>) src(%dma_wait3A_119 : memref<10240xi32, #tpu.memory_space<hbm>>) dst(%arg6 : memref<10240xi32, #tpu.memory_space<vmem>>)
      %add3A_120 = arith.constant 1 : i32
      %add3A_121 = arith.addi %add3A_112, %add3A_120 : i32
      %mul3A_122 = arith.constant 10240 : i32
      %mul3A_123 = arith.muli %add3A_121, %mul3A_122 : i32
      %add3A_124 = arith.addi %mul3A_2, %mul3A_123 : i32
      %min3A_125 = arith.constant 5532160 : i32
      %min3A_126 = arith.minsi %add3A_124, %min3A_125 : i32
      %dma_start3A_127 = tpu.memref_slice %arg3[%min3A_126] : memref<5542400xi32, #tpu.memory_space<hbm>> -> memref<10240xi32, #tpu.memory_space<hbm>>
      %dma_start3A_128 = tpu.memref_slice %arg3[%min3A_126] : memref<5542400xi32, #tpu.memory_space<hbm>> -> memref<10240xi32, #tpu.memory_space<hbm>>
      tpu.enqueue_dma source(%dma_start3A_128 : memref<10240xi32, #tpu.memory_space<hbm>>) target(%arg7 : memref<10240xi32, #tpu.memory_space<vmem>>) target_semaphore(%arg10 : memref<!tpu.dma_semaphore, #tpu.memory_space<semaphore_mem>>)
      %mul3A_129 = arith.constant 10240 : i32
      %mul3A_130 = arith.muli %add3A_112, %mul3A_129 : i32
      %add3A_131 = arith.addi %mul3A_2, %mul3A_130 : i32
      %min3A_132 = arith.constant 5532160 : i32
      %min3A_133 = arith.minsi %add3A_131, %min3A_132 : i32
      %add3A_134 = arith.constant 10240 : i32
      %add3A_135 = arith.addi %min3A_133, %add3A_134 : i32
      %sub3A_136 = arith.constant 1 : i32
      %sub3A_137 = arith.subi %add3A_135, %sub3A_136 : i32
      %ge3A_138 = arith.constant 13948 : i32
      %ge3A_139 = arith.cmpi sge, %sub3A_137, %ge3A_138 : i32
      %convert_element_type3A_140 = arith.extui %ge3A_139 : i1 to i32
      %add3A_141 = arith.constant 0 : i32
      %add3A_142 = arith.addi %add3A_141, %convert_element_type3A_140 : i32
      %ge3A_143 = arith.constant 30330 : i32
      %ge3A_144 = arith.cmpi sge, %sub3A_137, %ge3A_143 : i32
      %convert_element_type3A_145 = arith.extui %ge3A_144 : i1 to i32
      %add3A_146 = arith.addi %add3A_142, %convert_element_type3A_145 : i32
      %ge3A_147 = arith.constant 49146 : i32
      %ge3A_148 = arith.cmpi sge, %sub3A_137, %ge3A_147 : i32
      %convert_element_type3A_149 = arith.extui %ge3A_148 : i1 to i32
      %add3A_150 = arith.addi %add3A_146, %convert_element_type3A_149 : i32
      %ge3A_151 = arith.constant 70396 : i32
      %ge3A_152 = arith.cmpi sge, %sub3A_137, %ge3A_151 : i32
      %convert_element_type3A_153 = arith.extui %ge3A_152 : i1 to i32
      %add3A_154 = arith.addi %add3A_150, %convert_element_type3A_153 : i32
      %ge3A_155 = arith.constant 93642 : i32
      %ge3A_156 = arith.cmpi sge, %sub3A_137, %ge3A_155 : i32
      %convert_element_type3A_157 = arith.extui %ge3A_156 : i1 to i32
      %add3A_158 = arith.addi %add3A_154, %convert_element_type3A_157 : i32
      %sub3A_159 = arith.constant 118444 : i32
      %sub3A_160 = arith.subi %sub3A_137, %sub3A_159 : i32
      %jit3A_161 = arith.constant 25026 : i32
      %div3A_162 = arith.divsi %sub3A_160, %jit3A_161 : i32
      %sign3A_163 = arith.constant 0 : i32
      %sign3A_164 = arith.cmpi sgt, %sub3A_160, %sign3A_163 : i32
      %sign3A_165 = arith.extui %sign3A_164 : i1 to i32
      %sign3A_166 = arith.constant 0 : i32
      %sign3A_167 = arith.cmpi slt, %sub3A_160, %sign3A_166 : i32
      %sign3A_168 = arith.extui %sign3A_167 : i1 to i32
      %sign3A_169 = arith.subi %sign3A_165, %sign3A_168 : i32
      %sign3A_170 = arith.constant 0 : i32
      %sign3A_171 = arith.cmpi sgt, %jit3A_161, %sign3A_170 : i32
      %sign3A_172 = arith.extui %sign3A_171 : i1 to i32
      %sign3A_173 = arith.constant 0 : i32
      %sign3A_174 = arith.cmpi slt, %jit3A_161, %sign3A_173 : i32
      %sign3A_175 = arith.extui %sign3A_174 : i1 to i32
      %sign3A_176 = arith.subi %sign3A_172, %sign3A_175 : i32
      %ne3A_177 = arith.cmpi ne, %sign3A_169, %sign3A_176 : i32
      %rem3A_178 = arith.remsi %sub3A_160, %jit3A_161 : i32
      %ne3A_179 = arith.constant 0 : i32
      %ne3A_180 = arith.cmpi ne, %rem3A_178, %ne3A_179 : i32
      %and3A_181 = arith.andi %ne3A_177, %ne3A_180 : i1
      %sub3A_182 = arith.constant 1 : i32
      %sub3A_183 = arith.subi %div3A_162, %sub3A_182 : i32
      %select_n3A_184 = arith.select %and3A_181, %sub3A_183, %div3A_162 : i32
      %add3A_185 = arith.constant 6 : i32
      %add3A_186 = arith.addi %add3A_185, %select_n3A_184 : i32
      %ge3A_187 = arith.constant 5448758 : i32
      %ge3A_188 = arith.cmpi sge, %sub3A_137, %ge3A_187 : i32
      %convert_element_type3A_189 = arith.extui %ge3A_188 : i1 to i32
      %add3A_190 = arith.constant 0 : i32
      %add3A_191 = arith.addi %add3A_190, %convert_element_type3A_189 : i32
      %ge3A_192 = arith.constant 5472004 : i32
      %ge3A_193 = arith.cmpi sge, %sub3A_137, %ge3A_192 : i32
      %convert_element_type3A_194 = arith.extui %ge3A_193 : i1 to i32
      %add3A_195 = arith.addi %add3A_191, %convert_element_type3A_194 : i32
      %ge3A_196 = arith.constant 5493254 : i32
      %ge3A_197 = arith.cmpi sge, %sub3A_137, %ge3A_196 : i32
      %convert_element_type3A_198 = arith.extui %ge3A_197 : i1 to i32
      %add3A_199 = arith.addi %add3A_195, %convert_element_type3A_198 : i32
      %ge3A_200 = arith.constant 5512070 : i32
      %ge3A_201 = arith.cmpi sge, %sub3A_137, %ge3A_200 : i32
      %convert_element_type3A_202 = arith.extui %ge3A_201 : i1 to i32
      %add3A_203 = arith.addi %add3A_199, %convert_element_type3A_202 : i32
      %ge3A_204 = arith.constant 5528452 : i32
      %ge3A_205 = arith.cmpi sge, %sub3A_137, %ge3A_204 : i32
      %convert_element_type3A_206 = arith.extui %ge3A_205 : i1 to i32
      %add3A_207 = arith.addi %add3A_203, %convert_element_type3A_206 : i32
      %ge3A_208 = arith.constant 5542400 : i32
      %ge3A_209 = arith.cmpi sge, %sub3A_137, %ge3A_208 : i32
      %convert_element_type3A_210 = arith.extui %ge3A_209 : i1 to i32
      %add3A_211 = arith.addi %add3A_207, %convert_element_type3A_210 : i32
      %add3A_212 = arith.constant 218 : i32
      %add3A_213 = arith.addi %add3A_212, %add3A_211 : i32
      %lt3A_214 = arith.constant 118444 : i32
      %lt3A_215 = arith.cmpi slt, %sub3A_137, %lt3A_214 : i32
      %lt3A_216 = arith.constant 5423956 : i32
      %lt3A_217 = arith.cmpi slt, %sub3A_137, %lt3A_216 : i32
      %select_n3A_218 = arith.select %lt3A_217, %add3A_186, %add3A_213 : i32
      %select_n3A_219 = arith.select %lt3A_215, %add3A_158, %select_n3A_218 : i32
      %ne3A_220 = arith.cmpi ne, %select_n3A_219, %scan3A_108 : i32
      %convert_element_type3A_221 = arith.extui %ne3A_220 : i1 to i32
      %cond3A = arith.constant 0 : i32
      %cond3A_222 = arith.cmpi ne, %convert_element_type3A_221, %cond3A : i32
      scf.if %cond3A_222 {
        %mul3A_351 = arith.constant 28928 : i32
        %mul3A_352 = arith.muli %select_n3A_219, %mul3A_351 : i32
        %jit3A_353 = arith.constant 2 : i32
        %eq3A_354 = arith.constant 0 : i32
        %eq3A_355 = arith.cmpi eq, %jit3A_353, %eq3A_354 : i32
        %jit3A_356 = arith.constant 1 : i32
        %select_n3A_357 = arith.select %eq3A_355, %jit3A_356, %jit3A_353 : i32
        %rem3A_358 = arith.remsi %select_n3A_219, %select_n3A_357 : i32
        %ne3A_359 = arith.constant 0 : i32
        %ne3A_360 = arith.cmpi ne, %rem3A_358, %ne3A_359 : i32
        %lt3A_361 = arith.constant 0 : i32
        %lt3A_362 = arith.cmpi slt, %rem3A_358, %lt3A_361 : i32
        %lt3A_363 = arith.constant 0 : i32
        %lt3A_364 = arith.cmpi slt, %select_n3A_357, %lt3A_363 : i32
        %ne3A_365 = arith.xori %lt3A_362, %lt3A_364 : i1
        %and3A_366 = arith.andi %ne3A_365, %ne3A_360 : i1
        %add3A_367 = arith.addi %rem3A_358, %select_n3A_357 : i32
        %select_n3A_368 = arith.select %and3A_366, %add3A_367, %rem3A_358 : i32
        %mul3A_369 = arith.constant 28928 : i32
        %mul3A_370 = arith.muli %select_n3A_368, %mul3A_369 : i32
        "tpu.region"() ({
          %run_scoped3A = tpu.sem_alloc : memref<!tpu.dma_semaphore, #tpu.memory_space<semaphore_mem>>
          %dma_start3A_371 = tpu.memref_slice %arg5[%mul3A_370] : memref<57856xf32, #tpu.memory_space<vmem>> -> memref<28928xf32, #tpu.memory_space<vmem>>
          %dma_start3A_372 = tpu.memref_slice %arg2[%mul3A_352] : memref<7405568xf32, #tpu.memory_space<hbm>> -> memref<28928xf32, #tpu.memory_space<hbm>>
          %dma_start3A_373 = tpu.memref_slice %arg5[%mul3A_370] : memref<57856xf32, #tpu.memory_space<vmem>> -> memref<28928xf32, #tpu.memory_space<vmem>>
          %dma_start3A_374 = tpu.memref_slice %arg2[%mul3A_352] : memref<7405568xf32, #tpu.memory_space<hbm>> -> memref<28928xf32, #tpu.memory_space<hbm>>
          tpu.enqueue_dma source(%dma_start3A_374 : memref<28928xf32, #tpu.memory_space<hbm>>) target(%dma_start3A_373 : memref<28928xf32, #tpu.memory_space<vmem>>) target_semaphore(%run_scoped3A : memref<!tpu.dma_semaphore, #tpu.memory_space<semaphore_mem>>)
          %dma_wait3A_375 = tpu.memref_slice %arg5[%mul3A_370] : memref<57856xf32, #tpu.memory_space<vmem>> -> memref<28928xf32, #tpu.memory_space<vmem>>
          %dma_wait3A_376 = tpu.memref_slice %arg2[%mul3A_352] : memref<7405568xf32, #tpu.memory_space<hbm>> -> memref<28928xf32, #tpu.memory_space<hbm>>
          %dma_wait3A_377 = tpu.memref_slice %arg5[%mul3A_370] : memref<57856xf32, #tpu.memory_space<vmem>> -> memref<28928xf32, #tpu.memory_space<vmem>>
          %dma_wait3A_378 = tpu.memref_slice %arg2[%mul3A_352] : memref<7405568xf32, #tpu.memory_space<hbm>> -> memref<28928xf32, #tpu.memory_space<hbm>>
          tpu.wait_dma2 semaphore(%run_scoped3A : memref<!tpu.dma_semaphore, #tpu.memory_space<semaphore_mem>>) src(%dma_wait3A_378 : memref<28928xf32, #tpu.memory_space<hbm>>) dst(%dma_wait3A_377 : memref<28928xf32, #tpu.memory_space<vmem>>)
          tpu.yield
        }) : () -> ()
      } else {
      }
      %parallel_loop3A = arith.constant 0 : i32
      %parallel_loop3A_223 = arith.constant 10240 : i32
      %parallel_loop3A_224 = arith.constant 16 : i32
      scf.for %parallel_loop3A_351 = %parallel_loop3A to %parallel_loop3A_223 step %parallel_loop3A_224  : i32 {
        %parallel_loop3A_352 = arith.index_cast %parallel_loop3A_351 : i32 to index
        %parallel_loop3A_353 = tpu.vector_load %arg6[%parallel_loop3A_352] {strides = array<i32>} : memref<10240xi32, #tpu.memory_space<vmem>>, vector<16xi32>,
        %parallel_loop3A_354 = tpu.vector_load_idx %arg5[%parallel_loop3A_353] : memref<57856xf32, #tpu.memory_space<vmem>>[vector<16xi32>], vector<16xf32>,
        %parallel_loop3A_355 = arith.index_cast %parallel_loop3A_351 : i32 to index
        %parallel_loop3A_356 = tpu.vector_load %arg8[%parallel_loop3A_355] {strides = array<i32>} : memref<10240xf32, #tpu.memory_space<vmem>>, vector<16xf32>,
        tpu.vector_store %arg8[%parallel_loop3A_355], %parallel_loop3A_354 {strides = array<i32>} : memref<10240xf32, #tpu.memory_space<vmem>>, vector<16xf32>,
      } {sc.loop_unroll_factor = 8 : i64, sc.parallel_access}
      %dma_start3A_225 = tpu.memref_slice %arg4[%min3A_133] : memref<5542400xf32, #tpu.memory_space<hbm>> -> memref<10240xf32, #tpu.memory_space<hbm>>
      %dma_start3A_226 = tpu.memref_slice %arg4[%min3A_133] : memref<5542400xf32, #tpu.memory_space<hbm>> -> memref<10240xf32, #tpu.memory_space<hbm>>
      tpu.enqueue_dma source(%arg8 : memref<10240xf32, #tpu.memory_space<vmem>>) target(%dma_start3A_226 : memref<10240xf32, #tpu.memory_space<hbm>>) target_semaphore(%arg11 : memref<!tpu.dma_semaphore, #tpu.memory_space<semaphore_mem>>)
      %mul3A_227 = arith.constant 2 : i32
      %mul3A_228 = arith.muli %mul3A_227, %scan3A_107 : i32
      %add3A_229 = arith.constant 1 : i32
      %add3A_230 = arith.addi %mul3A_228, %add3A_229 : i32
      %mul3A_231 = arith.constant 10240 : i32
      %mul3A_232 = arith.muli %add3A_230, %mul3A_231 : i32
      %add3A_233 = arith.addi %mul3A_2, %mul3A_232 : i32
      %min3A_234 = arith.constant 5532160 : i32
      %min3A_235 = arith.minsi %add3A_233, %min3A_234 : i32
      %dma_wait3A_236 = tpu.memref_slice %arg3[%min3A_235] : memref<5542400xi32, #tpu.memory_space<hbm>> -> memref<10240xi32, #tpu.memory_space<hbm>>
      %dma_wait3A_237 = tpu.memref_slice %arg3[%min3A_235] : memref<5542400xi32, #tpu.memory_space<hbm>> -> memref<10240xi32, #tpu.memory_space<hbm>>
      tpu.wait_dma2 semaphore(%arg10 : memref<!tpu.dma_semaphore, #tpu.memory_space<semaphore_mem>>) src(%dma_wait3A_237 : memref<10240xi32, #tpu.memory_space<hbm>>) dst(%arg7 : memref<10240xi32, #tpu.memory_space<vmem>>)
      %add3A_238 = arith.constant 1 : i32
      %add3A_239 = arith.addi %add3A_230, %add3A_238 : i32
      %mul3A_240 = arith.constant 10240 : i32
      %mul3A_241 = arith.muli %add3A_239, %mul3A_240 : i32
      %add3A_242 = arith.addi %mul3A_2, %mul3A_241 : i32
      %min3A_243 = arith.constant 5532160 : i32
      %min3A_244 = arith.minsi %add3A_242, %min3A_243 : i32
      %dma_start3A_245 = tpu.memref_slice %arg3[%min3A_244] : memref<5542400xi32, #tpu.memory_space<hbm>> -> memref<10240xi32, #tpu.memory_space<hbm>>
      %dma_start3A_246 = tpu.memref_slice %arg3[%min3A_244] : memref<5542400xi32, #tpu.memory_space<hbm>> -> memref<10240xi32, #tpu.memory_space<hbm>>
      tpu.enqueue_dma source(%dma_start3A_246 : memref<10240xi32, #tpu.memory_space<hbm>>) target(%arg6 : memref<10240xi32, #tpu.memory_space<vmem>>) target_semaphore(%arg10 : memref<!tpu.dma_semaphore, #tpu.memory_space<semaphore_mem>>)
      %mul3A_247 = arith.constant 10240 : i32
      %mul3A_248 = arith.muli %add3A_230, %mul3A_247 : i32
      %add3A_249 = arith.addi %mul3A_2, %mul3A_248 : i32
      %min3A_250 = arith.constant 5532160 : i32
      %min3A_251 = arith.minsi %add3A_249, %min3A_250 : i32
      %add3A_252 = arith.constant 10240 : i32
      %add3A_253 = arith.addi %min3A_251, %add3A_252 : i32
      %sub3A_254 = arith.constant 1 : i32
      %sub3A_255 = arith.subi %add3A_253, %sub3A_254 : i32
      %ge3A_256 = arith.constant 13948 : i32
      %ge3A_257 = arith.cmpi sge, %sub3A_255, %ge3A_256 : i32
      %convert_element_type3A_258 = arith.extui %ge3A_257 : i1 to i32
      %add3A_259 = arith.constant 0 : i32
      %add3A_260 = arith.addi %add3A_259, %convert_element_type3A_258 : i32
      %ge3A_261 = arith.constant 30330 : i32
      %ge3A_262 = arith.cmpi sge, %sub3A_255, %ge3A_261 : i32
      %convert_element_type3A_263 = arith.extui %ge3A_262 : i1 to i32
      %add3A_264 = arith.addi %add3A_260, %convert_element_type3A_263 : i32
      %ge3A_265 = arith.constant 49146 : i32
      %ge3A_266 = arith.cmpi sge, %sub3A_255, %ge3A_265 : i32
      %convert_element_type3A_267 = arith.extui %ge3A_266 : i1 to i32
      %add3A_268 = arith.addi %add3A_264, %convert_element_type3A_267 : i32
      %ge3A_269 = arith.constant 70396 : i32
      %ge3A_270 = arith.cmpi sge, %sub3A_255, %ge3A_269 : i32
      %convert_element_type3A_271 = arith.extui %ge3A_270 : i1 to i32
      %add3A_272 = arith.addi %add3A_268, %convert_element_type3A_271 : i32
      %ge3A_273 = arith.constant 93642 : i32
      %ge3A_274 = arith.cmpi sge, %sub3A_255, %ge3A_273 : i32
      %convert_element_type3A_275 = arith.extui %ge3A_274 : i1 to i32
      %add3A_276 = arith.addi %add3A_272, %convert_element_type3A_275 : i32
      %sub3A_277 = arith.constant 118444 : i32
      %sub3A_278 = arith.subi %sub3A_255, %sub3A_277 : i32
      %jit3A_279 = arith.constant 25026 : i32
      %div3A_280 = arith.divsi %sub3A_278, %jit3A_279 : i32
      %sign3A_281 = arith.constant 0 : i32
      %sign3A_282 = arith.cmpi sgt, %sub3A_278, %sign3A_281 : i32
      %sign3A_283 = arith.extui %sign3A_282 : i1 to i32
      %sign3A_284 = arith.constant 0 : i32
      %sign3A_285 = arith.cmpi slt, %sub3A_278, %sign3A_284 : i32
      %sign3A_286 = arith.extui %sign3A_285 : i1 to i32
      %sign3A_287 = arith.subi %sign3A_283, %sign3A_286 : i32
      %sign3A_288 = arith.constant 0 : i32
      %sign3A_289 = arith.cmpi sgt, %jit3A_279, %sign3A_288 : i32
      %sign3A_290 = arith.extui %sign3A_289 : i1 to i32
      %sign3A_291 = arith.constant 0 : i32
      %sign3A_292 = arith.cmpi slt, %jit3A_279, %sign3A_291 : i32
      %sign3A_293 = arith.extui %sign3A_292 : i1 to i32
      %sign3A_294 = arith.subi %sign3A_290, %sign3A_293 : i32
      %ne3A_295 = arith.cmpi ne, %sign3A_287, %sign3A_294 : i32
      %rem3A_296 = arith.remsi %sub3A_278, %jit3A_279 : i32
      %ne3A_297 = arith.constant 0 : i32
      %ne3A_298 = arith.cmpi ne, %rem3A_296, %ne3A_297 : i32
      %and3A_299 = arith.andi %ne3A_295, %ne3A_298 : i1
      %sub3A_300 = arith.constant 1 : i32
      %sub3A_301 = arith.subi %div3A_280, %sub3A_300 : i32
      %select_n3A_302 = arith.select %and3A_299, %sub3A_301, %div3A_280 : i32
      %add3A_303 = arith.constant 6 : i32
      %add3A_304 = arith.addi %add3A_303, %select_n3A_302 : i32
      %ge3A_305 = arith.constant 5448758 : i32
      %ge3A_306 = arith.cmpi sge, %sub3A_255, %ge3A_305 : i32
      %convert_element_type3A_307 = arith.extui %ge3A_306 : i1 to i32
      %add3A_308 = arith.constant 0 : i32
      %add3A_309 = arith.addi %add3A_308, %convert_element_type3A_307 : i32
      %ge3A_310 = arith.constant 5472004 : i32
      %ge3A_311 = arith.cmpi sge, %sub3A_255, %ge3A_310 : i32
      %convert_element_type3A_312 = arith.extui %ge3A_311 : i1 to i32
      %add3A_313 = arith.addi %add3A_309, %convert_element_type3A_312 : i32
      %ge3A_314 = arith.constant 5493254 : i32
      %ge3A_315 = arith.cmpi sge, %sub3A_255, %ge3A_314 : i32
      %convert_element_type3A_316 = arith.extui %ge3A_315 : i1 to i32
      %add3A_317 = arith.addi %add3A_313, %convert_element_type3A_316 : i32
      %ge3A_318 = arith.constant 5512070 : i32
      %ge3A_319 = arith.cmpi sge, %sub3A_255, %ge3A_318 : i32
      %convert_element_type3A_320 = arith.extui %ge3A_319 : i1 to i32
      %add3A_321 = arith.addi %add3A_317, %convert_element_type3A_320 : i32
      %ge3A_322 = arith.constant 5528452 : i32
      %ge3A_323 = arith.cmpi sge, %sub3A_255, %ge3A_322 : i32
      %convert_element_type3A_324 = arith.extui %ge3A_323 : i1 to i32
      %add3A_325 = arith.addi %add3A_321, %convert_element_type3A_324 : i32
      %ge3A_326 = arith.constant 5542400 : i32
      %ge3A_327 = arith.cmpi sge, %sub3A_255, %ge3A_326 : i32
      %convert_element_type3A_328 = arith.extui %ge3A_327 : i1 to i32
      %add3A_329 = arith.addi %add3A_325, %convert_element_type3A_328 : i32
      %add3A_330 = arith.constant 218 : i32
      %add3A_331 = arith.addi %add3A_330, %add3A_329 : i32
      %lt3A_332 = arith.constant 118444 : i32
      %lt3A_333 = arith.cmpi slt, %sub3A_255, %lt3A_332 : i32
      %lt3A_334 = arith.constant 5423956 : i32
      %lt3A_335 = arith.cmpi slt, %sub3A_255, %lt3A_334 : i32
      %select_n3A_336 = arith.select %lt3A_335, %add3A_304, %add3A_331 : i32
      %select_n3A_337 = arith.select %lt3A_333, %add3A_276, %select_n3A_336 : i32
      %ne3A_338 = arith.cmpi ne, %select_n3A_337, %select_n3A_219 : i32
      %convert_element_type3A_339 = arith.extui %ne3A_338 : i1 to i32
      %cond3A_340 = arith.constant 0 : i32
      %cond3A_341 = arith.cmpi ne, %convert_element_type3A_339, %cond3A_340 : i32
      scf.if %cond3A_341 {
        %mul3A_351 = arith.constant 28928 : i32
        %mul3A_352 = arith.muli %select_n3A_337, %mul3A_351 : i32
        %jit3A_353 = arith.constant 2 : i32
        %eq3A_354 = arith.constant 0 : i32
        %eq3A_355 = arith.cmpi eq, %jit3A_353, %eq3A_354 : i32
        %jit3A_356 = arith.constant 1 : i32
        %select_n3A_357 = arith.select %eq3A_355, %jit3A_356, %jit3A_353 : i32
        %rem3A_358 = arith.remsi %select_n3A_337, %select_n3A_357 : i32
        %ne3A_359 = arith.constant 0 : i32
        %ne3A_360 = arith.cmpi ne, %rem3A_358, %ne3A_359 : i32
        %lt3A_361 = arith.constant 0 : i32
        %lt3A_362 = arith.cmpi slt, %rem3A_358, %lt3A_361 : i32
        %lt3A_363 = arith.constant 0 : i32
        %lt3A_364 = arith.cmpi slt, %select_n3A_357, %lt3A_363 : i32
        %ne3A_365 = arith.xori %lt3A_362, %lt3A_364 : i1
        %and3A_366 = arith.andi %ne3A_365, %ne3A_360 : i1
        %add3A_367 = arith.addi %rem3A_358, %select_n3A_357 : i32
        %select_n3A_368 = arith.select %and3A_366, %add3A_367, %rem3A_358 : i32
        %mul3A_369 = arith.constant 28928 : i32
        %mul3A_370 = arith.muli %select_n3A_368, %mul3A_369 : i32
        "tpu.region"() ({
          %run_scoped3A = tpu.sem_alloc : memref<!tpu.dma_semaphore, #tpu.memory_space<semaphore_mem>>
          %dma_start3A_371 = tpu.memref_slice %arg5[%mul3A_370] : memref<57856xf32, #tpu.memory_space<vmem>> -> memref<28928xf32, #tpu.memory_space<vmem>>
          %dma_start3A_372 = tpu.memref_slice %arg2[%mul3A_352] : memref<7405568xf32, #tpu.memory_space<hbm>> -> memref<28928xf32, #tpu.memory_space<hbm>>
          %dma_start3A_373 = tpu.memref_slice %arg5[%mul3A_370] : memref<57856xf32, #tpu.memory_space<vmem>> -> memref<28928xf32, #tpu.memory_space<vmem>>
          %dma_start3A_374 = tpu.memref_slice %arg2[%mul3A_352] : memref<7405568xf32, #tpu.memory_space<hbm>> -> memref<28928xf32, #tpu.memory_space<hbm>>
          tpu.enqueue_dma source(%dma_start3A_374 : memref<28928xf32, #tpu.memory_space<hbm>>) target(%dma_start3A_373 : memref<28928xf32, #tpu.memory_space<vmem>>) target_semaphore(%run_scoped3A : memref<!tpu.dma_semaphore, #tpu.memory_space<semaphore_mem>>)
          %dma_wait3A_375 = tpu.memref_slice %arg5[%mul3A_370] : memref<57856xf32, #tpu.memory_space<vmem>> -> memref<28928xf32, #tpu.memory_space<vmem>>
          %dma_wait3A_376 = tpu.memref_slice %arg2[%mul3A_352] : memref<7405568xf32, #tpu.memory_space<hbm>> -> memref<28928xf32, #tpu.memory_space<hbm>>
          %dma_wait3A_377 = tpu.memref_slice %arg5[%mul3A_370] : memref<57856xf32, #tpu.memory_space<vmem>> -> memref<28928xf32, #tpu.memory_space<vmem>>
          %dma_wait3A_378 = tpu.memref_slice %arg2[%mul3A_352] : memref<7405568xf32, #tpu.memory_space<hbm>> -> memref<28928xf32, #tpu.memory_space<hbm>>
          tpu.wait_dma2 semaphore(%run_scoped3A : memref<!tpu.dma_semaphore, #tpu.memory_space<semaphore_mem>>) src(%dma_wait3A_378 : memref<28928xf32, #tpu.memory_space<hbm>>) dst(%dma_wait3A_377 : memref<28928xf32, #tpu.memory_space<vmem>>)
          tpu.yield
        }) : () -> ()
      } else {
      }
      %parallel_loop3A_342 = arith.constant 0 : i32
      %parallel_loop3A_343 = arith.constant 10240 : i32
      %parallel_loop3A_344 = arith.constant 16 : i32
      scf.for %parallel_loop3A_351 = %parallel_loop3A_342 to %parallel_loop3A_343 step %parallel_loop3A_344  : i32 {
        %parallel_loop3A_352 = arith.index_cast %parallel_loop3A_351 : i32 to index
        %parallel_loop3A_353 = tpu.vector_load %arg7[%parallel_loop3A_352] {strides = array<i32>} : memref<10240xi32, #tpu.memory_space<vmem>>, vector<16xi32>,
        %parallel_loop3A_354 = tpu.vector_load_idx %arg5[%parallel_loop3A_353] : memref<57856xf32, #tpu.memory_space<vmem>>[vector<16xi32>], vector<16xf32>,
        %parallel_loop3A_355 = arith.index_cast %parallel_loop3A_351 : i32 to index
        %parallel_loop3A_356 = tpu.vector_load %arg9[%parallel_loop3A_355] {strides = array<i32>} : memref<10240xf32, #tpu.memory_space<vmem>>, vector<16xf32>,
        tpu.vector_store %arg9[%parallel_loop3A_355], %parallel_loop3A_354 {strides = array<i32>} : memref<10240xf32, #tpu.memory_space<vmem>>, vector<16xf32>,
      } {sc.loop_unroll_factor = 8 : i64, sc.parallel_access}
      %dma_start3A_345 = tpu.memref_slice %arg4[%min3A_251] : memref<5542400xf32, #tpu.memory_space<hbm>> -> memref<10240xf32, #tpu.memory_space<hbm>>
      %dma_start3A_346 = tpu.memref_slice %arg4[%min3A_251] : memref<5542400xf32, #tpu.memory_space<hbm>> -> memref<10240xf32, #tpu.memory_space<hbm>>
      tpu.enqueue_dma source(%arg9 : memref<10240xf32, #tpu.memory_space<vmem>>) target(%dma_start3A_346 : memref<10240xf32, #tpu.memory_space<hbm>>) target_semaphore(%arg11 : memref<!tpu.dma_semaphore, #tpu.memory_space<semaphore_mem>>)
      %dma_wait3A_347 = tpu.memref_slice %arg4[%min3A_133] : memref<5542400xf32, #tpu.memory_space<hbm>> -> memref<10240xf32, #tpu.memory_space<hbm>>
      %dma_wait3A_348 = tpu.memref_slice %arg4[%min3A_133] : memref<5542400xf32, #tpu.memory_space<hbm>> -> memref<10240xf32, #tpu.memory_space<hbm>>
      tpu.wait_dma2 semaphore(%arg11 : memref<!tpu.dma_semaphore, #tpu.memory_space<semaphore_mem>>) src(%arg8 : memref<10240xf32, #tpu.memory_space<vmem>>) dst(%dma_wait3A_348 : memref<10240xf32, #tpu.memory_space<hbm>>)
      %dma_wait3A_349 = tpu.memref_slice %arg4[%min3A_251] : memref<5542400xf32, #tpu.memory_space<hbm>> -> memref<10240xf32, #tpu.memory_space<hbm>>
      %dma_wait3A_350 = tpu.memref_slice %arg4[%min3A_251] : memref<5542400xf32, #tpu.memory_space<hbm>> -> memref<10240xf32, #tpu.memory_space<hbm>>
      tpu.wait_dma2 semaphore(%arg11 : memref<!tpu.dma_semaphore, #tpu.memory_space<semaphore_mem>>) src(%arg9 : memref<10240xf32, #tpu.memory_space<vmem>>) dst(%dma_wait3A_350 : memref<10240xf32, #tpu.memory_space<hbm>>)
      scf.yield %select_n3A_337 : i32
    }
    %scan3A_101 = arith.constant 9 : i32
    %add3A_102 = arith.constant 184320 : i32
    %add3A_103 = arith.addi %mul3A_2, %add3A_102 : i32
    %min3A_104 = arith.constant 5532160 : i32
    %min3A_105 = arith.minsi %add3A_103, %min3A_104 : i32
    %dma_wait3A = tpu.memref_slice %arg3[%min3A_105] : memref<5542400xi32, #tpu.memory_space<hbm>> -> memref<10240xi32, #tpu.memory_space<hbm>>
    %dma_wait3A_106 = tpu.memref_slice %arg3[%min3A_105] : memref<5542400xi32, #tpu.memory_space<hbm>> -> memref<10240xi32, #tpu.memory_space<hbm>>
    tpu.wait_dma2 semaphore(%arg10 : memref<!tpu.dma_semaphore, #tpu.memory_space<semaphore_mem>>) src(%dma_wait3A_106 : memref<10240xi32, #tpu.memory_space<hbm>>) dst(%arg6 : memref<10240xi32, #tpu.memory_space<vmem>>)
    return
  }
}

module attributes {stable_mosaic.version = 14 : i64} {
  func.func @_stencil_body(%arg0: i32, %arg1: memref<3x272x256xf32, #tpu.memory_space<vmem>>, %arg2: memref<32x28928xf32, #tpu.memory_space<vmem>>) attributes {dimension_semantics = [#tpu.dimension_semantics<arbitrary>], iteration_bounds = array<i64: 8>, scalar_prefetch = 0 : i64, scratch_operands = 0 : i64, tpu.core_type = #tpu.core_type<tc>, window_params = [{pipeline_mode = #tpu.pipeline_mode<synchronous>, transform_indices = @transform_0, window_bounds = array<i64: 3, 272, 256>}, {transform_indices = @transform_1, window_bounds = array<i64: 32, 28928>}]} {
    %mul3A = arith.constant 32 : i32
    %mul3A_0 = arith.muli %arg0, %mul3A : i32
    %get3A = arith.constant 0 : index
    %get3A_1 = arith.index_cast %mul3A_0 : i32 to index
    %get3A_2 = arith.constant 0 : index
    %get3A_3 = vector.load %arg1[%get3A, %get3A_1, %get3A_2] : memref<3x272x256xf32, #tpu.memory_space<vmem>>, vector<1x48x256xf32>
    %get3A_4 = vector.shape_cast %get3A_3 : vector<1x48x256xf32> to vector<48x256xf32>
    %get3A_5 = arith.constant 1 : index
    %get3A_6 = arith.index_cast %mul3A_0 : i32 to index
    %get3A_7 = arith.constant 0 : index
    %get3A_8 = vector.load %arg1[%get3A_5, %get3A_6, %get3A_7] : memref<3x272x256xf32, #tpu.memory_space<vmem>>, vector<1x48x256xf32>
    %get3A_9 = vector.shape_cast %get3A_8 : vector<1x48x256xf32> to vector<48x256xf32>
    %get3A_10 = arith.constant 2 : index
    %get3A_11 = arith.index_cast %mul3A_0 : i32 to index
    %get3A_12 = arith.constant 0 : index
    %get3A_13 = vector.load %arg1[%get3A_10, %get3A_11, %get3A_12] : memref<3x272x256xf32, #tpu.memory_space<vmem>>, vector<1x48x256xf32>
    %get3A_14 = vector.shape_cast %get3A_13 : vector<1x48x256xf32> to vector<48x256xf32>
    %slice3A = vector.extract_strided_slice %get3A_4 {offsets = [6, 6], sizes = [32, 224], strides = [1, 1]} : vector<48x256xf32> to vector<32x224xf32>
    %slice3A_15 = vector.extract_strided_slice %get3A_9 {offsets = [6, 6], sizes = [32, 224], strides = [1, 1]} : vector<48x256xf32> to vector<32x224xf32>
    %slice3A_16 = vector.extract_strided_slice %get3A_14 {offsets = [6, 6], sizes = [32, 224], strides = [1, 1]} : vector<48x256xf32> to vector<32x224xf32>
    %iota3A = tpu.iota {dimensions = array<i32: 0>} : vector<32x224xi32>
    %add3A = vector.broadcast %mul3A_0 : i32 to vector<32x224xi32>
    %add3A_17 = arith.addi %iota3A, %add3A : vector<32x224xi32>
    %iota3A_18 = tpu.iota {dimensions = array<i32: 1>} : vector<32x224xi32>
    %broadcast_in_dim3A = arith.constant 1.000000e+00 : f32
    %broadcast_in_dim3A_19 = vector.broadcast %broadcast_in_dim3A : f32 to vector<32x224xf32>
    %broadcast_in_dim3A_20 = arith.constant 0.000000e+00 : f32
    %broadcast_in_dim3A_21 = vector.broadcast %broadcast_in_dim3A_20 : f32 to vector<32x224xf32>
    %add3A_22 = arith.constant -6 : i32
    %add3A_23 = vector.broadcast %add3A_22 : i32 to vector<32x224xi32>
    %add3A_24 = arith.addi %add3A_17, %add3A_23 : vector<32x224xi32>
    %ge3A = arith.constant 0 : i32
    %ge3A_25 = vector.broadcast %ge3A : i32 to vector<32x224xi32>
    %ge3A_26 = arith.cmpi sge, %add3A_24, %ge3A_25 : vector<32x224xi32>
    %add3A_27 = arith.constant -6 : i32
    %add3A_28 = vector.broadcast %add3A_27 : i32 to vector<32x224xi32>
    %add3A_29 = arith.addi %add3A_17, %add3A_28 : vector<32x224xi32>
    %lt3A = arith.constant 224 : i32
    %lt3A_30 = vector.broadcast %lt3A : i32 to vector<32x224xi32>
    %lt3A_31 = arith.cmpi slt, %add3A_29, %lt3A_30 : vector<32x224xi32>
    %and3A = arith.andi %ge3A_26, %lt3A_31 : vector<32x224xi1>
    %select_n3A = arith.select %and3A, %broadcast_in_dim3A_19, %broadcast_in_dim3A_21 : vector<32x224xi1>, vector<32x224xf32>
    %add3A_32 = arith.constant -5 : i32
    %add3A_33 = vector.broadcast %add3A_32 : i32 to vector<32x224xi32>
    %add3A_34 = arith.addi %add3A_17, %add3A_33 : vector<32x224xi32>
    %ge3A_35 = arith.constant 0 : i32
    %ge3A_36 = vector.broadcast %ge3A_35 : i32 to vector<32x224xi32>
    %ge3A_37 = arith.cmpi sge, %add3A_34, %ge3A_36 : vector<32x224xi32>
    %add3A_38 = arith.constant -5 : i32
    %add3A_39 = vector.broadcast %add3A_38 : i32 to vector<32x224xi32>
    %add3A_40 = arith.addi %add3A_17, %add3A_39 : vector<32x224xi32>
    %lt3A_41 = arith.constant 224 : i32
    %lt3A_42 = vector.broadcast %lt3A_41 : i32 to vector<32x224xi32>
    %lt3A_43 = arith.cmpi slt, %add3A_40, %lt3A_42 : vector<32x224xi32>
    %and3A_44 = arith.andi %ge3A_37, %lt3A_43 : vector<32x224xi1>
    %select_n3A_45 = arith.select %and3A_44, %broadcast_in_dim3A_19, %broadcast_in_dim3A_21 : vector<32x224xi1>, vector<32x224xf32>
    %add3A_46 = arith.constant -4 : i32
    %add3A_47 = vector.broadcast %add3A_46 : i32 to vector<32x224xi32>
    %add3A_48 = arith.addi %add3A_17, %add3A_47 : vector<32x224xi32>
    %ge3A_49 = arith.constant 0 : i32
    %ge3A_50 = vector.broadcast %ge3A_49 : i32 to vector<32x224xi32>
    %ge3A_51 = arith.cmpi sge, %add3A_48, %ge3A_50 : vector<32x224xi32>
    %add3A_52 = arith.constant -4 : i32
    %add3A_53 = vector.broadcast %add3A_52 : i32 to vector<32x224xi32>
    %add3A_54 = arith.addi %add3A_17, %add3A_53 : vector<32x224xi32>
    %lt3A_55 = arith.constant 224 : i32
    %lt3A_56 = vector.broadcast %lt3A_55 : i32 to vector<32x224xi32>
    %lt3A_57 = arith.cmpi slt, %add3A_54, %lt3A_56 : vector<32x224xi32>
    %and3A_58 = arith.andi %ge3A_51, %lt3A_57 : vector<32x224xi1>
    %select_n3A_59 = arith.select %and3A_58, %broadcast_in_dim3A_19, %broadcast_in_dim3A_21 : vector<32x224xi1>, vector<32x224xf32>
    %add3A_60 = arith.constant -3 : i32
    %add3A_61 = vector.broadcast %add3A_60 : i32 to vector<32x224xi32>
    %add3A_62 = arith.addi %add3A_17, %add3A_61 : vector<32x224xi32>
    %ge3A_63 = arith.constant 0 : i32
    %ge3A_64 = vector.broadcast %ge3A_63 : i32 to vector<32x224xi32>
    %ge3A_65 = arith.cmpi sge, %add3A_62, %ge3A_64 : vector<32x224xi32>
    %add3A_66 = arith.constant -3 : i32
    %add3A_67 = vector.broadcast %add3A_66 : i32 to vector<32x224xi32>
    %add3A_68 = arith.addi %add3A_17, %add3A_67 : vector<32x224xi32>
    %lt3A_69 = arith.constant 224 : i32
    %lt3A_70 = vector.broadcast %lt3A_69 : i32 to vector<32x224xi32>
    %lt3A_71 = arith.cmpi slt, %add3A_68, %lt3A_70 : vector<32x224xi32>
    %and3A_72 = arith.andi %ge3A_65, %lt3A_71 : vector<32x224xi1>
    %select_n3A_73 = arith.select %and3A_72, %broadcast_in_dim3A_19, %broadcast_in_dim3A_21 : vector<32x224xi1>, vector<32x224xf32>
    %add3A_74 = arith.constant -2 : i32
    %add3A_75 = vector.broadcast %add3A_74 : i32 to vector<32x224xi32>
    %add3A_76 = arith.addi %add3A_17, %add3A_75 : vector<32x224xi32>
    %ge3A_77 = arith.constant 0 : i32
    %ge3A_78 = vector.broadcast %ge3A_77 : i32 to vector<32x224xi32>
    %ge3A_79 = arith.cmpi sge, %add3A_76, %ge3A_78 : vector<32x224xi32>
    %add3A_80 = arith.constant -2 : i32
    %add3A_81 = vector.broadcast %add3A_80 : i32 to vector<32x224xi32>
    %add3A_82 = arith.addi %add3A_17, %add3A_81 : vector<32x224xi32>
    %lt3A_83 = arith.constant 224 : i32
    %lt3A_84 = vector.broadcast %lt3A_83 : i32 to vector<32x224xi32>
    %lt3A_85 = arith.cmpi slt, %add3A_82, %lt3A_84 : vector<32x224xi32>
    %and3A_86 = arith.andi %ge3A_79, %lt3A_85 : vector<32x224xi1>
    %select_n3A_87 = arith.select %and3A_86, %broadcast_in_dim3A_19, %broadcast_in_dim3A_21 : vector<32x224xi1>, vector<32x224xf32>
    %add3A_88 = arith.constant -1 : i32
    %add3A_89 = vector.broadcast %add3A_88 : i32 to vector<32x224xi32>
    %add3A_90 = arith.addi %add3A_17, %add3A_89 : vector<32x224xi32>
    %ge3A_91 = arith.constant 0 : i32
    %ge3A_92 = vector.broadcast %ge3A_91 : i32 to vector<32x224xi32>
    %ge3A_93 = arith.cmpi sge, %add3A_90, %ge3A_92 : vector<32x224xi32>
    %add3A_94 = arith.constant -1 : i32
    %add3A_95 = vector.broadcast %add3A_94 : i32 to vector<32x224xi32>
    %add3A_96 = arith.addi %add3A_17, %add3A_95 : vector<32x224xi32>
    %lt3A_97 = arith.constant 224 : i32
    %lt3A_98 = vector.broadcast %lt3A_97 : i32 to vector<32x224xi32>
    %lt3A_99 = arith.cmpi slt, %add3A_96, %lt3A_98 : vector<32x224xi32>
    %and3A_100 = arith.andi %ge3A_93, %lt3A_99 : vector<32x224xi1>
    %select_n3A_101 = arith.select %and3A_100, %broadcast_in_dim3A_19, %broadcast_in_dim3A_21 : vector<32x224xi1>, vector<32x224xf32>
    %add3A_102 = arith.constant 1 : i32
    %add3A_103 = vector.broadcast %add3A_102 : i32 to vector<32x224xi32>
    %add3A_104 = arith.addi %add3A_17, %add3A_103 : vector<32x224xi32>
    %ge3A_105 = arith.constant 0 : i32
    %ge3A_106 = vector.broadcast %ge3A_105 : i32 to vector<32x224xi32>
    %ge3A_107 = arith.cmpi sge, %add3A_104, %ge3A_106 : vector<32x224xi32>
    %add3A_108 = arith.constant 1 : i32
    %add3A_109 = vector.broadcast %add3A_108 : i32 to vector<32x224xi32>
    %add3A_110 = arith.addi %add3A_17, %add3A_109 : vector<32x224xi32>
    %lt3A_111 = arith.constant 224 : i32
    %lt3A_112 = vector.broadcast %lt3A_111 : i32 to vector<32x224xi32>
    %lt3A_113 = arith.cmpi slt, %add3A_110, %lt3A_112 : vector<32x224xi32>
    %and3A_114 = arith.andi %ge3A_107, %lt3A_113 : vector<32x224xi1>
    %select_n3A_115 = arith.select %and3A_114, %broadcast_in_dim3A_19, %broadcast_in_dim3A_21 : vector<32x224xi1>, vector<32x224xf32>
    %add3A_116 = arith.constant 2 : i32
    %add3A_117 = vector.broadcast %add3A_116 : i32 to vector<32x224xi32>
    %add3A_118 = arith.addi %add3A_17, %add3A_117 : vector<32x224xi32>
    %ge3A_119 = arith.constant 0 : i32
    %ge3A_120 = vector.broadcast %ge3A_119 : i32 to vector<32x224xi32>
    %ge3A_121 = arith.cmpi sge, %add3A_118, %ge3A_120 : vector<32x224xi32>
    %add3A_122 = arith.constant 2 : i32
    %add3A_123 = vector.broadcast %add3A_122 : i32 to vector<32x224xi32>
    %add3A_124 = arith.addi %add3A_17, %add3A_123 : vector<32x224xi32>
    %lt3A_125 = arith.constant 224 : i32
    %lt3A_126 = vector.broadcast %lt3A_125 : i32 to vector<32x224xi32>
    %lt3A_127 = arith.cmpi slt, %add3A_124, %lt3A_126 : vector<32x224xi32>
    %and3A_128 = arith.andi %ge3A_121, %lt3A_127 : vector<32x224xi1>
    %select_n3A_129 = arith.select %and3A_128, %broadcast_in_dim3A_19, %broadcast_in_dim3A_21 : vector<32x224xi1>, vector<32x224xf32>
    %add3A_130 = arith.constant 3 : i32
    %add3A_131 = vector.broadcast %add3A_130 : i32 to vector<32x224xi32>
    %add3A_132 = arith.addi %add3A_17, %add3A_131 : vector<32x224xi32>
    %ge3A_133 = arith.constant 0 : i32
    %ge3A_134 = vector.broadcast %ge3A_133 : i32 to vector<32x224xi32>
    %ge3A_135 = arith.cmpi sge, %add3A_132, %ge3A_134 : vector<32x224xi32>
    %add3A_136 = arith.constant 3 : i32
    %add3A_137 = vector.broadcast %add3A_136 : i32 to vector<32x224xi32>
    %add3A_138 = arith.addi %add3A_17, %add3A_137 : vector<32x224xi32>
    %lt3A_139 = arith.constant 224 : i32
    %lt3A_140 = vector.broadcast %lt3A_139 : i32 to vector<32x224xi32>
    %lt3A_141 = arith.cmpi slt, %add3A_138, %lt3A_140 : vector<32x224xi32>
    %and3A_142 = arith.andi %ge3A_135, %lt3A_141 : vector<32x224xi1>
    %select_n3A_143 = arith.select %and3A_142, %broadcast_in_dim3A_19, %broadcast_in_dim3A_21 : vector<32x224xi1>, vector<32x224xf32>
    %add3A_144 = arith.constant 4 : i32
    %add3A_145 = vector.broadcast %add3A_144 : i32 to vector<32x224xi32>
    %add3A_146 = arith.addi %add3A_17, %add3A_145 : vector<32x224xi32>
    %ge3A_147 = arith.constant 0 : i32
    %ge3A_148 = vector.broadcast %ge3A_147 : i32 to vector<32x224xi32>
    %ge3A_149 = arith.cmpi sge, %add3A_146, %ge3A_148 : vector<32x224xi32>
    %add3A_150 = arith.constant 4 : i32
    %add3A_151 = vector.broadcast %add3A_150 : i32 to vector<32x224xi32>
    %add3A_152 = arith.addi %add3A_17, %add3A_151 : vector<32x224xi32>
    %lt3A_153 = arith.constant 224 : i32
    %lt3A_154 = vector.broadcast %lt3A_153 : i32 to vector<32x224xi32>
    %lt3A_155 = arith.cmpi slt, %add3A_152, %lt3A_154 : vector<32x224xi32>
    %and3A_156 = arith.andi %ge3A_149, %lt3A_155 : vector<32x224xi1>
    %select_n3A_157 = arith.select %and3A_156, %broadcast_in_dim3A_19, %broadcast_in_dim3A_21 : vector<32x224xi1>, vector<32x224xf32>
    %add3A_158 = arith.constant 5 : i32
    %add3A_159 = vector.broadcast %add3A_158 : i32 to vector<32x224xi32>
    %add3A_160 = arith.addi %add3A_17, %add3A_159 : vector<32x224xi32>
    %ge3A_161 = arith.constant 0 : i32
    %ge3A_162 = vector.broadcast %ge3A_161 : i32 to vector<32x224xi32>
    %ge3A_163 = arith.cmpi sge, %add3A_160, %ge3A_162 : vector<32x224xi32>
    %add3A_164 = arith.constant 5 : i32
    %add3A_165 = vector.broadcast %add3A_164 : i32 to vector<32x224xi32>
    %add3A_166 = arith.addi %add3A_17, %add3A_165 : vector<32x224xi32>
    %lt3A_167 = arith.constant 224 : i32
    %lt3A_168 = vector.broadcast %lt3A_167 : i32 to vector<32x224xi32>
    %lt3A_169 = arith.cmpi slt, %add3A_166, %lt3A_168 : vector<32x224xi32>
    %and3A_170 = arith.andi %ge3A_163, %lt3A_169 : vector<32x224xi1>
    %select_n3A_171 = arith.select %and3A_170, %broadcast_in_dim3A_19, %broadcast_in_dim3A_21 : vector<32x224xi1>, vector<32x224xf32>
    %add3A_172 = arith.constant 6 : i32
    %add3A_173 = vector.broadcast %add3A_172 : i32 to vector<32x224xi32>
    %add3A_174 = arith.addi %add3A_17, %add3A_173 : vector<32x224xi32>
    %ge3A_175 = arith.constant 0 : i32
    %ge3A_176 = vector.broadcast %ge3A_175 : i32 to vector<32x224xi32>
    %ge3A_177 = arith.cmpi sge, %add3A_174, %ge3A_176 : vector<32x224xi32>
    %add3A_178 = arith.constant 6 : i32
    %add3A_179 = vector.broadcast %add3A_178 : i32 to vector<32x224xi32>
    %add3A_180 = arith.addi %add3A_17, %add3A_179 : vector<32x224xi32>
    %lt3A_181 = arith.constant 224 : i32
    %lt3A_182 = vector.broadcast %lt3A_181 : i32 to vector<32x224xi32>
    %lt3A_183 = arith.cmpi slt, %add3A_180, %lt3A_182 : vector<32x224xi32>
    %and3A_184 = arith.andi %ge3A_177, %lt3A_183 : vector<32x224xi1>
    %select_n3A_185 = arith.select %and3A_184, %broadcast_in_dim3A_19, %broadcast_in_dim3A_21 : vector<32x224xi1>, vector<32x224xf32>
    %add3A_186 = arith.constant -6 : i32
    %add3A_187 = vector.broadcast %add3A_186 : i32 to vector<32x224xi32>
    %add3A_188 = arith.addi %iota3A_18, %add3A_187 : vector<32x224xi32>
    %ge3A_189 = arith.constant 0 : i32
    %ge3A_190 = vector.broadcast %ge3A_189 : i32 to vector<32x224xi32>
    %ge3A_191 = arith.cmpi sge, %add3A_188, %ge3A_190 : vector<32x224xi32>
    %add3A_192 = arith.constant -6 : i32
    %add3A_193 = vector.broadcast %add3A_192 : i32 to vector<32x224xi32>
    %add3A_194 = arith.addi %iota3A_18, %add3A_193 : vector<32x224xi32>
    %lt3A_195 = arith.constant 224 : i32
    %lt3A_196 = vector.broadcast %lt3A_195 : i32 to vector<32x224xi32>
    %lt3A_197 = arith.cmpi slt, %add3A_194, %lt3A_196 : vector<32x224xi32>
    %and3A_198 = arith.andi %ge3A_191, %lt3A_197 : vector<32x224xi1>
    %select_n3A_199 = arith.select %and3A_198, %broadcast_in_dim3A_19, %broadcast_in_dim3A_21 : vector<32x224xi1>, vector<32x224xf32>
    %add3A_200 = arith.constant -5 : i32
    %add3A_201 = vector.broadcast %add3A_200 : i32 to vector<32x224xi32>
    %add3A_202 = arith.addi %iota3A_18, %add3A_201 : vector<32x224xi32>
    %ge3A_203 = arith.constant 0 : i32
    %ge3A_204 = vector.broadcast %ge3A_203 : i32 to vector<32x224xi32>
    %ge3A_205 = arith.cmpi sge, %add3A_202, %ge3A_204 : vector<32x224xi32>
    %add3A_206 = arith.constant -5 : i32
    %add3A_207 = vector.broadcast %add3A_206 : i32 to vector<32x224xi32>
    %add3A_208 = arith.addi %iota3A_18, %add3A_207 : vector<32x224xi32>
    %lt3A_209 = arith.constant 224 : i32
    %lt3A_210 = vector.broadcast %lt3A_209 : i32 to vector<32x224xi32>
    %lt3A_211 = arith.cmpi slt, %add3A_208, %lt3A_210 : vector<32x224xi32>
    %and3A_212 = arith.andi %ge3A_205, %lt3A_211 : vector<32x224xi1>
    %select_n3A_213 = arith.select %and3A_212, %broadcast_in_dim3A_19, %broadcast_in_dim3A_21 : vector<32x224xi1>, vector<32x224xf32>
    %add3A_214 = arith.constant -4 : i32
    %add3A_215 = vector.broadcast %add3A_214 : i32 to vector<32x224xi32>
    %add3A_216 = arith.addi %iota3A_18, %add3A_215 : vector<32x224xi32>
    %ge3A_217 = arith.constant 0 : i32
    %ge3A_218 = vector.broadcast %ge3A_217 : i32 to vector<32x224xi32>
    %ge3A_219 = arith.cmpi sge, %add3A_216, %ge3A_218 : vector<32x224xi32>
    %add3A_220 = arith.constant -4 : i32
    %add3A_221 = vector.broadcast %add3A_220 : i32 to vector<32x224xi32>
    %add3A_222 = arith.addi %iota3A_18, %add3A_221 : vector<32x224xi32>
    %lt3A_223 = arith.constant 224 : i32
    %lt3A_224 = vector.broadcast %lt3A_223 : i32 to vector<32x224xi32>
    %lt3A_225 = arith.cmpi slt, %add3A_222, %lt3A_224 : vector<32x224xi32>
    %and3A_226 = arith.andi %ge3A_219, %lt3A_225 : vector<32x224xi1>
    %select_n3A_227 = arith.select %and3A_226, %broadcast_in_dim3A_19, %broadcast_in_dim3A_21 : vector<32x224xi1>, vector<32x224xf32>
    %add3A_228 = arith.constant -3 : i32
    %add3A_229 = vector.broadcast %add3A_228 : i32 to vector<32x224xi32>
    %add3A_230 = arith.addi %iota3A_18, %add3A_229 : vector<32x224xi32>
    %ge3A_231 = arith.constant 0 : i32
    %ge3A_232 = vector.broadcast %ge3A_231 : i32 to vector<32x224xi32>
    %ge3A_233 = arith.cmpi sge, %add3A_230, %ge3A_232 : vector<32x224xi32>
    %add3A_234 = arith.constant -3 : i32
    %add3A_235 = vector.broadcast %add3A_234 : i32 to vector<32x224xi32>
    %add3A_236 = arith.addi %iota3A_18, %add3A_235 : vector<32x224xi32>
    %lt3A_237 = arith.constant 224 : i32
    %lt3A_238 = vector.broadcast %lt3A_237 : i32 to vector<32x224xi32>
    %lt3A_239 = arith.cmpi slt, %add3A_236, %lt3A_238 : vector<32x224xi32>
    %and3A_240 = arith.andi %ge3A_233, %lt3A_239 : vector<32x224xi1>
    %select_n3A_241 = arith.select %and3A_240, %broadcast_in_dim3A_19, %broadcast_in_dim3A_21 : vector<32x224xi1>, vector<32x224xf32>
    %add3A_242 = arith.constant -2 : i32
    %add3A_243 = vector.broadcast %add3A_242 : i32 to vector<32x224xi32>
    %add3A_244 = arith.addi %iota3A_18, %add3A_243 : vector<32x224xi32>
    %ge3A_245 = arith.constant 0 : i32
    %ge3A_246 = vector.broadcast %ge3A_245 : i32 to vector<32x224xi32>
    %ge3A_247 = arith.cmpi sge, %add3A_244, %ge3A_246 : vector<32x224xi32>
    %add3A_248 = arith.constant -2 : i32
    %add3A_249 = vector.broadcast %add3A_248 : i32 to vector<32x224xi32>
    %add3A_250 = arith.addi %iota3A_18, %add3A_249 : vector<32x224xi32>
    %lt3A_251 = arith.constant 224 : i32
    %lt3A_252 = vector.broadcast %lt3A_251 : i32 to vector<32x224xi32>
    %lt3A_253 = arith.cmpi slt, %add3A_250, %lt3A_252 : vector<32x224xi32>
    %and3A_254 = arith.andi %ge3A_247, %lt3A_253 : vector<32x224xi1>
    %select_n3A_255 = arith.select %and3A_254, %broadcast_in_dim3A_19, %broadcast_in_dim3A_21 : vector<32x224xi1>, vector<32x224xf32>
    %add3A_256 = arith.constant -1 : i32
    %add3A_257 = vector.broadcast %add3A_256 : i32 to vector<32x224xi32>
    %add3A_258 = arith.addi %iota3A_18, %add3A_257 : vector<32x224xi32>
    %ge3A_259 = arith.constant 0 : i32
    %ge3A_260 = vector.broadcast %ge3A_259 : i32 to vector<32x224xi32>
    %ge3A_261 = arith.cmpi sge, %add3A_258, %ge3A_260 : vector<32x224xi32>
    %add3A_262 = arith.constant -1 : i32
    %add3A_263 = vector.broadcast %add3A_262 : i32 to vector<32x224xi32>
    %add3A_264 = arith.addi %iota3A_18, %add3A_263 : vector<32x224xi32>
    %lt3A_265 = arith.constant 224 : i32
    %lt3A_266 = vector.broadcast %lt3A_265 : i32 to vector<32x224xi32>
    %lt3A_267 = arith.cmpi slt, %add3A_264, %lt3A_266 : vector<32x224xi32>
    %and3A_268 = arith.andi %ge3A_261, %lt3A_267 : vector<32x224xi1>
    %select_n3A_269 = arith.select %and3A_268, %broadcast_in_dim3A_19, %broadcast_in_dim3A_21 : vector<32x224xi1>, vector<32x224xf32>
    %add3A_270 = arith.constant 1 : i32
    %add3A_271 = vector.broadcast %add3A_270 : i32 to vector<32x224xi32>
    %add3A_272 = arith.addi %iota3A_18, %add3A_271 : vector<32x224xi32>
    %ge3A_273 = arith.constant 0 : i32
    %ge3A_274 = vector.broadcast %ge3A_273 : i32 to vector<32x224xi32>
    %ge3A_275 = arith.cmpi sge, %add3A_272, %ge3A_274 : vector<32x224xi32>
    %add3A_276 = arith.constant 1 : i32
    %add3A_277 = vector.broadcast %add3A_276 : i32 to vector<32x224xi32>
    %add3A_278 = arith.addi %iota3A_18, %add3A_277 : vector<32x224xi32>
    %lt3A_279 = arith.constant 224 : i32
    %lt3A_280 = vector.broadcast %lt3A_279 : i32 to vector<32x224xi32>
    %lt3A_281 = arith.cmpi slt, %add3A_278, %lt3A_280 : vector<32x224xi32>
    %and3A_282 = arith.andi %ge3A_275, %lt3A_281 : vector<32x224xi1>
    %select_n3A_283 = arith.select %and3A_282, %broadcast_in_dim3A_19, %broadcast_in_dim3A_21 : vector<32x224xi1>, vector<32x224xf32>
    %add3A_284 = arith.constant 2 : i32
    %add3A_285 = vector.broadcast %add3A_284 : i32 to vector<32x224xi32>
    %add3A_286 = arith.addi %iota3A_18, %add3A_285 : vector<32x224xi32>
    %ge3A_287 = arith.constant 0 : i32
    %ge3A_288 = vector.broadcast %ge3A_287 : i32 to vector<32x224xi32>
    %ge3A_289 = arith.cmpi sge, %add3A_286, %ge3A_288 : vector<32x224xi32>
    %add3A_290 = arith.constant 2 : i32
    %add3A_291 = vector.broadcast %add3A_290 : i32 to vector<32x224xi32>
    %add3A_292 = arith.addi %iota3A_18, %add3A_291 : vector<32x224xi32>
    %lt3A_293 = arith.constant 224 : i32
    %lt3A_294 = vector.broadcast %lt3A_293 : i32 to vector<32x224xi32>
    %lt3A_295 = arith.cmpi slt, %add3A_292, %lt3A_294 : vector<32x224xi32>
    %and3A_296 = arith.andi %ge3A_289, %lt3A_295 : vector<32x224xi1>
    %select_n3A_297 = arith.select %and3A_296, %broadcast_in_dim3A_19, %broadcast_in_dim3A_21 : vector<32x224xi1>, vector<32x224xf32>
    %add3A_298 = arith.constant 3 : i32
    %add3A_299 = vector.broadcast %add3A_298 : i32 to vector<32x224xi32>
    %add3A_300 = arith.addi %iota3A_18, %add3A_299 : vector<32x224xi32>
    %ge3A_301 = arith.constant 0 : i32
    %ge3A_302 = vector.broadcast %ge3A_301 : i32 to vector<32x224xi32>
    %ge3A_303 = arith.cmpi sge, %add3A_300, %ge3A_302 : vector<32x224xi32>
    %add3A_304 = arith.constant 3 : i32
    %add3A_305 = vector.broadcast %add3A_304 : i32 to vector<32x224xi32>
    %add3A_306 = arith.addi %iota3A_18, %add3A_305 : vector<32x224xi32>
    %lt3A_307 = arith.constant 224 : i32
    %lt3A_308 = vector.broadcast %lt3A_307 : i32 to vector<32x224xi32>
    %lt3A_309 = arith.cmpi slt, %add3A_306, %lt3A_308 : vector<32x224xi32>
    %and3A_310 = arith.andi %ge3A_303, %lt3A_309 : vector<32x224xi1>
    %select_n3A_311 = arith.select %and3A_310, %broadcast_in_dim3A_19, %broadcast_in_dim3A_21 : vector<32x224xi1>, vector<32x224xf32>
    %add3A_312 = arith.constant 4 : i32
    %add3A_313 = vector.broadcast %add3A_312 : i32 to vector<32x224xi32>
    %add3A_314 = arith.addi %iota3A_18, %add3A_313 : vector<32x224xi32>
    %ge3A_315 = arith.constant 0 : i32
    %ge3A_316 = vector.broadcast %ge3A_315 : i32 to vector<32x224xi32>
    %ge3A_317 = arith.cmpi sge, %add3A_314, %ge3A_316 : vector<32x224xi32>
    %add3A_318 = arith.constant 4 : i32
    %add3A_319 = vector.broadcast %add3A_318 : i32 to vector<32x224xi32>
    %add3A_320 = arith.addi %iota3A_18, %add3A_319 : vector<32x224xi32>
    %lt3A_321 = arith.constant 224 : i32
    %lt3A_322 = vector.broadcast %lt3A_321 : i32 to vector<32x224xi32>
    %lt3A_323 = arith.cmpi slt, %add3A_320, %lt3A_322 : vector<32x224xi32>
    %and3A_324 = arith.andi %ge3A_317, %lt3A_323 : vector<32x224xi1>
    %select_n3A_325 = arith.select %and3A_324, %broadcast_in_dim3A_19, %broadcast_in_dim3A_21 : vector<32x224xi1>, vector<32x224xf32>
    %add3A_326 = arith.constant 5 : i32
    %add3A_327 = vector.broadcast %add3A_326 : i32 to vector<32x224xi32>
    %add3A_328 = arith.addi %iota3A_18, %add3A_327 : vector<32x224xi32>
    %ge3A_329 = arith.constant 0 : i32
    %ge3A_330 = vector.broadcast %ge3A_329 : i32 to vector<32x224xi32>
    %ge3A_331 = arith.cmpi sge, %add3A_328, %ge3A_330 : vector<32x224xi32>
    %add3A_332 = arith.constant 5 : i32
    %add3A_333 = vector.broadcast %add3A_332 : i32 to vector<32x224xi32>
    %add3A_334 = arith.addi %iota3A_18, %add3A_333 : vector<32x224xi32>
    %lt3A_335 = arith.constant 224 : i32
    %lt3A_336 = vector.broadcast %lt3A_335 : i32 to vector<32x224xi32>
    %lt3A_337 = arith.cmpi slt, %add3A_334, %lt3A_336 : vector<32x224xi32>
    %and3A_338 = arith.andi %ge3A_331, %lt3A_337 : vector<32x224xi1>
    %select_n3A_339 = arith.select %and3A_338, %broadcast_in_dim3A_19, %broadcast_in_dim3A_21 : vector<32x224xi1>, vector<32x224xf32>
    %add3A_340 = arith.constant 6 : i32
    %add3A_341 = vector.broadcast %add3A_340 : i32 to vector<32x224xi32>
    %add3A_342 = arith.addi %iota3A_18, %add3A_341 : vector<32x224xi32>
    %ge3A_343 = arith.constant 0 : i32
    %ge3A_344 = vector.broadcast %ge3A_343 : i32 to vector<32x224xi32>
    %ge3A_345 = arith.cmpi sge, %add3A_342, %ge3A_344 : vector<32x224xi32>
    %add3A_346 = arith.constant 6 : i32
    %add3A_347 = vector.broadcast %add3A_346 : i32 to vector<32x224xi32>
    %add3A_348 = arith.addi %iota3A_18, %add3A_347 : vector<32x224xi32>
    %lt3A_349 = arith.constant 224 : i32
    %lt3A_350 = vector.broadcast %lt3A_349 : i32 to vector<32x224xi32>
    %lt3A_351 = arith.cmpi slt, %add3A_348, %lt3A_350 : vector<32x224xi32>
    %and3A_352 = arith.andi %ge3A_345, %lt3A_351 : vector<32x224xi1>
    %select_n3A_353 = arith.select %and3A_352, %broadcast_in_dim3A_19, %broadcast_in_dim3A_21 : vector<32x224xi1>, vector<32x224xf32>
    %slice3A_354 = vector.extract_strided_slice %get3A_4 {offsets = [0, 0], sizes = [32, 256], strides = [1, 1]} : vector<48x256xf32> to vector<32x256xf32>
    %slice3A_355 = vector.extract_strided_slice %get3A_9 {offsets = [0, 0], sizes = [32, 256], strides = [1, 1]} : vector<48x256xf32> to vector<32x256xf32>
    %slice3A_356 = vector.extract_strided_slice %get3A_14 {offsets = [0, 0], sizes = [32, 256], strides = [1, 1]} : vector<48x256xf32> to vector<32x256xf32>
    %slice3A_357 = vector.extract_strided_slice %slice3A_354 {offsets = [0, 6], sizes = [32, 224], strides = [1, 1]} : vector<32x256xf32> to vector<32x224xf32>
    %slice3A_358 = vector.extract_strided_slice %slice3A_355 {offsets = [0, 6], sizes = [32, 224], strides = [1, 1]} : vector<32x256xf32> to vector<32x224xf32>
    %slice3A_359 = vector.extract_strided_slice %slice3A_356 {offsets = [0, 6], sizes = [32, 224], strides = [1, 1]} : vector<32x256xf32> to vector<32x224xf32>
    %sub3A = arith.subf %slice3A, %slice3A_357 : vector<32x224xf32>
    %integer_pow3A = arith.mulf %sub3A, %sub3A : vector<32x224xf32>
    %sub3A_360 = arith.subf %slice3A_15, %slice3A_358 : vector<32x224xf32>
    %integer_pow3A_361 = arith.mulf %sub3A_360, %sub3A_360 : vector<32x224xf32>
    %add3A_362 = arith.addf %integer_pow3A, %integer_pow3A_361 : vector<32x224xf32>
    %sub3A_363 = arith.subf %slice3A_16, %slice3A_359 : vector<32x224xf32>
    %integer_pow3A_364 = arith.mulf %sub3A_363, %sub3A_363 : vector<32x224xf32>
    %add3A_365 = arith.addf %add3A_362, %integer_pow3A_364 : vector<32x224xf32>
    %sqrt3A = math.sqrt %add3A_365 : vector<32x224xf32>
    %mul3A_366 = arith.constant -6.66666651 : f32
    %mul3A_367 = vector.broadcast %mul3A_366 : f32 to vector<32x224xf32>
    %mul3A_368 = arith.mulf %sqrt3A, %mul3A_367 : vector<32x224xf32>
    %exp3A = math.exp %mul3A_368 : vector<32x224xf32>
    %mul3A_369 = arith.constant 1.000000e-01 : f32
    %mul3A_370 = vector.broadcast %mul3A_369 : f32 to vector<32x224xf32>
    %mul3A_371 = arith.mulf %mul3A_370, %exp3A : vector<32x224xf32>
    %mul3A_372 = arith.mulf %select_n3A, %broadcast_in_dim3A_19 : vector<32x224xf32>
    %mul3A_373 = arith.mulf %mul3A_371, %mul3A_372 : vector<32x224xf32>
    %add3A_374 = arith.addf %broadcast_in_dim3A_21, %mul3A_373 : vector<32x224xf32>
    %neg3A = arith.constant 0.000000e+00 : f32
    %neg3A_375 = vector.broadcast %neg3A : f32 to vector<32x224xf32>
    %neg3A_376 = arith.subf %neg3A_375, %mul3A_373 : vector<32x224xf32>
    %swap3A = arith.constant 0 : index
    %swap3A_377 = arith.constant 0 : index
    %swap3A_378 = vector.load %arg2[%swap3A, %swap3A_377] : memref<32x28928xf32, #tpu.memory_space<vmem>>, vector<32x224xf32>
    tpu.vector_store %arg2[%swap3A, %swap3A_377], %neg3A_376 {strides = array<i32>} : memref<32x28928xf32, #tpu.memory_space<vmem>>, vector<32x224xf32>,
    %slice3A_379 = vector.extract_strided_slice %get3A_4 {offsets = [1, 0], sizes = [32, 256], strides = [1, 1]} : vector<48x256xf32> to vector<32x256xf32>
    %slice3A_380 = vector.extract_strided_slice %get3A_9 {offsets = [1, 0], sizes = [32, 256], strides = [1, 1]} : vector<48x256xf32> to vector<32x256xf32>
    %slice3A_381 = vector.extract_strided_slice %get3A_14 {offsets = [1, 0], sizes = [32, 256], strides = [1, 1]} : vector<48x256xf32> to vector<32x256xf32>
    %slice3A_382 = vector.extract_strided_slice %slice3A_379 {offsets = [0, 3], sizes = [32, 224], strides = [1, 1]} : vector<32x256xf32> to vector<32x224xf32>
    %slice3A_383 = vector.extract_strided_slice %slice3A_380 {offsets = [0, 3], sizes = [32, 224], strides = [1, 1]} : vector<32x256xf32> to vector<32x224xf32>
    %slice3A_384 = vector.extract_strided_slice %slice3A_381 {offsets = [0, 3], sizes = [32, 224], strides = [1, 1]} : vector<32x256xf32> to vector<32x224xf32>
    %sub3A_385 = arith.subf %slice3A, %slice3A_382 : vector<32x224xf32>
    %integer_pow3A_386 = arith.mulf %sub3A_385, %sub3A_385 : vector<32x224xf32>
    %sub3A_387 = arith.subf %slice3A_15, %slice3A_383 : vector<32x224xf32>
    %integer_pow3A_388 = arith.mulf %sub3A_387, %sub3A_387 : vector<32x224xf32>
    %add3A_389 = arith.addf %integer_pow3A_386, %integer_pow3A_388 : vector<32x224xf32>
    %sub3A_390 = arith.subf %slice3A_16, %slice3A_384 : vector<32x224xf32>
    %integer_pow3A_391 = arith.mulf %sub3A_390, %sub3A_390 : vector<32x224xf32>
    %add3A_392 = arith.addf %add3A_389, %integer_pow3A_391 : vector<32x224xf32>
    %sqrt3A_393 = math.sqrt %add3A_392 : vector<32x224xf32>
    %mul3A_394 = arith.constant -6.66666651 : f32
    %mul3A_395 = vector.broadcast %mul3A_394 : f32 to vector<32x224xf32>
    %mul3A_396 = arith.mulf %sqrt3A_393, %mul3A_395 : vector<32x224xf32>
    %exp3A_397 = math.exp %mul3A_396 : vector<32x224xf32>
    %mul3A_398 = arith.constant 1.000000e-01 : f32
    %mul3A_399 = vector.broadcast %mul3A_398 : f32 to vector<32x224xf32>
    %mul3A_400 = arith.mulf %mul3A_399, %exp3A_397 : vector<32x224xf32>
    %mul3A_401 = arith.mulf %select_n3A_45, %select_n3A_241 : vector<32x224xf32>
    %mul3A_402 = arith.mulf %mul3A_400, %mul3A_401 : vector<32x224xf32>
    %add3A_403 = arith.addf %broadcast_in_dim3A_21, %mul3A_402 : vector<32x224xf32>
    %neg3A_404 = arith.constant 0.000000e+00 : f32
    %neg3A_405 = vector.broadcast %neg3A_404 : f32 to vector<32x224xf32>
    %neg3A_406 = arith.subf %neg3A_405, %mul3A_402 : vector<32x224xf32>
    %swap3A_407 = arith.constant 0 : index
    %swap3A_408 = arith.constant 256 : index
    %swap3A_409 = vector.load %arg2[%swap3A_407, %swap3A_408] : memref<32x28928xf32, #tpu.memory_space<vmem>>, vector<32x224xf32>
    tpu.vector_store %arg2[%swap3A_407, %swap3A_408], %neg3A_406 {strides = array<i32>} : memref<32x28928xf32, #tpu.memory_space<vmem>>, vector<32x224xf32>,
    %slice3A_410 = vector.extract_strided_slice %slice3A_379 {offsets = [0, 4], sizes = [32, 224], strides = [1, 1]} : vector<32x256xf32> to vector<32x224xf32>
    %slice3A_411 = vector.extract_strided_slice %slice3A_380 {offsets = [0, 4], sizes = [32, 224], strides = [1, 1]} : vector<32x256xf32> to vector<32x224xf32>
    %slice3A_412 = vector.extract_strided_slice %slice3A_381 {offsets = [0, 4], sizes = [32, 224], strides = [1, 1]} : vector<32x256xf32> to vector<32x224xf32>
    %sub3A_413 = arith.subf %slice3A, %slice3A_410 : vector<32x224xf32>
    %integer_pow3A_414 = arith.mulf %sub3A_413, %sub3A_413 : vector<32x224xf32>
    %sub3A_415 = arith.subf %slice3A_15, %slice3A_411 : vector<32x224xf32>
    %integer_pow3A_416 = arith.mulf %sub3A_415, %sub3A_415 : vector<32x224xf32>
    %add3A_417 = arith.addf %integer_pow3A_414, %integer_pow3A_416 : vector<32x224xf32>
    %sub3A_418 = arith.subf %slice3A_16, %slice3A_412 : vector<32x224xf32>
    %integer_pow3A_419 = arith.mulf %sub3A_418, %sub3A_418 : vector<32x224xf32>
    %add3A_420 = arith.addf %add3A_417, %integer_pow3A_419 : vector<32x224xf32>
    %sqrt3A_421 = math.sqrt %add3A_420 : vector<32x224xf32>
    %mul3A_422 = arith.constant -6.66666651 : f32
    %mul3A_423 = vector.broadcast %mul3A_422 : f32 to vector<32x224xf32>
    %mul3A_424 = arith.mulf %sqrt3A_421, %mul3A_423 : vector<32x224xf32>
    %exp3A_425 = math.exp %mul3A_424 : vector<32x224xf32>
    %mul3A_426 = arith.constant 1.000000e-01 : f32
    %mul3A_427 = vector.broadcast %mul3A_426 : f32 to vector<32x224xf32>
    %mul3A_428 = arith.mulf %mul3A_427, %exp3A_425 : vector<32x224xf32>
    %mul3A_429 = arith.mulf %select_n3A_45, %select_n3A_255 : vector<32x224xf32>
    %mul3A_430 = arith.mulf %mul3A_428, %mul3A_429 : vector<32x224xf32>
    %add3A_431 = arith.addf %broadcast_in_dim3A_21, %mul3A_430 : vector<32x224xf32>
    %neg3A_432 = arith.constant 0.000000e+00 : f32
    %neg3A_433 = vector.broadcast %neg3A_432 : f32 to vector<32x224xf32>
    %neg3A_434 = arith.subf %neg3A_433, %mul3A_430 : vector<32x224xf32>
    %swap3A_435 = arith.constant 0 : index
    %swap3A_436 = arith.constant 512 : index
    %swap3A_437 = vector.load %arg2[%swap3A_435, %swap3A_436] : memref<32x28928xf32, #tpu.memory_space<vmem>>, vector<32x224xf32>
    tpu.vector_store %arg2[%swap3A_435, %swap3A_436], %neg3A_434 {strides = array<i32>} : memref<32x28928xf32, #tpu.memory_space<vmem>>, vector<32x224xf32>,
    %slice3A_438 = vector.extract_strided_slice %slice3A_379 {offsets = [0, 5], sizes = [32, 224], strides = [1, 1]} : vector<32x256xf32> to vector<32x224xf32>
    %slice3A_439 = vector.extract_strided_slice %slice3A_380 {offsets = [0, 5], sizes = [32, 224], strides = [1, 1]} : vector<32x256xf32> to vector<32x224xf32>
    %slice3A_440 = vector.extract_strided_slice %slice3A_381 {offsets = [0, 5], sizes = [32, 224], strides = [1, 1]} : vector<32x256xf32> to vector<32x224xf32>
    %sub3A_441 = arith.subf %slice3A, %slice3A_438 : vector<32x224xf32>
    %integer_pow3A_442 = arith.mulf %sub3A_441, %sub3A_441 : vector<32x224xf32>
    %sub3A_443 = arith.subf %slice3A_15, %slice3A_439 : vector<32x224xf32>
    %integer_pow3A_444 = arith.mulf %sub3A_443, %sub3A_443 : vector<32x224xf32>
    %add3A_445 = arith.addf %integer_pow3A_442, %integer_pow3A_444 : vector<32x224xf32>
    %sub3A_446 = arith.subf %slice3A_16, %slice3A_440 : vector<32x224xf32>
    %integer_pow3A_447 = arith.mulf %sub3A_446, %sub3A_446 : vector<32x224xf32>
    %add3A_448 = arith.addf %add3A_445, %integer_pow3A_447 : vector<32x224xf32>
    %sqrt3A_449 = math.sqrt %add3A_448 : vector<32x224xf32>
    %mul3A_450 = arith.constant -6.66666651 : f32
    %mul3A_451 = vector.broadcast %mul3A_450 : f32 to vector<32x224xf32>
    %mul3A_452 = arith.mulf %sqrt3A_449, %mul3A_451 : vector<32x224xf32>
    %exp3A_453 = math.exp %mul3A_452 : vector<32x224xf32>
    %mul3A_454 = arith.constant 1.000000e-01 : f32
    %mul3A_455 = vector.broadcast %mul3A_454 : f32 to vector<32x224xf32>
    %mul3A_456 = arith.mulf %mul3A_455, %exp3A_453 : vector<32x224xf32>
    %mul3A_457 = arith.mulf %select_n3A_45, %select_n3A_269 : vector<32x224xf32>
    %mul3A_458 = arith.mulf %mul3A_456, %mul3A_457 : vector<32x224xf32>
    %add3A_459 = arith.addf %broadcast_in_dim3A_21, %mul3A_458 : vector<32x224xf32>
    %neg3A_460 = arith.constant 0.000000e+00 : f32
    %neg3A_461 = vector.broadcast %neg3A_460 : f32 to vector<32x224xf32>
    %neg3A_462 = arith.subf %neg3A_461, %mul3A_458 : vector<32x224xf32>
    %swap3A_463 = arith.constant 0 : index
    %swap3A_464 = arith.constant 768 : index
    %swap3A_465 = vector.load %arg2[%swap3A_463, %swap3A_464] : memref<32x28928xf32, #tpu.memory_space<vmem>>, vector<32x224xf32>
    tpu.vector_store %arg2[%swap3A_463, %swap3A_464], %neg3A_462 {strides = array<i32>} : memref<32x28928xf32, #tpu.memory_space<vmem>>, vector<32x224xf32>,
    %slice3A_466 = vector.extract_strided_slice %slice3A_379 {offsets = [0, 6], sizes = [32, 224], strides = [1, 1]} : vector<32x256xf32> to vector<32x224xf32>
    %slice3A_467 = vector.extract_strided_slice %slice3A_380 {offsets = [0, 6], sizes = [32, 224], strides = [1, 1]} : vector<32x256xf32> to vector<32x224xf32>
    %slice3A_468 = vector.extract_strided_slice %slice3A_381 {offsets = [0, 6], sizes = [32, 224], strides = [1, 1]} : vector<32x256xf32> to vector<32x224xf32>
    %sub3A_469 = arith.subf %slice3A, %slice3A_466 : vector<32x224xf32>
    %integer_pow3A_470 = arith.mulf %sub3A_469, %sub3A_469 : vector<32x224xf32>
    %sub3A_471 = arith.subf %slice3A_15, %slice3A_467 : vector<32x224xf32>
    %integer_pow3A_472 = arith.mulf %sub3A_471, %sub3A_471 : vector<32x224xf32>
    %add3A_473 = arith.addf %integer_pow3A_470, %integer_pow3A_472 : vector<32x224xf32>
    %sub3A_474 = arith.subf %slice3A_16, %slice3A_468 : vector<32x224xf32>
    %integer_pow3A_475 = arith.mulf %sub3A_474, %sub3A_474 : vector<32x224xf32>
    %add3A_476 = arith.addf %add3A_473, %integer_pow3A_475 : vector<32x224xf32>
    %sqrt3A_477 = math.sqrt %add3A_476 : vector<32x224xf32>
    %mul3A_478 = arith.constant -6.66666651 : f32
    %mul3A_479 = vector.broadcast %mul3A_478 : f32 to vector<32x224xf32>
    %mul3A_480 = arith.mulf %sqrt3A_477, %mul3A_479 : vector<32x224xf32>
    %exp3A_481 = math.exp %mul3A_480 : vector<32x224xf32>
    %mul3A_482 = arith.constant 3.000000e-01 : f32
    %mul3A_483 = vector.broadcast %mul3A_482 : f32 to vector<32x224xf32>
    %mul3A_484 = arith.mulf %mul3A_483, %exp3A_481 : vector<32x224xf32>
    %mul3A_485 = arith.mulf %select_n3A_45, %broadcast_in_dim3A_19 : vector<32x224xf32>
    %mul3A_486 = arith.mulf %mul3A_484, %mul3A_485 : vector<32x224xf32>
    %add3A_487 = arith.addf %add3A_374, %mul3A_486 : vector<32x224xf32>
    %neg3A_488 = arith.constant 0.000000e+00 : f32
    %neg3A_489 = vector.broadcast %neg3A_488 : f32 to vector<32x224xf32>
    %neg3A_490 = arith.subf %neg3A_489, %mul3A_486 : vector<32x224xf32>
    %swap3A_491 = arith.constant 0 : index
    %swap3A_492 = arith.constant 1024 : index
    %swap3A_493 = vector.load %arg2[%swap3A_491, %swap3A_492] : memref<32x28928xf32, #tpu.memory_space<vmem>>, vector<32x224xf32>
    tpu.vector_store %arg2[%swap3A_491, %swap3A_492], %neg3A_490 {strides = array<i32>} : memref<32x28928xf32, #tpu.memory_space<vmem>>, vector<32x224xf32>,
    %slice3A_494 = vector.extract_strided_slice %slice3A_379 {offsets = [0, 7], sizes = [32, 224], strides = [1, 1]} : vector<32x256xf32> to vector<32x224xf32>
    %slice3A_495 = vector.extract_strided_slice %slice3A_380 {offsets = [0, 7], sizes = [32, 224], strides = [1, 1]} : vector<32x256xf32> to vector<32x224xf32>
    %slice3A_496 = vector.extract_strided_slice %slice3A_381 {offsets = [0, 7], sizes = [32, 224], strides = [1, 1]} : vector<32x256xf32> to vector<32x224xf32>
    %sub3A_497 = arith.subf %slice3A, %slice3A_494 : vector<32x224xf32>
    %integer_pow3A_498 = arith.mulf %sub3A_497, %sub3A_497 : vector<32x224xf32>
    %sub3A_499 = arith.subf %slice3A_15, %slice3A_495 : vector<32x224xf32>
    %integer_pow3A_500 = arith.mulf %sub3A_499, %sub3A_499 : vector<32x224xf32>
    %add3A_501 = arith.addf %integer_pow3A_498, %integer_pow3A_500 : vector<32x224xf32>
    %sub3A_502 = arith.subf %slice3A_16, %slice3A_496 : vector<32x224xf32>
    %integer_pow3A_503 = arith.mulf %sub3A_502, %sub3A_502 : vector<32x224xf32>
    %add3A_504 = arith.addf %add3A_501, %integer_pow3A_503 : vector<32x224xf32>
    %sqrt3A_505 = math.sqrt %add3A_504 : vector<32x224xf32>
    %mul3A_506 = arith.constant -6.66666651 : f32
    %mul3A_507 = vector.broadcast %mul3A_506 : f32 to vector<32x224xf32>
    %mul3A_508 = arith.mulf %sqrt3A_505, %mul3A_507 : vector<32x224xf32>
    %exp3A_509 = math.exp %mul3A_508 : vector<32x224xf32>
    %mul3A_510 = arith.constant 1.000000e-01 : f32
    %mul3A_511 = vector.broadcast %mul3A_510 : f32 to vector<32x224xf32>
    %mul3A_512 = arith.mulf %mul3A_511, %exp3A_509 : vector<32x224xf32>
    %mul3A_513 = arith.mulf %select_n3A_45, %select_n3A_283 : vector<32x224xf32>
    %mul3A_514 = arith.mulf %mul3A_512, %mul3A_513 : vector<32x224xf32>
    %add3A_515 = arith.addf %add3A_403, %mul3A_514 : vector<32x224xf32>
    %neg3A_516 = arith.constant 0.000000e+00 : f32
    %neg3A_517 = vector.broadcast %neg3A_516 : f32 to vector<32x224xf32>
    %neg3A_518 = arith.subf %neg3A_517, %mul3A_514 : vector<32x224xf32>
    %swap3A_519 = arith.constant 0 : index
    %swap3A_520 = arith.constant 1280 : index
    %swap3A_521 = vector.load %arg2[%swap3A_519, %swap3A_520] : memref<32x28928xf32, #tpu.memory_space<vmem>>, vector<32x224xf32>
    tpu.vector_store %arg2[%swap3A_519, %swap3A_520], %neg3A_518 {strides = array<i32>} : memref<32x28928xf32, #tpu.memory_space<vmem>>, vector<32x224xf32>,
    %slice3A_522 = vector.extract_strided_slice %slice3A_379 {offsets = [0, 8], sizes = [32, 224], strides = [1, 1]} : vector<32x256xf32> to vector<32x224xf32>
    %slice3A_523 = vector.extract_strided_slice %slice3A_380 {offsets = [0, 8], sizes = [32, 224], strides = [1, 1]} : vector<32x256xf32> to vector<32x224xf32>
    %slice3A_524 = vector.extract_strided_slice %slice3A_381 {offsets = [0, 8], sizes = [32, 224], strides = [1, 1]} : vector<32x256xf32> to vector<32x224xf32>
    %sub3A_525 = arith.subf %slice3A, %slice3A_522 : vector<32x224xf32>
    %integer_pow3A_526 = arith.mulf %sub3A_525, %sub3A_525 : vector<32x224xf32>
    %sub3A_527 = arith.subf %slice3A_15, %slice3A_523 : vector<32x224xf32>
    %integer_pow3A_528 = arith.mulf %sub3A_527, %sub3A_527 : vector<32x224xf32>
    %add3A_529 = arith.addf %integer_pow3A_526, %integer_pow3A_528 : vector<32x224xf32>
    %sub3A_530 = arith.subf %slice3A_16, %slice3A_524 : vector<32x224xf32>
    %integer_pow3A_531 = arith.mulf %sub3A_530, %sub3A_530 : vector<32x224xf32>
    %add3A_532 = arith.addf %add3A_529, %integer_pow3A_531 : vector<32x224xf32>
    %sqrt3A_533 = math.sqrt %add3A_532 : vector<32x224xf32>
    %mul3A_534 = arith.constant -6.66666651 : f32
    %mul3A_535 = vector.broadcast %mul3A_534 : f32 to vector<32x224xf32>
    %mul3A_536 = arith.mulf %sqrt3A_533, %mul3A_535 : vector<32x224xf32>
    %exp3A_537 = math.exp %mul3A_536 : vector<32x224xf32>
    %mul3A_538 = arith.constant 1.000000e-01 : f32
    %mul3A_539 = vector.broadcast %mul3A_538 : f32 to vector<32x224xf32>
    %mul3A_540 = arith.mulf %mul3A_539, %exp3A_537 : vector<32x224xf32>
    %mul3A_541 = arith.mulf %select_n3A_45, %select_n3A_297 : vector<32x224xf32>
    %mul3A_542 = arith.mulf %mul3A_540, %mul3A_541 : vector<32x224xf32>
    %add3A_543 = arith.addf %add3A_431, %mul3A_542 : vector<32x224xf32>
    %neg3A_544 = arith.constant 0.000000e+00 : f32
    %neg3A_545 = vector.broadcast %neg3A_544 : f32 to vector<32x224xf32>
    %neg3A_546 = arith.subf %neg3A_545, %mul3A_542 : vector<32x224xf32>
    %swap3A_547 = arith.constant 0 : index
    %swap3A_548 = arith.constant 1536 : index
    %swap3A_549 = vector.load %arg2[%swap3A_547, %swap3A_548] : memref<32x28928xf32, #tpu.memory_space<vmem>>, vector<32x224xf32>
    tpu.vector_store %arg2[%swap3A_547, %swap3A_548], %neg3A_546 {strides = array<i32>} : memref<32x28928xf32, #tpu.memory_space<vmem>>, vector<32x224xf32>,
    %slice3A_550 = vector.extract_strided_slice %slice3A_379 {offsets = [0, 9], sizes = [32, 224], strides = [1, 1]} : vector<32x256xf32> to vector<32x224xf32>
    %slice3A_551 = vector.extract_strided_slice %slice3A_380 {offsets = [0, 9], sizes = [32, 224], strides = [1, 1]} : vector<32x256xf32> to vector<32x224xf32>
    %slice3A_552 = vector.extract_strided_slice %slice3A_381 {offsets = [0, 9], sizes = [32, 224], strides = [1, 1]} : vector<32x256xf32> to vector<32x224xf32>
    %sub3A_553 = arith.subf %slice3A, %slice3A_550 : vector<32x224xf32>
    %integer_pow3A_554 = arith.mulf %sub3A_553, %sub3A_553 : vector<32x224xf32>
    %sub3A_555 = arith.subf %slice3A_15, %slice3A_551 : vector<32x224xf32>
    %integer_pow3A_556 = arith.mulf %sub3A_555, %sub3A_555 : vector<32x224xf32>
    %add3A_557 = arith.addf %integer_pow3A_554, %integer_pow3A_556 : vector<32x224xf32>
    %sub3A_558 = arith.subf %slice3A_16, %slice3A_552 : vector<32x224xf32>
    %integer_pow3A_559 = arith.mulf %sub3A_558, %sub3A_558 : vector<32x224xf32>
    %add3A_560 = arith.addf %add3A_557, %integer_pow3A_559 : vector<32x224xf32>
    %sqrt3A_561 = math.sqrt %add3A_560 : vector<32x224xf32>
    %mul3A_562 = arith.constant -6.66666651 : f32
    %mul3A_563 = vector.broadcast %mul3A_562 : f32 to vector<32x224xf32>
    %mul3A_564 = arith.mulf %sqrt3A_561, %mul3A_563 : vector<32x224xf32>
    %exp3A_565 = math.exp %mul3A_564 : vector<32x224xf32>
    %mul3A_566 = arith.constant 1.000000e-01 : f32
    %mul3A_567 = vector.broadcast %mul3A_566 : f32 to vector<32x224xf32>
    %mul3A_568 = arith.mulf %mul3A_567, %exp3A_565 : vector<32x224xf32>
    %mul3A_569 = arith.mulf %select_n3A_45, %select_n3A_311 : vector<32x224xf32>
    %mul3A_570 = arith.mulf %mul3A_568, %mul3A_569 : vector<32x224xf32>
    %add3A_571 = arith.addf %add3A_459, %mul3A_570 : vector<32x224xf32>
    %neg3A_572 = arith.constant 0.000000e+00 : f32
    %neg3A_573 = vector.broadcast %neg3A_572 : f32 to vector<32x224xf32>
    %neg3A_574 = arith.subf %neg3A_573, %mul3A_570 : vector<32x224xf32>
    %swap3A_575 = arith.constant 0 : index
    %swap3A_576 = arith.constant 1792 : index
    %swap3A_577 = vector.load %arg2[%swap3A_575, %swap3A_576] : memref<32x28928xf32, #tpu.memory_space<vmem>>, vector<32x224xf32>
    tpu.vector_store %arg2[%swap3A_575, %swap3A_576], %neg3A_574 {strides = array<i32>} : memref<32x28928xf32, #tpu.memory_space<vmem>>, vector<32x224xf32>,
    %slice3A_578 = vector.extract_strided_slice %get3A_4 {offsets = [2, 0], sizes = [32, 256], strides = [1, 1]} : vector<48x256xf32> to vector<32x256xf32>
    %slice3A_579 = vector.extract_strided_slice %get3A_9 {offsets = [2, 0], sizes = [32, 256], strides = [1, 1]} : vector<48x256xf32> to vector<32x256xf32>
    %slice3A_580 = vector.extract_strided_slice %get3A_14 {offsets = [2, 0], sizes = [32, 256], strides = [1, 1]} : vector<48x256xf32> to vector<32x256xf32>
    %slice3A_581 = vector.extract_strided_slice %slice3A_578 {offsets = [0, 2], sizes = [32, 224], strides = [1, 1]} : vector<32x256xf32> to vector<32x224xf32>
    %slice3A_582 = vector.extract_strided_slice %slice3A_579 {offsets = [0, 2], sizes = [32, 224], strides = [1, 1]} : vector<32x256xf32> to vector<32x224xf32>
    %slice3A_583 = vector.extract_strided_slice %slice3A_580 {offsets = [0, 2], sizes = [32, 224], strides = [1, 1]} : vector<32x256xf32> to vector<32x224xf32>
    %sub3A_584 = arith.subf %slice3A, %slice3A_581 : vector<32x224xf32>
    %integer_pow3A_585 = arith.mulf %sub3A_584, %sub3A_584 : vector<32x224xf32>
    %sub3A_586 = arith.subf %slice3A_15, %slice3A_582 : vector<32x224xf32>
    %integer_pow3A_587 = arith.mulf %sub3A_586, %sub3A_586 : vector<32x224xf32>
    %add3A_588 = arith.addf %integer_pow3A_585, %integer_pow3A_587 : vector<32x224xf32>
    %sub3A_589 = arith.subf %slice3A_16, %slice3A_583 : vector<32x224xf32>
    %integer_pow3A_590 = arith.mulf %sub3A_589, %sub3A_589 : vector<32x224xf32>
    %add3A_591 = arith.addf %add3A_588, %integer_pow3A_590 : vector<32x224xf32>
    %sqrt3A_592 = math.sqrt %add3A_591 : vector<32x224xf32>
    %mul3A_593 = arith.constant -6.66666651 : f32
    %mul3A_594 = vector.broadcast %mul3A_593 : f32 to vector<32x224xf32>
    %mul3A_595 = arith.mulf %sqrt3A_592, %mul3A_594 : vector<32x224xf32>
    %exp3A_596 = math.exp %mul3A_595 : vector<32x224xf32>
    %mul3A_597 = arith.constant 1.000000e-01 : f32
    %mul3A_598 = vector.broadcast %mul3A_597 : f32 to vector<32x224xf32>
    %mul3A_599 = arith.mulf %mul3A_598, %exp3A_596 : vector<32x224xf32>
    %mul3A_600 = arith.mulf %select_n3A_59, %select_n3A_227 : vector<32x224xf32>
    %mul3A_601 = arith.mulf %mul3A_599, %mul3A_600 : vector<32x224xf32>
    %add3A_602 = arith.addf %add3A_487, %mul3A_601 : vector<32x224xf32>
    %neg3A_603 = arith.constant 0.000000e+00 : f32
    %neg3A_604 = vector.broadcast %neg3A_603 : f32 to vector<32x224xf32>
    %neg3A_605 = arith.subf %neg3A_604, %mul3A_601 : vector<32x224xf32>
    %swap3A_606 = arith.constant 0 : index
    %swap3A_607 = arith.constant 2048 : index
    %swap3A_608 = vector.load %arg2[%swap3A_606, %swap3A_607] : memref<32x28928xf32, #tpu.memory_space<vmem>>, vector<32x224xf32>
    tpu.vector_store %arg2[%swap3A_606, %swap3A_607], %neg3A_605 {strides = array<i32>} : memref<32x28928xf32, #tpu.memory_space<vmem>>, vector<32x224xf32>,
    %slice3A_609 = vector.extract_strided_slice %slice3A_578 {offsets = [0, 3], sizes = [32, 224], strides = [1, 1]} : vector<32x256xf32> to vector<32x224xf32>
    %slice3A_610 = vector.extract_strided_slice %slice3A_579 {offsets = [0, 3], sizes = [32, 224], strides = [1, 1]} : vector<32x256xf32> to vector<32x224xf32>
    %slice3A_611 = vector.extract_strided_slice %slice3A_580 {offsets = [0, 3], sizes = [32, 224], strides = [1, 1]} : vector<32x256xf32> to vector<32x224xf32>
    %sub3A_612 = arith.subf %slice3A, %slice3A_609 : vector<32x224xf32>
    %integer_pow3A_613 = arith.mulf %sub3A_612, %sub3A_612 : vector<32x224xf32>
    %sub3A_614 = arith.subf %slice3A_15, %slice3A_610 : vector<32x224xf32>
    %integer_pow3A_615 = arith.mulf %sub3A_614, %sub3A_614 : vector<32x224xf32>
    %add3A_616 = arith.addf %integer_pow3A_613, %integer_pow3A_615 : vector<32x224xf32>
    %sub3A_617 = arith.subf %slice3A_16, %slice3A_611 : vector<32x224xf32>
    %integer_pow3A_618 = arith.mulf %sub3A_617, %sub3A_617 : vector<32x224xf32>
    %add3A_619 = arith.addf %add3A_616, %integer_pow3A_618 : vector<32x224xf32>
    %sqrt3A_620 = math.sqrt %add3A_619 : vector<32x224xf32>
    %mul3A_621 = arith.constant -6.66666651 : f32
    %mul3A_622 = vector.broadcast %mul3A_621 : f32 to vector<32x224xf32>
    %mul3A_623 = arith.mulf %sqrt3A_620, %mul3A_622 : vector<32x224xf32>
    %exp3A_624 = math.exp %mul3A_623 : vector<32x224xf32>
    %mul3A_625 = arith.constant 3.000000e-01 : f32
    %mul3A_626 = vector.broadcast %mul3A_625 : f32 to vector<32x224xf32>
    %mul3A_627 = arith.mulf %mul3A_626, %exp3A_624 : vector<32x224xf32>
    %mul3A_628 = arith.mulf %select_n3A_59, %select_n3A_241 : vector<32x224xf32>
    %mul3A_629 = arith.mulf %mul3A_627, %mul3A_628 : vector<32x224xf32>
    %add3A_630 = arith.addf %add3A_515, %mul3A_629 : vector<32x224xf32>
    %neg3A_631 = arith.constant 0.000000e+00 : f32
    %neg3A_632 = vector.broadcast %neg3A_631 : f32 to vector<32x224xf32>
    %neg3A_633 = arith.subf %neg3A_632, %mul3A_629 : vector<32x224xf32>
    %swap3A_634 = arith.constant 0 : index
    %swap3A_635 = arith.constant 2304 : index
    %swap3A_636 = vector.load %arg2[%swap3A_634, %swap3A_635] : memref<32x28928xf32, #tpu.memory_space<vmem>>, vector<32x224xf32>
    tpu.vector_store %arg2[%swap3A_634, %swap3A_635], %neg3A_633 {strides = array<i32>} : memref<32x28928xf32, #tpu.memory_space<vmem>>, vector<32x224xf32>,
    %slice3A_637 = vector.extract_strided_slice %slice3A_578 {offsets = [0, 4], sizes = [32, 224], strides = [1, 1]} : vector<32x256xf32> to vector<32x224xf32>
    %slice3A_638 = vector.extract_strided_slice %slice3A_579 {offsets = [0, 4], sizes = [32, 224], strides = [1, 1]} : vector<32x256xf32> to vector<32x224xf32>
    %slice3A_639 = vector.extract_strided_slice %slice3A_580 {offsets = [0, 4], sizes = [32, 224], strides = [1, 1]} : vector<32x256xf32> to vector<32x224xf32>
    %sub3A_640 = arith.subf %slice3A, %slice3A_637 : vector<32x224xf32>
    %integer_pow3A_641 = arith.mulf %sub3A_640, %sub3A_640 : vector<32x224xf32>
    %sub3A_642 = arith.subf %slice3A_15, %slice3A_638 : vector<32x224xf32>
    %integer_pow3A_643 = arith.mulf %sub3A_642, %sub3A_642 : vector<32x224xf32>
    %add3A_644 = arith.addf %integer_pow3A_641, %integer_pow3A_643 : vector<32x224xf32>
    %sub3A_645 = arith.subf %slice3A_16, %slice3A_639 : vector<32x224xf32>
    %integer_pow3A_646 = arith.mulf %sub3A_645, %sub3A_645 : vector<32x224xf32>
    %add3A_647 = arith.addf %add3A_644, %integer_pow3A_646 : vector<32x224xf32>
    %sqrt3A_648 = math.sqrt %add3A_647 : vector<32x224xf32>
    %mul3A_649 = arith.constant -6.66666651 : f32
    %mul3A_650 = vector.broadcast %mul3A_649 : f32 to vector<32x224xf32>
    %mul3A_651 = arith.mulf %sqrt3A_648, %mul3A_650 : vector<32x224xf32>
    %exp3A_652 = math.exp %mul3A_651 : vector<32x224xf32>
    %mul3A_653 = arith.constant 3.000000e-01 : f32
    %mul3A_654 = vector.broadcast %mul3A_653 : f32 to vector<32x224xf32>
    %mul3A_655 = arith.mulf %mul3A_654, %exp3A_652 : vector<32x224xf32>
    %mul3A_656 = arith.mulf %select_n3A_59, %select_n3A_255 : vector<32x224xf32>
    %mul3A_657 = arith.mulf %mul3A_655, %mul3A_656 : vector<32x224xf32>
    %add3A_658 = arith.addf %add3A_543, %mul3A_657 : vector<32x224xf32>
    %neg3A_659 = arith.constant 0.000000e+00 : f32
    %neg3A_660 = vector.broadcast %neg3A_659 : f32 to vector<32x224xf32>
    %neg3A_661 = arith.subf %neg3A_660, %mul3A_657 : vector<32x224xf32>
    %swap3A_662 = arith.constant 0 : index
    %swap3A_663 = arith.constant 2560 : index
    %swap3A_664 = vector.load %arg2[%swap3A_662, %swap3A_663] : memref<32x28928xf32, #tpu.memory_space<vmem>>, vector<32x224xf32>
    tpu.vector_store %arg2[%swap3A_662, %swap3A_663], %neg3A_661 {strides = array<i32>} : memref<32x28928xf32, #tpu.memory_space<vmem>>, vector<32x224xf32>,
    %slice3A_665 = vector.extract_strided_slice %slice3A_578 {offsets = [0, 5], sizes = [32, 224], strides = [1, 1]} : vector<32x256xf32> to vector<32x224xf32>
    %slice3A_666 = vector.extract_strided_slice %slice3A_579 {offsets = [0, 5], sizes = [32, 224], strides = [1, 1]} : vector<32x256xf32> to vector<32x224xf32>
    %slice3A_667 = vector.extract_strided_slice %slice3A_580 {offsets = [0, 5], sizes = [32, 224], strides = [1, 1]} : vector<32x256xf32> to vector<32x224xf32>
    %sub3A_668 = arith.subf %slice3A, %slice3A_665 : vector<32x224xf32>
    %integer_pow3A_669 = arith.mulf %sub3A_668, %sub3A_668 : vector<32x224xf32>
    %sub3A_670 = arith.subf %slice3A_15, %slice3A_666 : vector<32x224xf32>
    %integer_pow3A_671 = arith.mulf %sub3A_670, %sub3A_670 : vector<32x224xf32>
    %add3A_672 = arith.addf %integer_pow3A_669, %integer_pow3A_671 : vector<32x224xf32>
    %sub3A_673 = arith.subf %slice3A_16, %slice3A_667 : vector<32x224xf32>
    %integer_pow3A_674 = arith.mulf %sub3A_673, %sub3A_673 : vector<32x224xf32>
    %add3A_675 = arith.addf %add3A_672, %integer_pow3A_674 : vector<32x224xf32>
    %sqrt3A_676 = math.sqrt %add3A_675 : vector<32x224xf32>
    %mul3A_677 = arith.constant -6.66666651 : f32
    %mul3A_678 = vector.broadcast %mul3A_677 : f32 to vector<32x224xf32>
    %mul3A_679 = arith.mulf %sqrt3A_676, %mul3A_678 : vector<32x224xf32>
    %exp3A_680 = math.exp %mul3A_679 : vector<32x224xf32>
    %mul3A_681 = arith.constant 3.000000e-01 : f32
    %mul3A_682 = vector.broadcast %mul3A_681 : f32 to vector<32x224xf32>
    %mul3A_683 = arith.mulf %mul3A_682, %exp3A_680 : vector<32x224xf32>
    %mul3A_684 = arith.mulf %select_n3A_59, %select_n3A_269 : vector<32x224xf32>
    %mul3A_685 = arith.mulf %mul3A_683, %mul3A_684 : vector<32x224xf32>
    %add3A_686 = arith.addf %add3A_571, %mul3A_685 : vector<32x224xf32>
    %neg3A_687 = arith.constant 0.000000e+00 : f32
    %neg3A_688 = vector.broadcast %neg3A_687 : f32 to vector<32x224xf32>
    %neg3A_689 = arith.subf %neg3A_688, %mul3A_685 : vector<32x224xf32>
    %swap3A_690 = arith.constant 0 : index
    %swap3A_691 = arith.constant 2816 : index
    %swap3A_692 = vector.load %arg2[%swap3A_690, %swap3A_691] : memref<32x28928xf32, #tpu.memory_space<vmem>>, vector<32x224xf32>
    tpu.vector_store %arg2[%swap3A_690, %swap3A_691], %neg3A_689 {strides = array<i32>} : memref<32x28928xf32, #tpu.memory_space<vmem>>, vector<32x224xf32>,
    %slice3A_693 = vector.extract_strided_slice %slice3A_578 {offsets = [0, 6], sizes = [32, 224], strides = [1, 1]} : vector<32x256xf32> to vector<32x224xf32>
    %slice3A_694 = vector.extract_strided_slice %slice3A_579 {offsets = [0, 6], sizes = [32, 224], strides = [1, 1]} : vector<32x256xf32> to vector<32x224xf32>
    %slice3A_695 = vector.extract_strided_slice %slice3A_580 {offsets = [0, 6], sizes = [32, 224], strides = [1, 1]} : vector<32x256xf32> to vector<32x224xf32>
    %sub3A_696 = arith.subf %slice3A, %slice3A_693 : vector<32x224xf32>
    %integer_pow3A_697 = arith.mulf %sub3A_696, %sub3A_696 : vector<32x224xf32>
    %sub3A_698 = arith.subf %slice3A_15, %slice3A_694 : vector<32x224xf32>
    %integer_pow3A_699 = arith.mulf %sub3A_698, %sub3A_698 : vector<32x224xf32>
    %add3A_700 = arith.addf %integer_pow3A_697, %integer_pow3A_699 : vector<32x224xf32>
    %sub3A_701 = arith.subf %slice3A_16, %slice3A_695 : vector<32x224xf32>
    %integer_pow3A_702 = arith.mulf %sub3A_701, %sub3A_701 : vector<32x224xf32>
    %add3A_703 = arith.addf %add3A_700, %integer_pow3A_702 : vector<32x224xf32>
    %sqrt3A_704 = math.sqrt %add3A_703 : vector<32x224xf32>
    %mul3A_705 = arith.constant -6.66666651 : f32
    %mul3A_706 = vector.broadcast %mul3A_705 : f32 to vector<32x224xf32>
    %mul3A_707 = arith.mulf %sqrt3A_704, %mul3A_706 : vector<32x224xf32>
    %exp3A_708 = math.exp %mul3A_707 : vector<32x224xf32>
    %mul3A_709 = arith.constant 6.000000e-01 : f32
    %mul3A_710 = vector.broadcast %mul3A_709 : f32 to vector<32x224xf32>
    %mul3A_711 = arith.mulf %mul3A_710, %exp3A_708 : vector<32x224xf32>
    %mul3A_712 = arith.mulf %select_n3A_59, %broadcast_in_dim3A_19 : vector<32x224xf32>
    %mul3A_713 = arith.mulf %mul3A_711, %mul3A_712 : vector<32x224xf32>
    %add3A_714 = arith.addf %add3A_602, %mul3A_713 : vector<32x224xf32>
    %neg3A_715 = arith.constant 0.000000e+00 : f32
    %neg3A_716 = vector.broadcast %neg3A_715 : f32 to vector<32x224xf32>
    %neg3A_717 = arith.subf %neg3A_716, %mul3A_713 : vector<32x224xf32>
    %swap3A_718 = arith.constant 0 : index
    %swap3A_719 = arith.constant 3072 : index
    %swap3A_720 = vector.load %arg2[%swap3A_718, %swap3A_719] : memref<32x28928xf32, #tpu.memory_space<vmem>>, vector<32x224xf32>
    tpu.vector_store %arg2[%swap3A_718, %swap3A_719], %neg3A_717 {strides = array<i32>} : memref<32x28928xf32, #tpu.memory_space<vmem>>, vector<32x224xf32>,
    %slice3A_721 = vector.extract_strided_slice %slice3A_578 {offsets = [0, 7], sizes = [32, 224], strides = [1, 1]} : vector<32x256xf32> to vector<32x224xf32>
    %slice3A_722 = vector.extract_strided_slice %slice3A_579 {offsets = [0, 7], sizes = [32, 224], strides = [1, 1]} : vector<32x256xf32> to vector<32x224xf32>
    %slice3A_723 = vector.extract_strided_slice %slice3A_580 {offsets = [0, 7], sizes = [32, 224], strides = [1, 1]} : vector<32x256xf32> to vector<32x224xf32>
    %sub3A_724 = arith.subf %slice3A, %slice3A_721 : vector<32x224xf32>
    %integer_pow3A_725 = arith.mulf %sub3A_724, %sub3A_724 : vector<32x224xf32>
    %sub3A_726 = arith.subf %slice3A_15, %slice3A_722 : vector<32x224xf32>
    %integer_pow3A_727 = arith.mulf %sub3A_726, %sub3A_726 : vector<32x224xf32>
    %add3A_728 = arith.addf %integer_pow3A_725, %integer_pow3A_727 : vector<32x224xf32>
    %sub3A_729 = arith.subf %slice3A_16, %slice3A_723 : vector<32x224xf32>
    %integer_pow3A_730 = arith.mulf %sub3A_729, %sub3A_729 : vector<32x224xf32>
    %add3A_731 = arith.addf %add3A_728, %integer_pow3A_730 : vector<32x224xf32>
    %sqrt3A_732 = math.sqrt %add3A_731 : vector<32x224xf32>
    %mul3A_733 = arith.constant -6.66666651 : f32
    %mul3A_734 = vector.broadcast %mul3A_733 : f32 to vector<32x224xf32>
    %mul3A_735 = arith.mulf %sqrt3A_732, %mul3A_734 : vector<32x224xf32>
    %exp3A_736 = math.exp %mul3A_735 : vector<32x224xf32>
    %mul3A_737 = arith.constant 3.000000e-01 : f32
    %mul3A_738 = vector.broadcast %mul3A_737 : f32 to vector<32x224xf32>
    %mul3A_739 = arith.mulf %mul3A_738, %exp3A_736 : vector<32x224xf32>
    %mul3A_740 = arith.mulf %select_n3A_59, %select_n3A_283 : vector<32x224xf32>
    %mul3A_741 = arith.mulf %mul3A_739, %mul3A_740 : vector<32x224xf32>
    %add3A_742 = arith.addf %add3A_630, %mul3A_741 : vector<32x224xf32>
    %neg3A_743 = arith.constant 0.000000e+00 : f32
    %neg3A_744 = vector.broadcast %neg3A_743 : f32 to vector<32x224xf32>
    %neg3A_745 = arith.subf %neg3A_744, %mul3A_741 : vector<32x224xf32>
    %swap3A_746 = arith.constant 0 : index
    %swap3A_747 = arith.constant 3328 : index
    %swap3A_748 = vector.load %arg2[%swap3A_746, %swap3A_747] : memref<32x28928xf32, #tpu.memory_space<vmem>>, vector<32x224xf32>
    tpu.vector_store %arg2[%swap3A_746, %swap3A_747], %neg3A_745 {strides = array<i32>} : memref<32x28928xf32, #tpu.memory_space<vmem>>, vector<32x224xf32>,
    %slice3A_749 = vector.extract_strided_slice %slice3A_578 {offsets = [0, 8], sizes = [32, 224], strides = [1, 1]} : vector<32x256xf32> to vector<32x224xf32>
    %slice3A_750 = vector.extract_strided_slice %slice3A_579 {offsets = [0, 8], sizes = [32, 224], strides = [1, 1]} : vector<32x256xf32> to vector<32x224xf32>
    %slice3A_751 = vector.extract_strided_slice %slice3A_580 {offsets = [0, 8], sizes = [32, 224], strides = [1, 1]} : vector<32x256xf32> to vector<32x224xf32>
    %sub3A_752 = arith.subf %slice3A, %slice3A_749 : vector<32x224xf32>
    %integer_pow3A_753 = arith.mulf %sub3A_752, %sub3A_752 : vector<32x224xf32>
    %sub3A_754 = arith.subf %slice3A_15, %slice3A_750 : vector<32x224xf32>
    %integer_pow3A_755 = arith.mulf %sub3A_754, %sub3A_754 : vector<32x224xf32>
    %add3A_756 = arith.addf %integer_pow3A_753, %integer_pow3A_755 : vector<32x224xf32>
    %sub3A_757 = arith.subf %slice3A_16, %slice3A_751 : vector<32x224xf32>
    %integer_pow3A_758 = arith.mulf %sub3A_757, %sub3A_757 : vector<32x224xf32>
    %add3A_759 = arith.addf %add3A_756, %integer_pow3A_758 : vector<32x224xf32>
    %sqrt3A_760 = math.sqrt %add3A_759 : vector<32x224xf32>
    %mul3A_761 = arith.constant -6.66666651 : f32
    %mul3A_762 = vector.broadcast %mul3A_761 : f32 to vector<32x224xf32>
    %mul3A_763 = arith.mulf %sqrt3A_760, %mul3A_762 : vector<32x224xf32>
    %exp3A_764 = math.exp %mul3A_763 : vector<32x224xf32>
    %mul3A_765 = arith.constant 3.000000e-01 : f32
    %mul3A_766 = vector.broadcast %mul3A_765 : f32 to vector<32x224xf32>
    %mul3A_767 = arith.mulf %mul3A_766, %exp3A_764 : vector<32x224xf32>
    %mul3A_768 = arith.mulf %select_n3A_59, %select_n3A_297 : vector<32x224xf32>
    %mul3A_769 = arith.mulf %mul3A_767, %mul3A_768 : vector<32x224xf32>
    %add3A_770 = arith.addf %add3A_658, %mul3A_769 : vector<32x224xf32>
    %neg3A_771 = arith.constant 0.000000e+00 : f32
    %neg3A_772 = vector.broadcast %neg3A_771 : f32 to vector<32x224xf32>
    %neg3A_773 = arith.subf %neg3A_772, %mul3A_769 : vector<32x224xf32>
    %swap3A_774 = arith.constant 0 : index
    %swap3A_775 = arith.constant 3584 : index
    %swap3A_776 = vector.load %arg2[%swap3A_774, %swap3A_775] : memref<32x28928xf32, #tpu.memory_space<vmem>>, vector<32x224xf32>
    tpu.vector_store %arg2[%swap3A_774, %swap3A_775], %neg3A_773 {strides = array<i32>} : memref<32x28928xf32, #tpu.memory_space<vmem>>, vector<32x224xf32>,
    %slice3A_777 = vector.extract_strided_slice %slice3A_578 {offsets = [0, 9], sizes = [32, 224], strides = [1, 1]} : vector<32x256xf32> to vector<32x224xf32>
    %slice3A_778 = vector.extract_strided_slice %slice3A_579 {offsets = [0, 9], sizes = [32, 224], strides = [1, 1]} : vector<32x256xf32> to vector<32x224xf32>
    %slice3A_779 = vector.extract_strided_slice %slice3A_580 {offsets = [0, 9], sizes = [32, 224], strides = [1, 1]} : vector<32x256xf32> to vector<32x224xf32>
    %sub3A_780 = arith.subf %slice3A, %slice3A_777 : vector<32x224xf32>
    %integer_pow3A_781 = arith.mulf %sub3A_780, %sub3A_780 : vector<32x224xf32>
    %sub3A_782 = arith.subf %slice3A_15, %slice3A_778 : vector<32x224xf32>
    %integer_pow3A_783 = arith.mulf %sub3A_782, %sub3A_782 : vector<32x224xf32>
    %add3A_784 = arith.addf %integer_pow3A_781, %integer_pow3A_783 : vector<32x224xf32>
    %sub3A_785 = arith.subf %slice3A_16, %slice3A_779 : vector<32x224xf32>
    %integer_pow3A_786 = arith.mulf %sub3A_785, %sub3A_785 : vector<32x224xf32>
    %add3A_787 = arith.addf %add3A_784, %integer_pow3A_786 : vector<32x224xf32>
    %sqrt3A_788 = math.sqrt %add3A_787 : vector<32x224xf32>
    %mul3A_789 = arith.constant -6.66666651 : f32
    %mul3A_790 = vector.broadcast %mul3A_789 : f32 to vector<32x224xf32>
    %mul3A_791 = arith.mulf %sqrt3A_788, %mul3A_790 : vector<32x224xf32>
    %exp3A_792 = math.exp %mul3A_791 : vector<32x224xf32>
    %mul3A_793 = arith.constant 3.000000e-01 : f32
    %mul3A_794 = vector.broadcast %mul3A_793 : f32 to vector<32x224xf32>
    %mul3A_795 = arith.mulf %mul3A_794, %exp3A_792 : vector<32x224xf32>
    %mul3A_796 = arith.mulf %select_n3A_59, %select_n3A_311 : vector<32x224xf32>
    %mul3A_797 = arith.mulf %mul3A_795, %mul3A_796 : vector<32x224xf32>
    %add3A_798 = arith.addf %add3A_686, %mul3A_797 : vector<32x224xf32>
    %neg3A_799 = arith.constant 0.000000e+00 : f32
    %neg3A_800 = vector.broadcast %neg3A_799 : f32 to vector<32x224xf32>
    %neg3A_801 = arith.subf %neg3A_800, %mul3A_797 : vector<32x224xf32>
    %swap3A_802 = arith.constant 0 : index
    %swap3A_803 = arith.constant 3840 : index
    %swap3A_804 = vector.load %arg2[%swap3A_802, %swap3A_803] : memref<32x28928xf32, #tpu.memory_space<vmem>>, vector<32x224xf32>
    tpu.vector_store %arg2[%swap3A_802, %swap3A_803], %neg3A_801 {strides = array<i32>} : memref<32x28928xf32, #tpu.memory_space<vmem>>, vector<32x224xf32>,
    %slice3A_805 = vector.extract_strided_slice %slice3A_578 {offsets = [0, 10], sizes = [32, 224], strides = [1, 1]} : vector<32x256xf32> to vector<32x224xf32>
    %slice3A_806 = vector.extract_strided_slice %slice3A_579 {offsets = [0, 10], sizes = [32, 224], strides = [1, 1]} : vector<32x256xf32> to vector<32x224xf32>
    %slice3A_807 = vector.extract_strided_slice %slice3A_580 {offsets = [0, 10], sizes = [32, 224], strides = [1, 1]} : vector<32x256xf32> to vector<32x224xf32>
    %sub3A_808 = arith.subf %slice3A, %slice3A_805 : vector<32x224xf32>
    %integer_pow3A_809 = arith.mulf %sub3A_808, %sub3A_808 : vector<32x224xf32>
    %sub3A_810 = arith.subf %slice3A_15, %slice3A_806 : vector<32x224xf32>
    %integer_pow3A_811 = arith.mulf %sub3A_810, %sub3A_810 : vector<32x224xf32>
    %add3A_812 = arith.addf %integer_pow3A_809, %integer_pow3A_811 : vector<32x224xf32>
    %sub3A_813 = arith.subf %slice3A_16, %slice3A_807 : vector<32x224xf32>
    %integer_pow3A_814 = arith.mulf %sub3A_813, %sub3A_813 : vector<32x224xf32>
    %add3A_815 = arith.addf %add3A_812, %integer_pow3A_814 : vector<32x224xf32>
    %sqrt3A_816 = math.sqrt %add3A_815 : vector<32x224xf32>
    %mul3A_817 = arith.constant -6.66666651 : f32
    %mul3A_818 = vector.broadcast %mul3A_817 : f32 to vector<32x224xf32>
    %mul3A_819 = arith.mulf %sqrt3A_816, %mul3A_818 : vector<32x224xf32>
    %exp3A_820 = math.exp %mul3A_819 : vector<32x224xf32>
    %mul3A_821 = arith.constant 1.000000e-01 : f32
    %mul3A_822 = vector.broadcast %mul3A_821 : f32 to vector<32x224xf32>
    %mul3A_823 = arith.mulf %mul3A_822, %exp3A_820 : vector<32x224xf32>
    %mul3A_824 = arith.mulf %select_n3A_59, %select_n3A_325 : vector<32x224xf32>
    %mul3A_825 = arith.mulf %mul3A_823, %mul3A_824 : vector<32x224xf32>
    %add3A_826 = arith.addf %add3A_714, %mul3A_825 : vector<32x224xf32>
    %neg3A_827 = arith.constant 0.000000e+00 : f32
    %neg3A_828 = vector.broadcast %neg3A_827 : f32 to vector<32x224xf32>
    %neg3A_829 = arith.subf %neg3A_828, %mul3A_825 : vector<32x224xf32>
    %swap3A_830 = arith.constant 0 : index
    %swap3A_831 = arith.constant 4096 : index
    %swap3A_832 = vector.load %arg2[%swap3A_830, %swap3A_831] : memref<32x28928xf32, #tpu.memory_space<vmem>>, vector<32x224xf32>
    tpu.vector_store %arg2[%swap3A_830, %swap3A_831], %neg3A_829 {strides = array<i32>} : memref<32x28928xf32, #tpu.memory_space<vmem>>, vector<32x224xf32>,
    %slice3A_833 = vector.extract_strided_slice %get3A_4 {offsets = [3, 0], sizes = [32, 256], strides = [1, 1]} : vector<48x256xf32> to vector<32x256xf32>
    %slice3A_834 = vector.extract_strided_slice %get3A_9 {offsets = [3, 0], sizes = [32, 256], strides = [1, 1]} : vector<48x256xf32> to vector<32x256xf32>
    %slice3A_835 = vector.extract_strided_slice %get3A_14 {offsets = [3, 0], sizes = [32, 256], strides = [1, 1]} : vector<48x256xf32> to vector<32x256xf32>
    %slice3A_836 = vector.extract_strided_slice %slice3A_833 {offsets = [0, 1], sizes = [32, 224], strides = [1, 1]} : vector<32x256xf32> to vector<32x224xf32>
    %slice3A_837 = vector.extract_strided_slice %slice3A_834 {offsets = [0, 1], sizes = [32, 224], strides = [1, 1]} : vector<32x256xf32> to vector<32x224xf32>
    %slice3A_838 = vector.extract_strided_slice %slice3A_835 {offsets = [0, 1], sizes = [32, 224], strides = [1, 1]} : vector<32x256xf32> to vector<32x224xf32>
    %sub3A_839 = arith.subf %slice3A, %slice3A_836 : vector<32x224xf32>
    %integer_pow3A_840 = arith.mulf %sub3A_839, %sub3A_839 : vector<32x224xf32>
    %sub3A_841 = arith.subf %slice3A_15, %slice3A_837 : vector<32x224xf32>
    %integer_pow3A_842 = arith.mulf %sub3A_841, %sub3A_841 : vector<32x224xf32>
    %add3A_843 = arith.addf %integer_pow3A_840, %integer_pow3A_842 : vector<32x224xf32>
    %sub3A_844 = arith.subf %slice3A_16, %slice3A_838 : vector<32x224xf32>
    %integer_pow3A_845 = arith.mulf %sub3A_844, %sub3A_844 : vector<32x224xf32>
    %add3A_846 = arith.addf %add3A_843, %integer_pow3A_845 : vector<32x224xf32>
    %sqrt3A_847 = math.sqrt %add3A_846 : vector<32x224xf32>
    %mul3A_848 = arith.constant -6.66666651 : f32
    %mul3A_849 = vector.broadcast %mul3A_848 : f32 to vector<32x224xf32>
    %mul3A_850 = arith.mulf %sqrt3A_847, %mul3A_849 : vector<32x224xf32>
    %exp3A_851 = math.exp %mul3A_850 : vector<32x224xf32>
    %mul3A_852 = arith.constant 1.000000e-01 : f32
    %mul3A_853 = vector.broadcast %mul3A_852 : f32 to vector<32x224xf32>
    %mul3A_854 = arith.mulf %mul3A_853, %exp3A_851 : vector<32x224xf32>
    %mul3A_855 = arith.mulf %select_n3A_73, %select_n3A_213 : vector<32x224xf32>
    %mul3A_856 = arith.mulf %mul3A_854, %mul3A_855 : vector<32x224xf32>
    %add3A_857 = arith.addf %add3A_742, %mul3A_856 : vector<32x224xf32>
    %neg3A_858 = arith.constant 0.000000e+00 : f32
    %neg3A_859 = vector.broadcast %neg3A_858 : f32 to vector<32x224xf32>
    %neg3A_860 = arith.subf %neg3A_859, %mul3A_856 : vector<32x224xf32>
    %swap3A_861 = arith.constant 0 : index
    %swap3A_862 = arith.constant 4352 : index
    %swap3A_863 = vector.load %arg2[%swap3A_861, %swap3A_862] : memref<32x28928xf32, #tpu.memory_space<vmem>>, vector<32x224xf32>
    tpu.vector_store %arg2[%swap3A_861, %swap3A_862], %neg3A_860 {strides = array<i32>} : memref<32x28928xf32, #tpu.memory_space<vmem>>, vector<32x224xf32>,
    %slice3A_864 = vector.extract_strided_slice %slice3A_833 {offsets = [0, 2], sizes = [32, 224], strides = [1, 1]} : vector<32x256xf32> to vector<32x224xf32>
    %slice3A_865 = vector.extract_strided_slice %slice3A_834 {offsets = [0, 2], sizes = [32, 224], strides = [1, 1]} : vector<32x256xf32> to vector<32x224xf32>
    %slice3A_866 = vector.extract_strided_slice %slice3A_835 {offsets = [0, 2], sizes = [32, 224], strides = [1, 1]} : vector<32x256xf32> to vector<32x224xf32>
    %sub3A_867 = arith.subf %slice3A, %slice3A_864 : vector<32x224xf32>
    %integer_pow3A_868 = arith.mulf %sub3A_867, %sub3A_867 : vector<32x224xf32>
    %sub3A_869 = arith.subf %slice3A_15, %slice3A_865 : vector<32x224xf32>
    %integer_pow3A_870 = arith.mulf %sub3A_869, %sub3A_869 : vector<32x224xf32>
    %add3A_871 = arith.addf %integer_pow3A_868, %integer_pow3A_870 : vector<32x224xf32>
    %sub3A_872 = arith.subf %slice3A_16, %slice3A_866 : vector<32x224xf32>
    %integer_pow3A_873 = arith.mulf %sub3A_872, %sub3A_872 : vector<32x224xf32>
    %add3A_874 = arith.addf %add3A_871, %integer_pow3A_873 : vector<32x224xf32>
    %sqrt3A_875 = math.sqrt %add3A_874 : vector<32x224xf32>
    %mul3A_876 = arith.constant -6.66666651 : f32
    %mul3A_877 = vector.broadcast %mul3A_876 : f32 to vector<32x224xf32>
    %mul3A_878 = arith.mulf %sqrt3A_875, %mul3A_877 : vector<32x224xf32>
    %exp3A_879 = math.exp %mul3A_878 : vector<32x224xf32>
    %mul3A_880 = arith.constant 3.000000e-01 : f32
    %mul3A_881 = vector.broadcast %mul3A_880 : f32 to vector<32x224xf32>
    %mul3A_882 = arith.mulf %mul3A_881, %exp3A_879 : vector<32x224xf32>
    %mul3A_883 = arith.mulf %select_n3A_73, %select_n3A_227 : vector<32x224xf32>
    %mul3A_884 = arith.mulf %mul3A_882, %mul3A_883 : vector<32x224xf32>
    %add3A_885 = arith.addf %add3A_770, %mul3A_884 : vector<32x224xf32>
    %neg3A_886 = arith.constant 0.000000e+00 : f32
    %neg3A_887 = vector.broadcast %neg3A_886 : f32 to vector<32x224xf32>
    %neg3A_888 = arith.subf %neg3A_887, %mul3A_884 : vector<32x224xf32>
    %swap3A_889 = arith.constant 0 : index
    %swap3A_890 = arith.constant 4608 : index
    %swap3A_891 = vector.load %arg2[%swap3A_889, %swap3A_890] : memref<32x28928xf32, #tpu.memory_space<vmem>>, vector<32x224xf32>
    tpu.vector_store %arg2[%swap3A_889, %swap3A_890], %neg3A_888 {strides = array<i32>} : memref<32x28928xf32, #tpu.memory_space<vmem>>, vector<32x224xf32>,
    %slice3A_892 = vector.extract_strided_slice %slice3A_833 {offsets = [0, 3], sizes = [32, 224], strides = [1, 1]} : vector<32x256xf32> to vector<32x224xf32>
    %slice3A_893 = vector.extract_strided_slice %slice3A_834 {offsets = [0, 3], sizes = [32, 224], strides = [1, 1]} : vector<32x256xf32> to vector<32x224xf32>
    %slice3A_894 = vector.extract_strided_slice %slice3A_835 {offsets = [0, 3], sizes = [32, 224], strides = [1, 1]} : vector<32x256xf32> to vector<32x224xf32>
    %sub3A_895 = arith.subf %slice3A, %slice3A_892 : vector<32x224xf32>
    %integer_pow3A_896 = arith.mulf %sub3A_895, %sub3A_895 : vector<32x224xf32>
    %sub3A_897 = arith.subf %slice3A_15, %slice3A_893 : vector<32x224xf32>
    %integer_pow3A_898 = arith.mulf %sub3A_897, %sub3A_897 : vector<32x224xf32>
    %add3A_899 = arith.addf %integer_pow3A_896, %integer_pow3A_898 : vector<32x224xf32>
    %sub3A_900 = arith.subf %slice3A_16, %slice3A_894 : vector<32x224xf32>
    %integer_pow3A_901 = arith.mulf %sub3A_900, %sub3A_900 : vector<32x224xf32>
    %add3A_902 = arith.addf %add3A_899, %integer_pow3A_901 : vector<32x224xf32>
    %sqrt3A_903 = math.sqrt %add3A_902 : vector<32x224xf32>
    %mul3A_904 = arith.constant -6.66666651 : f32
    %mul3A_905 = vector.broadcast %mul3A_904 : f32 to vector<32x224xf32>
    %mul3A_906 = arith.mulf %sqrt3A_903, %mul3A_905 : vector<32x224xf32>
    %exp3A_907 = math.exp %mul3A_906 : vector<32x224xf32>
    %mul3A_908 = arith.constant 3.000000e-01 : f32
    %mul3A_909 = vector.broadcast %mul3A_908 : f32 to vector<32x224xf32>
    %mul3A_910 = arith.mulf %mul3A_909, %exp3A_907 : vector<32x224xf32>
    %mul3A_911 = arith.mulf %select_n3A_73, %select_n3A_241 : vector<32x224xf32>
    %mul3A_912 = arith.mulf %mul3A_910, %mul3A_911 : vector<32x224xf32>
    %add3A_913 = arith.addf %add3A_798, %mul3A_912 : vector<32x224xf32>
    %neg3A_914 = arith.constant 0.000000e+00 : f32
    %neg3A_915 = vector.broadcast %neg3A_914 : f32 to vector<32x224xf32>
    %neg3A_916 = arith.subf %neg3A_915, %mul3A_912 : vector<32x224xf32>
    %swap3A_917 = arith.constant 0 : index
    %swap3A_918 = arith.constant 4864 : index
    %swap3A_919 = vector.load %arg2[%swap3A_917, %swap3A_918] : memref<32x28928xf32, #tpu.memory_space<vmem>>, vector<32x224xf32>
    tpu.vector_store %arg2[%swap3A_917, %swap3A_918], %neg3A_916 {strides = array<i32>} : memref<32x28928xf32, #tpu.memory_space<vmem>>, vector<32x224xf32>,
    %slice3A_920 = vector.extract_strided_slice %slice3A_833 {offsets = [0, 4], sizes = [32, 224], strides = [1, 1]} : vector<32x256xf32> to vector<32x224xf32>
    %slice3A_921 = vector.extract_strided_slice %slice3A_834 {offsets = [0, 4], sizes = [32, 224], strides = [1, 1]} : vector<32x256xf32> to vector<32x224xf32>
    %slice3A_922 = vector.extract_strided_slice %slice3A_835 {offsets = [0, 4], sizes = [32, 224], strides = [1, 1]} : vector<32x256xf32> to vector<32x224xf32>
    %sub3A_923 = arith.subf %slice3A, %slice3A_920 : vector<32x224xf32>
    %integer_pow3A_924 = arith.mulf %sub3A_923, %sub3A_923 : vector<32x224xf32>
    %sub3A_925 = arith.subf %slice3A_15, %slice3A_921 : vector<32x224xf32>
    %integer_pow3A_926 = arith.mulf %sub3A_925, %sub3A_925 : vector<32x224xf32>
    %add3A_927 = arith.addf %integer_pow3A_924, %integer_pow3A_926 : vector<32x224xf32>
    %sub3A_928 = arith.subf %slice3A_16, %slice3A_922 : vector<32x224xf32>
    %integer_pow3A_929 = arith.mulf %sub3A_928, %sub3A_928 : vector<32x224xf32>
    %add3A_930 = arith.addf %add3A_927, %integer_pow3A_929 : vector<32x224xf32>
    %sqrt3A_931 = math.sqrt %add3A_930 : vector<32x224xf32>
    %mul3A_932 = arith.constant -6.66666651 : f32
    %mul3A_933 = vector.broadcast %mul3A_932 : f32 to vector<32x224xf32>
    %mul3A_934 = arith.mulf %sqrt3A_931, %mul3A_933 : vector<32x224xf32>
    %exp3A_935 = math.exp %mul3A_934 : vector<32x224xf32>
    %mul3A_936 = arith.constant 6.000000e-01 : f32
    %mul3A_937 = vector.broadcast %mul3A_936 : f32 to vector<32x224xf32>
    %mul3A_938 = arith.mulf %mul3A_937, %exp3A_935 : vector<32x224xf32>
    %mul3A_939 = arith.mulf %select_n3A_73, %select_n3A_255 : vector<32x224xf32>
    %mul3A_940 = arith.mulf %mul3A_938, %mul3A_939 : vector<32x224xf32>
    %add3A_941 = arith.addf %add3A_826, %mul3A_940 : vector<32x224xf32>
    %neg3A_942 = arith.constant 0.000000e+00 : f32
    %neg3A_943 = vector.broadcast %neg3A_942 : f32 to vector<32x224xf32>
    %neg3A_944 = arith.subf %neg3A_943, %mul3A_940 : vector<32x224xf32>
    %swap3A_945 = arith.constant 0 : index
    %swap3A_946 = arith.constant 5120 : index
    %swap3A_947 = vector.load %arg2[%swap3A_945, %swap3A_946] : memref<32x28928xf32, #tpu.memory_space<vmem>>, vector<32x224xf32>
    tpu.vector_store %arg2[%swap3A_945, %swap3A_946], %neg3A_944 {strides = array<i32>} : memref<32x28928xf32, #tpu.memory_space<vmem>>, vector<32x224xf32>,
    %slice3A_948 = vector.extract_strided_slice %slice3A_833 {offsets = [0, 5], sizes = [32, 224], strides = [1, 1]} : vector<32x256xf32> to vector<32x224xf32>
    %slice3A_949 = vector.extract_strided_slice %slice3A_834 {offsets = [0, 5], sizes = [32, 224], strides = [1, 1]} : vector<32x256xf32> to vector<32x224xf32>
    %slice3A_950 = vector.extract_strided_slice %slice3A_835 {offsets = [0, 5], sizes = [32, 224], strides = [1, 1]} : vector<32x256xf32> to vector<32x224xf32>
    %sub3A_951 = arith.subf %slice3A, %slice3A_948 : vector<32x224xf32>
    %integer_pow3A_952 = arith.mulf %sub3A_951, %sub3A_951 : vector<32x224xf32>
    %sub3A_953 = arith.subf %slice3A_15, %slice3A_949 : vector<32x224xf32>
    %integer_pow3A_954 = arith.mulf %sub3A_953, %sub3A_953 : vector<32x224xf32>
    %add3A_955 = arith.addf %integer_pow3A_952, %integer_pow3A_954 : vector<32x224xf32>
    %sub3A_956 = arith.subf %slice3A_16, %slice3A_950 : vector<32x224xf32>
    %integer_pow3A_957 = arith.mulf %sub3A_956, %sub3A_956 : vector<32x224xf32>
    %add3A_958 = arith.addf %add3A_955, %integer_pow3A_957 : vector<32x224xf32>
    %sqrt3A_959 = math.sqrt %add3A_958 : vector<32x224xf32>
    %mul3A_960 = arith.constant -6.66666651 : f32
    %mul3A_961 = vector.broadcast %mul3A_960 : f32 to vector<32x224xf32>
    %mul3A_962 = arith.mulf %sqrt3A_959, %mul3A_961 : vector<32x224xf32>
    %exp3A_963 = math.exp %mul3A_962 : vector<32x224xf32>
    %mul3A_964 = arith.constant 6.000000e-01 : f32
    %mul3A_965 = vector.broadcast %mul3A_964 : f32 to vector<32x224xf32>
    %mul3A_966 = arith.mulf %mul3A_965, %exp3A_963 : vector<32x224xf32>
    %mul3A_967 = arith.mulf %select_n3A_73, %select_n3A_269 : vector<32x224xf32>
    %mul3A_968 = arith.mulf %mul3A_966, %mul3A_967 : vector<32x224xf32>
    %add3A_969 = arith.addf %add3A_857, %mul3A_968 : vector<32x224xf32>
    %neg3A_970 = arith.constant 0.000000e+00 : f32
    %neg3A_971 = vector.broadcast %neg3A_970 : f32 to vector<32x224xf32>
    %neg3A_972 = arith.subf %neg3A_971, %mul3A_968 : vector<32x224xf32>
    %swap3A_973 = arith.constant 0 : index
    %swap3A_974 = arith.constant 5376 : index
    %swap3A_975 = vector.load %arg2[%swap3A_973, %swap3A_974] : memref<32x28928xf32, #tpu.memory_space<vmem>>, vector<32x224xf32>
    tpu.vector_store %arg2[%swap3A_973, %swap3A_974], %neg3A_972 {strides = array<i32>} : memref<32x28928xf32, #tpu.memory_space<vmem>>, vector<32x224xf32>,
    %slice3A_976 = vector.extract_strided_slice %slice3A_833 {offsets = [0, 6], sizes = [32, 224], strides = [1, 1]} : vector<32x256xf32> to vector<32x224xf32>
    %slice3A_977 = vector.extract_strided_slice %slice3A_834 {offsets = [0, 6], sizes = [32, 224], strides = [1, 1]} : vector<32x256xf32> to vector<32x224xf32>
    %slice3A_978 = vector.extract_strided_slice %slice3A_835 {offsets = [0, 6], sizes = [32, 224], strides = [1, 1]} : vector<32x256xf32> to vector<32x224xf32>
    %sub3A_979 = arith.subf %slice3A, %slice3A_976 : vector<32x224xf32>
    %integer_pow3A_980 = arith.mulf %sub3A_979, %sub3A_979 : vector<32x224xf32>
    %sub3A_981 = arith.subf %slice3A_15, %slice3A_977 : vector<32x224xf32>
    %integer_pow3A_982 = arith.mulf %sub3A_981, %sub3A_981 : vector<32x224xf32>
    %add3A_983 = arith.addf %integer_pow3A_980, %integer_pow3A_982 : vector<32x224xf32>
    %sub3A_984 = arith.subf %slice3A_16, %slice3A_978 : vector<32x224xf32>
    %integer_pow3A_985 = arith.mulf %sub3A_984, %sub3A_984 : vector<32x224xf32>
    %add3A_986 = arith.addf %add3A_983, %integer_pow3A_985 : vector<32x224xf32>
    %sqrt3A_987 = math.sqrt %add3A_986 : vector<32x224xf32>
    %mul3A_988 = arith.constant -6.66666651 : f32
    %mul3A_989 = vector.broadcast %mul3A_988 : f32 to vector<32x224xf32>
    %mul3A_990 = arith.mulf %sqrt3A_987, %mul3A_989 : vector<32x224xf32>
    %exp3A_991 = math.exp %mul3A_990 : vector<32x224xf32>
    %mul3A_992 = arith.constant 1.000000e+00 : f32
    %mul3A_993 = vector.broadcast %mul3A_992 : f32 to vector<32x224xf32>
    %mul3A_994 = arith.mulf %mul3A_993, %exp3A_991 : vector<32x224xf32>
    %mul3A_995 = arith.mulf %select_n3A_73, %broadcast_in_dim3A_19 : vector<32x224xf32>
    %mul3A_996 = arith.mulf %mul3A_994, %mul3A_995 : vector<32x224xf32>
    %add3A_997 = arith.addf %add3A_885, %mul3A_996 : vector<32x224xf32>
    %neg3A_998 = arith.constant 0.000000e+00 : f32
    %neg3A_999 = vector.broadcast %neg3A_998 : f32 to vector<32x224xf32>
    %neg3A_1000 = arith.subf %neg3A_999, %mul3A_996 : vector<32x224xf32>
    %swap3A_1001 = arith.constant 0 : index
    %swap3A_1002 = arith.constant 5632 : index
    %swap3A_1003 = vector.load %arg2[%swap3A_1001, %swap3A_1002] : memref<32x28928xf32, #tpu.memory_space<vmem>>, vector<32x224xf32>
    tpu.vector_store %arg2[%swap3A_1001, %swap3A_1002], %neg3A_1000 {strides = array<i32>} : memref<32x28928xf32, #tpu.memory_space<vmem>>, vector<32x224xf32>,
    %slice3A_1004 = vector.extract_strided_slice %slice3A_833 {offsets = [0, 7], sizes = [32, 224], strides = [1, 1]} : vector<32x256xf32> to vector<32x224xf32>
    %slice3A_1005 = vector.extract_strided_slice %slice3A_834 {offsets = [0, 7], sizes = [32, 224], strides = [1, 1]} : vector<32x256xf32> to vector<32x224xf32>
    %slice3A_1006 = vector.extract_strided_slice %slice3A_835 {offsets = [0, 7], sizes = [32, 224], strides = [1, 1]} : vector<32x256xf32> to vector<32x224xf32>
    %sub3A_1007 = arith.subf %slice3A, %slice3A_1004 : vector<32x224xf32>
    %integer_pow3A_1008 = arith.mulf %sub3A_1007, %sub3A_1007 : vector<32x224xf32>
    %sub3A_1009 = arith.subf %slice3A_15, %slice3A_1005 : vector<32x224xf32>
    %integer_pow3A_1010 = arith.mulf %sub3A_1009, %sub3A_1009 : vector<32x224xf32>
    %add3A_1011 = arith.addf %integer_pow3A_1008, %integer_pow3A_1010 : vector<32x224xf32>
    %sub3A_1012 = arith.subf %slice3A_16, %slice3A_1006 : vector<32x224xf32>
    %integer_pow3A_1013 = arith.mulf %sub3A_1012, %sub3A_1012 : vector<32x224xf32>
    %add3A_1014 = arith.addf %add3A_1011, %integer_pow3A_1013 : vector<32x224xf32>
    %sqrt3A_1015 = math.sqrt %add3A_1014 : vector<32x224xf32>
    %mul3A_1016 = arith.constant -6.66666651 : f32
    %mul3A_1017 = vector.broadcast %mul3A_1016 : f32 to vector<32x224xf32>
    %mul3A_1018 = arith.mulf %sqrt3A_1015, %mul3A_1017 : vector<32x224xf32>
    %exp3A_1019 = math.exp %mul3A_1018 : vector<32x224xf32>
    %mul3A_1020 = arith.constant 6.000000e-01 : f32
    %mul3A_1021 = vector.broadcast %mul3A_1020 : f32 to vector<32x224xf32>
    %mul3A_1022 = arith.mulf %mul3A_1021, %exp3A_1019 : vector<32x224xf32>
    %mul3A_1023 = arith.mulf %select_n3A_73, %select_n3A_283 : vector<32x224xf32>
    %mul3A_1024 = arith.mulf %mul3A_1022, %mul3A_1023 : vector<32x224xf32>
    %add3A_1025 = arith.addf %add3A_913, %mul3A_1024 : vector<32x224xf32>
    %neg3A_1026 = arith.constant 0.000000e+00 : f32
    %neg3A_1027 = vector.broadcast %neg3A_1026 : f32 to vector<32x224xf32>
    %neg3A_1028 = arith.subf %neg3A_1027, %mul3A_1024 : vector<32x224xf32>
    %swap3A_1029 = arith.constant 0 : index
    %swap3A_1030 = arith.constant 5888 : index
    %swap3A_1031 = vector.load %arg2[%swap3A_1029, %swap3A_1030] : memref<32x28928xf32, #tpu.memory_space<vmem>>, vector<32x224xf32>
    tpu.vector_store %arg2[%swap3A_1029, %swap3A_1030], %neg3A_1028 {strides = array<i32>} : memref<32x28928xf32, #tpu.memory_space<vmem>>, vector<32x224xf32>,
    %slice3A_1032 = vector.extract_strided_slice %slice3A_833 {offsets = [0, 8], sizes = [32, 224], strides = [1, 1]} : vector<32x256xf32> to vector<32x224xf32>
    %slice3A_1033 = vector.extract_strided_slice %slice3A_834 {offsets = [0, 8], sizes = [32, 224], strides = [1, 1]} : vector<32x256xf32> to vector<32x224xf32>
    %slice3A_1034 = vector.extract_strided_slice %slice3A_835 {offsets = [0, 8], sizes = [32, 224], strides = [1, 1]} : vector<32x256xf32> to vector<32x224xf32>
    %sub3A_1035 = arith.subf %slice3A, %slice3A_1032 : vector<32x224xf32>
    %integer_pow3A_1036 = arith.mulf %sub3A_1035, %sub3A_1035 : vector<32x224xf32>
    %sub3A_1037 = arith.subf %slice3A_15, %slice3A_1033 : vector<32x224xf32>
    %integer_pow3A_1038 = arith.mulf %sub3A_1037, %sub3A_1037 : vector<32x224xf32>
    %add3A_1039 = arith.addf %integer_pow3A_1036, %integer_pow3A_1038 : vector<32x224xf32>
    %sub3A_1040 = arith.subf %slice3A_16, %slice3A_1034 : vector<32x224xf32>
    %integer_pow3A_1041 = arith.mulf %sub3A_1040, %sub3A_1040 : vector<32x224xf32>
    %add3A_1042 = arith.addf %add3A_1039, %integer_pow3A_1041 : vector<32x224xf32>
    %sqrt3A_1043 = math.sqrt %add3A_1042 : vector<32x224xf32>
    %mul3A_1044 = arith.constant -6.66666651 : f32
    %mul3A_1045 = vector.broadcast %mul3A_1044 : f32 to vector<32x224xf32>
    %mul3A_1046 = arith.mulf %sqrt3A_1043, %mul3A_1045 : vector<32x224xf32>
    %exp3A_1047 = math.exp %mul3A_1046 : vector<32x224xf32>
    %mul3A_1048 = arith.constant 6.000000e-01 : f32
    %mul3A_1049 = vector.broadcast %mul3A_1048 : f32 to vector<32x224xf32>
    %mul3A_1050 = arith.mulf %mul3A_1049, %exp3A_1047 : vector<32x224xf32>
    %mul3A_1051 = arith.mulf %select_n3A_73, %select_n3A_297 : vector<32x224xf32>
    %mul3A_1052 = arith.mulf %mul3A_1050, %mul3A_1051 : vector<32x224xf32>
    %add3A_1053 = arith.addf %add3A_941, %mul3A_1052 : vector<32x224xf32>
    %neg3A_1054 = arith.constant 0.000000e+00 : f32
    %neg3A_1055 = vector.broadcast %neg3A_1054 : f32 to vector<32x224xf32>
    %neg3A_1056 = arith.subf %neg3A_1055, %mul3A_1052 : vector<32x224xf32>
    %swap3A_1057 = arith.constant 0 : index
    %swap3A_1058 = arith.constant 6144 : index
    %swap3A_1059 = vector.load %arg2[%swap3A_1057, %swap3A_1058] : memref<32x28928xf32, #tpu.memory_space<vmem>>, vector<32x224xf32>
    tpu.vector_store %arg2[%swap3A_1057, %swap3A_1058], %neg3A_1056 {strides = array<i32>} : memref<32x28928xf32, #tpu.memory_space<vmem>>, vector<32x224xf32>,
    %slice3A_1060 = vector.extract_strided_slice %slice3A_833 {offsets = [0, 9], sizes = [32, 224], strides = [1, 1]} : vector<32x256xf32> to vector<32x224xf32>
    %slice3A_1061 = vector.extract_strided_slice %slice3A_834 {offsets = [0, 9], sizes = [32, 224], strides = [1, 1]} : vector<32x256xf32> to vector<32x224xf32>
    %slice3A_1062 = vector.extract_strided_slice %slice3A_835 {offsets = [0, 9], sizes = [32, 224], strides = [1, 1]} : vector<32x256xf32> to vector<32x224xf32>
    %sub3A_1063 = arith.subf %slice3A, %slice3A_1060 : vector<32x224xf32>
    %integer_pow3A_1064 = arith.mulf %sub3A_1063, %sub3A_1063 : vector<32x224xf32>
    %sub3A_1065 = arith.subf %slice3A_15, %slice3A_1061 : vector<32x224xf32>
    %integer_pow3A_1066 = arith.mulf %sub3A_1065, %sub3A_1065 : vector<32x224xf32>
    %add3A_1067 = arith.addf %integer_pow3A_1064, %integer_pow3A_1066 : vector<32x224xf32>
    %sub3A_1068 = arith.subf %slice3A_16, %slice3A_1062 : vector<32x224xf32>
    %integer_pow3A_1069 = arith.mulf %sub3A_1068, %sub3A_1068 : vector<32x224xf32>
    %add3A_1070 = arith.addf %add3A_1067, %integer_pow3A_1069 : vector<32x224xf32>
    %sqrt3A_1071 = math.sqrt %add3A_1070 : vector<32x224xf32>
    %mul3A_1072 = arith.constant -6.66666651 : f32
    %mul3A_1073 = vector.broadcast %mul3A_1072 : f32 to vector<32x224xf32>
    %mul3A_1074 = arith.mulf %sqrt3A_1071, %mul3A_1073 : vector<32x224xf32>
    %exp3A_1075 = math.exp %mul3A_1074 : vector<32x224xf32>
    %mul3A_1076 = arith.constant 3.000000e-01 : f32
    %mul3A_1077 = vector.broadcast %mul3A_1076 : f32 to vector<32x224xf32>
    %mul3A_1078 = arith.mulf %mul3A_1077, %exp3A_1075 : vector<32x224xf32>
    %mul3A_1079 = arith.mulf %select_n3A_73, %select_n3A_311 : vector<32x224xf32>
    %mul3A_1080 = arith.mulf %mul3A_1078, %mul3A_1079 : vector<32x224xf32>
    %add3A_1081 = arith.addf %add3A_969, %mul3A_1080 : vector<32x224xf32>
    %neg3A_1082 = arith.constant 0.000000e+00 : f32
    %neg3A_1083 = vector.broadcast %neg3A_1082 : f32 to vector<32x224xf32>
    %neg3A_1084 = arith.subf %neg3A_1083, %mul3A_1080 : vector<32x224xf32>
    %swap3A_1085 = arith.constant 0 : index
    %swap3A_1086 = arith.constant 6400 : index
    %swap3A_1087 = vector.load %arg2[%swap3A_1085, %swap3A_1086] : memref<32x28928xf32, #tpu.memory_space<vmem>>, vector<32x224xf32>
    tpu.vector_store %arg2[%swap3A_1085, %swap3A_1086], %neg3A_1084 {strides = array<i32>} : memref<32x28928xf32, #tpu.memory_space<vmem>>, vector<32x224xf32>,
    %slice3A_1088 = vector.extract_strided_slice %slice3A_833 {offsets = [0, 10], sizes = [32, 224], strides = [1, 1]} : vector<32x256xf32> to vector<32x224xf32>
    %slice3A_1089 = vector.extract_strided_slice %slice3A_834 {offsets = [0, 10], sizes = [32, 224], strides = [1, 1]} : vector<32x256xf32> to vector<32x224xf32>
    %slice3A_1090 = vector.extract_strided_slice %slice3A_835 {offsets = [0, 10], sizes = [32, 224], strides = [1, 1]} : vector<32x256xf32> to vector<32x224xf32>
    %sub3A_1091 = arith.subf %slice3A, %slice3A_1088 : vector<32x224xf32>
    %integer_pow3A_1092 = arith.mulf %sub3A_1091, %sub3A_1091 : vector<32x224xf32>
    %sub3A_1093 = arith.subf %slice3A_15, %slice3A_1089 : vector<32x224xf32>
    %integer_pow3A_1094 = arith.mulf %sub3A_1093, %sub3A_1093 : vector<32x224xf32>
    %add3A_1095 = arith.addf %integer_pow3A_1092, %integer_pow3A_1094 : vector<32x224xf32>
    %sub3A_1096 = arith.subf %slice3A_16, %slice3A_1090 : vector<32x224xf32>
    %integer_pow3A_1097 = arith.mulf %sub3A_1096, %sub3A_1096 : vector<32x224xf32>
    %add3A_1098 = arith.addf %add3A_1095, %integer_pow3A_1097 : vector<32x224xf32>
    %sqrt3A_1099 = math.sqrt %add3A_1098 : vector<32x224xf32>
    %mul3A_1100 = arith.constant -6.66666651 : f32
    %mul3A_1101 = vector.broadcast %mul3A_1100 : f32 to vector<32x224xf32>
    %mul3A_1102 = arith.mulf %sqrt3A_1099, %mul3A_1101 : vector<32x224xf32>
    %exp3A_1103 = math.exp %mul3A_1102 : vector<32x224xf32>
    %mul3A_1104 = arith.constant 3.000000e-01 : f32
    %mul3A_1105 = vector.broadcast %mul3A_1104 : f32 to vector<32x224xf32>
    %mul3A_1106 = arith.mulf %mul3A_1105, %exp3A_1103 : vector<32x224xf32>
    %mul3A_1107 = arith.mulf %select_n3A_73, %select_n3A_325 : vector<32x224xf32>
    %mul3A_1108 = arith.mulf %mul3A_1106, %mul3A_1107 : vector<32x224xf32>
    %add3A_1109 = arith.addf %add3A_997, %mul3A_1108 : vector<32x224xf32>
    %neg3A_1110 = arith.constant 0.000000e+00 : f32
    %neg3A_1111 = vector.broadcast %neg3A_1110 : f32 to vector<32x224xf32>
    %neg3A_1112 = arith.subf %neg3A_1111, %mul3A_1108 : vector<32x224xf32>
    %swap3A_1113 = arith.constant 0 : index
    %swap3A_1114 = arith.constant 6656 : index
    %swap3A_1115 = vector.load %arg2[%swap3A_1113, %swap3A_1114] : memref<32x28928xf32, #tpu.memory_space<vmem>>, vector<32x224xf32>
    tpu.vector_store %arg2[%swap3A_1113, %swap3A_1114], %neg3A_1112 {strides = array<i32>} : memref<32x28928xf32, #tpu.memory_space<vmem>>, vector<32x224xf32>,
    %slice3A_1116 = vector.extract_strided_slice %slice3A_833 {offsets = [0, 11], sizes = [32, 224], strides = [1, 1]} : vector<32x256xf32> to vector<32x224xf32>
    %slice3A_1117 = vector.extract_strided_slice %slice3A_834 {offsets = [0, 11], sizes = [32, 224], strides = [1, 1]} : vector<32x256xf32> to vector<32x224xf32>
    %slice3A_1118 = vector.extract_strided_slice %slice3A_835 {offsets = [0, 11], sizes = [32, 224], strides = [1, 1]} : vector<32x256xf32> to vector<32x224xf32>
    %sub3A_1119 = arith.subf %slice3A, %slice3A_1116 : vector<32x224xf32>
    %integer_pow3A_1120 = arith.mulf %sub3A_1119, %sub3A_1119 : vector<32x224xf32>
    %sub3A_1121 = arith.subf %slice3A_15, %slice3A_1117 : vector<32x224xf32>
    %integer_pow3A_1122 = arith.mulf %sub3A_1121, %sub3A_1121 : vector<32x224xf32>
    %add3A_1123 = arith.addf %integer_pow3A_1120, %integer_pow3A_1122 : vector<32x224xf32>
    %sub3A_1124 = arith.subf %slice3A_16, %slice3A_1118 : vector<32x224xf32>
    %integer_pow3A_1125 = arith.mulf %sub3A_1124, %sub3A_1124 : vector<32x224xf32>
    %add3A_1126 = arith.addf %add3A_1123, %integer_pow3A_1125 : vector<32x224xf32>
    %sqrt3A_1127 = math.sqrt %add3A_1126 : vector<32x224xf32>
    %mul3A_1128 = arith.constant -6.66666651 : f32
    %mul3A_1129 = vector.broadcast %mul3A_1128 : f32 to vector<32x224xf32>
    %mul3A_1130 = arith.mulf %sqrt3A_1127, %mul3A_1129 : vector<32x224xf32>
    %exp3A_1131 = math.exp %mul3A_1130 : vector<32x224xf32>
    %mul3A_1132 = arith.constant 1.000000e-01 : f32
    %mul3A_1133 = vector.broadcast %mul3A_1132 : f32 to vector<32x224xf32>
    %mul3A_1134 = arith.mulf %mul3A_1133, %exp3A_1131 : vector<32x224xf32>
    %mul3A_1135 = arith.mulf %select_n3A_73, %select_n3A_339 : vector<32x224xf32>
    %mul3A_1136 = arith.mulf %mul3A_1134, %mul3A_1135 : vector<32x224xf32>
    %add3A_1137 = arith.addf %add3A_1025, %mul3A_1136 : vector<32x224xf32>
    %neg3A_1138 = arith.constant 0.000000e+00 : f32
    %neg3A_1139 = vector.broadcast %neg3A_1138 : f32 to vector<32x224xf32>
    %neg3A_1140 = arith.subf %neg3A_1139, %mul3A_1136 : vector<32x224xf32>
    %swap3A_1141 = arith.constant 0 : index
    %swap3A_1142 = arith.constant 6912 : index
    %swap3A_1143 = vector.load %arg2[%swap3A_1141, %swap3A_1142] : memref<32x28928xf32, #tpu.memory_space<vmem>>, vector<32x224xf32>
    tpu.vector_store %arg2[%swap3A_1141, %swap3A_1142], %neg3A_1140 {strides = array<i32>} : memref<32x28928xf32, #tpu.memory_space<vmem>>, vector<32x224xf32>,
    %slice3A_1144 = vector.extract_strided_slice %get3A_4 {offsets = [4, 0], sizes = [32, 256], strides = [1, 1]} : vector<48x256xf32> to vector<32x256xf32>
    %slice3A_1145 = vector.extract_strided_slice %get3A_9 {offsets = [4, 0], sizes = [32, 256], strides = [1, 1]} : vector<48x256xf32> to vector<32x256xf32>
    %slice3A_1146 = vector.extract_strided_slice %get3A_14 {offsets = [4, 0], sizes = [32, 256], strides = [1, 1]} : vector<48x256xf32> to vector<32x256xf32>
    %slice3A_1147 = vector.extract_strided_slice %slice3A_1144 {offsets = [0, 1], sizes = [32, 224], strides = [1, 1]} : vector<32x256xf32> to vector<32x224xf32>
    %slice3A_1148 = vector.extract_strided_slice %slice3A_1145 {offsets = [0, 1], sizes = [32, 224], strides = [1, 1]} : vector<32x256xf32> to vector<32x224xf32>
    %slice3A_1149 = vector.extract_strided_slice %slice3A_1146 {offsets = [0, 1], sizes = [32, 224], strides = [1, 1]} : vector<32x256xf32> to vector<32x224xf32>
    %sub3A_1150 = arith.subf %slice3A, %slice3A_1147 : vector<32x224xf32>
    %integer_pow3A_1151 = arith.mulf %sub3A_1150, %sub3A_1150 : vector<32x224xf32>
    %sub3A_1152 = arith.subf %slice3A_15, %slice3A_1148 : vector<32x224xf32>
    %integer_pow3A_1153 = arith.mulf %sub3A_1152, %sub3A_1152 : vector<32x224xf32>
    %add3A_1154 = arith.addf %integer_pow3A_1151, %integer_pow3A_1153 : vector<32x224xf32>
    %sub3A_1155 = arith.subf %slice3A_16, %slice3A_1149 : vector<32x224xf32>
    %integer_pow3A_1156 = arith.mulf %sub3A_1155, %sub3A_1155 : vector<32x224xf32>
    %add3A_1157 = arith.addf %add3A_1154, %integer_pow3A_1156 : vector<32x224xf32>
    %sqrt3A_1158 = math.sqrt %add3A_1157 : vector<32x224xf32>
    %mul3A_1159 = arith.constant -6.66666651 : f32
    %mul3A_1160 = vector.broadcast %mul3A_1159 : f32 to vector<32x224xf32>
    %mul3A_1161 = arith.mulf %sqrt3A_1158, %mul3A_1160 : vector<32x224xf32>
    %exp3A_1162 = math.exp %mul3A_1161 : vector<32x224xf32>
    %mul3A_1163 = arith.constant 1.000000e-01 : f32
    %mul3A_1164 = vector.broadcast %mul3A_1163 : f32 to vector<32x224xf32>
    %mul3A_1165 = arith.mulf %mul3A_1164, %exp3A_1162 : vector<32x224xf32>
    %mul3A_1166 = arith.mulf %select_n3A_87, %select_n3A_213 : vector<32x224xf32>
    %mul3A_1167 = arith.mulf %mul3A_1165, %mul3A_1166 : vector<32x224xf32>
    %add3A_1168 = arith.addf %add3A_1053, %mul3A_1167 : vector<32x224xf32>
    %neg3A_1169 = arith.constant 0.000000e+00 : f32
    %neg3A_1170 = vector.broadcast %neg3A_1169 : f32 to vector<32x224xf32>
    %neg3A_1171 = arith.subf %neg3A_1170, %mul3A_1167 : vector<32x224xf32>
    %swap3A_1172 = arith.constant 0 : index
    %swap3A_1173 = arith.constant 7168 : index
    %swap3A_1174 = vector.load %arg2[%swap3A_1172, %swap3A_1173] : memref<32x28928xf32, #tpu.memory_space<vmem>>, vector<32x224xf32>
    tpu.vector_store %arg2[%swap3A_1172, %swap3A_1173], %neg3A_1171 {strides = array<i32>} : memref<32x28928xf32, #tpu.memory_space<vmem>>, vector<32x224xf32>,
    %slice3A_1175 = vector.extract_strided_slice %slice3A_1144 {offsets = [0, 2], sizes = [32, 224], strides = [1, 1]} : vector<32x256xf32> to vector<32x224xf32>
    %slice3A_1176 = vector.extract_strided_slice %slice3A_1145 {offsets = [0, 2], sizes = [32, 224], strides = [1, 1]} : vector<32x256xf32> to vector<32x224xf32>
    %slice3A_1177 = vector.extract_strided_slice %slice3A_1146 {offsets = [0, 2], sizes = [32, 224], strides = [1, 1]} : vector<32x256xf32> to vector<32x224xf32>
    %sub3A_1178 = arith.subf %slice3A, %slice3A_1175 : vector<32x224xf32>
    %integer_pow3A_1179 = arith.mulf %sub3A_1178, %sub3A_1178 : vector<32x224xf32>
    %sub3A_1180 = arith.subf %slice3A_15, %slice3A_1176 : vector<32x224xf32>
    %integer_pow3A_1181 = arith.mulf %sub3A_1180, %sub3A_1180 : vector<32x224xf32>
    %add3A_1182 = arith.addf %integer_pow3A_1179, %integer_pow3A_1181 : vector<32x224xf32>
    %sub3A_1183 = arith.subf %slice3A_16, %slice3A_1177 : vector<32x224xf32>
    %integer_pow3A_1184 = arith.mulf %sub3A_1183, %sub3A_1183 : vector<32x224xf32>
    %add3A_1185 = arith.addf %add3A_1182, %integer_pow3A_1184 : vector<32x224xf32>
    %sqrt3A_1186 = math.sqrt %add3A_1185 : vector<32x224xf32>
    %mul3A_1187 = arith.constant -6.66666651 : f32
    %mul3A_1188 = vector.broadcast %mul3A_1187 : f32 to vector<32x224xf32>
    %mul3A_1189 = arith.mulf %sqrt3A_1186, %mul3A_1188 : vector<32x224xf32>
    %exp3A_1190 = math.exp %mul3A_1189 : vector<32x224xf32>
    %mul3A_1191 = arith.constant 3.000000e-01 : f32
    %mul3A_1192 = vector.broadcast %mul3A_1191 : f32 to vector<32x224xf32>
    %mul3A_1193 = arith.mulf %mul3A_1192, %exp3A_1190 : vector<32x224xf32>
    %mul3A_1194 = arith.mulf %select_n3A_87, %select_n3A_227 : vector<32x224xf32>
    %mul3A_1195 = arith.mulf %mul3A_1193, %mul3A_1194 : vector<32x224xf32>
    %add3A_1196 = arith.addf %add3A_1081, %mul3A_1195 : vector<32x224xf32>
    %neg3A_1197 = arith.constant 0.000000e+00 : f32
    %neg3A_1198 = vector.broadcast %neg3A_1197 : f32 to vector<32x224xf32>
    %neg3A_1199 = arith.subf %neg3A_1198, %mul3A_1195 : vector<32x224xf32>
    %swap3A_1200 = arith.constant 0 : index
    %swap3A_1201 = arith.constant 7424 : index
    %swap3A_1202 = vector.load %arg2[%swap3A_1200, %swap3A_1201] : memref<32x28928xf32, #tpu.memory_space<vmem>>, vector<32x224xf32>
    tpu.vector_store %arg2[%swap3A_1200, %swap3A_1201], %neg3A_1199 {strides = array<i32>} : memref<32x28928xf32, #tpu.memory_space<vmem>>, vector<32x224xf32>,
    %slice3A_1203 = vector.extract_strided_slice %slice3A_1144 {offsets = [0, 3], sizes = [32, 224], strides = [1, 1]} : vector<32x256xf32> to vector<32x224xf32>
    %slice3A_1204 = vector.extract_strided_slice %slice3A_1145 {offsets = [0, 3], sizes = [32, 224], strides = [1, 1]} : vector<32x256xf32> to vector<32x224xf32>
    %slice3A_1205 = vector.extract_strided_slice %slice3A_1146 {offsets = [0, 3], sizes = [32, 224], strides = [1, 1]} : vector<32x256xf32> to vector<32x224xf32>
    %sub3A_1206 = arith.subf %slice3A, %slice3A_1203 : vector<32x224xf32>
    %integer_pow3A_1207 = arith.mulf %sub3A_1206, %sub3A_1206 : vector<32x224xf32>
    %sub3A_1208 = arith.subf %slice3A_15, %slice3A_1204 : vector<32x224xf32>
    %integer_pow3A_1209 = arith.mulf %sub3A_1208, %sub3A_1208 : vector<32x224xf32>
    %add3A_1210 = arith.addf %integer_pow3A_1207, %integer_pow3A_1209 : vector<32x224xf32>
    %sub3A_1211 = arith.subf %slice3A_16, %slice3A_1205 : vector<32x224xf32>
    %integer_pow3A_1212 = arith.mulf %sub3A_1211, %sub3A_1211 : vector<32x224xf32>
    %add3A_1213 = arith.addf %add3A_1210, %integer_pow3A_1212 : vector<32x224xf32>
    %sqrt3A_1214 = math.sqrt %add3A_1213 : vector<32x224xf32>
    %mul3A_1215 = arith.constant -6.66666651 : f32
    %mul3A_1216 = vector.broadcast %mul3A_1215 : f32 to vector<32x224xf32>
    %mul3A_1217 = arith.mulf %sqrt3A_1214, %mul3A_1216 : vector<32x224xf32>
    %exp3A_1218 = math.exp %mul3A_1217 : vector<32x224xf32>
    %mul3A_1219 = arith.constant 6.000000e-01 : f32
    %mul3A_1220 = vector.broadcast %mul3A_1219 : f32 to vector<32x224xf32>
    %mul3A_1221 = arith.mulf %mul3A_1220, %exp3A_1218 : vector<32x224xf32>
    %mul3A_1222 = arith.mulf %select_n3A_87, %select_n3A_241 : vector<32x224xf32>
    %mul3A_1223 = arith.mulf %mul3A_1221, %mul3A_1222 : vector<32x224xf32>
    %add3A_1224 = arith.addf %add3A_1109, %mul3A_1223 : vector<32x224xf32>
    %neg3A_1225 = arith.constant 0.000000e+00 : f32
    %neg3A_1226 = vector.broadcast %neg3A_1225 : f32 to vector<32x224xf32>
    %neg3A_1227 = arith.subf %neg3A_1226, %mul3A_1223 : vector<32x224xf32>
    %swap3A_1228 = arith.constant 0 : index
    %swap3A_1229 = arith.constant 7680 : index
    %swap3A_1230 = vector.load %arg2[%swap3A_1228, %swap3A_1229] : memref<32x28928xf32, #tpu.memory_space<vmem>>, vector<32x224xf32>
    tpu.vector_store %arg2[%swap3A_1228, %swap3A_1229], %neg3A_1227 {strides = array<i32>} : memref<32x28928xf32, #tpu.memory_space<vmem>>, vector<32x224xf32>,
    %slice3A_1231 = vector.extract_strided_slice %slice3A_1144 {offsets = [0, 4], sizes = [32, 224], strides = [1, 1]} : vector<32x256xf32> to vector<32x224xf32>
    %slice3A_1232 = vector.extract_strided_slice %slice3A_1145 {offsets = [0, 4], sizes = [32, 224], strides = [1, 1]} : vector<32x256xf32> to vector<32x224xf32>
    %slice3A_1233 = vector.extract_strided_slice %slice3A_1146 {offsets = [0, 4], sizes = [32, 224], strides = [1, 1]} : vector<32x256xf32> to vector<32x224xf32>
    %sub3A_1234 = arith.subf %slice3A, %slice3A_1231 : vector<32x224xf32>
    %integer_pow3A_1235 = arith.mulf %sub3A_1234, %sub3A_1234 : vector<32x224xf32>
    %sub3A_1236 = arith.subf %slice3A_15, %slice3A_1232 : vector<32x224xf32>
    %integer_pow3A_1237 = arith.mulf %sub3A_1236, %sub3A_1236 : vector<32x224xf32>
    %add3A_1238 = arith.addf %integer_pow3A_1235, %integer_pow3A_1237 : vector<32x224xf32>
    %sub3A_1239 = arith.subf %slice3A_16, %slice3A_1233 : vector<32x224xf32>
    %integer_pow3A_1240 = arith.mulf %sub3A_1239, %sub3A_1239 : vector<32x224xf32>
    %add3A_1241 = arith.addf %add3A_1238, %integer_pow3A_1240 : vector<32x224xf32>
    %sqrt3A_1242 = math.sqrt %add3A_1241 : vector<32x224xf32>
    %mul3A_1243 = arith.constant -6.66666651 : f32
    %mul3A_1244 = vector.broadcast %mul3A_1243 : f32 to vector<32x224xf32>
    %mul3A_1245 = arith.mulf %sqrt3A_1242, %mul3A_1244 : vector<32x224xf32>
    %exp3A_1246 = math.exp %mul3A_1245 : vector<32x224xf32>
    %mul3A_1247 = arith.constant 1.000000e+00 : f32
    %mul3A_1248 = vector.broadcast %mul3A_1247 : f32 to vector<32x224xf32>
    %mul3A_1249 = arith.mulf %mul3A_1248, %exp3A_1246 : vector<32x224xf32>
    %mul3A_1250 = arith.mulf %select_n3A_87, %select_n3A_255 : vector<32x224xf32>
    %mul3A_1251 = arith.mulf %mul3A_1249, %mul3A_1250 : vector<32x224xf32>
    %add3A_1252 = arith.addf %add3A_1137, %mul3A_1251 : vector<32x224xf32>
    %neg3A_1253 = arith.constant 0.000000e+00 : f32
    %neg3A_1254 = vector.broadcast %neg3A_1253 : f32 to vector<32x224xf32>
    %neg3A_1255 = arith.subf %neg3A_1254, %mul3A_1251 : vector<32x224xf32>
    %swap3A_1256 = arith.constant 0 : index
    %swap3A_1257 = arith.constant 7936 : index
    %swap3A_1258 = vector.load %arg2[%swap3A_1256, %swap3A_1257] : memref<32x28928xf32, #tpu.memory_space<vmem>>, vector<32x224xf32>
    tpu.vector_store %arg2[%swap3A_1256, %swap3A_1257], %neg3A_1255 {strides = array<i32>} : memref<32x28928xf32, #tpu.memory_space<vmem>>, vector<32x224xf32>,
    %slice3A_1259 = vector.extract_strided_slice %slice3A_1144 {offsets = [0, 5], sizes = [32, 224], strides = [1, 1]} : vector<32x256xf32> to vector<32x224xf32>
    %slice3A_1260 = vector.extract_strided_slice %slice3A_1145 {offsets = [0, 5], sizes = [32, 224], strides = [1, 1]} : vector<32x256xf32> to vector<32x224xf32>
    %slice3A_1261 = vector.extract_strided_slice %slice3A_1146 {offsets = [0, 5], sizes = [32, 224], strides = [1, 1]} : vector<32x256xf32> to vector<32x224xf32>
    %sub3A_1262 = arith.subf %slice3A, %slice3A_1259 : vector<32x224xf32>
    %integer_pow3A_1263 = arith.mulf %sub3A_1262, %sub3A_1262 : vector<32x224xf32>
    %sub3A_1264 = arith.subf %slice3A_15, %slice3A_1260 : vector<32x224xf32>
    %integer_pow3A_1265 = arith.mulf %sub3A_1264, %sub3A_1264 : vector<32x224xf32>
    %add3A_1266 = arith.addf %integer_pow3A_1263, %integer_pow3A_1265 : vector<32x224xf32>
    %sub3A_1267 = arith.subf %slice3A_16, %slice3A_1261 : vector<32x224xf32>
    %integer_pow3A_1268 = arith.mulf %sub3A_1267, %sub3A_1267 : vector<32x224xf32>
    %add3A_1269 = arith.addf %add3A_1266, %integer_pow3A_1268 : vector<32x224xf32>
    %sqrt3A_1270 = math.sqrt %add3A_1269 : vector<32x224xf32>
    %mul3A_1271 = arith.constant -6.66666651 : f32
    %mul3A_1272 = vector.broadcast %mul3A_1271 : f32 to vector<32x224xf32>
    %mul3A_1273 = arith.mulf %sqrt3A_1270, %mul3A_1272 : vector<32x224xf32>
    %exp3A_1274 = math.exp %mul3A_1273 : vector<32x224xf32>
    %mul3A_1275 = arith.constant 1.000000e+00 : f32
    %mul3A_1276 = vector.broadcast %mul3A_1275 : f32 to vector<32x224xf32>
    %mul3A_1277 = arith.mulf %mul3A_1276, %exp3A_1274 : vector<32x224xf32>
    %mul3A_1278 = arith.mulf %select_n3A_87, %select_n3A_269 : vector<32x224xf32>
    %mul3A_1279 = arith.mulf %mul3A_1277, %mul3A_1278 : vector<32x224xf32>
    %add3A_1280 = arith.addf %add3A_1168, %mul3A_1279 : vector<32x224xf32>
    %neg3A_1281 = arith.constant 0.000000e+00 : f32
    %neg3A_1282 = vector.broadcast %neg3A_1281 : f32 to vector<32x224xf32>
    %neg3A_1283 = arith.subf %neg3A_1282, %mul3A_1279 : vector<32x224xf32>
    %swap3A_1284 = arith.constant 0 : index
    %swap3A_1285 = arith.constant 8192 : index
    %swap3A_1286 = vector.load %arg2[%swap3A_1284, %swap3A_1285] : memref<32x28928xf32, #tpu.memory_space<vmem>>, vector<32x224xf32>
    tpu.vector_store %arg2[%swap3A_1284, %swap3A_1285], %neg3A_1283 {strides = array<i32>} : memref<32x28928xf32, #tpu.memory_space<vmem>>, vector<32x224xf32>,
    %slice3A_1287 = vector.extract_strided_slice %slice3A_1144 {offsets = [0, 6], sizes = [32, 224], strides = [1, 1]} : vector<32x256xf32> to vector<32x224xf32>
    %slice3A_1288 = vector.extract_strided_slice %slice3A_1145 {offsets = [0, 6], sizes = [32, 224], strides = [1, 1]} : vector<32x256xf32> to vector<32x224xf32>
    %slice3A_1289 = vector.extract_strided_slice %slice3A_1146 {offsets = [0, 6], sizes = [32, 224], strides = [1, 1]} : vector<32x256xf32> to vector<32x224xf32>
    %sub3A_1290 = arith.subf %slice3A, %slice3A_1287 : vector<32x224xf32>
    %integer_pow3A_1291 = arith.mulf %sub3A_1290, %sub3A_1290 : vector<32x224xf32>
    %sub3A_1292 = arith.subf %slice3A_15, %slice3A_1288 : vector<32x224xf32>
    %integer_pow3A_1293 = arith.mulf %sub3A_1292, %sub3A_1292 : vector<32x224xf32>
    %add3A_1294 = arith.addf %integer_pow3A_1291, %integer_pow3A_1293 : vector<32x224xf32>
    %sub3A_1295 = arith.subf %slice3A_16, %slice3A_1289 : vector<32x224xf32>
    %integer_pow3A_1296 = arith.mulf %sub3A_1295, %sub3A_1295 : vector<32x224xf32>
    %add3A_1297 = arith.addf %add3A_1294, %integer_pow3A_1296 : vector<32x224xf32>
    %sqrt3A_1298 = math.sqrt %add3A_1297 : vector<32x224xf32>
    %mul3A_1299 = arith.constant -6.66666651 : f32
    %mul3A_1300 = vector.broadcast %mul3A_1299 : f32 to vector<32x224xf32>
    %mul3A_1301 = arith.mulf %sqrt3A_1298, %mul3A_1300 : vector<32x224xf32>
    %exp3A_1302 = math.exp %mul3A_1301 : vector<32x224xf32>
    %mul3A_1303 = arith.constant 1.600000e+00 : f32
    %mul3A_1304 = vector.broadcast %mul3A_1303 : f32 to vector<32x224xf32>
    %mul3A_1305 = arith.mulf %mul3A_1304, %exp3A_1302 : vector<32x224xf32>
    %mul3A_1306 = arith.mulf %select_n3A_87, %broadcast_in_dim3A_19 : vector<32x224xf32>
    %mul3A_1307 = arith.mulf %mul3A_1305, %mul3A_1306 : vector<32x224xf32>
    %add3A_1308 = arith.addf %add3A_1196, %mul3A_1307 : vector<32x224xf32>
    %neg3A_1309 = arith.constant 0.000000e+00 : f32
    %neg3A_1310 = vector.broadcast %neg3A_1309 : f32 to vector<32x224xf32>
    %neg3A_1311 = arith.subf %neg3A_1310, %mul3A_1307 : vector<32x224xf32>
    %swap3A_1312 = arith.constant 0 : index
    %swap3A_1313 = arith.constant 8448 : index
    %swap3A_1314 = vector.load %arg2[%swap3A_1312, %swap3A_1313] : memref<32x28928xf32, #tpu.memory_space<vmem>>, vector<32x224xf32>
    tpu.vector_store %arg2[%swap3A_1312, %swap3A_1313], %neg3A_1311 {strides = array<i32>} : memref<32x28928xf32, #tpu.memory_space<vmem>>, vector<32x224xf32>,
    %slice3A_1315 = vector.extract_strided_slice %slice3A_1144 {offsets = [0, 7], sizes = [32, 224], strides = [1, 1]} : vector<32x256xf32> to vector<32x224xf32>
    %slice3A_1316 = vector.extract_strided_slice %slice3A_1145 {offsets = [0, 7], sizes = [32, 224], strides = [1, 1]} : vector<32x256xf32> to vector<32x224xf32>
    %slice3A_1317 = vector.extract_strided_slice %slice3A_1146 {offsets = [0, 7], sizes = [32, 224], strides = [1, 1]} : vector<32x256xf32> to vector<32x224xf32>
    %sub3A_1318 = arith.subf %slice3A, %slice3A_1315 : vector<32x224xf32>
    %integer_pow3A_1319 = arith.mulf %sub3A_1318, %sub3A_1318 : vector<32x224xf32>
    %sub3A_1320 = arith.subf %slice3A_15, %slice3A_1316 : vector<32x224xf32>
    %integer_pow3A_1321 = arith.mulf %sub3A_1320, %sub3A_1320 : vector<32x224xf32>
    %add3A_1322 = arith.addf %integer_pow3A_1319, %integer_pow3A_1321 : vector<32x224xf32>
    %sub3A_1323 = arith.subf %slice3A_16, %slice3A_1317 : vector<32x224xf32>
    %integer_pow3A_1324 = arith.mulf %sub3A_1323, %sub3A_1323 : vector<32x224xf32>
    %add3A_1325 = arith.addf %add3A_1322, %integer_pow3A_1324 : vector<32x224xf32>
    %sqrt3A_1326 = math.sqrt %add3A_1325 : vector<32x224xf32>
    %mul3A_1327 = arith.constant -6.66666651 : f32
    %mul3A_1328 = vector.broadcast %mul3A_1327 : f32 to vector<32x224xf32>
    %mul3A_1329 = arith.mulf %sqrt3A_1326, %mul3A_1328 : vector<32x224xf32>
    %exp3A_1330 = math.exp %mul3A_1329 : vector<32x224xf32>
    %mul3A_1331 = arith.constant 1.000000e+00 : f32
    %mul3A_1332 = vector.broadcast %mul3A_1331 : f32 to vector<32x224xf32>
    %mul3A_1333 = arith.mulf %mul3A_1332, %exp3A_1330 : vector<32x224xf32>
    %mul3A_1334 = arith.mulf %select_n3A_87, %select_n3A_283 : vector<32x224xf32>
    %mul3A_1335 = arith.mulf %mul3A_1333, %mul3A_1334 : vector<32x224xf32>
    %add3A_1336 = arith.addf %add3A_1224, %mul3A_1335 : vector<32x224xf32>
    %neg3A_1337 = arith.constant 0.000000e+00 : f32
    %neg3A_1338 = vector.broadcast %neg3A_1337 : f32 to vector<32x224xf32>
    %neg3A_1339 = arith.subf %neg3A_1338, %mul3A_1335 : vector<32x224xf32>
    %swap3A_1340 = arith.constant 0 : index
    %swap3A_1341 = arith.constant 8704 : index
    %swap3A_1342 = vector.load %arg2[%swap3A_1340, %swap3A_1341] : memref<32x28928xf32, #tpu.memory_space<vmem>>, vector<32x224xf32>
    tpu.vector_store %arg2[%swap3A_1340, %swap3A_1341], %neg3A_1339 {strides = array<i32>} : memref<32x28928xf32, #tpu.memory_space<vmem>>, vector<32x224xf32>,
    %slice3A_1343 = vector.extract_strided_slice %slice3A_1144 {offsets = [0, 8], sizes = [32, 224], strides = [1, 1]} : vector<32x256xf32> to vector<32x224xf32>
    %slice3A_1344 = vector.extract_strided_slice %slice3A_1145 {offsets = [0, 8], sizes = [32, 224], strides = [1, 1]} : vector<32x256xf32> to vector<32x224xf32>
    %slice3A_1345 = vector.extract_strided_slice %slice3A_1146 {offsets = [0, 8], sizes = [32, 224], strides = [1, 1]} : vector<32x256xf32> to vector<32x224xf32>
    %sub3A_1346 = arith.subf %slice3A, %slice3A_1343 : vector<32x224xf32>
    %integer_pow3A_1347 = arith.mulf %sub3A_1346, %sub3A_1346 : vector<32x224xf32>
    %sub3A_1348 = arith.subf %slice3A_15, %slice3A_1344 : vector<32x224xf32>
    %integer_pow3A_1349 = arith.mulf %sub3A_1348, %sub3A_1348 : vector<32x224xf32>
    %add3A_1350 = arith.addf %integer_pow3A_1347, %integer_pow3A_1349 : vector<32x224xf32>
    %sub3A_1351 = arith.subf %slice3A_16, %slice3A_1345 : vector<32x224xf32>
    %integer_pow3A_1352 = arith.mulf %sub3A_1351, %sub3A_1351 : vector<32x224xf32>
    %add3A_1353 = arith.addf %add3A_1350, %integer_pow3A_1352 : vector<32x224xf32>
    %sqrt3A_1354 = math.sqrt %add3A_1353 : vector<32x224xf32>
    %mul3A_1355 = arith.constant -6.66666651 : f32
    %mul3A_1356 = vector.broadcast %mul3A_1355 : f32 to vector<32x224xf32>
    %mul3A_1357 = arith.mulf %sqrt3A_1354, %mul3A_1356 : vector<32x224xf32>
    %exp3A_1358 = math.exp %mul3A_1357 : vector<32x224xf32>
    %mul3A_1359 = arith.constant 1.000000e+00 : f32
    %mul3A_1360 = vector.broadcast %mul3A_1359 : f32 to vector<32x224xf32>
    %mul3A_1361 = arith.mulf %mul3A_1360, %exp3A_1358 : vector<32x224xf32>
    %mul3A_1362 = arith.mulf %select_n3A_87, %select_n3A_297 : vector<32x224xf32>
    %mul3A_1363 = arith.mulf %mul3A_1361, %mul3A_1362 : vector<32x224xf32>
    %add3A_1364 = arith.addf %add3A_1252, %mul3A_1363 : vector<32x224xf32>
    %neg3A_1365 = arith.constant 0.000000e+00 : f32
    %neg3A_1366 = vector.broadcast %neg3A_1365 : f32 to vector<32x224xf32>
    %neg3A_1367 = arith.subf %neg3A_1366, %mul3A_1363 : vector<32x224xf32>
    %swap3A_1368 = arith.constant 0 : index
    %swap3A_1369 = arith.constant 8960 : index
    %swap3A_1370 = vector.load %arg2[%swap3A_1368, %swap3A_1369] : memref<32x28928xf32, #tpu.memory_space<vmem>>, vector<32x224xf32>
    tpu.vector_store %arg2[%swap3A_1368, %swap3A_1369], %neg3A_1367 {strides = array<i32>} : memref<32x28928xf32, #tpu.memory_space<vmem>>, vector<32x224xf32>,
    %slice3A_1371 = vector.extract_strided_slice %slice3A_1144 {offsets = [0, 9], sizes = [32, 224], strides = [1, 1]} : vector<32x256xf32> to vector<32x224xf32>
    %slice3A_1372 = vector.extract_strided_slice %slice3A_1145 {offsets = [0, 9], sizes = [32, 224], strides = [1, 1]} : vector<32x256xf32> to vector<32x224xf32>
    %slice3A_1373 = vector.extract_strided_slice %slice3A_1146 {offsets = [0, 9], sizes = [32, 224], strides = [1, 1]} : vector<32x256xf32> to vector<32x224xf32>
    %sub3A_1374 = arith.subf %slice3A, %slice3A_1371 : vector<32x224xf32>
    %integer_pow3A_1375 = arith.mulf %sub3A_1374, %sub3A_1374 : vector<32x224xf32>
    %sub3A_1376 = arith.subf %slice3A_15, %slice3A_1372 : vector<32x224xf32>
    %integer_pow3A_1377 = arith.mulf %sub3A_1376, %sub3A_1376 : vector<32x224xf32>
    %add3A_1378 = arith.addf %integer_pow3A_1375, %integer_pow3A_1377 : vector<32x224xf32>
    %sub3A_1379 = arith.subf %slice3A_16, %slice3A_1373 : vector<32x224xf32>
    %integer_pow3A_1380 = arith.mulf %sub3A_1379, %sub3A_1379 : vector<32x224xf32>
    %add3A_1381 = arith.addf %add3A_1378, %integer_pow3A_1380 : vector<32x224xf32>
    %sqrt3A_1382 = math.sqrt %add3A_1381 : vector<32x224xf32>
    %mul3A_1383 = arith.constant -6.66666651 : f32
    %mul3A_1384 = vector.broadcast %mul3A_1383 : f32 to vector<32x224xf32>
    %mul3A_1385 = arith.mulf %sqrt3A_1382, %mul3A_1384 : vector<32x224xf32>
    %exp3A_1386 = math.exp %mul3A_1385 : vector<32x224xf32>
    %mul3A_1387 = arith.constant 6.000000e-01 : f32
    %mul3A_1388 = vector.broadcast %mul3A_1387 : f32 to vector<32x224xf32>
    %mul3A_1389 = arith.mulf %mul3A_1388, %exp3A_1386 : vector<32x224xf32>
    %mul3A_1390 = arith.mulf %select_n3A_87, %select_n3A_311 : vector<32x224xf32>
    %mul3A_1391 = arith.mulf %mul3A_1389, %mul3A_1390 : vector<32x224xf32>
    %add3A_1392 = arith.addf %add3A_1280, %mul3A_1391 : vector<32x224xf32>
    %neg3A_1393 = arith.constant 0.000000e+00 : f32
    %neg3A_1394 = vector.broadcast %neg3A_1393 : f32 to vector<32x224xf32>
    %neg3A_1395 = arith.subf %neg3A_1394, %mul3A_1391 : vector<32x224xf32>
    %swap3A_1396 = arith.constant 0 : index
    %swap3A_1397 = arith.constant 9216 : index
    %swap3A_1398 = vector.load %arg2[%swap3A_1396, %swap3A_1397] : memref<32x28928xf32, #tpu.memory_space<vmem>>, vector<32x224xf32>
    tpu.vector_store %arg2[%swap3A_1396, %swap3A_1397], %neg3A_1395 {strides = array<i32>} : memref<32x28928xf32, #tpu.memory_space<vmem>>, vector<32x224xf32>,
    %slice3A_1399 = vector.extract_strided_slice %slice3A_1144 {offsets = [0, 10], sizes = [32, 224], strides = [1, 1]} : vector<32x256xf32> to vector<32x224xf32>
    %slice3A_1400 = vector.extract_strided_slice %slice3A_1145 {offsets = [0, 10], sizes = [32, 224], strides = [1, 1]} : vector<32x256xf32> to vector<32x224xf32>
    %slice3A_1401 = vector.extract_strided_slice %slice3A_1146 {offsets = [0, 10], sizes = [32, 224], strides = [1, 1]} : vector<32x256xf32> to vector<32x224xf32>
    %sub3A_1402 = arith.subf %slice3A, %slice3A_1399 : vector<32x224xf32>
    %integer_pow3A_1403 = arith.mulf %sub3A_1402, %sub3A_1402 : vector<32x224xf32>
    %sub3A_1404 = arith.subf %slice3A_15, %slice3A_1400 : vector<32x224xf32>
    %integer_pow3A_1405 = arith.mulf %sub3A_1404, %sub3A_1404 : vector<32x224xf32>
    %add3A_1406 = arith.addf %integer_pow3A_1403, %integer_pow3A_1405 : vector<32x224xf32>
    %sub3A_1407 = arith.subf %slice3A_16, %slice3A_1401 : vector<32x224xf32>
    %integer_pow3A_1408 = arith.mulf %sub3A_1407, %sub3A_1407 : vector<32x224xf32>
    %add3A_1409 = arith.addf %add3A_1406, %integer_pow3A_1408 : vector<32x224xf32>
    %sqrt3A_1410 = math.sqrt %add3A_1409 : vector<32x224xf32>
    %mul3A_1411 = arith.constant -6.66666651 : f32
    %mul3A_1412 = vector.broadcast %mul3A_1411 : f32 to vector<32x224xf32>
    %mul3A_1413 = arith.mulf %sqrt3A_1410, %mul3A_1412 : vector<32x224xf32>
    %exp3A_1414 = math.exp %mul3A_1413 : vector<32x224xf32>
    %mul3A_1415 = arith.constant 3.000000e-01 : f32
    %mul3A_1416 = vector.broadcast %mul3A_1415 : f32 to vector<32x224xf32>
    %mul3A_1417 = arith.mulf %mul3A_1416, %exp3A_1414 : vector<32x224xf32>
    %mul3A_1418 = arith.mulf %select_n3A_87, %select_n3A_325 : vector<32x224xf32>
    %mul3A_1419 = arith.mulf %mul3A_1417, %mul3A_1418 : vector<32x224xf32>
    %add3A_1420 = arith.addf %add3A_1308, %mul3A_1419 : vector<32x224xf32>
    %neg3A_1421 = arith.constant 0.000000e+00 : f32
    %neg3A_1422 = vector.broadcast %neg3A_1421 : f32 to vector<32x224xf32>
    %neg3A_1423 = arith.subf %neg3A_1422, %mul3A_1419 : vector<32x224xf32>
    %swap3A_1424 = arith.constant 0 : index
    %swap3A_1425 = arith.constant 9472 : index
    %swap3A_1426 = vector.load %arg2[%swap3A_1424, %swap3A_1425] : memref<32x28928xf32, #tpu.memory_space<vmem>>, vector<32x224xf32>
    tpu.vector_store %arg2[%swap3A_1424, %swap3A_1425], %neg3A_1423 {strides = array<i32>} : memref<32x28928xf32, #tpu.memory_space<vmem>>, vector<32x224xf32>,
    %slice3A_1427 = vector.extract_strided_slice %slice3A_1144 {offsets = [0, 11], sizes = [32, 224], strides = [1, 1]} : vector<32x256xf32> to vector<32x224xf32>
    %slice3A_1428 = vector.extract_strided_slice %slice3A_1145 {offsets = [0, 11], sizes = [32, 224], strides = [1, 1]} : vector<32x256xf32> to vector<32x224xf32>
    %slice3A_1429 = vector.extract_strided_slice %slice3A_1146 {offsets = [0, 11], sizes = [32, 224], strides = [1, 1]} : vector<32x256xf32> to vector<32x224xf32>
    %sub3A_1430 = arith.subf %slice3A, %slice3A_1427 : vector<32x224xf32>
    %integer_pow3A_1431 = arith.mulf %sub3A_1430, %sub3A_1430 : vector<32x224xf32>
    %sub3A_1432 = arith.subf %slice3A_15, %slice3A_1428 : vector<32x224xf32>
    %integer_pow3A_1433 = arith.mulf %sub3A_1432, %sub3A_1432 : vector<32x224xf32>
    %add3A_1434 = arith.addf %integer_pow3A_1431, %integer_pow3A_1433 : vector<32x224xf32>
    %sub3A_1435 = arith.subf %slice3A_16, %slice3A_1429 : vector<32x224xf32>
    %integer_pow3A_1436 = arith.mulf %sub3A_1435, %sub3A_1435 : vector<32x224xf32>
    %add3A_1437 = arith.addf %add3A_1434, %integer_pow3A_1436 : vector<32x224xf32>
    %sqrt3A_1438 = math.sqrt %add3A_1437 : vector<32x224xf32>
    %mul3A_1439 = arith.constant -6.66666651 : f32
    %mul3A_1440 = vector.broadcast %mul3A_1439 : f32 to vector<32x224xf32>
    %mul3A_1441 = arith.mulf %sqrt3A_1438, %mul3A_1440 : vector<32x224xf32>
    %exp3A_1442 = math.exp %mul3A_1441 : vector<32x224xf32>
    %mul3A_1443 = arith.constant 1.000000e-01 : f32
    %mul3A_1444 = vector.broadcast %mul3A_1443 : f32 to vector<32x224xf32>
    %mul3A_1445 = arith.mulf %mul3A_1444, %exp3A_1442 : vector<32x224xf32>
    %mul3A_1446 = arith.mulf %select_n3A_87, %select_n3A_339 : vector<32x224xf32>
    %mul3A_1447 = arith.mulf %mul3A_1445, %mul3A_1446 : vector<32x224xf32>
    %add3A_1448 = arith.addf %add3A_1336, %mul3A_1447 : vector<32x224xf32>
    %neg3A_1449 = arith.constant 0.000000e+00 : f32
    %neg3A_1450 = vector.broadcast %neg3A_1449 : f32 to vector<32x224xf32>
    %neg3A_1451 = arith.subf %neg3A_1450, %mul3A_1447 : vector<32x224xf32>
    %swap3A_1452 = arith.constant 0 : index
    %swap3A_1453 = arith.constant 9728 : index
    %swap3A_1454 = vector.load %arg2[%swap3A_1452, %swap3A_1453] : memref<32x28928xf32, #tpu.memory_space<vmem>>, vector<32x224xf32>
    tpu.vector_store %arg2[%swap3A_1452, %swap3A_1453], %neg3A_1451 {strides = array<i32>} : memref<32x28928xf32, #tpu.memory_space<vmem>>, vector<32x224xf32>,
    %slice3A_1455 = vector.extract_strided_slice %get3A_4 {offsets = [5, 0], sizes = [32, 256], strides = [1, 1]} : vector<48x256xf32> to vector<32x256xf32>
    %slice3A_1456 = vector.extract_strided_slice %get3A_9 {offsets = [5, 0], sizes = [32, 256], strides = [1, 1]} : vector<48x256xf32> to vector<32x256xf32>
    %slice3A_1457 = vector.extract_strided_slice %get3A_14 {offsets = [5, 0], sizes = [32, 256], strides = [1, 1]} : vector<48x256xf32> to vector<32x256xf32>
    %slice3A_1458 = vector.extract_strided_slice %slice3A_1455 {offsets = [0, 1], sizes = [32, 224], strides = [1, 1]} : vector<32x256xf32> to vector<32x224xf32>
    %slice3A_1459 = vector.extract_strided_slice %slice3A_1456 {offsets = [0, 1], sizes = [32, 224], strides = [1, 1]} : vector<32x256xf32> to vector<32x224xf32>
    %slice3A_1460 = vector.extract_strided_slice %slice3A_1457 {offsets = [0, 1], sizes = [32, 224], strides = [1, 1]} : vector<32x256xf32> to vector<32x224xf32>
    %sub3A_1461 = arith.subf %slice3A, %slice3A_1458 : vector<32x224xf32>
    %integer_pow3A_1462 = arith.mulf %sub3A_1461, %sub3A_1461 : vector<32x224xf32>
    %sub3A_1463 = arith.subf %slice3A_15, %slice3A_1459 : vector<32x224xf32>
    %integer_pow3A_1464 = arith.mulf %sub3A_1463, %sub3A_1463 : vector<32x224xf32>
    %add3A_1465 = arith.addf %integer_pow3A_1462, %integer_pow3A_1464 : vector<32x224xf32>
    %sub3A_1466 = arith.subf %slice3A_16, %slice3A_1460 : vector<32x224xf32>
    %integer_pow3A_1467 = arith.mulf %sub3A_1466, %sub3A_1466 : vector<32x224xf32>
    %add3A_1468 = arith.addf %add3A_1465, %integer_pow3A_1467 : vector<32x224xf32>
    %sqrt3A_1469 = math.sqrt %add3A_1468 : vector<32x224xf32>
    %mul3A_1470 = arith.constant -6.66666651 : f32
    %mul3A_1471 = vector.broadcast %mul3A_1470 : f32 to vector<32x224xf32>
    %mul3A_1472 = arith.mulf %sqrt3A_1469, %mul3A_1471 : vector<32x224xf32>
    %exp3A_1473 = math.exp %mul3A_1472 : vector<32x224xf32>
    %mul3A_1474 = arith.constant 1.000000e-01 : f32
    %mul3A_1475 = vector.broadcast %mul3A_1474 : f32 to vector<32x224xf32>
    %mul3A_1476 = arith.mulf %mul3A_1475, %exp3A_1473 : vector<32x224xf32>
    %mul3A_1477 = arith.mulf %select_n3A_101, %select_n3A_213 : vector<32x224xf32>
    %mul3A_1478 = arith.mulf %mul3A_1476, %mul3A_1477 : vector<32x224xf32>
    %add3A_1479 = arith.addf %add3A_1364, %mul3A_1478 : vector<32x224xf32>
    %neg3A_1480 = arith.constant 0.000000e+00 : f32
    %neg3A_1481 = vector.broadcast %neg3A_1480 : f32 to vector<32x224xf32>
    %neg3A_1482 = arith.subf %neg3A_1481, %mul3A_1478 : vector<32x224xf32>
    %swap3A_1483 = arith.constant 0 : index
    %swap3A_1484 = arith.constant 9984 : index
    %swap3A_1485 = vector.load %arg2[%swap3A_1483, %swap3A_1484] : memref<32x28928xf32, #tpu.memory_space<vmem>>, vector<32x224xf32>
    tpu.vector_store %arg2[%swap3A_1483, %swap3A_1484], %neg3A_1482 {strides = array<i32>} : memref<32x28928xf32, #tpu.memory_space<vmem>>, vector<32x224xf32>,
    %slice3A_1486 = vector.extract_strided_slice %slice3A_1455 {offsets = [0, 2], sizes = [32, 224], strides = [1, 1]} : vector<32x256xf32> to vector<32x224xf32>
    %slice3A_1487 = vector.extract_strided_slice %slice3A_1456 {offsets = [0, 2], sizes = [32, 224], strides = [1, 1]} : vector<32x256xf32> to vector<32x224xf32>
    %slice3A_1488 = vector.extract_strided_slice %slice3A_1457 {offsets = [0, 2], sizes = [32, 224], strides = [1, 1]} : vector<32x256xf32> to vector<32x224xf32>
    %sub3A_1489 = arith.subf %slice3A, %slice3A_1486 : vector<32x224xf32>
    %integer_pow3A_1490 = arith.mulf %sub3A_1489, %sub3A_1489 : vector<32x224xf32>
    %sub3A_1491 = arith.subf %slice3A_15, %slice3A_1487 : vector<32x224xf32>
    %integer_pow3A_1492 = arith.mulf %sub3A_1491, %sub3A_1491 : vector<32x224xf32>
    %add3A_1493 = arith.addf %integer_pow3A_1490, %integer_pow3A_1492 : vector<32x224xf32>
    %sub3A_1494 = arith.subf %slice3A_16, %slice3A_1488 : vector<32x224xf32>
    %integer_pow3A_1495 = arith.mulf %sub3A_1494, %sub3A_1494 : vector<32x224xf32>
    %add3A_1496 = arith.addf %add3A_1493, %integer_pow3A_1495 : vector<32x224xf32>
    %sqrt3A_1497 = math.sqrt %add3A_1496 : vector<32x224xf32>
    %mul3A_1498 = arith.constant -6.66666651 : f32
    %mul3A_1499 = vector.broadcast %mul3A_1498 : f32 to vector<32x224xf32>
    %mul3A_1500 = arith.mulf %sqrt3A_1497, %mul3A_1499 : vector<32x224xf32>
    %exp3A_1501 = math.exp %mul3A_1500 : vector<32x224xf32>
    %mul3A_1502 = arith.constant 3.000000e-01 : f32
    %mul3A_1503 = vector.broadcast %mul3A_1502 : f32 to vector<32x224xf32>
    %mul3A_1504 = arith.mulf %mul3A_1503, %exp3A_1501 : vector<32x224xf32>
    %mul3A_1505 = arith.mulf %select_n3A_101, %select_n3A_227 : vector<32x224xf32>
    %mul3A_1506 = arith.mulf %mul3A_1504, %mul3A_1505 : vector<32x224xf32>
    %add3A_1507 = arith.addf %add3A_1392, %mul3A_1506 : vector<32x224xf32>
    %neg3A_1508 = arith.constant 0.000000e+00 : f32
    %neg3A_1509 = vector.broadcast %neg3A_1508 : f32 to vector<32x224xf32>
    %neg3A_1510 = arith.subf %neg3A_1509, %mul3A_1506 : vector<32x224xf32>
    %swap3A_1511 = arith.constant 0 : index
    %swap3A_1512 = arith.constant 10240 : index
    %swap3A_1513 = vector.load %arg2[%swap3A_1511, %swap3A_1512] : memref<32x28928xf32, #tpu.memory_space<vmem>>, vector<32x224xf32>
    tpu.vector_store %arg2[%swap3A_1511, %swap3A_1512], %neg3A_1510 {strides = array<i32>} : memref<32x28928xf32, #tpu.memory_space<vmem>>, vector<32x224xf32>,
    %slice3A_1514 = vector.extract_strided_slice %slice3A_1455 {offsets = [0, 3], sizes = [32, 224], strides = [1, 1]} : vector<32x256xf32> to vector<32x224xf32>
    %slice3A_1515 = vector.extract_strided_slice %slice3A_1456 {offsets = [0, 3], sizes = [32, 224], strides = [1, 1]} : vector<32x256xf32> to vector<32x224xf32>
    %slice3A_1516 = vector.extract_strided_slice %slice3A_1457 {offsets = [0, 3], sizes = [32, 224], strides = [1, 1]} : vector<32x256xf32> to vector<32x224xf32>
    %sub3A_1517 = arith.subf %slice3A, %slice3A_1514 : vector<32x224xf32>
    %integer_pow3A_1518 = arith.mulf %sub3A_1517, %sub3A_1517 : vector<32x224xf32>
    %sub3A_1519 = arith.subf %slice3A_15, %slice3A_1515 : vector<32x224xf32>
    %integer_pow3A_1520 = arith.mulf %sub3A_1519, %sub3A_1519 : vector<32x224xf32>
    %add3A_1521 = arith.addf %integer_pow3A_1518, %integer_pow3A_1520 : vector<32x224xf32>
    %sub3A_1522 = arith.subf %slice3A_16, %slice3A_1516 : vector<32x224xf32>
    %integer_pow3A_1523 = arith.mulf %sub3A_1522, %sub3A_1522 : vector<32x224xf32>
    %add3A_1524 = arith.addf %add3A_1521, %integer_pow3A_1523 : vector<32x224xf32>
    %sqrt3A_1525 = math.sqrt %add3A_1524 : vector<32x224xf32>
    %mul3A_1526 = arith.constant -6.66666651 : f32
    %mul3A_1527 = vector.broadcast %mul3A_1526 : f32 to vector<32x224xf32>
    %mul3A_1528 = arith.mulf %sqrt3A_1525, %mul3A_1527 : vector<32x224xf32>
    %exp3A_1529 = math.exp %mul3A_1528 : vector<32x224xf32>
    %mul3A_1530 = arith.constant 6.000000e-01 : f32
    %mul3A_1531 = vector.broadcast %mul3A_1530 : f32 to vector<32x224xf32>
    %mul3A_1532 = arith.mulf %mul3A_1531, %exp3A_1529 : vector<32x224xf32>
    %mul3A_1533 = arith.mulf %select_n3A_101, %select_n3A_241 : vector<32x224xf32>
    %mul3A_1534 = arith.mulf %mul3A_1532, %mul3A_1533 : vector<32x224xf32>
    %add3A_1535 = arith.addf %add3A_1420, %mul3A_1534 : vector<32x224xf32>
    %neg3A_1536 = arith.constant 0.000000e+00 : f32
    %neg3A_1537 = vector.broadcast %neg3A_1536 : f32 to vector<32x224xf32>
    %neg3A_1538 = arith.subf %neg3A_1537, %mul3A_1534 : vector<32x224xf32>
    %swap3A_1539 = arith.constant 0 : index
    %swap3A_1540 = arith.constant 10496 : index
    %swap3A_1541 = vector.load %arg2[%swap3A_1539, %swap3A_1540] : memref<32x28928xf32, #tpu.memory_space<vmem>>, vector<32x224xf32>
    tpu.vector_store %arg2[%swap3A_1539, %swap3A_1540], %neg3A_1538 {strides = array<i32>} : memref<32x28928xf32, #tpu.memory_space<vmem>>, vector<32x224xf32>,
    %slice3A_1542 = vector.extract_strided_slice %slice3A_1455 {offsets = [0, 4], sizes = [32, 224], strides = [1, 1]} : vector<32x256xf32> to vector<32x224xf32>
    %slice3A_1543 = vector.extract_strided_slice %slice3A_1456 {offsets = [0, 4], sizes = [32, 224], strides = [1, 1]} : vector<32x256xf32> to vector<32x224xf32>
    %slice3A_1544 = vector.extract_strided_slice %slice3A_1457 {offsets = [0, 4], sizes = [32, 224], strides = [1, 1]} : vector<32x256xf32> to vector<32x224xf32>
    %sub3A_1545 = arith.subf %slice3A, %slice3A_1542 : vector<32x224xf32>
    %integer_pow3A_1546 = arith.mulf %sub3A_1545, %sub3A_1545 : vector<32x224xf32>
    %sub3A_1547 = arith.subf %slice3A_15, %slice3A_1543 : vector<32x224xf32>
    %integer_pow3A_1548 = arith.mulf %sub3A_1547, %sub3A_1547 : vector<32x224xf32>
    %add3A_1549 = arith.addf %integer_pow3A_1546, %integer_pow3A_1548 : vector<32x224xf32>
    %sub3A_1550 = arith.subf %slice3A_16, %slice3A_1544 : vector<32x224xf32>
    %integer_pow3A_1551 = arith.mulf %sub3A_1550, %sub3A_1550 : vector<32x224xf32>
    %add3A_1552 = arith.addf %add3A_1549, %integer_pow3A_1551 : vector<32x224xf32>
    %sqrt3A_1553 = math.sqrt %add3A_1552 : vector<32x224xf32>
    %mul3A_1554 = arith.constant -6.66666651 : f32
    %mul3A_1555 = vector.broadcast %mul3A_1554 : f32 to vector<32x224xf32>
    %mul3A_1556 = arith.mulf %sqrt3A_1553, %mul3A_1555 : vector<32x224xf32>
    %exp3A_1557 = math.exp %mul3A_1556 : vector<32x224xf32>
    %mul3A_1558 = arith.constant 1.000000e+00 : f32
    %mul3A_1559 = vector.broadcast %mul3A_1558 : f32 to vector<32x224xf32>
    %mul3A_1560 = arith.mulf %mul3A_1559, %exp3A_1557 : vector<32x224xf32>
    %mul3A_1561 = arith.mulf %select_n3A_101, %select_n3A_255 : vector<32x224xf32>
    %mul3A_1562 = arith.mulf %mul3A_1560, %mul3A_1561 : vector<32x224xf32>
    %add3A_1563 = arith.addf %add3A_1448, %mul3A_1562 : vector<32x224xf32>
    %neg3A_1564 = arith.constant 0.000000e+00 : f32
    %neg3A_1565 = vector.broadcast %neg3A_1564 : f32 to vector<32x224xf32>
    %neg3A_1566 = arith.subf %neg3A_1565, %mul3A_1562 : vector<32x224xf32>
    %swap3A_1567 = arith.constant 0 : index
    %swap3A_1568 = arith.constant 10752 : index
    %swap3A_1569 = vector.load %arg2[%swap3A_1567, %swap3A_1568] : memref<32x28928xf32, #tpu.memory_space<vmem>>, vector<32x224xf32>
    tpu.vector_store %arg2[%swap3A_1567, %swap3A_1568], %neg3A_1566 {strides = array<i32>} : memref<32x28928xf32, #tpu.memory_space<vmem>>, vector<32x224xf32>,
    %slice3A_1570 = vector.extract_strided_slice %slice3A_1455 {offsets = [0, 5], sizes = [32, 224], strides = [1, 1]} : vector<32x256xf32> to vector<32x224xf32>
    %slice3A_1571 = vector.extract_strided_slice %slice3A_1456 {offsets = [0, 5], sizes = [32, 224], strides = [1, 1]} : vector<32x256xf32> to vector<32x224xf32>
    %slice3A_1572 = vector.extract_strided_slice %slice3A_1457 {offsets = [0, 5], sizes = [32, 224], strides = [1, 1]} : vector<32x256xf32> to vector<32x224xf32>
    %sub3A_1573 = arith.subf %slice3A, %slice3A_1570 : vector<32x224xf32>
    %integer_pow3A_1574 = arith.mulf %sub3A_1573, %sub3A_1573 : vector<32x224xf32>
    %sub3A_1575 = arith.subf %slice3A_15, %slice3A_1571 : vector<32x224xf32>
    %integer_pow3A_1576 = arith.mulf %sub3A_1575, %sub3A_1575 : vector<32x224xf32>
    %add3A_1577 = arith.addf %integer_pow3A_1574, %integer_pow3A_1576 : vector<32x224xf32>
    %sub3A_1578 = arith.subf %slice3A_16, %slice3A_1572 : vector<32x224xf32>
    %integer_pow3A_1579 = arith.mulf %sub3A_1578, %sub3A_1578 : vector<32x224xf32>
    %add3A_1580 = arith.addf %add3A_1577, %integer_pow3A_1579 : vector<32x224xf32>
    %sqrt3A_1581 = math.sqrt %add3A_1580 : vector<32x224xf32>
    %mul3A_1582 = arith.constant -6.66666651 : f32
    %mul3A_1583 = vector.broadcast %mul3A_1582 : f32 to vector<32x224xf32>
    %mul3A_1584 = arith.mulf %sqrt3A_1581, %mul3A_1583 : vector<32x224xf32>
    %exp3A_1585 = math.exp %mul3A_1584 : vector<32x224xf32>
    %mul3A_1586 = arith.constant 1.600000e+00 : f32
    %mul3A_1587 = vector.broadcast %mul3A_1586 : f32 to vector<32x224xf32>
    %mul3A_1588 = arith.mulf %mul3A_1587, %exp3A_1585 : vector<32x224xf32>
    %mul3A_1589 = arith.mulf %select_n3A_101, %select_n3A_269 : vector<32x224xf32>
    %mul3A_1590 = arith.mulf %mul3A_1588, %mul3A_1589 : vector<32x224xf32>
    %add3A_1591 = arith.addf %add3A_1479, %mul3A_1590 : vector<32x224xf32>
    %neg3A_1592 = arith.constant 0.000000e+00 : f32
    %neg3A_1593 = vector.broadcast %neg3A_1592 : f32 to vector<32x224xf32>
    %neg3A_1594 = arith.subf %neg3A_1593, %mul3A_1590 : vector<32x224xf32>
    %swap3A_1595 = arith.constant 0 : index
    %swap3A_1596 = arith.constant 11008 : index
    %swap3A_1597 = vector.load %arg2[%swap3A_1595, %swap3A_1596] : memref<32x28928xf32, #tpu.memory_space<vmem>>, vector<32x224xf32>
    tpu.vector_store %arg2[%swap3A_1595, %swap3A_1596], %neg3A_1594 {strides = array<i32>} : memref<32x28928xf32, #tpu.memory_space<vmem>>, vector<32x224xf32>,
    %slice3A_1598 = vector.extract_strided_slice %slice3A_1455 {offsets = [0, 6], sizes = [32, 224], strides = [1, 1]} : vector<32x256xf32> to vector<32x224xf32>
    %slice3A_1599 = vector.extract_strided_slice %slice3A_1456 {offsets = [0, 6], sizes = [32, 224], strides = [1, 1]} : vector<32x256xf32> to vector<32x224xf32>
    %slice3A_1600 = vector.extract_strided_slice %slice3A_1457 {offsets = [0, 6], sizes = [32, 224], strides = [1, 1]} : vector<32x256xf32> to vector<32x224xf32>
    %sub3A_1601 = arith.subf %slice3A, %slice3A_1598 : vector<32x224xf32>
    %integer_pow3A_1602 = arith.mulf %sub3A_1601, %sub3A_1601 : vector<32x224xf32>
    %sub3A_1603 = arith.subf %slice3A_15, %slice3A_1599 : vector<32x224xf32>
    %integer_pow3A_1604 = arith.mulf %sub3A_1603, %sub3A_1603 : vector<32x224xf32>
    %add3A_1605 = arith.addf %integer_pow3A_1602, %integer_pow3A_1604 : vector<32x224xf32>
    %sub3A_1606 = arith.subf %slice3A_16, %slice3A_1600 : vector<32x224xf32>
    %integer_pow3A_1607 = arith.mulf %sub3A_1606, %sub3A_1606 : vector<32x224xf32>
    %add3A_1608 = arith.addf %add3A_1605, %integer_pow3A_1607 : vector<32x224xf32>
    %sqrt3A_1609 = math.sqrt %add3A_1608 : vector<32x224xf32>
    %mul3A_1610 = arith.constant -6.66666651 : f32
    %mul3A_1611 = vector.broadcast %mul3A_1610 : f32 to vector<32x224xf32>
    %mul3A_1612 = arith.mulf %sqrt3A_1609, %mul3A_1611 : vector<32x224xf32>
    %exp3A_1613 = math.exp %mul3A_1612 : vector<32x224xf32>
    %mul3A_1614 = arith.constant 2.600000e+00 : f32
    %mul3A_1615 = vector.broadcast %mul3A_1614 : f32 to vector<32x224xf32>
    %mul3A_1616 = arith.mulf %mul3A_1615, %exp3A_1613 : vector<32x224xf32>
    %mul3A_1617 = arith.mulf %select_n3A_101, %broadcast_in_dim3A_19 : vector<32x224xf32>
    %mul3A_1618 = arith.mulf %mul3A_1616, %mul3A_1617 : vector<32x224xf32>
    %add3A_1619 = arith.addf %add3A_1507, %mul3A_1618 : vector<32x224xf32>
    %neg3A_1620 = arith.constant 0.000000e+00 : f32
    %neg3A_1621 = vector.broadcast %neg3A_1620 : f32 to vector<32x224xf32>
    %neg3A_1622 = arith.subf %neg3A_1621, %mul3A_1618 : vector<32x224xf32>
    %swap3A_1623 = arith.constant 0 : index
    %swap3A_1624 = arith.constant 11264 : index
    %swap3A_1625 = vector.load %arg2[%swap3A_1623, %swap3A_1624] : memref<32x28928xf32, #tpu.memory_space<vmem>>, vector<32x224xf32>
    tpu.vector_store %arg2[%swap3A_1623, %swap3A_1624], %neg3A_1622 {strides = array<i32>} : memref<32x28928xf32, #tpu.memory_space<vmem>>, vector<32x224xf32>,
    %slice3A_1626 = vector.extract_strided_slice %slice3A_1455 {offsets = [0, 7], sizes = [32, 224], strides = [1, 1]} : vector<32x256xf32> to vector<32x224xf32>
    %slice3A_1627 = vector.extract_strided_slice %slice3A_1456 {offsets = [0, 7], sizes = [32, 224], strides = [1, 1]} : vector<32x256xf32> to vector<32x224xf32>
    %slice3A_1628 = vector.extract_strided_slice %slice3A_1457 {offsets = [0, 7], sizes = [32, 224], strides = [1, 1]} : vector<32x256xf32> to vector<32x224xf32>
    %sub3A_1629 = arith.subf %slice3A, %slice3A_1626 : vector<32x224xf32>
    %integer_pow3A_1630 = arith.mulf %sub3A_1629, %sub3A_1629 : vector<32x224xf32>
    %sub3A_1631 = arith.subf %slice3A_15, %slice3A_1627 : vector<32x224xf32>
    %integer_pow3A_1632 = arith.mulf %sub3A_1631, %sub3A_1631 : vector<32x224xf32>
    %add3A_1633 = arith.addf %integer_pow3A_1630, %integer_pow3A_1632 : vector<32x224xf32>
    %sub3A_1634 = arith.subf %slice3A_16, %slice3A_1628 : vector<32x224xf32>
    %integer_pow3A_1635 = arith.mulf %sub3A_1634, %sub3A_1634 : vector<32x224xf32>
    %add3A_1636 = arith.addf %add3A_1633, %integer_pow3A_1635 : vector<32x224xf32>
    %sqrt3A_1637 = math.sqrt %add3A_1636 : vector<32x224xf32>
    %mul3A_1638 = arith.constant -6.66666651 : f32
    %mul3A_1639 = vector.broadcast %mul3A_1638 : f32 to vector<32x224xf32>
    %mul3A_1640 = arith.mulf %sqrt3A_1637, %mul3A_1639 : vector<32x224xf32>
    %exp3A_1641 = math.exp %mul3A_1640 : vector<32x224xf32>
    %mul3A_1642 = arith.constant 1.600000e+00 : f32
    %mul3A_1643 = vector.broadcast %mul3A_1642 : f32 to vector<32x224xf32>
    %mul3A_1644 = arith.mulf %mul3A_1643, %exp3A_1641 : vector<32x224xf32>
    %mul3A_1645 = arith.mulf %select_n3A_101, %select_n3A_283 : vector<32x224xf32>
    %mul3A_1646 = arith.mulf %mul3A_1644, %mul3A_1645 : vector<32x224xf32>
    %add3A_1647 = arith.addf %add3A_1535, %mul3A_1646 : vector<32x224xf32>
    %neg3A_1648 = arith.constant 0.000000e+00 : f32
    %neg3A_1649 = vector.broadcast %neg3A_1648 : f32 to vector<32x224xf32>
    %neg3A_1650 = arith.subf %neg3A_1649, %mul3A_1646 : vector<32x224xf32>
    %swap3A_1651 = arith.constant 0 : index
    %swap3A_1652 = arith.constant 11520 : index
    %swap3A_1653 = vector.load %arg2[%swap3A_1651, %swap3A_1652] : memref<32x28928xf32, #tpu.memory_space<vmem>>, vector<32x224xf32>
    tpu.vector_store %arg2[%swap3A_1651, %swap3A_1652], %neg3A_1650 {strides = array<i32>} : memref<32x28928xf32, #tpu.memory_space<vmem>>, vector<32x224xf32>,
    %slice3A_1654 = vector.extract_strided_slice %slice3A_1455 {offsets = [0, 8], sizes = [32, 224], strides = [1, 1]} : vector<32x256xf32> to vector<32x224xf32>
    %slice3A_1655 = vector.extract_strided_slice %slice3A_1456 {offsets = [0, 8], sizes = [32, 224], strides = [1, 1]} : vector<32x256xf32> to vector<32x224xf32>
    %slice3A_1656 = vector.extract_strided_slice %slice3A_1457 {offsets = [0, 8], sizes = [32, 224], strides = [1, 1]} : vector<32x256xf32> to vector<32x224xf32>
    %sub3A_1657 = arith.subf %slice3A, %slice3A_1654 : vector<32x224xf32>
    %integer_pow3A_1658 = arith.mulf %sub3A_1657, %sub3A_1657 : vector<32x224xf32>
    %sub3A_1659 = arith.subf %slice3A_15, %slice3A_1655 : vector<32x224xf32>
    %integer_pow3A_1660 = arith.mulf %sub3A_1659, %sub3A_1659 : vector<32x224xf32>
    %add3A_1661 = arith.addf %integer_pow3A_1658, %integer_pow3A_1660 : vector<32x224xf32>
    %sub3A_1662 = arith.subf %slice3A_16, %slice3A_1656 : vector<32x224xf32>
    %integer_pow3A_1663 = arith.mulf %sub3A_1662, %sub3A_1662 : vector<32x224xf32>
    %add3A_1664 = arith.addf %add3A_1661, %integer_pow3A_1663 : vector<32x224xf32>
    %sqrt3A_1665 = math.sqrt %add3A_1664 : vector<32x224xf32>
    %mul3A_1666 = arith.constant -6.66666651 : f32
    %mul3A_1667 = vector.broadcast %mul3A_1666 : f32 to vector<32x224xf32>
    %mul3A_1668 = arith.mulf %sqrt3A_1665, %mul3A_1667 : vector<32x224xf32>
    %exp3A_1669 = math.exp %mul3A_1668 : vector<32x224xf32>
    %mul3A_1670 = arith.constant 1.000000e+00 : f32
    %mul3A_1671 = vector.broadcast %mul3A_1670 : f32 to vector<32x224xf32>
    %mul3A_1672 = arith.mulf %mul3A_1671, %exp3A_1669 : vector<32x224xf32>
    %mul3A_1673 = arith.mulf %select_n3A_101, %select_n3A_297 : vector<32x224xf32>
    %mul3A_1674 = arith.mulf %mul3A_1672, %mul3A_1673 : vector<32x224xf32>
    %add3A_1675 = arith.addf %add3A_1563, %mul3A_1674 : vector<32x224xf32>
    %neg3A_1676 = arith.constant 0.000000e+00 : f32
    %neg3A_1677 = vector.broadcast %neg3A_1676 : f32 to vector<32x224xf32>
    %neg3A_1678 = arith.subf %neg3A_1677, %mul3A_1674 : vector<32x224xf32>
    %swap3A_1679 = arith.constant 0 : index
    %swap3A_1680 = arith.constant 11776 : index
    %swap3A_1681 = vector.load %arg2[%swap3A_1679, %swap3A_1680] : memref<32x28928xf32, #tpu.memory_space<vmem>>, vector<32x224xf32>
    tpu.vector_store %arg2[%swap3A_1679, %swap3A_1680], %neg3A_1678 {strides = array<i32>} : memref<32x28928xf32, #tpu.memory_space<vmem>>, vector<32x224xf32>,
    %slice3A_1682 = vector.extract_strided_slice %slice3A_1455 {offsets = [0, 9], sizes = [32, 224], strides = [1, 1]} : vector<32x256xf32> to vector<32x224xf32>
    %slice3A_1683 = vector.extract_strided_slice %slice3A_1456 {offsets = [0, 9], sizes = [32, 224], strides = [1, 1]} : vector<32x256xf32> to vector<32x224xf32>
    %slice3A_1684 = vector.extract_strided_slice %slice3A_1457 {offsets = [0, 9], sizes = [32, 224], strides = [1, 1]} : vector<32x256xf32> to vector<32x224xf32>
    %sub3A_1685 = arith.subf %slice3A, %slice3A_1682 : vector<32x224xf32>
    %integer_pow3A_1686 = arith.mulf %sub3A_1685, %sub3A_1685 : vector<32x224xf32>
    %sub3A_1687 = arith.subf %slice3A_15, %slice3A_1683 : vector<32x224xf32>
    %integer_pow3A_1688 = arith.mulf %sub3A_1687, %sub3A_1687 : vector<32x224xf32>
    %add3A_1689 = arith.addf %integer_pow3A_1686, %integer_pow3A_1688 : vector<32x224xf32>
    %sub3A_1690 = arith.subf %slice3A_16, %slice3A_1684 : vector<32x224xf32>
    %integer_pow3A_1691 = arith.mulf %sub3A_1690, %sub3A_1690 : vector<32x224xf32>
    %add3A_1692 = arith.addf %add3A_1689, %integer_pow3A_1691 : vector<32x224xf32>
    %sqrt3A_1693 = math.sqrt %add3A_1692 : vector<32x224xf32>
    %mul3A_1694 = arith.constant -6.66666651 : f32
    %mul3A_1695 = vector.broadcast %mul3A_1694 : f32 to vector<32x224xf32>
    %mul3A_1696 = arith.mulf %sqrt3A_1693, %mul3A_1695 : vector<32x224xf32>
    %exp3A_1697 = math.exp %mul3A_1696 : vector<32x224xf32>
    %mul3A_1698 = arith.constant 6.000000e-01 : f32
    %mul3A_1699 = vector.broadcast %mul3A_1698 : f32 to vector<32x224xf32>
    %mul3A_1700 = arith.mulf %mul3A_1699, %exp3A_1697 : vector<32x224xf32>
    %mul3A_1701 = arith.mulf %select_n3A_101, %select_n3A_311 : vector<32x224xf32>
    %mul3A_1702 = arith.mulf %mul3A_1700, %mul3A_1701 : vector<32x224xf32>
    %add3A_1703 = arith.addf %add3A_1591, %mul3A_1702 : vector<32x224xf32>
    %neg3A_1704 = arith.constant 0.000000e+00 : f32
    %neg3A_1705 = vector.broadcast %neg3A_1704 : f32 to vector<32x224xf32>
    %neg3A_1706 = arith.subf %neg3A_1705, %mul3A_1702 : vector<32x224xf32>
    %swap3A_1707 = arith.constant 0 : index
    %swap3A_1708 = arith.constant 12032 : index
    %swap3A_1709 = vector.load %arg2[%swap3A_1707, %swap3A_1708] : memref<32x28928xf32, #tpu.memory_space<vmem>>, vector<32x224xf32>
    tpu.vector_store %arg2[%swap3A_1707, %swap3A_1708], %neg3A_1706 {strides = array<i32>} : memref<32x28928xf32, #tpu.memory_space<vmem>>, vector<32x224xf32>,
    %slice3A_1710 = vector.extract_strided_slice %slice3A_1455 {offsets = [0, 10], sizes = [32, 224], strides = [1, 1]} : vector<32x256xf32> to vector<32x224xf32>
    %slice3A_1711 = vector.extract_strided_slice %slice3A_1456 {offsets = [0, 10], sizes = [32, 224], strides = [1, 1]} : vector<32x256xf32> to vector<32x224xf32>
    %slice3A_1712 = vector.extract_strided_slice %slice3A_1457 {offsets = [0, 10], sizes = [32, 224], strides = [1, 1]} : vector<32x256xf32> to vector<32x224xf32>
    %sub3A_1713 = arith.subf %slice3A, %slice3A_1710 : vector<32x224xf32>
    %integer_pow3A_1714 = arith.mulf %sub3A_1713, %sub3A_1713 : vector<32x224xf32>
    %sub3A_1715 = arith.subf %slice3A_15, %slice3A_1711 : vector<32x224xf32>
    %integer_pow3A_1716 = arith.mulf %sub3A_1715, %sub3A_1715 : vector<32x224xf32>
    %add3A_1717 = arith.addf %integer_pow3A_1714, %integer_pow3A_1716 : vector<32x224xf32>
    %sub3A_1718 = arith.subf %slice3A_16, %slice3A_1712 : vector<32x224xf32>
    %integer_pow3A_1719 = arith.mulf %sub3A_1718, %sub3A_1718 : vector<32x224xf32>
    %add3A_1720 = arith.addf %add3A_1717, %integer_pow3A_1719 : vector<32x224xf32>
    %sqrt3A_1721 = math.sqrt %add3A_1720 : vector<32x224xf32>
    %mul3A_1722 = arith.constant -6.66666651 : f32
    %mul3A_1723 = vector.broadcast %mul3A_1722 : f32 to vector<32x224xf32>
    %mul3A_1724 = arith.mulf %sqrt3A_1721, %mul3A_1723 : vector<32x224xf32>
    %exp3A_1725 = math.exp %mul3A_1724 : vector<32x224xf32>
    %mul3A_1726 = arith.constant 3.000000e-01 : f32
    %mul3A_1727 = vector.broadcast %mul3A_1726 : f32 to vector<32x224xf32>
    %mul3A_1728 = arith.mulf %mul3A_1727, %exp3A_1725 : vector<32x224xf32>
    %mul3A_1729 = arith.mulf %select_n3A_101, %select_n3A_325 : vector<32x224xf32>
    %mul3A_1730 = arith.mulf %mul3A_1728, %mul3A_1729 : vector<32x224xf32>
    %add3A_1731 = arith.addf %add3A_1619, %mul3A_1730 : vector<32x224xf32>
    %neg3A_1732 = arith.constant 0.000000e+00 : f32
    %neg3A_1733 = vector.broadcast %neg3A_1732 : f32 to vector<32x224xf32>
    %neg3A_1734 = arith.subf %neg3A_1733, %mul3A_1730 : vector<32x224xf32>
    %swap3A_1735 = arith.constant 0 : index
    %swap3A_1736 = arith.constant 12288 : index
    %swap3A_1737 = vector.load %arg2[%swap3A_1735, %swap3A_1736] : memref<32x28928xf32, #tpu.memory_space<vmem>>, vector<32x224xf32>
    tpu.vector_store %arg2[%swap3A_1735, %swap3A_1736], %neg3A_1734 {strides = array<i32>} : memref<32x28928xf32, #tpu.memory_space<vmem>>, vector<32x224xf32>,
    %slice3A_1738 = vector.extract_strided_slice %slice3A_1455 {offsets = [0, 11], sizes = [32, 224], strides = [1, 1]} : vector<32x256xf32> to vector<32x224xf32>
    %slice3A_1739 = vector.extract_strided_slice %slice3A_1456 {offsets = [0, 11], sizes = [32, 224], strides = [1, 1]} : vector<32x256xf32> to vector<32x224xf32>
    %slice3A_1740 = vector.extract_strided_slice %slice3A_1457 {offsets = [0, 11], sizes = [32, 224], strides = [1, 1]} : vector<32x256xf32> to vector<32x224xf32>
    %sub3A_1741 = arith.subf %slice3A, %slice3A_1738 : vector<32x224xf32>
    %integer_pow3A_1742 = arith.mulf %sub3A_1741, %sub3A_1741 : vector<32x224xf32>
    %sub3A_1743 = arith.subf %slice3A_15, %slice3A_1739 : vector<32x224xf32>
    %integer_pow3A_1744 = arith.mulf %sub3A_1743, %sub3A_1743 : vector<32x224xf32>
    %add3A_1745 = arith.addf %integer_pow3A_1742, %integer_pow3A_1744 : vector<32x224xf32>
    %sub3A_1746 = arith.subf %slice3A_16, %slice3A_1740 : vector<32x224xf32>
    %integer_pow3A_1747 = arith.mulf %sub3A_1746, %sub3A_1746 : vector<32x224xf32>
    %add3A_1748 = arith.addf %add3A_1745, %integer_pow3A_1747 : vector<32x224xf32>
    %sqrt3A_1749 = math.sqrt %add3A_1748 : vector<32x224xf32>
    %mul3A_1750 = arith.constant -6.66666651 : f32
    %mul3A_1751 = vector.broadcast %mul3A_1750 : f32 to vector<32x224xf32>
    %mul3A_1752 = arith.mulf %sqrt3A_1749, %mul3A_1751 : vector<32x224xf32>
    %exp3A_1753 = math.exp %mul3A_1752 : vector<32x224xf32>
    %mul3A_1754 = arith.constant 1.000000e-01 : f32
    %mul3A_1755 = vector.broadcast %mul3A_1754 : f32 to vector<32x224xf32>
    %mul3A_1756 = arith.mulf %mul3A_1755, %exp3A_1753 : vector<32x224xf32>
    %mul3A_1757 = arith.mulf %select_n3A_101, %select_n3A_339 : vector<32x224xf32>
    %mul3A_1758 = arith.mulf %mul3A_1756, %mul3A_1757 : vector<32x224xf32>
    %add3A_1759 = arith.addf %add3A_1647, %mul3A_1758 : vector<32x224xf32>
    %neg3A_1760 = arith.constant 0.000000e+00 : f32
    %neg3A_1761 = vector.broadcast %neg3A_1760 : f32 to vector<32x224xf32>
    %neg3A_1762 = arith.subf %neg3A_1761, %mul3A_1758 : vector<32x224xf32>
    %swap3A_1763 = arith.constant 0 : index
    %swap3A_1764 = arith.constant 12544 : index
    %swap3A_1765 = vector.load %arg2[%swap3A_1763, %swap3A_1764] : memref<32x28928xf32, #tpu.memory_space<vmem>>, vector<32x224xf32>
    tpu.vector_store %arg2[%swap3A_1763, %swap3A_1764], %neg3A_1762 {strides = array<i32>} : memref<32x28928xf32, #tpu.memory_space<vmem>>, vector<32x224xf32>,
    %slice3A_1766 = vector.extract_strided_slice %get3A_4 {offsets = [6, 0], sizes = [32, 256], strides = [1, 1]} : vector<48x256xf32> to vector<32x256xf32>
    %slice3A_1767 = vector.extract_strided_slice %get3A_9 {offsets = [6, 0], sizes = [32, 256], strides = [1, 1]} : vector<48x256xf32> to vector<32x256xf32>
    %slice3A_1768 = vector.extract_strided_slice %get3A_14 {offsets = [6, 0], sizes = [32, 256], strides = [1, 1]} : vector<48x256xf32> to vector<32x256xf32>
    %slice3A_1769 = vector.extract_strided_slice %slice3A_1766 {offsets = [0, 0], sizes = [32, 224], strides = [1, 1]} : vector<32x256xf32> to vector<32x224xf32>
    %slice3A_1770 = vector.extract_strided_slice %slice3A_1767 {offsets = [0, 0], sizes = [32, 224], strides = [1, 1]} : vector<32x256xf32> to vector<32x224xf32>
    %slice3A_1771 = vector.extract_strided_slice %slice3A_1768 {offsets = [0, 0], sizes = [32, 224], strides = [1, 1]} : vector<32x256xf32> to vector<32x224xf32>
    %sub3A_1772 = arith.subf %slice3A, %slice3A_1769 : vector<32x224xf32>
    %integer_pow3A_1773 = arith.mulf %sub3A_1772, %sub3A_1772 : vector<32x224xf32>
    %sub3A_1774 = arith.subf %slice3A_15, %slice3A_1770 : vector<32x224xf32>
    %integer_pow3A_1775 = arith.mulf %sub3A_1774, %sub3A_1774 : vector<32x224xf32>
    %add3A_1776 = arith.addf %integer_pow3A_1773, %integer_pow3A_1775 : vector<32x224xf32>
    %sub3A_1777 = arith.subf %slice3A_16, %slice3A_1771 : vector<32x224xf32>
    %integer_pow3A_1778 = arith.mulf %sub3A_1777, %sub3A_1777 : vector<32x224xf32>
    %add3A_1779 = arith.addf %add3A_1776, %integer_pow3A_1778 : vector<32x224xf32>
    %sqrt3A_1780 = math.sqrt %add3A_1779 : vector<32x224xf32>
    %mul3A_1781 = arith.constant -6.66666651 : f32
    %mul3A_1782 = vector.broadcast %mul3A_1781 : f32 to vector<32x224xf32>
    %mul3A_1783 = arith.mulf %sqrt3A_1780, %mul3A_1782 : vector<32x224xf32>
    %exp3A_1784 = math.exp %mul3A_1783 : vector<32x224xf32>
    %mul3A_1785 = arith.constant 1.000000e-01 : f32
    %mul3A_1786 = vector.broadcast %mul3A_1785 : f32 to vector<32x224xf32>
    %mul3A_1787 = arith.mulf %mul3A_1786, %exp3A_1784 : vector<32x224xf32>
    %mul3A_1788 = arith.mulf %broadcast_in_dim3A_19, %select_n3A_199 : vector<32x224xf32>
    %mul3A_1789 = arith.mulf %mul3A_1787, %mul3A_1788 : vector<32x224xf32>
    %add3A_1790 = arith.addf %add3A_1675, %mul3A_1789 : vector<32x224xf32>
    %neg3A_1791 = arith.constant 0.000000e+00 : f32
    %neg3A_1792 = vector.broadcast %neg3A_1791 : f32 to vector<32x224xf32>
    %neg3A_1793 = arith.subf %neg3A_1792, %mul3A_1789 : vector<32x224xf32>
    %swap3A_1794 = arith.constant 0 : index
    %swap3A_1795 = arith.constant 12800 : index
    %swap3A_1796 = vector.load %arg2[%swap3A_1794, %swap3A_1795] : memref<32x28928xf32, #tpu.memory_space<vmem>>, vector<32x224xf32>
    tpu.vector_store %arg2[%swap3A_1794, %swap3A_1795], %neg3A_1793 {strides = array<i32>} : memref<32x28928xf32, #tpu.memory_space<vmem>>, vector<32x224xf32>,
    %slice3A_1797 = vector.extract_strided_slice %slice3A_1766 {offsets = [0, 1], sizes = [32, 224], strides = [1, 1]} : vector<32x256xf32> to vector<32x224xf32>
    %slice3A_1798 = vector.extract_strided_slice %slice3A_1767 {offsets = [0, 1], sizes = [32, 224], strides = [1, 1]} : vector<32x256xf32> to vector<32x224xf32>
    %slice3A_1799 = vector.extract_strided_slice %slice3A_1768 {offsets = [0, 1], sizes = [32, 224], strides = [1, 1]} : vector<32x256xf32> to vector<32x224xf32>
    %sub3A_1800 = arith.subf %slice3A, %slice3A_1797 : vector<32x224xf32>
    %integer_pow3A_1801 = arith.mulf %sub3A_1800, %sub3A_1800 : vector<32x224xf32>
    %sub3A_1802 = arith.subf %slice3A_15, %slice3A_1798 : vector<32x224xf32>
    %integer_pow3A_1803 = arith.mulf %sub3A_1802, %sub3A_1802 : vector<32x224xf32>
    %add3A_1804 = arith.addf %integer_pow3A_1801, %integer_pow3A_1803 : vector<32x224xf32>
    %sub3A_1805 = arith.subf %slice3A_16, %slice3A_1799 : vector<32x224xf32>
    %integer_pow3A_1806 = arith.mulf %sub3A_1805, %sub3A_1805 : vector<32x224xf32>
    %add3A_1807 = arith.addf %add3A_1804, %integer_pow3A_1806 : vector<32x224xf32>
    %sqrt3A_1808 = math.sqrt %add3A_1807 : vector<32x224xf32>
    %mul3A_1809 = arith.constant -6.66666651 : f32
    %mul3A_1810 = vector.broadcast %mul3A_1809 : f32 to vector<32x224xf32>
    %mul3A_1811 = arith.mulf %sqrt3A_1808, %mul3A_1810 : vector<32x224xf32>
    %exp3A_1812 = math.exp %mul3A_1811 : vector<32x224xf32>
    %mul3A_1813 = arith.constant 3.000000e-01 : f32
    %mul3A_1814 = vector.broadcast %mul3A_1813 : f32 to vector<32x224xf32>
    %mul3A_1815 = arith.mulf %mul3A_1814, %exp3A_1812 : vector<32x224xf32>
    %mul3A_1816 = arith.mulf %broadcast_in_dim3A_19, %select_n3A_213 : vector<32x224xf32>
    %mul3A_1817 = arith.mulf %mul3A_1815, %mul3A_1816 : vector<32x224xf32>
    %add3A_1818 = arith.addf %add3A_1703, %mul3A_1817 : vector<32x224xf32>
    %neg3A_1819 = arith.constant 0.000000e+00 : f32
    %neg3A_1820 = vector.broadcast %neg3A_1819 : f32 to vector<32x224xf32>
    %neg3A_1821 = arith.subf %neg3A_1820, %mul3A_1817 : vector<32x224xf32>
    %swap3A_1822 = arith.constant 0 : index
    %swap3A_1823 = arith.constant 13056 : index
    %swap3A_1824 = vector.load %arg2[%swap3A_1822, %swap3A_1823] : memref<32x28928xf32, #tpu.memory_space<vmem>>, vector<32x224xf32>
    tpu.vector_store %arg2[%swap3A_1822, %swap3A_1823], %neg3A_1821 {strides = array<i32>} : memref<32x28928xf32, #tpu.memory_space<vmem>>, vector<32x224xf32>,
    %slice3A_1825 = vector.extract_strided_slice %slice3A_1766 {offsets = [0, 2], sizes = [32, 224], strides = [1, 1]} : vector<32x256xf32> to vector<32x224xf32>
    %slice3A_1826 = vector.extract_strided_slice %slice3A_1767 {offsets = [0, 2], sizes = [32, 224], strides = [1, 1]} : vector<32x256xf32> to vector<32x224xf32>
    %slice3A_1827 = vector.extract_strided_slice %slice3A_1768 {offsets = [0, 2], sizes = [32, 224], strides = [1, 1]} : vector<32x256xf32> to vector<32x224xf32>
    %sub3A_1828 = arith.subf %slice3A, %slice3A_1825 : vector<32x224xf32>
    %integer_pow3A_1829 = arith.mulf %sub3A_1828, %sub3A_1828 : vector<32x224xf32>
    %sub3A_1830 = arith.subf %slice3A_15, %slice3A_1826 : vector<32x224xf32>
    %integer_pow3A_1831 = arith.mulf %sub3A_1830, %sub3A_1830 : vector<32x224xf32>
    %add3A_1832 = arith.addf %integer_pow3A_1829, %integer_pow3A_1831 : vector<32x224xf32>
    %sub3A_1833 = arith.subf %slice3A_16, %slice3A_1827 : vector<32x224xf32>
    %integer_pow3A_1834 = arith.mulf %sub3A_1833, %sub3A_1833 : vector<32x224xf32>
    %add3A_1835 = arith.addf %add3A_1832, %integer_pow3A_1834 : vector<32x224xf32>
    %sqrt3A_1836 = math.sqrt %add3A_1835 : vector<32x224xf32>
    %mul3A_1837 = arith.constant -6.66666651 : f32
    %mul3A_1838 = vector.broadcast %mul3A_1837 : f32 to vector<32x224xf32>
    %mul3A_1839 = arith.mulf %sqrt3A_1836, %mul3A_1838 : vector<32x224xf32>
    %exp3A_1840 = math.exp %mul3A_1839 : vector<32x224xf32>
    %mul3A_1841 = arith.constant 6.000000e-01 : f32
    %mul3A_1842 = vector.broadcast %mul3A_1841 : f32 to vector<32x224xf32>
    %mul3A_1843 = arith.mulf %mul3A_1842, %exp3A_1840 : vector<32x224xf32>
    %mul3A_1844 = arith.mulf %broadcast_in_dim3A_19, %select_n3A_227 : vector<32x224xf32>
    %mul3A_1845 = arith.mulf %mul3A_1843, %mul3A_1844 : vector<32x224xf32>
    %add3A_1846 = arith.addf %add3A_1731, %mul3A_1845 : vector<32x224xf32>
    %neg3A_1847 = arith.constant 0.000000e+00 : f32
    %neg3A_1848 = vector.broadcast %neg3A_1847 : f32 to vector<32x224xf32>
    %neg3A_1849 = arith.subf %neg3A_1848, %mul3A_1845 : vector<32x224xf32>
    %swap3A_1850 = arith.constant 0 : index
    %swap3A_1851 = arith.constant 13312 : index
    %swap3A_1852 = vector.load %arg2[%swap3A_1850, %swap3A_1851] : memref<32x28928xf32, #tpu.memory_space<vmem>>, vector<32x224xf32>
    tpu.vector_store %arg2[%swap3A_1850, %swap3A_1851], %neg3A_1849 {strides = array<i32>} : memref<32x28928xf32, #tpu.memory_space<vmem>>, vector<32x224xf32>,
    %slice3A_1853 = vector.extract_strided_slice %slice3A_1766 {offsets = [0, 3], sizes = [32, 224], strides = [1, 1]} : vector<32x256xf32> to vector<32x224xf32>
    %slice3A_1854 = vector.extract_strided_slice %slice3A_1767 {offsets = [0, 3], sizes = [32, 224], strides = [1, 1]} : vector<32x256xf32> to vector<32x224xf32>
    %slice3A_1855 = vector.extract_strided_slice %slice3A_1768 {offsets = [0, 3], sizes = [32, 224], strides = [1, 1]} : vector<32x256xf32> to vector<32x224xf32>
    %sub3A_1856 = arith.subf %slice3A, %slice3A_1853 : vector<32x224xf32>
    %integer_pow3A_1857 = arith.mulf %sub3A_1856, %sub3A_1856 : vector<32x224xf32>
    %sub3A_1858 = arith.subf %slice3A_15, %slice3A_1854 : vector<32x224xf32>
    %integer_pow3A_1859 = arith.mulf %sub3A_1858, %sub3A_1858 : vector<32x224xf32>
    %add3A_1860 = arith.addf %integer_pow3A_1857, %integer_pow3A_1859 : vector<32x224xf32>
    %sub3A_1861 = arith.subf %slice3A_16, %slice3A_1855 : vector<32x224xf32>
    %integer_pow3A_1862 = arith.mulf %sub3A_1861, %sub3A_1861 : vector<32x224xf32>
    %add3A_1863 = arith.addf %add3A_1860, %integer_pow3A_1862 : vector<32x224xf32>
    %sqrt3A_1864 = math.sqrt %add3A_1863 : vector<32x224xf32>
    %mul3A_1865 = arith.constant -6.66666651 : f32
    %mul3A_1866 = vector.broadcast %mul3A_1865 : f32 to vector<32x224xf32>
    %mul3A_1867 = arith.mulf %sqrt3A_1864, %mul3A_1866 : vector<32x224xf32>
    %exp3A_1868 = math.exp %mul3A_1867 : vector<32x224xf32>
    %mul3A_1869 = arith.constant 1.000000e+00 : f32
    %mul3A_1870 = vector.broadcast %mul3A_1869 : f32 to vector<32x224xf32>
    %mul3A_1871 = arith.mulf %mul3A_1870, %exp3A_1868 : vector<32x224xf32>
    %mul3A_1872 = arith.mulf %broadcast_in_dim3A_19, %select_n3A_241 : vector<32x224xf32>
    %mul3A_1873 = arith.mulf %mul3A_1871, %mul3A_1872 : vector<32x224xf32>
    %add3A_1874 = arith.addf %add3A_1759, %mul3A_1873 : vector<32x224xf32>
    %neg3A_1875 = arith.constant 0.000000e+00 : f32
    %neg3A_1876 = vector.broadcast %neg3A_1875 : f32 to vector<32x224xf32>
    %neg3A_1877 = arith.subf %neg3A_1876, %mul3A_1873 : vector<32x224xf32>
    %swap3A_1878 = arith.constant 0 : index
    %swap3A_1879 = arith.constant 13568 : index
    %swap3A_1880 = vector.load %arg2[%swap3A_1878, %swap3A_1879] : memref<32x28928xf32, #tpu.memory_space<vmem>>, vector<32x224xf32>
    tpu.vector_store %arg2[%swap3A_1878, %swap3A_1879], %neg3A_1877 {strides = array<i32>} : memref<32x28928xf32, #tpu.memory_space<vmem>>, vector<32x224xf32>,
    %slice3A_1881 = vector.extract_strided_slice %slice3A_1766 {offsets = [0, 4], sizes = [32, 224], strides = [1, 1]} : vector<32x256xf32> to vector<32x224xf32>
    %slice3A_1882 = vector.extract_strided_slice %slice3A_1767 {offsets = [0, 4], sizes = [32, 224], strides = [1, 1]} : vector<32x256xf32> to vector<32x224xf32>
    %slice3A_1883 = vector.extract_strided_slice %slice3A_1768 {offsets = [0, 4], sizes = [32, 224], strides = [1, 1]} : vector<32x256xf32> to vector<32x224xf32>
    %sub3A_1884 = arith.subf %slice3A, %slice3A_1881 : vector<32x224xf32>
    %integer_pow3A_1885 = arith.mulf %sub3A_1884, %sub3A_1884 : vector<32x224xf32>
    %sub3A_1886 = arith.subf %slice3A_15, %slice3A_1882 : vector<32x224xf32>
    %integer_pow3A_1887 = arith.mulf %sub3A_1886, %sub3A_1886 : vector<32x224xf32>
    %add3A_1888 = arith.addf %integer_pow3A_1885, %integer_pow3A_1887 : vector<32x224xf32>
    %sub3A_1889 = arith.subf %slice3A_16, %slice3A_1883 : vector<32x224xf32>
    %integer_pow3A_1890 = arith.mulf %sub3A_1889, %sub3A_1889 : vector<32x224xf32>
    %add3A_1891 = arith.addf %add3A_1888, %integer_pow3A_1890 : vector<32x224xf32>
    %sqrt3A_1892 = math.sqrt %add3A_1891 : vector<32x224xf32>
    %mul3A_1893 = arith.constant -6.66666651 : f32
    %mul3A_1894 = vector.broadcast %mul3A_1893 : f32 to vector<32x224xf32>
    %mul3A_1895 = arith.mulf %sqrt3A_1892, %mul3A_1894 : vector<32x224xf32>
    %exp3A_1896 = math.exp %mul3A_1895 : vector<32x224xf32>
    %mul3A_1897 = arith.constant 1.600000e+00 : f32
    %mul3A_1898 = vector.broadcast %mul3A_1897 : f32 to vector<32x224xf32>
    %mul3A_1899 = arith.mulf %mul3A_1898, %exp3A_1896 : vector<32x224xf32>
    %mul3A_1900 = arith.mulf %broadcast_in_dim3A_19, %select_n3A_255 : vector<32x224xf32>
    %mul3A_1901 = arith.mulf %mul3A_1899, %mul3A_1900 : vector<32x224xf32>
    %add3A_1902 = arith.addf %add3A_1790, %mul3A_1901 : vector<32x224xf32>
    %neg3A_1903 = arith.constant 0.000000e+00 : f32
    %neg3A_1904 = vector.broadcast %neg3A_1903 : f32 to vector<32x224xf32>
    %neg3A_1905 = arith.subf %neg3A_1904, %mul3A_1901 : vector<32x224xf32>
    %swap3A_1906 = arith.constant 0 : index
    %swap3A_1907 = arith.constant 13824 : index
    %swap3A_1908 = vector.load %arg2[%swap3A_1906, %swap3A_1907] : memref<32x28928xf32, #tpu.memory_space<vmem>>, vector<32x224xf32>
    tpu.vector_store %arg2[%swap3A_1906, %swap3A_1907], %neg3A_1905 {strides = array<i32>} : memref<32x28928xf32, #tpu.memory_space<vmem>>, vector<32x224xf32>,
    %slice3A_1909 = vector.extract_strided_slice %slice3A_1766 {offsets = [0, 5], sizes = [32, 224], strides = [1, 1]} : vector<32x256xf32> to vector<32x224xf32>
    %slice3A_1910 = vector.extract_strided_slice %slice3A_1767 {offsets = [0, 5], sizes = [32, 224], strides = [1, 1]} : vector<32x256xf32> to vector<32x224xf32>
    %slice3A_1911 = vector.extract_strided_slice %slice3A_1768 {offsets = [0, 5], sizes = [32, 224], strides = [1, 1]} : vector<32x256xf32> to vector<32x224xf32>
    %sub3A_1912 = arith.subf %slice3A, %slice3A_1909 : vector<32x224xf32>
    %integer_pow3A_1913 = arith.mulf %sub3A_1912, %sub3A_1912 : vector<32x224xf32>
    %sub3A_1914 = arith.subf %slice3A_15, %slice3A_1910 : vector<32x224xf32>
    %integer_pow3A_1915 = arith.mulf %sub3A_1914, %sub3A_1914 : vector<32x224xf32>
    %add3A_1916 = arith.addf %integer_pow3A_1913, %integer_pow3A_1915 : vector<32x224xf32>
    %sub3A_1917 = arith.subf %slice3A_16, %slice3A_1911 : vector<32x224xf32>
    %integer_pow3A_1918 = arith.mulf %sub3A_1917, %sub3A_1917 : vector<32x224xf32>
    %add3A_1919 = arith.addf %add3A_1916, %integer_pow3A_1918 : vector<32x224xf32>
    %sqrt3A_1920 = math.sqrt %add3A_1919 : vector<32x224xf32>
    %mul3A_1921 = arith.constant -6.66666651 : f32
    %mul3A_1922 = vector.broadcast %mul3A_1921 : f32 to vector<32x224xf32>
    %mul3A_1923 = arith.mulf %sqrt3A_1920, %mul3A_1922 : vector<32x224xf32>
    %exp3A_1924 = math.exp %mul3A_1923 : vector<32x224xf32>
    %mul3A_1925 = arith.constant 2.600000e+00 : f32
    %mul3A_1926 = vector.broadcast %mul3A_1925 : f32 to vector<32x224xf32>
    %mul3A_1927 = arith.mulf %mul3A_1926, %exp3A_1924 : vector<32x224xf32>
    %mul3A_1928 = arith.mulf %broadcast_in_dim3A_19, %select_n3A_269 : vector<32x224xf32>
    %mul3A_1929 = arith.mulf %mul3A_1927, %mul3A_1928 : vector<32x224xf32>
    %add3A_1930 = arith.addf %add3A_1818, %mul3A_1929 : vector<32x224xf32>
    %neg3A_1931 = arith.constant 0.000000e+00 : f32
    %neg3A_1932 = vector.broadcast %neg3A_1931 : f32 to vector<32x224xf32>
    %neg3A_1933 = arith.subf %neg3A_1932, %mul3A_1929 : vector<32x224xf32>
    %swap3A_1934 = arith.constant 0 : index
    %swap3A_1935 = arith.constant 14080 : index
    %swap3A_1936 = vector.load %arg2[%swap3A_1934, %swap3A_1935] : memref<32x28928xf32, #tpu.memory_space<vmem>>, vector<32x224xf32>
    tpu.vector_store %arg2[%swap3A_1934, %swap3A_1935], %neg3A_1933 {strides = array<i32>} : memref<32x28928xf32, #tpu.memory_space<vmem>>, vector<32x224xf32>,
    %slice3A_1937 = vector.extract_strided_slice %slice3A_1766 {offsets = [0, 7], sizes = [32, 224], strides = [1, 1]} : vector<32x256xf32> to vector<32x224xf32>
    %slice3A_1938 = vector.extract_strided_slice %slice3A_1767 {offsets = [0, 7], sizes = [32, 224], strides = [1, 1]} : vector<32x256xf32> to vector<32x224xf32>
    %slice3A_1939 = vector.extract_strided_slice %slice3A_1768 {offsets = [0, 7], sizes = [32, 224], strides = [1, 1]} : vector<32x256xf32> to vector<32x224xf32>
    %sub3A_1940 = arith.subf %slice3A, %slice3A_1937 : vector<32x224xf32>
    %integer_pow3A_1941 = arith.mulf %sub3A_1940, %sub3A_1940 : vector<32x224xf32>
    %sub3A_1942 = arith.subf %slice3A_15, %slice3A_1938 : vector<32x224xf32>
    %integer_pow3A_1943 = arith.mulf %sub3A_1942, %sub3A_1942 : vector<32x224xf32>
    %add3A_1944 = arith.addf %integer_pow3A_1941, %integer_pow3A_1943 : vector<32x224xf32>
    %sub3A_1945 = arith.subf %slice3A_16, %slice3A_1939 : vector<32x224xf32>
    %integer_pow3A_1946 = arith.mulf %sub3A_1945, %sub3A_1945 : vector<32x224xf32>
    %add3A_1947 = arith.addf %add3A_1944, %integer_pow3A_1946 : vector<32x224xf32>
    %sqrt3A_1948 = math.sqrt %add3A_1947 : vector<32x224xf32>
    %mul3A_1949 = arith.constant -6.66666651 : f32
    %mul3A_1950 = vector.broadcast %mul3A_1949 : f32 to vector<32x224xf32>
    %mul3A_1951 = arith.mulf %sqrt3A_1948, %mul3A_1950 : vector<32x224xf32>
    %exp3A_1952 = math.exp %mul3A_1951 : vector<32x224xf32>
    %mul3A_1953 = arith.constant 2.600000e+00 : f32
    %mul3A_1954 = vector.broadcast %mul3A_1953 : f32 to vector<32x224xf32>
    %mul3A_1955 = arith.mulf %mul3A_1954, %exp3A_1952 : vector<32x224xf32>
    %mul3A_1956 = arith.mulf %broadcast_in_dim3A_19, %select_n3A_283 : vector<32x224xf32>
    %mul3A_1957 = arith.mulf %mul3A_1955, %mul3A_1956 : vector<32x224xf32>
    %add3A_1958 = arith.addf %add3A_1874, %mul3A_1957 : vector<32x224xf32>
    %neg3A_1959 = arith.constant 0.000000e+00 : f32
    %neg3A_1960 = vector.broadcast %neg3A_1959 : f32 to vector<32x224xf32>
    %neg3A_1961 = arith.subf %neg3A_1960, %mul3A_1957 : vector<32x224xf32>
    %swap3A_1962 = arith.constant 0 : index
    %swap3A_1963 = arith.constant 14592 : index
    %swap3A_1964 = vector.load %arg2[%swap3A_1962, %swap3A_1963] : memref<32x28928xf32, #tpu.memory_space<vmem>>, vector<32x224xf32>
    tpu.vector_store %arg2[%swap3A_1962, %swap3A_1963], %neg3A_1961 {strides = array<i32>} : memref<32x28928xf32, #tpu.memory_space<vmem>>, vector<32x224xf32>,
    %slice3A_1965 = vector.extract_strided_slice %slice3A_1766 {offsets = [0, 8], sizes = [32, 224], strides = [1, 1]} : vector<32x256xf32> to vector<32x224xf32>
    %slice3A_1966 = vector.extract_strided_slice %slice3A_1767 {offsets = [0, 8], sizes = [32, 224], strides = [1, 1]} : vector<32x256xf32> to vector<32x224xf32>
    %slice3A_1967 = vector.extract_strided_slice %slice3A_1768 {offsets = [0, 8], sizes = [32, 224], strides = [1, 1]} : vector<32x256xf32> to vector<32x224xf32>
    %sub3A_1968 = arith.subf %slice3A, %slice3A_1965 : vector<32x224xf32>
    %integer_pow3A_1969 = arith.mulf %sub3A_1968, %sub3A_1968 : vector<32x224xf32>
    %sub3A_1970 = arith.subf %slice3A_15, %slice3A_1966 : vector<32x224xf32>
    %integer_pow3A_1971 = arith.mulf %sub3A_1970, %sub3A_1970 : vector<32x224xf32>
    %add3A_1972 = arith.addf %integer_pow3A_1969, %integer_pow3A_1971 : vector<32x224xf32>
    %sub3A_1973 = arith.subf %slice3A_16, %slice3A_1967 : vector<32x224xf32>
    %integer_pow3A_1974 = arith.mulf %sub3A_1973, %sub3A_1973 : vector<32x224xf32>
    %add3A_1975 = arith.addf %add3A_1972, %integer_pow3A_1974 : vector<32x224xf32>
    %sqrt3A_1976 = math.sqrt %add3A_1975 : vector<32x224xf32>
    %mul3A_1977 = arith.constant -6.66666651 : f32
    %mul3A_1978 = vector.broadcast %mul3A_1977 : f32 to vector<32x224xf32>
    %mul3A_1979 = arith.mulf %sqrt3A_1976, %mul3A_1978 : vector<32x224xf32>
    %exp3A_1980 = math.exp %mul3A_1979 : vector<32x224xf32>
    %mul3A_1981 = arith.constant 1.600000e+00 : f32
    %mul3A_1982 = vector.broadcast %mul3A_1981 : f32 to vector<32x224xf32>
    %mul3A_1983 = arith.mulf %mul3A_1982, %exp3A_1980 : vector<32x224xf32>
    %mul3A_1984 = arith.mulf %broadcast_in_dim3A_19, %select_n3A_297 : vector<32x224xf32>
    %mul3A_1985 = arith.mulf %mul3A_1983, %mul3A_1984 : vector<32x224xf32>
    %add3A_1986 = arith.addf %add3A_1902, %mul3A_1985 : vector<32x224xf32>
    %neg3A_1987 = arith.constant 0.000000e+00 : f32
    %neg3A_1988 = vector.broadcast %neg3A_1987 : f32 to vector<32x224xf32>
    %neg3A_1989 = arith.subf %neg3A_1988, %mul3A_1985 : vector<32x224xf32>
    %swap3A_1990 = arith.constant 0 : index
    %swap3A_1991 = arith.constant 14848 : index
    %swap3A_1992 = vector.load %arg2[%swap3A_1990, %swap3A_1991] : memref<32x28928xf32, #tpu.memory_space<vmem>>, vector<32x224xf32>
    tpu.vector_store %arg2[%swap3A_1990, %swap3A_1991], %neg3A_1989 {strides = array<i32>} : memref<32x28928xf32, #tpu.memory_space<vmem>>, vector<32x224xf32>,
    %slice3A_1993 = vector.extract_strided_slice %slice3A_1766 {offsets = [0, 9], sizes = [32, 224], strides = [1, 1]} : vector<32x256xf32> to vector<32x224xf32>
    %slice3A_1994 = vector.extract_strided_slice %slice3A_1767 {offsets = [0, 9], sizes = [32, 224], strides = [1, 1]} : vector<32x256xf32> to vector<32x224xf32>
    %slice3A_1995 = vector.extract_strided_slice %slice3A_1768 {offsets = [0, 9], sizes = [32, 224], strides = [1, 1]} : vector<32x256xf32> to vector<32x224xf32>
    %sub3A_1996 = arith.subf %slice3A, %slice3A_1993 : vector<32x224xf32>
    %integer_pow3A_1997 = arith.mulf %sub3A_1996, %sub3A_1996 : vector<32x224xf32>
    %sub3A_1998 = arith.subf %slice3A_15, %slice3A_1994 : vector<32x224xf32>
    %integer_pow3A_1999 = arith.mulf %sub3A_1998, %sub3A_1998 : vector<32x224xf32>
    %add3A_2000 = arith.addf %integer_pow3A_1997, %integer_pow3A_1999 : vector<32x224xf32>
    %sub3A_2001 = arith.subf %slice3A_16, %slice3A_1995 : vector<32x224xf32>
    %integer_pow3A_2002 = arith.mulf %sub3A_2001, %sub3A_2001 : vector<32x224xf32>
    %add3A_2003 = arith.addf %add3A_2000, %integer_pow3A_2002 : vector<32x224xf32>
    %sqrt3A_2004 = math.sqrt %add3A_2003 : vector<32x224xf32>
    %mul3A_2005 = arith.constant -6.66666651 : f32
    %mul3A_2006 = vector.broadcast %mul3A_2005 : f32 to vector<32x224xf32>
    %mul3A_2007 = arith.mulf %sqrt3A_2004, %mul3A_2006 : vector<32x224xf32>
    %exp3A_2008 = math.exp %mul3A_2007 : vector<32x224xf32>
    %mul3A_2009 = arith.constant 1.000000e+00 : f32
    %mul3A_2010 = vector.broadcast %mul3A_2009 : f32 to vector<32x224xf32>
    %mul3A_2011 = arith.mulf %mul3A_2010, %exp3A_2008 : vector<32x224xf32>
    %mul3A_2012 = arith.mulf %broadcast_in_dim3A_19, %select_n3A_311 : vector<32x224xf32>
    %mul3A_2013 = arith.mulf %mul3A_2011, %mul3A_2012 : vector<32x224xf32>
    %add3A_2014 = arith.addf %add3A_1930, %mul3A_2013 : vector<32x224xf32>
    %neg3A_2015 = arith.constant 0.000000e+00 : f32
    %neg3A_2016 = vector.broadcast %neg3A_2015 : f32 to vector<32x224xf32>
    %neg3A_2017 = arith.subf %neg3A_2016, %mul3A_2013 : vector<32x224xf32>
    %swap3A_2018 = arith.constant 0 : index
    %swap3A_2019 = arith.constant 15104 : index
    %swap3A_2020 = vector.load %arg2[%swap3A_2018, %swap3A_2019] : memref<32x28928xf32, #tpu.memory_space<vmem>>, vector<32x224xf32>
    tpu.vector_store %arg2[%swap3A_2018, %swap3A_2019], %neg3A_2017 {strides = array<i32>} : memref<32x28928xf32, #tpu.memory_space<vmem>>, vector<32x224xf32>,
    %slice3A_2021 = vector.extract_strided_slice %slice3A_1766 {offsets = [0, 10], sizes = [32, 224], strides = [1, 1]} : vector<32x256xf32> to vector<32x224xf32>
    %slice3A_2022 = vector.extract_strided_slice %slice3A_1767 {offsets = [0, 10], sizes = [32, 224], strides = [1, 1]} : vector<32x256xf32> to vector<32x224xf32>
    %slice3A_2023 = vector.extract_strided_slice %slice3A_1768 {offsets = [0, 10], sizes = [32, 224], strides = [1, 1]} : vector<32x256xf32> to vector<32x224xf32>
    %sub3A_2024 = arith.subf %slice3A, %slice3A_2021 : vector<32x224xf32>
    %integer_pow3A_2025 = arith.mulf %sub3A_2024, %sub3A_2024 : vector<32x224xf32>
    %sub3A_2026 = arith.subf %slice3A_15, %slice3A_2022 : vector<32x224xf32>
    %integer_pow3A_2027 = arith.mulf %sub3A_2026, %sub3A_2026 : vector<32x224xf32>
    %add3A_2028 = arith.addf %integer_pow3A_2025, %integer_pow3A_2027 : vector<32x224xf32>
    %sub3A_2029 = arith.subf %slice3A_16, %slice3A_2023 : vector<32x224xf32>
    %integer_pow3A_2030 = arith.mulf %sub3A_2029, %sub3A_2029 : vector<32x224xf32>
    %add3A_2031 = arith.addf %add3A_2028, %integer_pow3A_2030 : vector<32x224xf32>
    %sqrt3A_2032 = math.sqrt %add3A_2031 : vector<32x224xf32>
    %mul3A_2033 = arith.constant -6.66666651 : f32
    %mul3A_2034 = vector.broadcast %mul3A_2033 : f32 to vector<32x224xf32>
    %mul3A_2035 = arith.mulf %sqrt3A_2032, %mul3A_2034 : vector<32x224xf32>
    %exp3A_2036 = math.exp %mul3A_2035 : vector<32x224xf32>
    %mul3A_2037 = arith.constant 6.000000e-01 : f32
    %mul3A_2038 = vector.broadcast %mul3A_2037 : f32 to vector<32x224xf32>
    %mul3A_2039 = arith.mulf %mul3A_2038, %exp3A_2036 : vector<32x224xf32>
    %mul3A_2040 = arith.mulf %broadcast_in_dim3A_19, %select_n3A_325 : vector<32x224xf32>
    %mul3A_2041 = arith.mulf %mul3A_2039, %mul3A_2040 : vector<32x224xf32>
    %add3A_2042 = arith.addf %add3A_1846, %mul3A_2041 : vector<32x224xf32>
    %neg3A_2043 = arith.constant 0.000000e+00 : f32
    %neg3A_2044 = vector.broadcast %neg3A_2043 : f32 to vector<32x224xf32>
    %neg3A_2045 = arith.subf %neg3A_2044, %mul3A_2041 : vector<32x224xf32>
    %swap3A_2046 = arith.constant 0 : index
    %swap3A_2047 = arith.constant 15360 : index
    %swap3A_2048 = vector.load %arg2[%swap3A_2046, %swap3A_2047] : memref<32x28928xf32, #tpu.memory_space<vmem>>, vector<32x224xf32>
    tpu.vector_store %arg2[%swap3A_2046, %swap3A_2047], %neg3A_2045 {strides = array<i32>} : memref<32x28928xf32, #tpu.memory_space<vmem>>, vector<32x224xf32>,
    %slice3A_2049 = vector.extract_strided_slice %slice3A_1766 {offsets = [0, 11], sizes = [32, 224], strides = [1, 1]} : vector<32x256xf32> to vector<32x224xf32>
    %slice3A_2050 = vector.extract_strided_slice %slice3A_1767 {offsets = [0, 11], sizes = [32, 224], strides = [1, 1]} : vector<32x256xf32> to vector<32x224xf32>
    %slice3A_2051 = vector.extract_strided_slice %slice3A_1768 {offsets = [0, 11], sizes = [32, 224], strides = [1, 1]} : vector<32x256xf32> to vector<32x224xf32>
    %sub3A_2052 = arith.subf %slice3A, %slice3A_2049 : vector<32x224xf32>
    %integer_pow3A_2053 = arith.mulf %sub3A_2052, %sub3A_2052 : vector<32x224xf32>
    %sub3A_2054 = arith.subf %slice3A_15, %slice3A_2050 : vector<32x224xf32>
    %integer_pow3A_2055 = arith.mulf %sub3A_2054, %sub3A_2054 : vector<32x224xf32>
    %add3A_2056 = arith.addf %integer_pow3A_2053, %integer_pow3A_2055 : vector<32x224xf32>
    %sub3A_2057 = arith.subf %slice3A_16, %slice3A_2051 : vector<32x224xf32>
    %integer_pow3A_2058 = arith.mulf %sub3A_2057, %sub3A_2057 : vector<32x224xf32>
    %add3A_2059 = arith.addf %add3A_2056, %integer_pow3A_2058 : vector<32x224xf32>
    %sqrt3A_2060 = math.sqrt %add3A_2059 : vector<32x224xf32>
    %mul3A_2061 = arith.constant -6.66666651 : f32
    %mul3A_2062 = vector.broadcast %mul3A_2061 : f32 to vector<32x224xf32>
    %mul3A_2063 = arith.mulf %sqrt3A_2060, %mul3A_2062 : vector<32x224xf32>
    %exp3A_2064 = math.exp %mul3A_2063 : vector<32x224xf32>
    %mul3A_2065 = arith.constant 3.000000e-01 : f32
    %mul3A_2066 = vector.broadcast %mul3A_2065 : f32 to vector<32x224xf32>
    %mul3A_2067 = arith.mulf %mul3A_2066, %exp3A_2064 : vector<32x224xf32>
    %mul3A_2068 = arith.mulf %broadcast_in_dim3A_19, %select_n3A_339 : vector<32x224xf32>
    %mul3A_2069 = arith.mulf %mul3A_2067, %mul3A_2068 : vector<32x224xf32>
    %add3A_2070 = arith.addf %add3A_1958, %mul3A_2069 : vector<32x224xf32>
    %neg3A_2071 = arith.constant 0.000000e+00 : f32
    %neg3A_2072 = vector.broadcast %neg3A_2071 : f32 to vector<32x224xf32>
    %neg3A_2073 = arith.subf %neg3A_2072, %mul3A_2069 : vector<32x224xf32>
    %swap3A_2074 = arith.constant 0 : index
    %swap3A_2075 = arith.constant 15616 : index
    %swap3A_2076 = vector.load %arg2[%swap3A_2074, %swap3A_2075] : memref<32x28928xf32, #tpu.memory_space<vmem>>, vector<32x224xf32>
    tpu.vector_store %arg2[%swap3A_2074, %swap3A_2075], %neg3A_2073 {strides = array<i32>} : memref<32x28928xf32, #tpu.memory_space<vmem>>, vector<32x224xf32>,
    %slice3A_2077 = vector.extract_strided_slice %slice3A_1766 {offsets = [0, 12], sizes = [32, 224], strides = [1, 1]} : vector<32x256xf32> to vector<32x224xf32>
    %slice3A_2078 = vector.extract_strided_slice %slice3A_1767 {offsets = [0, 12], sizes = [32, 224], strides = [1, 1]} : vector<32x256xf32> to vector<32x224xf32>
    %slice3A_2079 = vector.extract_strided_slice %slice3A_1768 {offsets = [0, 12], sizes = [32, 224], strides = [1, 1]} : vector<32x256xf32> to vector<32x224xf32>
    %sub3A_2080 = arith.subf %slice3A, %slice3A_2077 : vector<32x224xf32>
    %integer_pow3A_2081 = arith.mulf %sub3A_2080, %sub3A_2080 : vector<32x224xf32>
    %sub3A_2082 = arith.subf %slice3A_15, %slice3A_2078 : vector<32x224xf32>
    %integer_pow3A_2083 = arith.mulf %sub3A_2082, %sub3A_2082 : vector<32x224xf32>
    %add3A_2084 = arith.addf %integer_pow3A_2081, %integer_pow3A_2083 : vector<32x224xf32>
    %sub3A_2085 = arith.subf %slice3A_16, %slice3A_2079 : vector<32x224xf32>
    %integer_pow3A_2086 = arith.mulf %sub3A_2085, %sub3A_2085 : vector<32x224xf32>
    %add3A_2087 = arith.addf %add3A_2084, %integer_pow3A_2086 : vector<32x224xf32>
    %sqrt3A_2088 = math.sqrt %add3A_2087 : vector<32x224xf32>
    %mul3A_2089 = arith.constant -6.66666651 : f32
    %mul3A_2090 = vector.broadcast %mul3A_2089 : f32 to vector<32x224xf32>
    %mul3A_2091 = arith.mulf %sqrt3A_2088, %mul3A_2090 : vector<32x224xf32>
    %exp3A_2092 = math.exp %mul3A_2091 : vector<32x224xf32>
    %mul3A_2093 = arith.constant 1.000000e-01 : f32
    %mul3A_2094 = vector.broadcast %mul3A_2093 : f32 to vector<32x224xf32>
    %mul3A_2095 = arith.mulf %mul3A_2094, %exp3A_2092 : vector<32x224xf32>
    %mul3A_2096 = arith.mulf %broadcast_in_dim3A_19, %select_n3A_353 : vector<32x224xf32>
    %mul3A_2097 = arith.mulf %mul3A_2095, %mul3A_2096 : vector<32x224xf32>
    %add3A_2098 = arith.addf %add3A_1986, %mul3A_2097 : vector<32x224xf32>
    %neg3A_2099 = arith.constant 0.000000e+00 : f32
    %neg3A_2100 = vector.broadcast %neg3A_2099 : f32 to vector<32x224xf32>
    %neg3A_2101 = arith.subf %neg3A_2100, %mul3A_2097 : vector<32x224xf32>
    %swap3A_2102 = arith.constant 0 : index
    %swap3A_2103 = arith.constant 15872 : index
    %swap3A_2104 = vector.load %arg2[%swap3A_2102, %swap3A_2103] : memref<32x28928xf32, #tpu.memory_space<vmem>>, vector<32x224xf32>
    tpu.vector_store %arg2[%swap3A_2102, %swap3A_2103], %neg3A_2101 {strides = array<i32>} : memref<32x28928xf32, #tpu.memory_space<vmem>>, vector<32x224xf32>,
    %slice3A_2105 = vector.extract_strided_slice %get3A_4 {offsets = [7, 0], sizes = [32, 256], strides = [1, 1]} : vector<48x256xf32> to vector<32x256xf32>
    %slice3A_2106 = vector.extract_strided_slice %get3A_9 {offsets = [7, 0], sizes = [32, 256], strides = [1, 1]} : vector<48x256xf32> to vector<32x256xf32>
    %slice3A_2107 = vector.extract_strided_slice %get3A_14 {offsets = [7, 0], sizes = [32, 256], strides = [1, 1]} : vector<48x256xf32> to vector<32x256xf32>
    %slice3A_2108 = vector.extract_strided_slice %slice3A_2105 {offsets = [0, 1], sizes = [32, 224], strides = [1, 1]} : vector<32x256xf32> to vector<32x224xf32>
    %slice3A_2109 = vector.extract_strided_slice %slice3A_2106 {offsets = [0, 1], sizes = [32, 224], strides = [1, 1]} : vector<32x256xf32> to vector<32x224xf32>
    %slice3A_2110 = vector.extract_strided_slice %slice3A_2107 {offsets = [0, 1], sizes = [32, 224], strides = [1, 1]} : vector<32x256xf32> to vector<32x224xf32>
    %sub3A_2111 = arith.subf %slice3A, %slice3A_2108 : vector<32x224xf32>
    %integer_pow3A_2112 = arith.mulf %sub3A_2111, %sub3A_2111 : vector<32x224xf32>
    %sub3A_2113 = arith.subf %slice3A_15, %slice3A_2109 : vector<32x224xf32>
    %integer_pow3A_2114 = arith.mulf %sub3A_2113, %sub3A_2113 : vector<32x224xf32>
    %add3A_2115 = arith.addf %integer_pow3A_2112, %integer_pow3A_2114 : vector<32x224xf32>
    %sub3A_2116 = arith.subf %slice3A_16, %slice3A_2110 : vector<32x224xf32>
    %integer_pow3A_2117 = arith.mulf %sub3A_2116, %sub3A_2116 : vector<32x224xf32>
    %add3A_2118 = arith.addf %add3A_2115, %integer_pow3A_2117 : vector<32x224xf32>
    %sqrt3A_2119 = math.sqrt %add3A_2118 : vector<32x224xf32>
    %mul3A_2120 = arith.constant -6.66666651 : f32
    %mul3A_2121 = vector.broadcast %mul3A_2120 : f32 to vector<32x224xf32>
    %mul3A_2122 = arith.mulf %sqrt3A_2119, %mul3A_2121 : vector<32x224xf32>
    %exp3A_2123 = math.exp %mul3A_2122 : vector<32x224xf32>
    %mul3A_2124 = arith.constant 1.000000e-01 : f32
    %mul3A_2125 = vector.broadcast %mul3A_2124 : f32 to vector<32x224xf32>
    %mul3A_2126 = arith.mulf %mul3A_2125, %exp3A_2123 : vector<32x224xf32>
    %mul3A_2127 = arith.mulf %select_n3A_115, %select_n3A_213 : vector<32x224xf32>
    %mul3A_2128 = arith.mulf %mul3A_2126, %mul3A_2127 : vector<32x224xf32>
    %add3A_2129 = arith.addf %add3A_2014, %mul3A_2128 : vector<32x224xf32>
    %neg3A_2130 = arith.constant 0.000000e+00 : f32
    %neg3A_2131 = vector.broadcast %neg3A_2130 : f32 to vector<32x224xf32>
    %neg3A_2132 = arith.subf %neg3A_2131, %mul3A_2128 : vector<32x224xf32>
    %swap3A_2133 = arith.constant 0 : index
    %swap3A_2134 = arith.constant 16128 : index
    %swap3A_2135 = vector.load %arg2[%swap3A_2133, %swap3A_2134] : memref<32x28928xf32, #tpu.memory_space<vmem>>, vector<32x224xf32>
    tpu.vector_store %arg2[%swap3A_2133, %swap3A_2134], %neg3A_2132 {strides = array<i32>} : memref<32x28928xf32, #tpu.memory_space<vmem>>, vector<32x224xf32>,
    %slice3A_2136 = vector.extract_strided_slice %slice3A_2105 {offsets = [0, 2], sizes = [32, 224], strides = [1, 1]} : vector<32x256xf32> to vector<32x224xf32>
    %slice3A_2137 = vector.extract_strided_slice %slice3A_2106 {offsets = [0, 2], sizes = [32, 224], strides = [1, 1]} : vector<32x256xf32> to vector<32x224xf32>
    %slice3A_2138 = vector.extract_strided_slice %slice3A_2107 {offsets = [0, 2], sizes = [32, 224], strides = [1, 1]} : vector<32x256xf32> to vector<32x224xf32>
    %sub3A_2139 = arith.subf %slice3A, %slice3A_2136 : vector<32x224xf32>
    %integer_pow3A_2140 = arith.mulf %sub3A_2139, %sub3A_2139 : vector<32x224xf32>
    %sub3A_2141 = arith.subf %slice3A_15, %slice3A_2137 : vector<32x224xf32>
    %integer_pow3A_2142 = arith.mulf %sub3A_2141, %sub3A_2141 : vector<32x224xf32>
    %add3A_2143 = arith.addf %integer_pow3A_2140, %integer_pow3A_2142 : vector<32x224xf32>
    %sub3A_2144 = arith.subf %slice3A_16, %slice3A_2138 : vector<32x224xf32>
    %integer_pow3A_2145 = arith.mulf %sub3A_2144, %sub3A_2144 : vector<32x224xf32>
    %add3A_2146 = arith.addf %add3A_2143, %integer_pow3A_2145 : vector<32x224xf32>
    %sqrt3A_2147 = math.sqrt %add3A_2146 : vector<32x224xf32>
    %mul3A_2148 = arith.constant -6.66666651 : f32
    %mul3A_2149 = vector.broadcast %mul3A_2148 : f32 to vector<32x224xf32>
    %mul3A_2150 = arith.mulf %sqrt3A_2147, %mul3A_2149 : vector<32x224xf32>
    %exp3A_2151 = math.exp %mul3A_2150 : vector<32x224xf32>
    %mul3A_2152 = arith.constant 3.000000e-01 : f32
    %mul3A_2153 = vector.broadcast %mul3A_2152 : f32 to vector<32x224xf32>
    %mul3A_2154 = arith.mulf %mul3A_2153, %exp3A_2151 : vector<32x224xf32>
    %mul3A_2155 = arith.mulf %select_n3A_115, %select_n3A_227 : vector<32x224xf32>
    %mul3A_2156 = arith.mulf %mul3A_2154, %mul3A_2155 : vector<32x224xf32>
    %add3A_2157 = arith.addf %add3A_2042, %mul3A_2156 : vector<32x224xf32>
    %neg3A_2158 = arith.constant 0.000000e+00 : f32
    %neg3A_2159 = vector.broadcast %neg3A_2158 : f32 to vector<32x224xf32>
    %neg3A_2160 = arith.subf %neg3A_2159, %mul3A_2156 : vector<32x224xf32>
    %swap3A_2161 = arith.constant 0 : index
    %swap3A_2162 = arith.constant 16384 : index
    %swap3A_2163 = vector.load %arg2[%swap3A_2161, %swap3A_2162] : memref<32x28928xf32, #tpu.memory_space<vmem>>, vector<32x224xf32>
    tpu.vector_store %arg2[%swap3A_2161, %swap3A_2162], %neg3A_2160 {strides = array<i32>} : memref<32x28928xf32, #tpu.memory_space<vmem>>, vector<32x224xf32>,
    %slice3A_2164 = vector.extract_strided_slice %slice3A_2105 {offsets = [0, 3], sizes = [32, 224], strides = [1, 1]} : vector<32x256xf32> to vector<32x224xf32>
    %slice3A_2165 = vector.extract_strided_slice %slice3A_2106 {offsets = [0, 3], sizes = [32, 224], strides = [1, 1]} : vector<32x256xf32> to vector<32x224xf32>
    %slice3A_2166 = vector.extract_strided_slice %slice3A_2107 {offsets = [0, 3], sizes = [32, 224], strides = [1, 1]} : vector<32x256xf32> to vector<32x224xf32>
    %sub3A_2167 = arith.subf %slice3A, %slice3A_2164 : vector<32x224xf32>
    %integer_pow3A_2168 = arith.mulf %sub3A_2167, %sub3A_2167 : vector<32x224xf32>
    %sub3A_2169 = arith.subf %slice3A_15, %slice3A_2165 : vector<32x224xf32>
    %integer_pow3A_2170 = arith.mulf %sub3A_2169, %sub3A_2169 : vector<32x224xf32>
    %add3A_2171 = arith.addf %integer_pow3A_2168, %integer_pow3A_2170 : vector<32x224xf32>
    %sub3A_2172 = arith.subf %slice3A_16, %slice3A_2166 : vector<32x224xf32>
    %integer_pow3A_2173 = arith.mulf %sub3A_2172, %sub3A_2172 : vector<32x224xf32>
    %add3A_2174 = arith.addf %add3A_2171, %integer_pow3A_2173 : vector<32x224xf32>
    %sqrt3A_2175 = math.sqrt %add3A_2174 : vector<32x224xf32>
    %mul3A_2176 = arith.constant -6.66666651 : f32
    %mul3A_2177 = vector.broadcast %mul3A_2176 : f32 to vector<32x224xf32>
    %mul3A_2178 = arith.mulf %sqrt3A_2175, %mul3A_2177 : vector<32x224xf32>
    %exp3A_2179 = math.exp %mul3A_2178 : vector<32x224xf32>
    %mul3A_2180 = arith.constant 6.000000e-01 : f32
    %mul3A_2181 = vector.broadcast %mul3A_2180 : f32 to vector<32x224xf32>
    %mul3A_2182 = arith.mulf %mul3A_2181, %exp3A_2179 : vector<32x224xf32>
    %mul3A_2183 = arith.mulf %select_n3A_115, %select_n3A_241 : vector<32x224xf32>
    %mul3A_2184 = arith.mulf %mul3A_2182, %mul3A_2183 : vector<32x224xf32>
    %add3A_2185 = arith.addf %add3A_2070, %mul3A_2184 : vector<32x224xf32>
    %neg3A_2186 = arith.constant 0.000000e+00 : f32
    %neg3A_2187 = vector.broadcast %neg3A_2186 : f32 to vector<32x224xf32>
    %neg3A_2188 = arith.subf %neg3A_2187, %mul3A_2184 : vector<32x224xf32>
    %swap3A_2189 = arith.constant 0 : index
    %swap3A_2190 = arith.constant 16640 : index
    %swap3A_2191 = vector.load %arg2[%swap3A_2189, %swap3A_2190] : memref<32x28928xf32, #tpu.memory_space<vmem>>, vector<32x224xf32>
    tpu.vector_store %arg2[%swap3A_2189, %swap3A_2190], %neg3A_2188 {strides = array<i32>} : memref<32x28928xf32, #tpu.memory_space<vmem>>, vector<32x224xf32>,
    %slice3A_2192 = vector.extract_strided_slice %slice3A_2105 {offsets = [0, 4], sizes = [32, 224], strides = [1, 1]} : vector<32x256xf32> to vector<32x224xf32>
    %slice3A_2193 = vector.extract_strided_slice %slice3A_2106 {offsets = [0, 4], sizes = [32, 224], strides = [1, 1]} : vector<32x256xf32> to vector<32x224xf32>
    %slice3A_2194 = vector.extract_strided_slice %slice3A_2107 {offsets = [0, 4], sizes = [32, 224], strides = [1, 1]} : vector<32x256xf32> to vector<32x224xf32>
    %sub3A_2195 = arith.subf %slice3A, %slice3A_2192 : vector<32x224xf32>
    %integer_pow3A_2196 = arith.mulf %sub3A_2195, %sub3A_2195 : vector<32x224xf32>
    %sub3A_2197 = arith.subf %slice3A_15, %slice3A_2193 : vector<32x224xf32>
    %integer_pow3A_2198 = arith.mulf %sub3A_2197, %sub3A_2197 : vector<32x224xf32>
    %add3A_2199 = arith.addf %integer_pow3A_2196, %integer_pow3A_2198 : vector<32x224xf32>
    %sub3A_2200 = arith.subf %slice3A_16, %slice3A_2194 : vector<32x224xf32>
    %integer_pow3A_2201 = arith.mulf %sub3A_2200, %sub3A_2200 : vector<32x224xf32>
    %add3A_2202 = arith.addf %add3A_2199, %integer_pow3A_2201 : vector<32x224xf32>
    %sqrt3A_2203 = math.sqrt %add3A_2202 : vector<32x224xf32>
    %mul3A_2204 = arith.constant -6.66666651 : f32
    %mul3A_2205 = vector.broadcast %mul3A_2204 : f32 to vector<32x224xf32>
    %mul3A_2206 = arith.mulf %sqrt3A_2203, %mul3A_2205 : vector<32x224xf32>
    %exp3A_2207 = math.exp %mul3A_2206 : vector<32x224xf32>
    %mul3A_2208 = arith.constant 1.000000e+00 : f32
    %mul3A_2209 = vector.broadcast %mul3A_2208 : f32 to vector<32x224xf32>
    %mul3A_2210 = arith.mulf %mul3A_2209, %exp3A_2207 : vector<32x224xf32>
    %mul3A_2211 = arith.mulf %select_n3A_115, %select_n3A_255 : vector<32x224xf32>
    %mul3A_2212 = arith.mulf %mul3A_2210, %mul3A_2211 : vector<32x224xf32>
    %add3A_2213 = arith.addf %add3A_2098, %mul3A_2212 : vector<32x224xf32>
    %neg3A_2214 = arith.constant 0.000000e+00 : f32
    %neg3A_2215 = vector.broadcast %neg3A_2214 : f32 to vector<32x224xf32>
    %neg3A_2216 = arith.subf %neg3A_2215, %mul3A_2212 : vector<32x224xf32>
    %swap3A_2217 = arith.constant 0 : index
    %swap3A_2218 = arith.constant 16896 : index
    %swap3A_2219 = vector.load %arg2[%swap3A_2217, %swap3A_2218] : memref<32x28928xf32, #tpu.memory_space<vmem>>, vector<32x224xf32>
    tpu.vector_store %arg2[%swap3A_2217, %swap3A_2218], %neg3A_2216 {strides = array<i32>} : memref<32x28928xf32, #tpu.memory_space<vmem>>, vector<32x224xf32>,
    %slice3A_2220 = vector.extract_strided_slice %slice3A_2105 {offsets = [0, 5], sizes = [32, 224], strides = [1, 1]} : vector<32x256xf32> to vector<32x224xf32>
    %slice3A_2221 = vector.extract_strided_slice %slice3A_2106 {offsets = [0, 5], sizes = [32, 224], strides = [1, 1]} : vector<32x256xf32> to vector<32x224xf32>
    %slice3A_2222 = vector.extract_strided_slice %slice3A_2107 {offsets = [0, 5], sizes = [32, 224], strides = [1, 1]} : vector<32x256xf32> to vector<32x224xf32>
    %sub3A_2223 = arith.subf %slice3A, %slice3A_2220 : vector<32x224xf32>
    %integer_pow3A_2224 = arith.mulf %sub3A_2223, %sub3A_2223 : vector<32x224xf32>
    %sub3A_2225 = arith.subf %slice3A_15, %slice3A_2221 : vector<32x224xf32>
    %integer_pow3A_2226 = arith.mulf %sub3A_2225, %sub3A_2225 : vector<32x224xf32>
    %add3A_2227 = arith.addf %integer_pow3A_2224, %integer_pow3A_2226 : vector<32x224xf32>
    %sub3A_2228 = arith.subf %slice3A_16, %slice3A_2222 : vector<32x224xf32>
    %integer_pow3A_2229 = arith.mulf %sub3A_2228, %sub3A_2228 : vector<32x224xf32>
    %add3A_2230 = arith.addf %add3A_2227, %integer_pow3A_2229 : vector<32x224xf32>
    %sqrt3A_2231 = math.sqrt %add3A_2230 : vector<32x224xf32>
    %mul3A_2232 = arith.constant -6.66666651 : f32
    %mul3A_2233 = vector.broadcast %mul3A_2232 : f32 to vector<32x224xf32>
    %mul3A_2234 = arith.mulf %sqrt3A_2231, %mul3A_2233 : vector<32x224xf32>
    %exp3A_2235 = math.exp %mul3A_2234 : vector<32x224xf32>
    %mul3A_2236 = arith.constant 1.600000e+00 : f32
    %mul3A_2237 = vector.broadcast %mul3A_2236 : f32 to vector<32x224xf32>
    %mul3A_2238 = arith.mulf %mul3A_2237, %exp3A_2235 : vector<32x224xf32>
    %mul3A_2239 = arith.mulf %select_n3A_115, %select_n3A_269 : vector<32x224xf32>
    %mul3A_2240 = arith.mulf %mul3A_2238, %mul3A_2239 : vector<32x224xf32>
    %add3A_2241 = arith.addf %add3A_2129, %mul3A_2240 : vector<32x224xf32>
    %neg3A_2242 = arith.constant 0.000000e+00 : f32
    %neg3A_2243 = vector.broadcast %neg3A_2242 : f32 to vector<32x224xf32>
    %neg3A_2244 = arith.subf %neg3A_2243, %mul3A_2240 : vector<32x224xf32>
    %swap3A_2245 = arith.constant 0 : index
    %swap3A_2246 = arith.constant 17152 : index
    %swap3A_2247 = vector.load %arg2[%swap3A_2245, %swap3A_2246] : memref<32x28928xf32, #tpu.memory_space<vmem>>, vector<32x224xf32>
    tpu.vector_store %arg2[%swap3A_2245, %swap3A_2246], %neg3A_2244 {strides = array<i32>} : memref<32x28928xf32, #tpu.memory_space<vmem>>, vector<32x224xf32>,
    %slice3A_2248 = vector.extract_strided_slice %slice3A_2105 {offsets = [0, 6], sizes = [32, 224], strides = [1, 1]} : vector<32x256xf32> to vector<32x224xf32>
    %slice3A_2249 = vector.extract_strided_slice %slice3A_2106 {offsets = [0, 6], sizes = [32, 224], strides = [1, 1]} : vector<32x256xf32> to vector<32x224xf32>
    %slice3A_2250 = vector.extract_strided_slice %slice3A_2107 {offsets = [0, 6], sizes = [32, 224], strides = [1, 1]} : vector<32x256xf32> to vector<32x224xf32>
    %sub3A_2251 = arith.subf %slice3A, %slice3A_2248 : vector<32x224xf32>
    %integer_pow3A_2252 = arith.mulf %sub3A_2251, %sub3A_2251 : vector<32x224xf32>
    %sub3A_2253 = arith.subf %slice3A_15, %slice3A_2249 : vector<32x224xf32>
    %integer_pow3A_2254 = arith.mulf %sub3A_2253, %sub3A_2253 : vector<32x224xf32>
    %add3A_2255 = arith.addf %integer_pow3A_2252, %integer_pow3A_2254 : vector<32x224xf32>
    %sub3A_2256 = arith.subf %slice3A_16, %slice3A_2250 : vector<32x224xf32>
    %integer_pow3A_2257 = arith.mulf %sub3A_2256, %sub3A_2256 : vector<32x224xf32>
    %add3A_2258 = arith.addf %add3A_2255, %integer_pow3A_2257 : vector<32x224xf32>
    %sqrt3A_2259 = math.sqrt %add3A_2258 : vector<32x224xf32>
    %mul3A_2260 = arith.constant -6.66666651 : f32
    %mul3A_2261 = vector.broadcast %mul3A_2260 : f32 to vector<32x224xf32>
    %mul3A_2262 = arith.mulf %sqrt3A_2259, %mul3A_2261 : vector<32x224xf32>
    %exp3A_2263 = math.exp %mul3A_2262 : vector<32x224xf32>
    %mul3A_2264 = arith.constant 2.600000e+00 : f32
    %mul3A_2265 = vector.broadcast %mul3A_2264 : f32 to vector<32x224xf32>
    %mul3A_2266 = arith.mulf %mul3A_2265, %exp3A_2263 : vector<32x224xf32>
    %mul3A_2267 = arith.mulf %select_n3A_115, %broadcast_in_dim3A_19 : vector<32x224xf32>
    %mul3A_2268 = arith.mulf %mul3A_2266, %mul3A_2267 : vector<32x224xf32>
    %add3A_2269 = arith.addf %add3A_2157, %mul3A_2268 : vector<32x224xf32>
    %neg3A_2270 = arith.constant 0.000000e+00 : f32
    %neg3A_2271 = vector.broadcast %neg3A_2270 : f32 to vector<32x224xf32>
    %neg3A_2272 = arith.subf %neg3A_2271, %mul3A_2268 : vector<32x224xf32>
    %swap3A_2273 = arith.constant 0 : index
    %swap3A_2274 = arith.constant 17408 : index
    %swap3A_2275 = vector.load %arg2[%swap3A_2273, %swap3A_2274] : memref<32x28928xf32, #tpu.memory_space<vmem>>, vector<32x224xf32>
    tpu.vector_store %arg2[%swap3A_2273, %swap3A_2274], %neg3A_2272 {strides = array<i32>} : memref<32x28928xf32, #tpu.memory_space<vmem>>, vector<32x224xf32>,
    %slice3A_2276 = vector.extract_strided_slice %slice3A_2105 {offsets = [0, 7], sizes = [32, 224], strides = [1, 1]} : vector<32x256xf32> to vector<32x224xf32>
    %slice3A_2277 = vector.extract_strided_slice %slice3A_2106 {offsets = [0, 7], sizes = [32, 224], strides = [1, 1]} : vector<32x256xf32> to vector<32x224xf32>
    %slice3A_2278 = vector.extract_strided_slice %slice3A_2107 {offsets = [0, 7], sizes = [32, 224], strides = [1, 1]} : vector<32x256xf32> to vector<32x224xf32>
    %sub3A_2279 = arith.subf %slice3A, %slice3A_2276 : vector<32x224xf32>
    %integer_pow3A_2280 = arith.mulf %sub3A_2279, %sub3A_2279 : vector<32x224xf32>
    %sub3A_2281 = arith.subf %slice3A_15, %slice3A_2277 : vector<32x224xf32>
    %integer_pow3A_2282 = arith.mulf %sub3A_2281, %sub3A_2281 : vector<32x224xf32>
    %add3A_2283 = arith.addf %integer_pow3A_2280, %integer_pow3A_2282 : vector<32x224xf32>
    %sub3A_2284 = arith.subf %slice3A_16, %slice3A_2278 : vector<32x224xf32>
    %integer_pow3A_2285 = arith.mulf %sub3A_2284, %sub3A_2284 : vector<32x224xf32>
    %add3A_2286 = arith.addf %add3A_2283, %integer_pow3A_2285 : vector<32x224xf32>
    %sqrt3A_2287 = math.sqrt %add3A_2286 : vector<32x224xf32>
    %mul3A_2288 = arith.constant -6.66666651 : f32
    %mul3A_2289 = vector.broadcast %mul3A_2288 : f32 to vector<32x224xf32>
    %mul3A_2290 = arith.mulf %sqrt3A_2287, %mul3A_2289 : vector<32x224xf32>
    %exp3A_2291 = math.exp %mul3A_2290 : vector<32x224xf32>
    %mul3A_2292 = arith.constant 1.600000e+00 : f32
    %mul3A_2293 = vector.broadcast %mul3A_2292 : f32 to vector<32x224xf32>
    %mul3A_2294 = arith.mulf %mul3A_2293, %exp3A_2291 : vector<32x224xf32>
    %mul3A_2295 = arith.mulf %select_n3A_115, %select_n3A_283 : vector<32x224xf32>
    %mul3A_2296 = arith.mulf %mul3A_2294, %mul3A_2295 : vector<32x224xf32>
    %add3A_2297 = arith.addf %add3A_2185, %mul3A_2296 : vector<32x224xf32>
    %neg3A_2298 = arith.constant 0.000000e+00 : f32
    %neg3A_2299 = vector.broadcast %neg3A_2298 : f32 to vector<32x224xf32>
    %neg3A_2300 = arith.subf %neg3A_2299, %mul3A_2296 : vector<32x224xf32>
    %swap3A_2301 = arith.constant 0 : index
    %swap3A_2302 = arith.constant 17664 : index
    %swap3A_2303 = vector.load %arg2[%swap3A_2301, %swap3A_2302] : memref<32x28928xf32, #tpu.memory_space<vmem>>, vector<32x224xf32>
    tpu.vector_store %arg2[%swap3A_2301, %swap3A_2302], %neg3A_2300 {strides = array<i32>} : memref<32x28928xf32, #tpu.memory_space<vmem>>, vector<32x224xf32>,
    %slice3A_2304 = vector.extract_strided_slice %slice3A_2105 {offsets = [0, 8], sizes = [32, 224], strides = [1, 1]} : vector<32x256xf32> to vector<32x224xf32>
    %slice3A_2305 = vector.extract_strided_slice %slice3A_2106 {offsets = [0, 8], sizes = [32, 224], strides = [1, 1]} : vector<32x256xf32> to vector<32x224xf32>
    %slice3A_2306 = vector.extract_strided_slice %slice3A_2107 {offsets = [0, 8], sizes = [32, 224], strides = [1, 1]} : vector<32x256xf32> to vector<32x224xf32>
    %sub3A_2307 = arith.subf %slice3A, %slice3A_2304 : vector<32x224xf32>
    %integer_pow3A_2308 = arith.mulf %sub3A_2307, %sub3A_2307 : vector<32x224xf32>
    %sub3A_2309 = arith.subf %slice3A_15, %slice3A_2305 : vector<32x224xf32>
    %integer_pow3A_2310 = arith.mulf %sub3A_2309, %sub3A_2309 : vector<32x224xf32>
    %add3A_2311 = arith.addf %integer_pow3A_2308, %integer_pow3A_2310 : vector<32x224xf32>
    %sub3A_2312 = arith.subf %slice3A_16, %slice3A_2306 : vector<32x224xf32>
    %integer_pow3A_2313 = arith.mulf %sub3A_2312, %sub3A_2312 : vector<32x224xf32>
    %add3A_2314 = arith.addf %add3A_2311, %integer_pow3A_2313 : vector<32x224xf32>
    %sqrt3A_2315 = math.sqrt %add3A_2314 : vector<32x224xf32>
    %mul3A_2316 = arith.constant -6.66666651 : f32
    %mul3A_2317 = vector.broadcast %mul3A_2316 : f32 to vector<32x224xf32>
    %mul3A_2318 = arith.mulf %sqrt3A_2315, %mul3A_2317 : vector<32x224xf32>
    %exp3A_2319 = math.exp %mul3A_2318 : vector<32x224xf32>
    %mul3A_2320 = arith.constant 1.000000e+00 : f32
    %mul3A_2321 = vector.broadcast %mul3A_2320 : f32 to vector<32x224xf32>
    %mul3A_2322 = arith.mulf %mul3A_2321, %exp3A_2319 : vector<32x224xf32>
    %mul3A_2323 = arith.mulf %select_n3A_115, %select_n3A_297 : vector<32x224xf32>
    %mul3A_2324 = arith.mulf %mul3A_2322, %mul3A_2323 : vector<32x224xf32>
    %add3A_2325 = arith.addf %add3A_2213, %mul3A_2324 : vector<32x224xf32>
    %neg3A_2326 = arith.constant 0.000000e+00 : f32
    %neg3A_2327 = vector.broadcast %neg3A_2326 : f32 to vector<32x224xf32>
    %neg3A_2328 = arith.subf %neg3A_2327, %mul3A_2324 : vector<32x224xf32>
    %swap3A_2329 = arith.constant 0 : index
    %swap3A_2330 = arith.constant 17920 : index
    %swap3A_2331 = vector.load %arg2[%swap3A_2329, %swap3A_2330] : memref<32x28928xf32, #tpu.memory_space<vmem>>, vector<32x224xf32>
    tpu.vector_store %arg2[%swap3A_2329, %swap3A_2330], %neg3A_2328 {strides = array<i32>} : memref<32x28928xf32, #tpu.memory_space<vmem>>, vector<32x224xf32>,
    %slice3A_2332 = vector.extract_strided_slice %slice3A_2105 {offsets = [0, 9], sizes = [32, 224], strides = [1, 1]} : vector<32x256xf32> to vector<32x224xf32>
    %slice3A_2333 = vector.extract_strided_slice %slice3A_2106 {offsets = [0, 9], sizes = [32, 224], strides = [1, 1]} : vector<32x256xf32> to vector<32x224xf32>
    %slice3A_2334 = vector.extract_strided_slice %slice3A_2107 {offsets = [0, 9], sizes = [32, 224], strides = [1, 1]} : vector<32x256xf32> to vector<32x224xf32>
    %sub3A_2335 = arith.subf %slice3A, %slice3A_2332 : vector<32x224xf32>
    %integer_pow3A_2336 = arith.mulf %sub3A_2335, %sub3A_2335 : vector<32x224xf32>
    %sub3A_2337 = arith.subf %slice3A_15, %slice3A_2333 : vector<32x224xf32>
    %integer_pow3A_2338 = arith.mulf %sub3A_2337, %sub3A_2337 : vector<32x224xf32>
    %add3A_2339 = arith.addf %integer_pow3A_2336, %integer_pow3A_2338 : vector<32x224xf32>
    %sub3A_2340 = arith.subf %slice3A_16, %slice3A_2334 : vector<32x224xf32>
    %integer_pow3A_2341 = arith.mulf %sub3A_2340, %sub3A_2340 : vector<32x224xf32>
    %add3A_2342 = arith.addf %add3A_2339, %integer_pow3A_2341 : vector<32x224xf32>
    %sqrt3A_2343 = math.sqrt %add3A_2342 : vector<32x224xf32>
    %mul3A_2344 = arith.constant -6.66666651 : f32
    %mul3A_2345 = vector.broadcast %mul3A_2344 : f32 to vector<32x224xf32>
    %mul3A_2346 = arith.mulf %sqrt3A_2343, %mul3A_2345 : vector<32x224xf32>
    %exp3A_2347 = math.exp %mul3A_2346 : vector<32x224xf32>
    %mul3A_2348 = arith.constant 6.000000e-01 : f32
    %mul3A_2349 = vector.broadcast %mul3A_2348 : f32 to vector<32x224xf32>
    %mul3A_2350 = arith.mulf %mul3A_2349, %exp3A_2347 : vector<32x224xf32>
    %mul3A_2351 = arith.mulf %select_n3A_115, %select_n3A_311 : vector<32x224xf32>
    %mul3A_2352 = arith.mulf %mul3A_2350, %mul3A_2351 : vector<32x224xf32>
    %add3A_2353 = arith.addf %add3A_2241, %mul3A_2352 : vector<32x224xf32>
    %neg3A_2354 = arith.constant 0.000000e+00 : f32
    %neg3A_2355 = vector.broadcast %neg3A_2354 : f32 to vector<32x224xf32>
    %neg3A_2356 = arith.subf %neg3A_2355, %mul3A_2352 : vector<32x224xf32>
    %swap3A_2357 = arith.constant 0 : index
    %swap3A_2358 = arith.constant 18176 : index
    %swap3A_2359 = vector.load %arg2[%swap3A_2357, %swap3A_2358] : memref<32x28928xf32, #tpu.memory_space<vmem>>, vector<32x224xf32>
    tpu.vector_store %arg2[%swap3A_2357, %swap3A_2358], %neg3A_2356 {strides = array<i32>} : memref<32x28928xf32, #tpu.memory_space<vmem>>, vector<32x224xf32>,
    %slice3A_2360 = vector.extract_strided_slice %slice3A_2105 {offsets = [0, 10], sizes = [32, 224], strides = [1, 1]} : vector<32x256xf32> to vector<32x224xf32>
    %slice3A_2361 = vector.extract_strided_slice %slice3A_2106 {offsets = [0, 10], sizes = [32, 224], strides = [1, 1]} : vector<32x256xf32> to vector<32x224xf32>
    %slice3A_2362 = vector.extract_strided_slice %slice3A_2107 {offsets = [0, 10], sizes = [32, 224], strides = [1, 1]} : vector<32x256xf32> to vector<32x224xf32>
    %sub3A_2363 = arith.subf %slice3A, %slice3A_2360 : vector<32x224xf32>
    %integer_pow3A_2364 = arith.mulf %sub3A_2363, %sub3A_2363 : vector<32x224xf32>
    %sub3A_2365 = arith.subf %slice3A_15, %slice3A_2361 : vector<32x224xf32>
    %integer_pow3A_2366 = arith.mulf %sub3A_2365, %sub3A_2365 : vector<32x224xf32>
    %add3A_2367 = arith.addf %integer_pow3A_2364, %integer_pow3A_2366 : vector<32x224xf32>
    %sub3A_2368 = arith.subf %slice3A_16, %slice3A_2362 : vector<32x224xf32>
    %integer_pow3A_2369 = arith.mulf %sub3A_2368, %sub3A_2368 : vector<32x224xf32>
    %add3A_2370 = arith.addf %add3A_2367, %integer_pow3A_2369 : vector<32x224xf32>
    %sqrt3A_2371 = math.sqrt %add3A_2370 : vector<32x224xf32>
    %mul3A_2372 = arith.constant -6.66666651 : f32
    %mul3A_2373 = vector.broadcast %mul3A_2372 : f32 to vector<32x224xf32>
    %mul3A_2374 = arith.mulf %sqrt3A_2371, %mul3A_2373 : vector<32x224xf32>
    %exp3A_2375 = math.exp %mul3A_2374 : vector<32x224xf32>
    %mul3A_2376 = arith.constant 3.000000e-01 : f32
    %mul3A_2377 = vector.broadcast %mul3A_2376 : f32 to vector<32x224xf32>
    %mul3A_2378 = arith.mulf %mul3A_2377, %exp3A_2375 : vector<32x224xf32>
    %mul3A_2379 = arith.mulf %select_n3A_115, %select_n3A_325 : vector<32x224xf32>
    %mul3A_2380 = arith.mulf %mul3A_2378, %mul3A_2379 : vector<32x224xf32>
    %add3A_2381 = arith.addf %add3A_2269, %mul3A_2380 : vector<32x224xf32>
    %neg3A_2382 = arith.constant 0.000000e+00 : f32
    %neg3A_2383 = vector.broadcast %neg3A_2382 : f32 to vector<32x224xf32>
    %neg3A_2384 = arith.subf %neg3A_2383, %mul3A_2380 : vector<32x224xf32>
    %swap3A_2385 = arith.constant 0 : index
    %swap3A_2386 = arith.constant 18432 : index
    %swap3A_2387 = vector.load %arg2[%swap3A_2385, %swap3A_2386] : memref<32x28928xf32, #tpu.memory_space<vmem>>, vector<32x224xf32>
    tpu.vector_store %arg2[%swap3A_2385, %swap3A_2386], %neg3A_2384 {strides = array<i32>} : memref<32x28928xf32, #tpu.memory_space<vmem>>, vector<32x224xf32>,
    %slice3A_2388 = vector.extract_strided_slice %slice3A_2105 {offsets = [0, 11], sizes = [32, 224], strides = [1, 1]} : vector<32x256xf32> to vector<32x224xf32>
    %slice3A_2389 = vector.extract_strided_slice %slice3A_2106 {offsets = [0, 11], sizes = [32, 224], strides = [1, 1]} : vector<32x256xf32> to vector<32x224xf32>
    %slice3A_2390 = vector.extract_strided_slice %slice3A_2107 {offsets = [0, 11], sizes = [32, 224], strides = [1, 1]} : vector<32x256xf32> to vector<32x224xf32>
    %sub3A_2391 = arith.subf %slice3A, %slice3A_2388 : vector<32x224xf32>
    %integer_pow3A_2392 = arith.mulf %sub3A_2391, %sub3A_2391 : vector<32x224xf32>
    %sub3A_2393 = arith.subf %slice3A_15, %slice3A_2389 : vector<32x224xf32>
    %integer_pow3A_2394 = arith.mulf %sub3A_2393, %sub3A_2393 : vector<32x224xf32>
    %add3A_2395 = arith.addf %integer_pow3A_2392, %integer_pow3A_2394 : vector<32x224xf32>
    %sub3A_2396 = arith.subf %slice3A_16, %slice3A_2390 : vector<32x224xf32>
    %integer_pow3A_2397 = arith.mulf %sub3A_2396, %sub3A_2396 : vector<32x224xf32>
    %add3A_2398 = arith.addf %add3A_2395, %integer_pow3A_2397 : vector<32x224xf32>
    %sqrt3A_2399 = math.sqrt %add3A_2398 : vector<32x224xf32>
    %mul3A_2400 = arith.constant -6.66666651 : f32
    %mul3A_2401 = vector.broadcast %mul3A_2400 : f32 to vector<32x224xf32>
    %mul3A_2402 = arith.mulf %sqrt3A_2399, %mul3A_2401 : vector<32x224xf32>
    %exp3A_2403 = math.exp %mul3A_2402 : vector<32x224xf32>
    %mul3A_2404 = arith.constant 1.000000e-01 : f32
    %mul3A_2405 = vector.broadcast %mul3A_2404 : f32 to vector<32x224xf32>
    %mul3A_2406 = arith.mulf %mul3A_2405, %exp3A_2403 : vector<32x224xf32>
    %mul3A_2407 = arith.mulf %select_n3A_115, %select_n3A_339 : vector<32x224xf32>
    %mul3A_2408 = arith.mulf %mul3A_2406, %mul3A_2407 : vector<32x224xf32>
    %add3A_2409 = arith.addf %add3A_2297, %mul3A_2408 : vector<32x224xf32>
    %neg3A_2410 = arith.constant 0.000000e+00 : f32
    %neg3A_2411 = vector.broadcast %neg3A_2410 : f32 to vector<32x224xf32>
    %neg3A_2412 = arith.subf %neg3A_2411, %mul3A_2408 : vector<32x224xf32>
    %swap3A_2413 = arith.constant 0 : index
    %swap3A_2414 = arith.constant 18688 : index
    %swap3A_2415 = vector.load %arg2[%swap3A_2413, %swap3A_2414] : memref<32x28928xf32, #tpu.memory_space<vmem>>, vector<32x224xf32>
    tpu.vector_store %arg2[%swap3A_2413, %swap3A_2414], %neg3A_2412 {strides = array<i32>} : memref<32x28928xf32, #tpu.memory_space<vmem>>, vector<32x224xf32>,
    %slice3A_2416 = vector.extract_strided_slice %get3A_4 {offsets = [8, 0], sizes = [32, 256], strides = [1, 1]} : vector<48x256xf32> to vector<32x256xf32>
    %slice3A_2417 = vector.extract_strided_slice %get3A_9 {offsets = [8, 0], sizes = [32, 256], strides = [1, 1]} : vector<48x256xf32> to vector<32x256xf32>
    %slice3A_2418 = vector.extract_strided_slice %get3A_14 {offsets = [8, 0], sizes = [32, 256], strides = [1, 1]} : vector<48x256xf32> to vector<32x256xf32>
    %slice3A_2419 = vector.extract_strided_slice %slice3A_2416 {offsets = [0, 1], sizes = [32, 224], strides = [1, 1]} : vector<32x256xf32> to vector<32x224xf32>
    %slice3A_2420 = vector.extract_strided_slice %slice3A_2417 {offsets = [0, 1], sizes = [32, 224], strides = [1, 1]} : vector<32x256xf32> to vector<32x224xf32>
    %slice3A_2421 = vector.extract_strided_slice %slice3A_2418 {offsets = [0, 1], sizes = [32, 224], strides = [1, 1]} : vector<32x256xf32> to vector<32x224xf32>
    %sub3A_2422 = arith.subf %slice3A, %slice3A_2419 : vector<32x224xf32>
    %integer_pow3A_2423 = arith.mulf %sub3A_2422, %sub3A_2422 : vector<32x224xf32>
    %sub3A_2424 = arith.subf %slice3A_15, %slice3A_2420 : vector<32x224xf32>
    %integer_pow3A_2425 = arith.mulf %sub3A_2424, %sub3A_2424 : vector<32x224xf32>
    %add3A_2426 = arith.addf %integer_pow3A_2423, %integer_pow3A_2425 : vector<32x224xf32>
    %sub3A_2427 = arith.subf %slice3A_16, %slice3A_2421 : vector<32x224xf32>
    %integer_pow3A_2428 = arith.mulf %sub3A_2427, %sub3A_2427 : vector<32x224xf32>
    %add3A_2429 = arith.addf %add3A_2426, %integer_pow3A_2428 : vector<32x224xf32>
    %sqrt3A_2430 = math.sqrt %add3A_2429 : vector<32x224xf32>
    %mul3A_2431 = arith.constant -6.66666651 : f32
    %mul3A_2432 = vector.broadcast %mul3A_2431 : f32 to vector<32x224xf32>
    %mul3A_2433 = arith.mulf %sqrt3A_2430, %mul3A_2432 : vector<32x224xf32>
    %exp3A_2434 = math.exp %mul3A_2433 : vector<32x224xf32>
    %mul3A_2435 = arith.constant 1.000000e-01 : f32
    %mul3A_2436 = vector.broadcast %mul3A_2435 : f32 to vector<32x224xf32>
    %mul3A_2437 = arith.mulf %mul3A_2436, %exp3A_2434 : vector<32x224xf32>
    %mul3A_2438 = arith.mulf %select_n3A_129, %select_n3A_213 : vector<32x224xf32>
    %mul3A_2439 = arith.mulf %mul3A_2437, %mul3A_2438 : vector<32x224xf32>
    %add3A_2440 = arith.addf %add3A_2325, %mul3A_2439 : vector<32x224xf32>
    %neg3A_2441 = arith.constant 0.000000e+00 : f32
    %neg3A_2442 = vector.broadcast %neg3A_2441 : f32 to vector<32x224xf32>
    %neg3A_2443 = arith.subf %neg3A_2442, %mul3A_2439 : vector<32x224xf32>
    %swap3A_2444 = arith.constant 0 : index
    %swap3A_2445 = arith.constant 18944 : index
    %swap3A_2446 = vector.load %arg2[%swap3A_2444, %swap3A_2445] : memref<32x28928xf32, #tpu.memory_space<vmem>>, vector<32x224xf32>
    tpu.vector_store %arg2[%swap3A_2444, %swap3A_2445], %neg3A_2443 {strides = array<i32>} : memref<32x28928xf32, #tpu.memory_space<vmem>>, vector<32x224xf32>,
    %slice3A_2447 = vector.extract_strided_slice %slice3A_2416 {offsets = [0, 2], sizes = [32, 224], strides = [1, 1]} : vector<32x256xf32> to vector<32x224xf32>
    %slice3A_2448 = vector.extract_strided_slice %slice3A_2417 {offsets = [0, 2], sizes = [32, 224], strides = [1, 1]} : vector<32x256xf32> to vector<32x224xf32>
    %slice3A_2449 = vector.extract_strided_slice %slice3A_2418 {offsets = [0, 2], sizes = [32, 224], strides = [1, 1]} : vector<32x256xf32> to vector<32x224xf32>
    %sub3A_2450 = arith.subf %slice3A, %slice3A_2447 : vector<32x224xf32>
    %integer_pow3A_2451 = arith.mulf %sub3A_2450, %sub3A_2450 : vector<32x224xf32>
    %sub3A_2452 = arith.subf %slice3A_15, %slice3A_2448 : vector<32x224xf32>
    %integer_pow3A_2453 = arith.mulf %sub3A_2452, %sub3A_2452 : vector<32x224xf32>
    %add3A_2454 = arith.addf %integer_pow3A_2451, %integer_pow3A_2453 : vector<32x224xf32>
    %sub3A_2455 = arith.subf %slice3A_16, %slice3A_2449 : vector<32x224xf32>
    %integer_pow3A_2456 = arith.mulf %sub3A_2455, %sub3A_2455 : vector<32x224xf32>
    %add3A_2457 = arith.addf %add3A_2454, %integer_pow3A_2456 : vector<32x224xf32>
    %sqrt3A_2458 = math.sqrt %add3A_2457 : vector<32x224xf32>
    %mul3A_2459 = arith.constant -6.66666651 : f32
    %mul3A_2460 = vector.broadcast %mul3A_2459 : f32 to vector<32x224xf32>
    %mul3A_2461 = arith.mulf %sqrt3A_2458, %mul3A_2460 : vector<32x224xf32>
    %exp3A_2462 = math.exp %mul3A_2461 : vector<32x224xf32>
    %mul3A_2463 = arith.constant 3.000000e-01 : f32
    %mul3A_2464 = vector.broadcast %mul3A_2463 : f32 to vector<32x224xf32>
    %mul3A_2465 = arith.mulf %mul3A_2464, %exp3A_2462 : vector<32x224xf32>
    %mul3A_2466 = arith.mulf %select_n3A_129, %select_n3A_227 : vector<32x224xf32>
    %mul3A_2467 = arith.mulf %mul3A_2465, %mul3A_2466 : vector<32x224xf32>
    %add3A_2468 = arith.addf %add3A_2353, %mul3A_2467 : vector<32x224xf32>
    %neg3A_2469 = arith.constant 0.000000e+00 : f32
    %neg3A_2470 = vector.broadcast %neg3A_2469 : f32 to vector<32x224xf32>
    %neg3A_2471 = arith.subf %neg3A_2470, %mul3A_2467 : vector<32x224xf32>
    %swap3A_2472 = arith.constant 0 : index
    %swap3A_2473 = arith.constant 19200 : index
    %swap3A_2474 = vector.load %arg2[%swap3A_2472, %swap3A_2473] : memref<32x28928xf32, #tpu.memory_space<vmem>>, vector<32x224xf32>
    tpu.vector_store %arg2[%swap3A_2472, %swap3A_2473], %neg3A_2471 {strides = array<i32>} : memref<32x28928xf32, #tpu.memory_space<vmem>>, vector<32x224xf32>,
    %slice3A_2475 = vector.extract_strided_slice %slice3A_2416 {offsets = [0, 3], sizes = [32, 224], strides = [1, 1]} : vector<32x256xf32> to vector<32x224xf32>
    %slice3A_2476 = vector.extract_strided_slice %slice3A_2417 {offsets = [0, 3], sizes = [32, 224], strides = [1, 1]} : vector<32x256xf32> to vector<32x224xf32>
    %slice3A_2477 = vector.extract_strided_slice %slice3A_2418 {offsets = [0, 3], sizes = [32, 224], strides = [1, 1]} : vector<32x256xf32> to vector<32x224xf32>
    %sub3A_2478 = arith.subf %slice3A, %slice3A_2475 : vector<32x224xf32>
    %integer_pow3A_2479 = arith.mulf %sub3A_2478, %sub3A_2478 : vector<32x224xf32>
    %sub3A_2480 = arith.subf %slice3A_15, %slice3A_2476 : vector<32x224xf32>
    %integer_pow3A_2481 = arith.mulf %sub3A_2480, %sub3A_2480 : vector<32x224xf32>
    %add3A_2482 = arith.addf %integer_pow3A_2479, %integer_pow3A_2481 : vector<32x224xf32>
    %sub3A_2483 = arith.subf %slice3A_16, %slice3A_2477 : vector<32x224xf32>
    %integer_pow3A_2484 = arith.mulf %sub3A_2483, %sub3A_2483 : vector<32x224xf32>
    %add3A_2485 = arith.addf %add3A_2482, %integer_pow3A_2484 : vector<32x224xf32>
    %sqrt3A_2486 = math.sqrt %add3A_2485 : vector<32x224xf32>
    %mul3A_2487 = arith.constant -6.66666651 : f32
    %mul3A_2488 = vector.broadcast %mul3A_2487 : f32 to vector<32x224xf32>
    %mul3A_2489 = arith.mulf %sqrt3A_2486, %mul3A_2488 : vector<32x224xf32>
    %exp3A_2490 = math.exp %mul3A_2489 : vector<32x224xf32>
    %mul3A_2491 = arith.constant 6.000000e-01 : f32
    %mul3A_2492 = vector.broadcast %mul3A_2491 : f32 to vector<32x224xf32>
    %mul3A_2493 = arith.mulf %mul3A_2492, %exp3A_2490 : vector<32x224xf32>
    %mul3A_2494 = arith.mulf %select_n3A_129, %select_n3A_241 : vector<32x224xf32>
    %mul3A_2495 = arith.mulf %mul3A_2493, %mul3A_2494 : vector<32x224xf32>
    %add3A_2496 = arith.addf %add3A_2381, %mul3A_2495 : vector<32x224xf32>
    %neg3A_2497 = arith.constant 0.000000e+00 : f32
    %neg3A_2498 = vector.broadcast %neg3A_2497 : f32 to vector<32x224xf32>
    %neg3A_2499 = arith.subf %neg3A_2498, %mul3A_2495 : vector<32x224xf32>
    %swap3A_2500 = arith.constant 0 : index
    %swap3A_2501 = arith.constant 19456 : index
    %swap3A_2502 = vector.load %arg2[%swap3A_2500, %swap3A_2501] : memref<32x28928xf32, #tpu.memory_space<vmem>>, vector<32x224xf32>
    tpu.vector_store %arg2[%swap3A_2500, %swap3A_2501], %neg3A_2499 {strides = array<i32>} : memref<32x28928xf32, #tpu.memory_space<vmem>>, vector<32x224xf32>,
    %slice3A_2503 = vector.extract_strided_slice %slice3A_2416 {offsets = [0, 4], sizes = [32, 224], strides = [1, 1]} : vector<32x256xf32> to vector<32x224xf32>
    %slice3A_2504 = vector.extract_strided_slice %slice3A_2417 {offsets = [0, 4], sizes = [32, 224], strides = [1, 1]} : vector<32x256xf32> to vector<32x224xf32>
    %slice3A_2505 = vector.extract_strided_slice %slice3A_2418 {offsets = [0, 4], sizes = [32, 224], strides = [1, 1]} : vector<32x256xf32> to vector<32x224xf32>
    %sub3A_2506 = arith.subf %slice3A, %slice3A_2503 : vector<32x224xf32>
    %integer_pow3A_2507 = arith.mulf %sub3A_2506, %sub3A_2506 : vector<32x224xf32>
    %sub3A_2508 = arith.subf %slice3A_15, %slice3A_2504 : vector<32x224xf32>
    %integer_pow3A_2509 = arith.mulf %sub3A_2508, %sub3A_2508 : vector<32x224xf32>
    %add3A_2510 = arith.addf %integer_pow3A_2507, %integer_pow3A_2509 : vector<32x224xf32>
    %sub3A_2511 = arith.subf %slice3A_16, %slice3A_2505 : vector<32x224xf32>
    %integer_pow3A_2512 = arith.mulf %sub3A_2511, %sub3A_2511 : vector<32x224xf32>
    %add3A_2513 = arith.addf %add3A_2510, %integer_pow3A_2512 : vector<32x224xf32>
    %sqrt3A_2514 = math.sqrt %add3A_2513 : vector<32x224xf32>
    %mul3A_2515 = arith.constant -6.66666651 : f32
    %mul3A_2516 = vector.broadcast %mul3A_2515 : f32 to vector<32x224xf32>
    %mul3A_2517 = arith.mulf %sqrt3A_2514, %mul3A_2516 : vector<32x224xf32>
    %exp3A_2518 = math.exp %mul3A_2517 : vector<32x224xf32>
    %mul3A_2519 = arith.constant 1.000000e+00 : f32
    %mul3A_2520 = vector.broadcast %mul3A_2519 : f32 to vector<32x224xf32>
    %mul3A_2521 = arith.mulf %mul3A_2520, %exp3A_2518 : vector<32x224xf32>
    %mul3A_2522 = arith.mulf %select_n3A_129, %select_n3A_255 : vector<32x224xf32>
    %mul3A_2523 = arith.mulf %mul3A_2521, %mul3A_2522 : vector<32x224xf32>
    %add3A_2524 = arith.addf %add3A_2409, %mul3A_2523 : vector<32x224xf32>
    %neg3A_2525 = arith.constant 0.000000e+00 : f32
    %neg3A_2526 = vector.broadcast %neg3A_2525 : f32 to vector<32x224xf32>
    %neg3A_2527 = arith.subf %neg3A_2526, %mul3A_2523 : vector<32x224xf32>
    %swap3A_2528 = arith.constant 0 : index
    %swap3A_2529 = arith.constant 19712 : index
    %swap3A_2530 = vector.load %arg2[%swap3A_2528, %swap3A_2529] : memref<32x28928xf32, #tpu.memory_space<vmem>>, vector<32x224xf32>
    tpu.vector_store %arg2[%swap3A_2528, %swap3A_2529], %neg3A_2527 {strides = array<i32>} : memref<32x28928xf32, #tpu.memory_space<vmem>>, vector<32x224xf32>,
    %slice3A_2531 = vector.extract_strided_slice %slice3A_2416 {offsets = [0, 5], sizes = [32, 224], strides = [1, 1]} : vector<32x256xf32> to vector<32x224xf32>
    %slice3A_2532 = vector.extract_strided_slice %slice3A_2417 {offsets = [0, 5], sizes = [32, 224], strides = [1, 1]} : vector<32x256xf32> to vector<32x224xf32>
    %slice3A_2533 = vector.extract_strided_slice %slice3A_2418 {offsets = [0, 5], sizes = [32, 224], strides = [1, 1]} : vector<32x256xf32> to vector<32x224xf32>
    %sub3A_2534 = arith.subf %slice3A, %slice3A_2531 : vector<32x224xf32>
    %integer_pow3A_2535 = arith.mulf %sub3A_2534, %sub3A_2534 : vector<32x224xf32>
    %sub3A_2536 = arith.subf %slice3A_15, %slice3A_2532 : vector<32x224xf32>
    %integer_pow3A_2537 = arith.mulf %sub3A_2536, %sub3A_2536 : vector<32x224xf32>
    %add3A_2538 = arith.addf %integer_pow3A_2535, %integer_pow3A_2537 : vector<32x224xf32>
    %sub3A_2539 = arith.subf %slice3A_16, %slice3A_2533 : vector<32x224xf32>
    %integer_pow3A_2540 = arith.mulf %sub3A_2539, %sub3A_2539 : vector<32x224xf32>
    %add3A_2541 = arith.addf %add3A_2538, %integer_pow3A_2540 : vector<32x224xf32>
    %sqrt3A_2542 = math.sqrt %add3A_2541 : vector<32x224xf32>
    %mul3A_2543 = arith.constant -6.66666651 : f32
    %mul3A_2544 = vector.broadcast %mul3A_2543 : f32 to vector<32x224xf32>
    %mul3A_2545 = arith.mulf %sqrt3A_2542, %mul3A_2544 : vector<32x224xf32>
    %exp3A_2546 = math.exp %mul3A_2545 : vector<32x224xf32>
    %mul3A_2547 = arith.constant 1.000000e+00 : f32
    %mul3A_2548 = vector.broadcast %mul3A_2547 : f32 to vector<32x224xf32>
    %mul3A_2549 = arith.mulf %mul3A_2548, %exp3A_2546 : vector<32x224xf32>
    %mul3A_2550 = arith.mulf %select_n3A_129, %select_n3A_269 : vector<32x224xf32>
    %mul3A_2551 = arith.mulf %mul3A_2549, %mul3A_2550 : vector<32x224xf32>
    %add3A_2552 = arith.addf %add3A_2440, %mul3A_2551 : vector<32x224xf32>
    %neg3A_2553 = arith.constant 0.000000e+00 : f32
    %neg3A_2554 = vector.broadcast %neg3A_2553 : f32 to vector<32x224xf32>
    %neg3A_2555 = arith.subf %neg3A_2554, %mul3A_2551 : vector<32x224xf32>
    %swap3A_2556 = arith.constant 0 : index
    %swap3A_2557 = arith.constant 19968 : index
    %swap3A_2558 = vector.load %arg2[%swap3A_2556, %swap3A_2557] : memref<32x28928xf32, #tpu.memory_space<vmem>>, vector<32x224xf32>
    tpu.vector_store %arg2[%swap3A_2556, %swap3A_2557], %neg3A_2555 {strides = array<i32>} : memref<32x28928xf32, #tpu.memory_space<vmem>>, vector<32x224xf32>,
    %slice3A_2559 = vector.extract_strided_slice %slice3A_2416 {offsets = [0, 6], sizes = [32, 224], strides = [1, 1]} : vector<32x256xf32> to vector<32x224xf32>
    %slice3A_2560 = vector.extract_strided_slice %slice3A_2417 {offsets = [0, 6], sizes = [32, 224], strides = [1, 1]} : vector<32x256xf32> to vector<32x224xf32>
    %slice3A_2561 = vector.extract_strided_slice %slice3A_2418 {offsets = [0, 6], sizes = [32, 224], strides = [1, 1]} : vector<32x256xf32> to vector<32x224xf32>
    %sub3A_2562 = arith.subf %slice3A, %slice3A_2559 : vector<32x224xf32>
    %integer_pow3A_2563 = arith.mulf %sub3A_2562, %sub3A_2562 : vector<32x224xf32>
    %sub3A_2564 = arith.subf %slice3A_15, %slice3A_2560 : vector<32x224xf32>
    %integer_pow3A_2565 = arith.mulf %sub3A_2564, %sub3A_2564 : vector<32x224xf32>
    %add3A_2566 = arith.addf %integer_pow3A_2563, %integer_pow3A_2565 : vector<32x224xf32>
    %sub3A_2567 = arith.subf %slice3A_16, %slice3A_2561 : vector<32x224xf32>
    %integer_pow3A_2568 = arith.mulf %sub3A_2567, %sub3A_2567 : vector<32x224xf32>
    %add3A_2569 = arith.addf %add3A_2566, %integer_pow3A_2568 : vector<32x224xf32>
    %sqrt3A_2570 = math.sqrt %add3A_2569 : vector<32x224xf32>
    %mul3A_2571 = arith.constant -6.66666651 : f32
    %mul3A_2572 = vector.broadcast %mul3A_2571 : f32 to vector<32x224xf32>
    %mul3A_2573 = arith.mulf %sqrt3A_2570, %mul3A_2572 : vector<32x224xf32>
    %exp3A_2574 = math.exp %mul3A_2573 : vector<32x224xf32>
    %mul3A_2575 = arith.constant 1.600000e+00 : f32
    %mul3A_2576 = vector.broadcast %mul3A_2575 : f32 to vector<32x224xf32>
    %mul3A_2577 = arith.mulf %mul3A_2576, %exp3A_2574 : vector<32x224xf32>
    %mul3A_2578 = arith.mulf %select_n3A_129, %broadcast_in_dim3A_19 : vector<32x224xf32>
    %mul3A_2579 = arith.mulf %mul3A_2577, %mul3A_2578 : vector<32x224xf32>
    %add3A_2580 = arith.addf %add3A_2468, %mul3A_2579 : vector<32x224xf32>
    %neg3A_2581 = arith.constant 0.000000e+00 : f32
    %neg3A_2582 = vector.broadcast %neg3A_2581 : f32 to vector<32x224xf32>
    %neg3A_2583 = arith.subf %neg3A_2582, %mul3A_2579 : vector<32x224xf32>
    %swap3A_2584 = arith.constant 0 : index
    %swap3A_2585 = arith.constant 20224 : index
    %swap3A_2586 = vector.load %arg2[%swap3A_2584, %swap3A_2585] : memref<32x28928xf32, #tpu.memory_space<vmem>>, vector<32x224xf32>
    tpu.vector_store %arg2[%swap3A_2584, %swap3A_2585], %neg3A_2583 {strides = array<i32>} : memref<32x28928xf32, #tpu.memory_space<vmem>>, vector<32x224xf32>,
    %slice3A_2587 = vector.extract_strided_slice %slice3A_2416 {offsets = [0, 7], sizes = [32, 224], strides = [1, 1]} : vector<32x256xf32> to vector<32x224xf32>
    %slice3A_2588 = vector.extract_strided_slice %slice3A_2417 {offsets = [0, 7], sizes = [32, 224], strides = [1, 1]} : vector<32x256xf32> to vector<32x224xf32>
    %slice3A_2589 = vector.extract_strided_slice %slice3A_2418 {offsets = [0, 7], sizes = [32, 224], strides = [1, 1]} : vector<32x256xf32> to vector<32x224xf32>
    %sub3A_2590 = arith.subf %slice3A, %slice3A_2587 : vector<32x224xf32>
    %integer_pow3A_2591 = arith.mulf %sub3A_2590, %sub3A_2590 : vector<32x224xf32>
    %sub3A_2592 = arith.subf %slice3A_15, %slice3A_2588 : vector<32x224xf32>
    %integer_pow3A_2593 = arith.mulf %sub3A_2592, %sub3A_2592 : vector<32x224xf32>
    %add3A_2594 = arith.addf %integer_pow3A_2591, %integer_pow3A_2593 : vector<32x224xf32>
    %sub3A_2595 = arith.subf %slice3A_16, %slice3A_2589 : vector<32x224xf32>
    %integer_pow3A_2596 = arith.mulf %sub3A_2595, %sub3A_2595 : vector<32x224xf32>
    %add3A_2597 = arith.addf %add3A_2594, %integer_pow3A_2596 : vector<32x224xf32>
    %sqrt3A_2598 = math.sqrt %add3A_2597 : vector<32x224xf32>
    %mul3A_2599 = arith.constant -6.66666651 : f32
    %mul3A_2600 = vector.broadcast %mul3A_2599 : f32 to vector<32x224xf32>
    %mul3A_2601 = arith.mulf %sqrt3A_2598, %mul3A_2600 : vector<32x224xf32>
    %exp3A_2602 = math.exp %mul3A_2601 : vector<32x224xf32>
    %mul3A_2603 = arith.constant 1.000000e+00 : f32
    %mul3A_2604 = vector.broadcast %mul3A_2603 : f32 to vector<32x224xf32>
    %mul3A_2605 = arith.mulf %mul3A_2604, %exp3A_2602 : vector<32x224xf32>
    %mul3A_2606 = arith.mulf %select_n3A_129, %select_n3A_283 : vector<32x224xf32>
    %mul3A_2607 = arith.mulf %mul3A_2605, %mul3A_2606 : vector<32x224xf32>
    %add3A_2608 = arith.addf %add3A_2496, %mul3A_2607 : vector<32x224xf32>
    %neg3A_2609 = arith.constant 0.000000e+00 : f32
    %neg3A_2610 = vector.broadcast %neg3A_2609 : f32 to vector<32x224xf32>
    %neg3A_2611 = arith.subf %neg3A_2610, %mul3A_2607 : vector<32x224xf32>
    %swap3A_2612 = arith.constant 0 : index
    %swap3A_2613 = arith.constant 20480 : index
    %swap3A_2614 = vector.load %arg2[%swap3A_2612, %swap3A_2613] : memref<32x28928xf32, #tpu.memory_space<vmem>>, vector<32x224xf32>
    tpu.vector_store %arg2[%swap3A_2612, %swap3A_2613], %neg3A_2611 {strides = array<i32>} : memref<32x28928xf32, #tpu.memory_space<vmem>>, vector<32x224xf32>,
    %slice3A_2615 = vector.extract_strided_slice %slice3A_2416 {offsets = [0, 8], sizes = [32, 224], strides = [1, 1]} : vector<32x256xf32> to vector<32x224xf32>
    %slice3A_2616 = vector.extract_strided_slice %slice3A_2417 {offsets = [0, 8], sizes = [32, 224], strides = [1, 1]} : vector<32x256xf32> to vector<32x224xf32>
    %slice3A_2617 = vector.extract_strided_slice %slice3A_2418 {offsets = [0, 8], sizes = [32, 224], strides = [1, 1]} : vector<32x256xf32> to vector<32x224xf32>
    %sub3A_2618 = arith.subf %slice3A, %slice3A_2615 : vector<32x224xf32>
    %integer_pow3A_2619 = arith.mulf %sub3A_2618, %sub3A_2618 : vector<32x224xf32>
    %sub3A_2620 = arith.subf %slice3A_15, %slice3A_2616 : vector<32x224xf32>
    %integer_pow3A_2621 = arith.mulf %sub3A_2620, %sub3A_2620 : vector<32x224xf32>
    %add3A_2622 = arith.addf %integer_pow3A_2619, %integer_pow3A_2621 : vector<32x224xf32>
    %sub3A_2623 = arith.subf %slice3A_16, %slice3A_2617 : vector<32x224xf32>
    %integer_pow3A_2624 = arith.mulf %sub3A_2623, %sub3A_2623 : vector<32x224xf32>
    %add3A_2625 = arith.addf %add3A_2622, %integer_pow3A_2624 : vector<32x224xf32>
    %sqrt3A_2626 = math.sqrt %add3A_2625 : vector<32x224xf32>
    %mul3A_2627 = arith.constant -6.66666651 : f32
    %mul3A_2628 = vector.broadcast %mul3A_2627 : f32 to vector<32x224xf32>
    %mul3A_2629 = arith.mulf %sqrt3A_2626, %mul3A_2628 : vector<32x224xf32>
    %exp3A_2630 = math.exp %mul3A_2629 : vector<32x224xf32>
    %mul3A_2631 = arith.constant 1.000000e+00 : f32
    %mul3A_2632 = vector.broadcast %mul3A_2631 : f32 to vector<32x224xf32>
    %mul3A_2633 = arith.mulf %mul3A_2632, %exp3A_2630 : vector<32x224xf32>
    %mul3A_2634 = arith.mulf %select_n3A_129, %select_n3A_297 : vector<32x224xf32>
    %mul3A_2635 = arith.mulf %mul3A_2633, %mul3A_2634 : vector<32x224xf32>
    %add3A_2636 = arith.addf %add3A_2524, %mul3A_2635 : vector<32x224xf32>
    %neg3A_2637 = arith.constant 0.000000e+00 : f32
    %neg3A_2638 = vector.broadcast %neg3A_2637 : f32 to vector<32x224xf32>
    %neg3A_2639 = arith.subf %neg3A_2638, %mul3A_2635 : vector<32x224xf32>
    %swap3A_2640 = arith.constant 0 : index
    %swap3A_2641 = arith.constant 20736 : index
    %swap3A_2642 = vector.load %arg2[%swap3A_2640, %swap3A_2641] : memref<32x28928xf32, #tpu.memory_space<vmem>>, vector<32x224xf32>
    tpu.vector_store %arg2[%swap3A_2640, %swap3A_2641], %neg3A_2639 {strides = array<i32>} : memref<32x28928xf32, #tpu.memory_space<vmem>>, vector<32x224xf32>,
    %slice3A_2643 = vector.extract_strided_slice %slice3A_2416 {offsets = [0, 9], sizes = [32, 224], strides = [1, 1]} : vector<32x256xf32> to vector<32x224xf32>
    %slice3A_2644 = vector.extract_strided_slice %slice3A_2417 {offsets = [0, 9], sizes = [32, 224], strides = [1, 1]} : vector<32x256xf32> to vector<32x224xf32>
    %slice3A_2645 = vector.extract_strided_slice %slice3A_2418 {offsets = [0, 9], sizes = [32, 224], strides = [1, 1]} : vector<32x256xf32> to vector<32x224xf32>
    %sub3A_2646 = arith.subf %slice3A, %slice3A_2643 : vector<32x224xf32>
    %integer_pow3A_2647 = arith.mulf %sub3A_2646, %sub3A_2646 : vector<32x224xf32>
    %sub3A_2648 = arith.subf %slice3A_15, %slice3A_2644 : vector<32x224xf32>
    %integer_pow3A_2649 = arith.mulf %sub3A_2648, %sub3A_2648 : vector<32x224xf32>
    %add3A_2650 = arith.addf %integer_pow3A_2647, %integer_pow3A_2649 : vector<32x224xf32>
    %sub3A_2651 = arith.subf %slice3A_16, %slice3A_2645 : vector<32x224xf32>
    %integer_pow3A_2652 = arith.mulf %sub3A_2651, %sub3A_2651 : vector<32x224xf32>
    %add3A_2653 = arith.addf %add3A_2650, %integer_pow3A_2652 : vector<32x224xf32>
    %sqrt3A_2654 = math.sqrt %add3A_2653 : vector<32x224xf32>
    %mul3A_2655 = arith.constant -6.66666651 : f32
    %mul3A_2656 = vector.broadcast %mul3A_2655 : f32 to vector<32x224xf32>
    %mul3A_2657 = arith.mulf %sqrt3A_2654, %mul3A_2656 : vector<32x224xf32>
    %exp3A_2658 = math.exp %mul3A_2657 : vector<32x224xf32>
    %mul3A_2659 = arith.constant 6.000000e-01 : f32
    %mul3A_2660 = vector.broadcast %mul3A_2659 : f32 to vector<32x224xf32>
    %mul3A_2661 = arith.mulf %mul3A_2660, %exp3A_2658 : vector<32x224xf32>
    %mul3A_2662 = arith.mulf %select_n3A_129, %select_n3A_311 : vector<32x224xf32>
    %mul3A_2663 = arith.mulf %mul3A_2661, %mul3A_2662 : vector<32x224xf32>
    %add3A_2664 = arith.addf %add3A_2552, %mul3A_2663 : vector<32x224xf32>
    %neg3A_2665 = arith.constant 0.000000e+00 : f32
    %neg3A_2666 = vector.broadcast %neg3A_2665 : f32 to vector<32x224xf32>
    %neg3A_2667 = arith.subf %neg3A_2666, %mul3A_2663 : vector<32x224xf32>
    %swap3A_2668 = arith.constant 0 : index
    %swap3A_2669 = arith.constant 20992 : index
    %swap3A_2670 = vector.load %arg2[%swap3A_2668, %swap3A_2669] : memref<32x28928xf32, #tpu.memory_space<vmem>>, vector<32x224xf32>
    tpu.vector_store %arg2[%swap3A_2668, %swap3A_2669], %neg3A_2667 {strides = array<i32>} : memref<32x28928xf32, #tpu.memory_space<vmem>>, vector<32x224xf32>,
    %slice3A_2671 = vector.extract_strided_slice %slice3A_2416 {offsets = [0, 10], sizes = [32, 224], strides = [1, 1]} : vector<32x256xf32> to vector<32x224xf32>
    %slice3A_2672 = vector.extract_strided_slice %slice3A_2417 {offsets = [0, 10], sizes = [32, 224], strides = [1, 1]} : vector<32x256xf32> to vector<32x224xf32>
    %slice3A_2673 = vector.extract_strided_slice %slice3A_2418 {offsets = [0, 10], sizes = [32, 224], strides = [1, 1]} : vector<32x256xf32> to vector<32x224xf32>
    %sub3A_2674 = arith.subf %slice3A, %slice3A_2671 : vector<32x224xf32>
    %integer_pow3A_2675 = arith.mulf %sub3A_2674, %sub3A_2674 : vector<32x224xf32>
    %sub3A_2676 = arith.subf %slice3A_15, %slice3A_2672 : vector<32x224xf32>
    %integer_pow3A_2677 = arith.mulf %sub3A_2676, %sub3A_2676 : vector<32x224xf32>
    %add3A_2678 = arith.addf %integer_pow3A_2675, %integer_pow3A_2677 : vector<32x224xf32>
    %sub3A_2679 = arith.subf %slice3A_16, %slice3A_2673 : vector<32x224xf32>
    %integer_pow3A_2680 = arith.mulf %sub3A_2679, %sub3A_2679 : vector<32x224xf32>
    %add3A_2681 = arith.addf %add3A_2678, %integer_pow3A_2680 : vector<32x224xf32>
    %sqrt3A_2682 = math.sqrt %add3A_2681 : vector<32x224xf32>
    %mul3A_2683 = arith.constant -6.66666651 : f32
    %mul3A_2684 = vector.broadcast %mul3A_2683 : f32 to vector<32x224xf32>
    %mul3A_2685 = arith.mulf %sqrt3A_2682, %mul3A_2684 : vector<32x224xf32>
    %exp3A_2686 = math.exp %mul3A_2685 : vector<32x224xf32>
    %mul3A_2687 = arith.constant 3.000000e-01 : f32
    %mul3A_2688 = vector.broadcast %mul3A_2687 : f32 to vector<32x224xf32>
    %mul3A_2689 = arith.mulf %mul3A_2688, %exp3A_2686 : vector<32x224xf32>
    %mul3A_2690 = arith.mulf %select_n3A_129, %select_n3A_325 : vector<32x224xf32>
    %mul3A_2691 = arith.mulf %mul3A_2689, %mul3A_2690 : vector<32x224xf32>
    %add3A_2692 = arith.addf %add3A_2580, %mul3A_2691 : vector<32x224xf32>
    %neg3A_2693 = arith.constant 0.000000e+00 : f32
    %neg3A_2694 = vector.broadcast %neg3A_2693 : f32 to vector<32x224xf32>
    %neg3A_2695 = arith.subf %neg3A_2694, %mul3A_2691 : vector<32x224xf32>
    %swap3A_2696 = arith.constant 0 : index
    %swap3A_2697 = arith.constant 21248 : index
    %swap3A_2698 = vector.load %arg2[%swap3A_2696, %swap3A_2697] : memref<32x28928xf32, #tpu.memory_space<vmem>>, vector<32x224xf32>
    tpu.vector_store %arg2[%swap3A_2696, %swap3A_2697], %neg3A_2695 {strides = array<i32>} : memref<32x28928xf32, #tpu.memory_space<vmem>>, vector<32x224xf32>,
    %slice3A_2699 = vector.extract_strided_slice %slice3A_2416 {offsets = [0, 11], sizes = [32, 224], strides = [1, 1]} : vector<32x256xf32> to vector<32x224xf32>
    %slice3A_2700 = vector.extract_strided_slice %slice3A_2417 {offsets = [0, 11], sizes = [32, 224], strides = [1, 1]} : vector<32x256xf32> to vector<32x224xf32>
    %slice3A_2701 = vector.extract_strided_slice %slice3A_2418 {offsets = [0, 11], sizes = [32, 224], strides = [1, 1]} : vector<32x256xf32> to vector<32x224xf32>
    %sub3A_2702 = arith.subf %slice3A, %slice3A_2699 : vector<32x224xf32>
    %integer_pow3A_2703 = arith.mulf %sub3A_2702, %sub3A_2702 : vector<32x224xf32>
    %sub3A_2704 = arith.subf %slice3A_15, %slice3A_2700 : vector<32x224xf32>
    %integer_pow3A_2705 = arith.mulf %sub3A_2704, %sub3A_2704 : vector<32x224xf32>
    %add3A_2706 = arith.addf %integer_pow3A_2703, %integer_pow3A_2705 : vector<32x224xf32>
    %sub3A_2707 = arith.subf %slice3A_16, %slice3A_2701 : vector<32x224xf32>
    %integer_pow3A_2708 = arith.mulf %sub3A_2707, %sub3A_2707 : vector<32x224xf32>
    %add3A_2709 = arith.addf %add3A_2706, %integer_pow3A_2708 : vector<32x224xf32>
    %sqrt3A_2710 = math.sqrt %add3A_2709 : vector<32x224xf32>
    %mul3A_2711 = arith.constant -6.66666651 : f32
    %mul3A_2712 = vector.broadcast %mul3A_2711 : f32 to vector<32x224xf32>
    %mul3A_2713 = arith.mulf %sqrt3A_2710, %mul3A_2712 : vector<32x224xf32>
    %exp3A_2714 = math.exp %mul3A_2713 : vector<32x224xf32>
    %mul3A_2715 = arith.constant 1.000000e-01 : f32
    %mul3A_2716 = vector.broadcast %mul3A_2715 : f32 to vector<32x224xf32>
    %mul3A_2717 = arith.mulf %mul3A_2716, %exp3A_2714 : vector<32x224xf32>
    %mul3A_2718 = arith.mulf %select_n3A_129, %select_n3A_339 : vector<32x224xf32>
    %mul3A_2719 = arith.mulf %mul3A_2717, %mul3A_2718 : vector<32x224xf32>
    %add3A_2720 = arith.addf %add3A_2608, %mul3A_2719 : vector<32x224xf32>
    %neg3A_2721 = arith.constant 0.000000e+00 : f32
    %neg3A_2722 = vector.broadcast %neg3A_2721 : f32 to vector<32x224xf32>
    %neg3A_2723 = arith.subf %neg3A_2722, %mul3A_2719 : vector<32x224xf32>
    %swap3A_2724 = arith.constant 0 : index
    %swap3A_2725 = arith.constant 21504 : index
    %swap3A_2726 = vector.load %arg2[%swap3A_2724, %swap3A_2725] : memref<32x28928xf32, #tpu.memory_space<vmem>>, vector<32x224xf32>
    tpu.vector_store %arg2[%swap3A_2724, %swap3A_2725], %neg3A_2723 {strides = array<i32>} : memref<32x28928xf32, #tpu.memory_space<vmem>>, vector<32x224xf32>,
    %slice3A_2727 = vector.extract_strided_slice %get3A_4 {offsets = [9, 0], sizes = [32, 256], strides = [1, 1]} : vector<48x256xf32> to vector<32x256xf32>
    %slice3A_2728 = vector.extract_strided_slice %get3A_9 {offsets = [9, 0], sizes = [32, 256], strides = [1, 1]} : vector<48x256xf32> to vector<32x256xf32>
    %slice3A_2729 = vector.extract_strided_slice %get3A_14 {offsets = [9, 0], sizes = [32, 256], strides = [1, 1]} : vector<48x256xf32> to vector<32x256xf32>
    %slice3A_2730 = vector.extract_strided_slice %slice3A_2727 {offsets = [0, 1], sizes = [32, 224], strides = [1, 1]} : vector<32x256xf32> to vector<32x224xf32>
    %slice3A_2731 = vector.extract_strided_slice %slice3A_2728 {offsets = [0, 1], sizes = [32, 224], strides = [1, 1]} : vector<32x256xf32> to vector<32x224xf32>
    %slice3A_2732 = vector.extract_strided_slice %slice3A_2729 {offsets = [0, 1], sizes = [32, 224], strides = [1, 1]} : vector<32x256xf32> to vector<32x224xf32>
    %sub3A_2733 = arith.subf %slice3A, %slice3A_2730 : vector<32x224xf32>
    %integer_pow3A_2734 = arith.mulf %sub3A_2733, %sub3A_2733 : vector<32x224xf32>
    %sub3A_2735 = arith.subf %slice3A_15, %slice3A_2731 : vector<32x224xf32>
    %integer_pow3A_2736 = arith.mulf %sub3A_2735, %sub3A_2735 : vector<32x224xf32>
    %add3A_2737 = arith.addf %integer_pow3A_2734, %integer_pow3A_2736 : vector<32x224xf32>
    %sub3A_2738 = arith.subf %slice3A_16, %slice3A_2732 : vector<32x224xf32>
    %integer_pow3A_2739 = arith.mulf %sub3A_2738, %sub3A_2738 : vector<32x224xf32>
    %add3A_2740 = arith.addf %add3A_2737, %integer_pow3A_2739 : vector<32x224xf32>
    %sqrt3A_2741 = math.sqrt %add3A_2740 : vector<32x224xf32>
    %mul3A_2742 = arith.constant -6.66666651 : f32
    %mul3A_2743 = vector.broadcast %mul3A_2742 : f32 to vector<32x224xf32>
    %mul3A_2744 = arith.mulf %sqrt3A_2741, %mul3A_2743 : vector<32x224xf32>
    %exp3A_2745 = math.exp %mul3A_2744 : vector<32x224xf32>
    %mul3A_2746 = arith.constant 1.000000e-01 : f32
    %mul3A_2747 = vector.broadcast %mul3A_2746 : f32 to vector<32x224xf32>
    %mul3A_2748 = arith.mulf %mul3A_2747, %exp3A_2745 : vector<32x224xf32>
    %mul3A_2749 = arith.mulf %select_n3A_143, %select_n3A_213 : vector<32x224xf32>
    %mul3A_2750 = arith.mulf %mul3A_2748, %mul3A_2749 : vector<32x224xf32>
    %add3A_2751 = arith.addf %add3A_2636, %mul3A_2750 : vector<32x224xf32>
    %neg3A_2752 = arith.constant 0.000000e+00 : f32
    %neg3A_2753 = vector.broadcast %neg3A_2752 : f32 to vector<32x224xf32>
    %neg3A_2754 = arith.subf %neg3A_2753, %mul3A_2750 : vector<32x224xf32>
    %swap3A_2755 = arith.constant 0 : index
    %swap3A_2756 = arith.constant 21760 : index
    %swap3A_2757 = vector.load %arg2[%swap3A_2755, %swap3A_2756] : memref<32x28928xf32, #tpu.memory_space<vmem>>, vector<32x224xf32>
    tpu.vector_store %arg2[%swap3A_2755, %swap3A_2756], %neg3A_2754 {strides = array<i32>} : memref<32x28928xf32, #tpu.memory_space<vmem>>, vector<32x224xf32>,
    %slice3A_2758 = vector.extract_strided_slice %slice3A_2727 {offsets = [0, 2], sizes = [32, 224], strides = [1, 1]} : vector<32x256xf32> to vector<32x224xf32>
    %slice3A_2759 = vector.extract_strided_slice %slice3A_2728 {offsets = [0, 2], sizes = [32, 224], strides = [1, 1]} : vector<32x256xf32> to vector<32x224xf32>
    %slice3A_2760 = vector.extract_strided_slice %slice3A_2729 {offsets = [0, 2], sizes = [32, 224], strides = [1, 1]} : vector<32x256xf32> to vector<32x224xf32>
    %sub3A_2761 = arith.subf %slice3A, %slice3A_2758 : vector<32x224xf32>
    %integer_pow3A_2762 = arith.mulf %sub3A_2761, %sub3A_2761 : vector<32x224xf32>
    %sub3A_2763 = arith.subf %slice3A_15, %slice3A_2759 : vector<32x224xf32>
    %integer_pow3A_2764 = arith.mulf %sub3A_2763, %sub3A_2763 : vector<32x224xf32>
    %add3A_2765 = arith.addf %integer_pow3A_2762, %integer_pow3A_2764 : vector<32x224xf32>
    %sub3A_2766 = arith.subf %slice3A_16, %slice3A_2760 : vector<32x224xf32>
    %integer_pow3A_2767 = arith.mulf %sub3A_2766, %sub3A_2766 : vector<32x224xf32>
    %add3A_2768 = arith.addf %add3A_2765, %integer_pow3A_2767 : vector<32x224xf32>
    %sqrt3A_2769 = math.sqrt %add3A_2768 : vector<32x224xf32>
    %mul3A_2770 = arith.constant -6.66666651 : f32
    %mul3A_2771 = vector.broadcast %mul3A_2770 : f32 to vector<32x224xf32>
    %mul3A_2772 = arith.mulf %sqrt3A_2769, %mul3A_2771 : vector<32x224xf32>
    %exp3A_2773 = math.exp %mul3A_2772 : vector<32x224xf32>
    %mul3A_2774 = arith.constant 3.000000e-01 : f32
    %mul3A_2775 = vector.broadcast %mul3A_2774 : f32 to vector<32x224xf32>
    %mul3A_2776 = arith.mulf %mul3A_2775, %exp3A_2773 : vector<32x224xf32>
    %mul3A_2777 = arith.mulf %select_n3A_143, %select_n3A_227 : vector<32x224xf32>
    %mul3A_2778 = arith.mulf %mul3A_2776, %mul3A_2777 : vector<32x224xf32>
    %add3A_2779 = arith.addf %add3A_2664, %mul3A_2778 : vector<32x224xf32>
    %neg3A_2780 = arith.constant 0.000000e+00 : f32
    %neg3A_2781 = vector.broadcast %neg3A_2780 : f32 to vector<32x224xf32>
    %neg3A_2782 = arith.subf %neg3A_2781, %mul3A_2778 : vector<32x224xf32>
    %swap3A_2783 = arith.constant 0 : index
    %swap3A_2784 = arith.constant 22016 : index
    %swap3A_2785 = vector.load %arg2[%swap3A_2783, %swap3A_2784] : memref<32x28928xf32, #tpu.memory_space<vmem>>, vector<32x224xf32>
    tpu.vector_store %arg2[%swap3A_2783, %swap3A_2784], %neg3A_2782 {strides = array<i32>} : memref<32x28928xf32, #tpu.memory_space<vmem>>, vector<32x224xf32>,
    %slice3A_2786 = vector.extract_strided_slice %slice3A_2727 {offsets = [0, 3], sizes = [32, 224], strides = [1, 1]} : vector<32x256xf32> to vector<32x224xf32>
    %slice3A_2787 = vector.extract_strided_slice %slice3A_2728 {offsets = [0, 3], sizes = [32, 224], strides = [1, 1]} : vector<32x256xf32> to vector<32x224xf32>
    %slice3A_2788 = vector.extract_strided_slice %slice3A_2729 {offsets = [0, 3], sizes = [32, 224], strides = [1, 1]} : vector<32x256xf32> to vector<32x224xf32>
    %sub3A_2789 = arith.subf %slice3A, %slice3A_2786 : vector<32x224xf32>
    %integer_pow3A_2790 = arith.mulf %sub3A_2789, %sub3A_2789 : vector<32x224xf32>
    %sub3A_2791 = arith.subf %slice3A_15, %slice3A_2787 : vector<32x224xf32>
    %integer_pow3A_2792 = arith.mulf %sub3A_2791, %sub3A_2791 : vector<32x224xf32>
    %add3A_2793 = arith.addf %integer_pow3A_2790, %integer_pow3A_2792 : vector<32x224xf32>
    %sub3A_2794 = arith.subf %slice3A_16, %slice3A_2788 : vector<32x224xf32>
    %integer_pow3A_2795 = arith.mulf %sub3A_2794, %sub3A_2794 : vector<32x224xf32>
    %add3A_2796 = arith.addf %add3A_2793, %integer_pow3A_2795 : vector<32x224xf32>
    %sqrt3A_2797 = math.sqrt %add3A_2796 : vector<32x224xf32>
    %mul3A_2798 = arith.constant -6.66666651 : f32
    %mul3A_2799 = vector.broadcast %mul3A_2798 : f32 to vector<32x224xf32>
    %mul3A_2800 = arith.mulf %sqrt3A_2797, %mul3A_2799 : vector<32x224xf32>
    %exp3A_2801 = math.exp %mul3A_2800 : vector<32x224xf32>
    %mul3A_2802 = arith.constant 3.000000e-01 : f32
    %mul3A_2803 = vector.broadcast %mul3A_2802 : f32 to vector<32x224xf32>
    %mul3A_2804 = arith.mulf %mul3A_2803, %exp3A_2801 : vector<32x224xf32>
    %mul3A_2805 = arith.mulf %select_n3A_143, %select_n3A_241 : vector<32x224xf32>
    %mul3A_2806 = arith.mulf %mul3A_2804, %mul3A_2805 : vector<32x224xf32>
    %add3A_2807 = arith.addf %add3A_2692, %mul3A_2806 : vector<32x224xf32>
    %neg3A_2808 = arith.constant 0.000000e+00 : f32
    %neg3A_2809 = vector.broadcast %neg3A_2808 : f32 to vector<32x224xf32>
    %neg3A_2810 = arith.subf %neg3A_2809, %mul3A_2806 : vector<32x224xf32>
    %swap3A_2811 = arith.constant 0 : index
    %swap3A_2812 = arith.constant 22272 : index
    %swap3A_2813 = vector.load %arg2[%swap3A_2811, %swap3A_2812] : memref<32x28928xf32, #tpu.memory_space<vmem>>, vector<32x224xf32>
    tpu.vector_store %arg2[%swap3A_2811, %swap3A_2812], %neg3A_2810 {strides = array<i32>} : memref<32x28928xf32, #tpu.memory_space<vmem>>, vector<32x224xf32>,
    %slice3A_2814 = vector.extract_strided_slice %slice3A_2727 {offsets = [0, 4], sizes = [32, 224], strides = [1, 1]} : vector<32x256xf32> to vector<32x224xf32>
    %slice3A_2815 = vector.extract_strided_slice %slice3A_2728 {offsets = [0, 4], sizes = [32, 224], strides = [1, 1]} : vector<32x256xf32> to vector<32x224xf32>
    %slice3A_2816 = vector.extract_strided_slice %slice3A_2729 {offsets = [0, 4], sizes = [32, 224], strides = [1, 1]} : vector<32x256xf32> to vector<32x224xf32>
    %sub3A_2817 = arith.subf %slice3A, %slice3A_2814 : vector<32x224xf32>
    %integer_pow3A_2818 = arith.mulf %sub3A_2817, %sub3A_2817 : vector<32x224xf32>
    %sub3A_2819 = arith.subf %slice3A_15, %slice3A_2815 : vector<32x224xf32>
    %integer_pow3A_2820 = arith.mulf %sub3A_2819, %sub3A_2819 : vector<32x224xf32>
    %add3A_2821 = arith.addf %integer_pow3A_2818, %integer_pow3A_2820 : vector<32x224xf32>
    %sub3A_2822 = arith.subf %slice3A_16, %slice3A_2816 : vector<32x224xf32>
    %integer_pow3A_2823 = arith.mulf %sub3A_2822, %sub3A_2822 : vector<32x224xf32>
    %add3A_2824 = arith.addf %add3A_2821, %integer_pow3A_2823 : vector<32x224xf32>
    %sqrt3A_2825 = math.sqrt %add3A_2824 : vector<32x224xf32>
    %mul3A_2826 = arith.constant -6.66666651 : f32
    %mul3A_2827 = vector.broadcast %mul3A_2826 : f32 to vector<32x224xf32>
    %mul3A_2828 = arith.mulf %sqrt3A_2825, %mul3A_2827 : vector<32x224xf32>
    %exp3A_2829 = math.exp %mul3A_2828 : vector<32x224xf32>
    %mul3A_2830 = arith.constant 6.000000e-01 : f32
    %mul3A_2831 = vector.broadcast %mul3A_2830 : f32 to vector<32x224xf32>
    %mul3A_2832 = arith.mulf %mul3A_2831, %exp3A_2829 : vector<32x224xf32>
    %mul3A_2833 = arith.mulf %select_n3A_143, %select_n3A_255 : vector<32x224xf32>
    %mul3A_2834 = arith.mulf %mul3A_2832, %mul3A_2833 : vector<32x224xf32>
    %add3A_2835 = arith.addf %add3A_2720, %mul3A_2834 : vector<32x224xf32>
    %neg3A_2836 = arith.constant 0.000000e+00 : f32
    %neg3A_2837 = vector.broadcast %neg3A_2836 : f32 to vector<32x224xf32>
    %neg3A_2838 = arith.subf %neg3A_2837, %mul3A_2834 : vector<32x224xf32>
    %swap3A_2839 = arith.constant 0 : index
    %swap3A_2840 = arith.constant 22528 : index
    %swap3A_2841 = vector.load %arg2[%swap3A_2839, %swap3A_2840] : memref<32x28928xf32, #tpu.memory_space<vmem>>, vector<32x224xf32>
    tpu.vector_store %arg2[%swap3A_2839, %swap3A_2840], %neg3A_2838 {strides = array<i32>} : memref<32x28928xf32, #tpu.memory_space<vmem>>, vector<32x224xf32>,
    %slice3A_2842 = vector.extract_strided_slice %slice3A_2727 {offsets = [0, 5], sizes = [32, 224], strides = [1, 1]} : vector<32x256xf32> to vector<32x224xf32>
    %slice3A_2843 = vector.extract_strided_slice %slice3A_2728 {offsets = [0, 5], sizes = [32, 224], strides = [1, 1]} : vector<32x256xf32> to vector<32x224xf32>
    %slice3A_2844 = vector.extract_strided_slice %slice3A_2729 {offsets = [0, 5], sizes = [32, 224], strides = [1, 1]} : vector<32x256xf32> to vector<32x224xf32>
    %sub3A_2845 = arith.subf %slice3A, %slice3A_2842 : vector<32x224xf32>
    %integer_pow3A_2846 = arith.mulf %sub3A_2845, %sub3A_2845 : vector<32x224xf32>
    %sub3A_2847 = arith.subf %slice3A_15, %slice3A_2843 : vector<32x224xf32>
    %integer_pow3A_2848 = arith.mulf %sub3A_2847, %sub3A_2847 : vector<32x224xf32>
    %add3A_2849 = arith.addf %integer_pow3A_2846, %integer_pow3A_2848 : vector<32x224xf32>
    %sub3A_2850 = arith.subf %slice3A_16, %slice3A_2844 : vector<32x224xf32>
    %integer_pow3A_2851 = arith.mulf %sub3A_2850, %sub3A_2850 : vector<32x224xf32>
    %add3A_2852 = arith.addf %add3A_2849, %integer_pow3A_2851 : vector<32x224xf32>
    %sqrt3A_2853 = math.sqrt %add3A_2852 : vector<32x224xf32>
    %mul3A_2854 = arith.constant -6.66666651 : f32
    %mul3A_2855 = vector.broadcast %mul3A_2854 : f32 to vector<32x224xf32>
    %mul3A_2856 = arith.mulf %sqrt3A_2853, %mul3A_2855 : vector<32x224xf32>
    %exp3A_2857 = math.exp %mul3A_2856 : vector<32x224xf32>
    %mul3A_2858 = arith.constant 6.000000e-01 : f32
    %mul3A_2859 = vector.broadcast %mul3A_2858 : f32 to vector<32x224xf32>
    %mul3A_2860 = arith.mulf %mul3A_2859, %exp3A_2857 : vector<32x224xf32>
    %mul3A_2861 = arith.mulf %select_n3A_143, %select_n3A_269 : vector<32x224xf32>
    %mul3A_2862 = arith.mulf %mul3A_2860, %mul3A_2861 : vector<32x224xf32>
    %add3A_2863 = arith.addf %add3A_2751, %mul3A_2862 : vector<32x224xf32>
    %neg3A_2864 = arith.constant 0.000000e+00 : f32
    %neg3A_2865 = vector.broadcast %neg3A_2864 : f32 to vector<32x224xf32>
    %neg3A_2866 = arith.subf %neg3A_2865, %mul3A_2862 : vector<32x224xf32>
    %swap3A_2867 = arith.constant 0 : index
    %swap3A_2868 = arith.constant 22784 : index
    %swap3A_2869 = vector.load %arg2[%swap3A_2867, %swap3A_2868] : memref<32x28928xf32, #tpu.memory_space<vmem>>, vector<32x224xf32>
    tpu.vector_store %arg2[%swap3A_2867, %swap3A_2868], %neg3A_2866 {strides = array<i32>} : memref<32x28928xf32, #tpu.memory_space<vmem>>, vector<32x224xf32>,
    %slice3A_2870 = vector.extract_strided_slice %slice3A_2727 {offsets = [0, 6], sizes = [32, 224], strides = [1, 1]} : vector<32x256xf32> to vector<32x224xf32>
    %slice3A_2871 = vector.extract_strided_slice %slice3A_2728 {offsets = [0, 6], sizes = [32, 224], strides = [1, 1]} : vector<32x256xf32> to vector<32x224xf32>
    %slice3A_2872 = vector.extract_strided_slice %slice3A_2729 {offsets = [0, 6], sizes = [32, 224], strides = [1, 1]} : vector<32x256xf32> to vector<32x224xf32>
    %sub3A_2873 = arith.subf %slice3A, %slice3A_2870 : vector<32x224xf32>
    %integer_pow3A_2874 = arith.mulf %sub3A_2873, %sub3A_2873 : vector<32x224xf32>
    %sub3A_2875 = arith.subf %slice3A_15, %slice3A_2871 : vector<32x224xf32>
    %integer_pow3A_2876 = arith.mulf %sub3A_2875, %sub3A_2875 : vector<32x224xf32>
    %add3A_2877 = arith.addf %integer_pow3A_2874, %integer_pow3A_2876 : vector<32x224xf32>
    %sub3A_2878 = arith.subf %slice3A_16, %slice3A_2872 : vector<32x224xf32>
    %integer_pow3A_2879 = arith.mulf %sub3A_2878, %sub3A_2878 : vector<32x224xf32>
    %add3A_2880 = arith.addf %add3A_2877, %integer_pow3A_2879 : vector<32x224xf32>
    %sqrt3A_2881 = math.sqrt %add3A_2880 : vector<32x224xf32>
    %mul3A_2882 = arith.constant -6.66666651 : f32
    %mul3A_2883 = vector.broadcast %mul3A_2882 : f32 to vector<32x224xf32>
    %mul3A_2884 = arith.mulf %sqrt3A_2881, %mul3A_2883 : vector<32x224xf32>
    %exp3A_2885 = math.exp %mul3A_2884 : vector<32x224xf32>
    %mul3A_2886 = arith.constant 1.000000e+00 : f32
    %mul3A_2887 = vector.broadcast %mul3A_2886 : f32 to vector<32x224xf32>
    %mul3A_2888 = arith.mulf %mul3A_2887, %exp3A_2885 : vector<32x224xf32>
    %mul3A_2889 = arith.mulf %select_n3A_143, %broadcast_in_dim3A_19 : vector<32x224xf32>
    %mul3A_2890 = arith.mulf %mul3A_2888, %mul3A_2889 : vector<32x224xf32>
    %add3A_2891 = arith.addf %add3A_2779, %mul3A_2890 : vector<32x224xf32>
    %neg3A_2892 = arith.constant 0.000000e+00 : f32
    %neg3A_2893 = vector.broadcast %neg3A_2892 : f32 to vector<32x224xf32>
    %neg3A_2894 = arith.subf %neg3A_2893, %mul3A_2890 : vector<32x224xf32>
    %swap3A_2895 = arith.constant 0 : index
    %swap3A_2896 = arith.constant 23040 : index
    %swap3A_2897 = vector.load %arg2[%swap3A_2895, %swap3A_2896] : memref<32x28928xf32, #tpu.memory_space<vmem>>, vector<32x224xf32>
    tpu.vector_store %arg2[%swap3A_2895, %swap3A_2896], %neg3A_2894 {strides = array<i32>} : memref<32x28928xf32, #tpu.memory_space<vmem>>, vector<32x224xf32>,
    %slice3A_2898 = vector.extract_strided_slice %slice3A_2727 {offsets = [0, 7], sizes = [32, 224], strides = [1, 1]} : vector<32x256xf32> to vector<32x224xf32>
    %slice3A_2899 = vector.extract_strided_slice %slice3A_2728 {offsets = [0, 7], sizes = [32, 224], strides = [1, 1]} : vector<32x256xf32> to vector<32x224xf32>
    %slice3A_2900 = vector.extract_strided_slice %slice3A_2729 {offsets = [0, 7], sizes = [32, 224], strides = [1, 1]} : vector<32x256xf32> to vector<32x224xf32>
    %sub3A_2901 = arith.subf %slice3A, %slice3A_2898 : vector<32x224xf32>
    %integer_pow3A_2902 = arith.mulf %sub3A_2901, %sub3A_2901 : vector<32x224xf32>
    %sub3A_2903 = arith.subf %slice3A_15, %slice3A_2899 : vector<32x224xf32>
    %integer_pow3A_2904 = arith.mulf %sub3A_2903, %sub3A_2903 : vector<32x224xf32>
    %add3A_2905 = arith.addf %integer_pow3A_2902, %integer_pow3A_2904 : vector<32x224xf32>
    %sub3A_2906 = arith.subf %slice3A_16, %slice3A_2900 : vector<32x224xf32>
    %integer_pow3A_2907 = arith.mulf %sub3A_2906, %sub3A_2906 : vector<32x224xf32>
    %add3A_2908 = arith.addf %add3A_2905, %integer_pow3A_2907 : vector<32x224xf32>
    %sqrt3A_2909 = math.sqrt %add3A_2908 : vector<32x224xf32>
    %mul3A_2910 = arith.constant -6.66666651 : f32
    %mul3A_2911 = vector.broadcast %mul3A_2910 : f32 to vector<32x224xf32>
    %mul3A_2912 = arith.mulf %sqrt3A_2909, %mul3A_2911 : vector<32x224xf32>
    %exp3A_2913 = math.exp %mul3A_2912 : vector<32x224xf32>
    %mul3A_2914 = arith.constant 6.000000e-01 : f32
    %mul3A_2915 = vector.broadcast %mul3A_2914 : f32 to vector<32x224xf32>
    %mul3A_2916 = arith.mulf %mul3A_2915, %exp3A_2913 : vector<32x224xf32>
    %mul3A_2917 = arith.mulf %select_n3A_143, %select_n3A_283 : vector<32x224xf32>
    %mul3A_2918 = arith.mulf %mul3A_2916, %mul3A_2917 : vector<32x224xf32>
    %add3A_2919 = arith.addf %add3A_2807, %mul3A_2918 : vector<32x224xf32>
    %neg3A_2920 = arith.constant 0.000000e+00 : f32
    %neg3A_2921 = vector.broadcast %neg3A_2920 : f32 to vector<32x224xf32>
    %neg3A_2922 = arith.subf %neg3A_2921, %mul3A_2918 : vector<32x224xf32>
    %swap3A_2923 = arith.constant 0 : index
    %swap3A_2924 = arith.constant 23296 : index
    %swap3A_2925 = vector.load %arg2[%swap3A_2923, %swap3A_2924] : memref<32x28928xf32, #tpu.memory_space<vmem>>, vector<32x224xf32>
    tpu.vector_store %arg2[%swap3A_2923, %swap3A_2924], %neg3A_2922 {strides = array<i32>} : memref<32x28928xf32, #tpu.memory_space<vmem>>, vector<32x224xf32>,
    %slice3A_2926 = vector.extract_strided_slice %slice3A_2727 {offsets = [0, 8], sizes = [32, 224], strides = [1, 1]} : vector<32x256xf32> to vector<32x224xf32>
    %slice3A_2927 = vector.extract_strided_slice %slice3A_2728 {offsets = [0, 8], sizes = [32, 224], strides = [1, 1]} : vector<32x256xf32> to vector<32x224xf32>
    %slice3A_2928 = vector.extract_strided_slice %slice3A_2729 {offsets = [0, 8], sizes = [32, 224], strides = [1, 1]} : vector<32x256xf32> to vector<32x224xf32>
    %sub3A_2929 = arith.subf %slice3A, %slice3A_2926 : vector<32x224xf32>
    %integer_pow3A_2930 = arith.mulf %sub3A_2929, %sub3A_2929 : vector<32x224xf32>
    %sub3A_2931 = arith.subf %slice3A_15, %slice3A_2927 : vector<32x224xf32>
    %integer_pow3A_2932 = arith.mulf %sub3A_2931, %sub3A_2931 : vector<32x224xf32>
    %add3A_2933 = arith.addf %integer_pow3A_2930, %integer_pow3A_2932 : vector<32x224xf32>
    %sub3A_2934 = arith.subf %slice3A_16, %slice3A_2928 : vector<32x224xf32>
    %integer_pow3A_2935 = arith.mulf %sub3A_2934, %sub3A_2934 : vector<32x224xf32>
    %add3A_2936 = arith.addf %add3A_2933, %integer_pow3A_2935 : vector<32x224xf32>
    %sqrt3A_2937 = math.sqrt %add3A_2936 : vector<32x224xf32>
    %mul3A_2938 = arith.constant -6.66666651 : f32
    %mul3A_2939 = vector.broadcast %mul3A_2938 : f32 to vector<32x224xf32>
    %mul3A_2940 = arith.mulf %sqrt3A_2937, %mul3A_2939 : vector<32x224xf32>
    %exp3A_2941 = math.exp %mul3A_2940 : vector<32x224xf32>
    %mul3A_2942 = arith.constant 6.000000e-01 : f32
    %mul3A_2943 = vector.broadcast %mul3A_2942 : f32 to vector<32x224xf32>
    %mul3A_2944 = arith.mulf %mul3A_2943, %exp3A_2941 : vector<32x224xf32>
    %mul3A_2945 = arith.mulf %select_n3A_143, %select_n3A_297 : vector<32x224xf32>
    %mul3A_2946 = arith.mulf %mul3A_2944, %mul3A_2945 : vector<32x224xf32>
    %add3A_2947 = arith.addf %add3A_2835, %mul3A_2946 : vector<32x224xf32>
    %neg3A_2948 = arith.constant 0.000000e+00 : f32
    %neg3A_2949 = vector.broadcast %neg3A_2948 : f32 to vector<32x224xf32>
    %neg3A_2950 = arith.subf %neg3A_2949, %mul3A_2946 : vector<32x224xf32>
    %swap3A_2951 = arith.constant 0 : index
    %swap3A_2952 = arith.constant 23552 : index
    %swap3A_2953 = vector.load %arg2[%swap3A_2951, %swap3A_2952] : memref<32x28928xf32, #tpu.memory_space<vmem>>, vector<32x224xf32>
    tpu.vector_store %arg2[%swap3A_2951, %swap3A_2952], %neg3A_2950 {strides = array<i32>} : memref<32x28928xf32, #tpu.memory_space<vmem>>, vector<32x224xf32>,
    %slice3A_2954 = vector.extract_strided_slice %slice3A_2727 {offsets = [0, 9], sizes = [32, 224], strides = [1, 1]} : vector<32x256xf32> to vector<32x224xf32>
    %slice3A_2955 = vector.extract_strided_slice %slice3A_2728 {offsets = [0, 9], sizes = [32, 224], strides = [1, 1]} : vector<32x256xf32> to vector<32x224xf32>
    %slice3A_2956 = vector.extract_strided_slice %slice3A_2729 {offsets = [0, 9], sizes = [32, 224], strides = [1, 1]} : vector<32x256xf32> to vector<32x224xf32>
    %sub3A_2957 = arith.subf %slice3A, %slice3A_2954 : vector<32x224xf32>
    %integer_pow3A_2958 = arith.mulf %sub3A_2957, %sub3A_2957 : vector<32x224xf32>
    %sub3A_2959 = arith.subf %slice3A_15, %slice3A_2955 : vector<32x224xf32>
    %integer_pow3A_2960 = arith.mulf %sub3A_2959, %sub3A_2959 : vector<32x224xf32>
    %add3A_2961 = arith.addf %integer_pow3A_2958, %integer_pow3A_2960 : vector<32x224xf32>
    %sub3A_2962 = arith.subf %slice3A_16, %slice3A_2956 : vector<32x224xf32>
    %integer_pow3A_2963 = arith.mulf %sub3A_2962, %sub3A_2962 : vector<32x224xf32>
    %add3A_2964 = arith.addf %add3A_2961, %integer_pow3A_2963 : vector<32x224xf32>
    %sqrt3A_2965 = math.sqrt %add3A_2964 : vector<32x224xf32>
    %mul3A_2966 = arith.constant -6.66666651 : f32
    %mul3A_2967 = vector.broadcast %mul3A_2966 : f32 to vector<32x224xf32>
    %mul3A_2968 = arith.mulf %sqrt3A_2965, %mul3A_2967 : vector<32x224xf32>
    %exp3A_2969 = math.exp %mul3A_2968 : vector<32x224xf32>
    %mul3A_2970 = arith.constant 3.000000e-01 : f32
    %mul3A_2971 = vector.broadcast %mul3A_2970 : f32 to vector<32x224xf32>
    %mul3A_2972 = arith.mulf %mul3A_2971, %exp3A_2969 : vector<32x224xf32>
    %mul3A_2973 = arith.mulf %select_n3A_143, %select_n3A_311 : vector<32x224xf32>
    %mul3A_2974 = arith.mulf %mul3A_2972, %mul3A_2973 : vector<32x224xf32>
    %add3A_2975 = arith.addf %add3A_2863, %mul3A_2974 : vector<32x224xf32>
    %neg3A_2976 = arith.constant 0.000000e+00 : f32
    %neg3A_2977 = vector.broadcast %neg3A_2976 : f32 to vector<32x224xf32>
    %neg3A_2978 = arith.subf %neg3A_2977, %mul3A_2974 : vector<32x224xf32>
    %swap3A_2979 = arith.constant 0 : index
    %swap3A_2980 = arith.constant 23808 : index
    %swap3A_2981 = vector.load %arg2[%swap3A_2979, %swap3A_2980] : memref<32x28928xf32, #tpu.memory_space<vmem>>, vector<32x224xf32>
    tpu.vector_store %arg2[%swap3A_2979, %swap3A_2980], %neg3A_2978 {strides = array<i32>} : memref<32x28928xf32, #tpu.memory_space<vmem>>, vector<32x224xf32>,
    %slice3A_2982 = vector.extract_strided_slice %slice3A_2727 {offsets = [0, 10], sizes = [32, 224], strides = [1, 1]} : vector<32x256xf32> to vector<32x224xf32>
    %slice3A_2983 = vector.extract_strided_slice %slice3A_2728 {offsets = [0, 10], sizes = [32, 224], strides = [1, 1]} : vector<32x256xf32> to vector<32x224xf32>
    %slice3A_2984 = vector.extract_strided_slice %slice3A_2729 {offsets = [0, 10], sizes = [32, 224], strides = [1, 1]} : vector<32x256xf32> to vector<32x224xf32>
    %sub3A_2985 = arith.subf %slice3A, %slice3A_2982 : vector<32x224xf32>
    %integer_pow3A_2986 = arith.mulf %sub3A_2985, %sub3A_2985 : vector<32x224xf32>
    %sub3A_2987 = arith.subf %slice3A_15, %slice3A_2983 : vector<32x224xf32>
    %integer_pow3A_2988 = arith.mulf %sub3A_2987, %sub3A_2987 : vector<32x224xf32>
    %add3A_2989 = arith.addf %integer_pow3A_2986, %integer_pow3A_2988 : vector<32x224xf32>
    %sub3A_2990 = arith.subf %slice3A_16, %slice3A_2984 : vector<32x224xf32>
    %integer_pow3A_2991 = arith.mulf %sub3A_2990, %sub3A_2990 : vector<32x224xf32>
    %add3A_2992 = arith.addf %add3A_2989, %integer_pow3A_2991 : vector<32x224xf32>
    %sqrt3A_2993 = math.sqrt %add3A_2992 : vector<32x224xf32>
    %mul3A_2994 = arith.constant -6.66666651 : f32
    %mul3A_2995 = vector.broadcast %mul3A_2994 : f32 to vector<32x224xf32>
    %mul3A_2996 = arith.mulf %sqrt3A_2993, %mul3A_2995 : vector<32x224xf32>
    %exp3A_2997 = math.exp %mul3A_2996 : vector<32x224xf32>
    %mul3A_2998 = arith.constant 3.000000e-01 : f32
    %mul3A_2999 = vector.broadcast %mul3A_2998 : f32 to vector<32x224xf32>
    %mul3A_3000 = arith.mulf %mul3A_2999, %exp3A_2997 : vector<32x224xf32>
    %mul3A_3001 = arith.mulf %select_n3A_143, %select_n3A_325 : vector<32x224xf32>
    %mul3A_3002 = arith.mulf %mul3A_3000, %mul3A_3001 : vector<32x224xf32>
    %add3A_3003 = arith.addf %add3A_2891, %mul3A_3002 : vector<32x224xf32>
    %neg3A_3004 = arith.constant 0.000000e+00 : f32
    %neg3A_3005 = vector.broadcast %neg3A_3004 : f32 to vector<32x224xf32>
    %neg3A_3006 = arith.subf %neg3A_3005, %mul3A_3002 : vector<32x224xf32>
    %swap3A_3007 = arith.constant 0 : index
    %swap3A_3008 = arith.constant 24064 : index
    %swap3A_3009 = vector.load %arg2[%swap3A_3007, %swap3A_3008] : memref<32x28928xf32, #tpu.memory_space<vmem>>, vector<32x224xf32>
    tpu.vector_store %arg2[%swap3A_3007, %swap3A_3008], %neg3A_3006 {strides = array<i32>} : memref<32x28928xf32, #tpu.memory_space<vmem>>, vector<32x224xf32>,
    %slice3A_3010 = vector.extract_strided_slice %slice3A_2727 {offsets = [0, 11], sizes = [32, 224], strides = [1, 1]} : vector<32x256xf32> to vector<32x224xf32>
    %slice3A_3011 = vector.extract_strided_slice %slice3A_2728 {offsets = [0, 11], sizes = [32, 224], strides = [1, 1]} : vector<32x256xf32> to vector<32x224xf32>
    %slice3A_3012 = vector.extract_strided_slice %slice3A_2729 {offsets = [0, 11], sizes = [32, 224], strides = [1, 1]} : vector<32x256xf32> to vector<32x224xf32>
    %sub3A_3013 = arith.subf %slice3A, %slice3A_3010 : vector<32x224xf32>
    %integer_pow3A_3014 = arith.mulf %sub3A_3013, %sub3A_3013 : vector<32x224xf32>
    %sub3A_3015 = arith.subf %slice3A_15, %slice3A_3011 : vector<32x224xf32>
    %integer_pow3A_3016 = arith.mulf %sub3A_3015, %sub3A_3015 : vector<32x224xf32>
    %add3A_3017 = arith.addf %integer_pow3A_3014, %integer_pow3A_3016 : vector<32x224xf32>
    %sub3A_3018 = arith.subf %slice3A_16, %slice3A_3012 : vector<32x224xf32>
    %integer_pow3A_3019 = arith.mulf %sub3A_3018, %sub3A_3018 : vector<32x224xf32>
    %add3A_3020 = arith.addf %add3A_3017, %integer_pow3A_3019 : vector<32x224xf32>
    %sqrt3A_3021 = math.sqrt %add3A_3020 : vector<32x224xf32>
    %mul3A_3022 = arith.constant -6.66666651 : f32
    %mul3A_3023 = vector.broadcast %mul3A_3022 : f32 to vector<32x224xf32>
    %mul3A_3024 = arith.mulf %sqrt3A_3021, %mul3A_3023 : vector<32x224xf32>
    %exp3A_3025 = math.exp %mul3A_3024 : vector<32x224xf32>
    %mul3A_3026 = arith.constant 1.000000e-01 : f32
    %mul3A_3027 = vector.broadcast %mul3A_3026 : f32 to vector<32x224xf32>
    %mul3A_3028 = arith.mulf %mul3A_3027, %exp3A_3025 : vector<32x224xf32>
    %mul3A_3029 = arith.mulf %select_n3A_143, %select_n3A_339 : vector<32x224xf32>
    %mul3A_3030 = arith.mulf %mul3A_3028, %mul3A_3029 : vector<32x224xf32>
    %add3A_3031 = arith.addf %add3A_2919, %mul3A_3030 : vector<32x224xf32>
    %neg3A_3032 = arith.constant 0.000000e+00 : f32
    %neg3A_3033 = vector.broadcast %neg3A_3032 : f32 to vector<32x224xf32>
    %neg3A_3034 = arith.subf %neg3A_3033, %mul3A_3030 : vector<32x224xf32>
    %swap3A_3035 = arith.constant 0 : index
    %swap3A_3036 = arith.constant 24320 : index
    %swap3A_3037 = vector.load %arg2[%swap3A_3035, %swap3A_3036] : memref<32x28928xf32, #tpu.memory_space<vmem>>, vector<32x224xf32>
    tpu.vector_store %arg2[%swap3A_3035, %swap3A_3036], %neg3A_3034 {strides = array<i32>} : memref<32x28928xf32, #tpu.memory_space<vmem>>, vector<32x224xf32>,
    %slice3A_3038 = vector.extract_strided_slice %get3A_4 {offsets = [10, 0], sizes = [32, 256], strides = [1, 1]} : vector<48x256xf32> to vector<32x256xf32>
    %slice3A_3039 = vector.extract_strided_slice %get3A_9 {offsets = [10, 0], sizes = [32, 256], strides = [1, 1]} : vector<48x256xf32> to vector<32x256xf32>
    %slice3A_3040 = vector.extract_strided_slice %get3A_14 {offsets = [10, 0], sizes = [32, 256], strides = [1, 1]} : vector<48x256xf32> to vector<32x256xf32>
    %slice3A_3041 = vector.extract_strided_slice %slice3A_3038 {offsets = [0, 2], sizes = [32, 224], strides = [1, 1]} : vector<32x256xf32> to vector<32x224xf32>
    %slice3A_3042 = vector.extract_strided_slice %slice3A_3039 {offsets = [0, 2], sizes = [32, 224], strides = [1, 1]} : vector<32x256xf32> to vector<32x224xf32>
    %slice3A_3043 = vector.extract_strided_slice %slice3A_3040 {offsets = [0, 2], sizes = [32, 224], strides = [1, 1]} : vector<32x256xf32> to vector<32x224xf32>
    %sub3A_3044 = arith.subf %slice3A, %slice3A_3041 : vector<32x224xf32>
    %integer_pow3A_3045 = arith.mulf %sub3A_3044, %sub3A_3044 : vector<32x224xf32>
    %sub3A_3046 = arith.subf %slice3A_15, %slice3A_3042 : vector<32x224xf32>
    %integer_pow3A_3047 = arith.mulf %sub3A_3046, %sub3A_3046 : vector<32x224xf32>
    %add3A_3048 = arith.addf %integer_pow3A_3045, %integer_pow3A_3047 : vector<32x224xf32>
    %sub3A_3049 = arith.subf %slice3A_16, %slice3A_3043 : vector<32x224xf32>
    %integer_pow3A_3050 = arith.mulf %sub3A_3049, %sub3A_3049 : vector<32x224xf32>
    %add3A_3051 = arith.addf %add3A_3048, %integer_pow3A_3050 : vector<32x224xf32>
    %sqrt3A_3052 = math.sqrt %add3A_3051 : vector<32x224xf32>
    %mul3A_3053 = arith.constant -6.66666651 : f32
    %mul3A_3054 = vector.broadcast %mul3A_3053 : f32 to vector<32x224xf32>
    %mul3A_3055 = arith.mulf %sqrt3A_3052, %mul3A_3054 : vector<32x224xf32>
    %exp3A_3056 = math.exp %mul3A_3055 : vector<32x224xf32>
    %mul3A_3057 = arith.constant 1.000000e-01 : f32
    %mul3A_3058 = vector.broadcast %mul3A_3057 : f32 to vector<32x224xf32>
    %mul3A_3059 = arith.mulf %mul3A_3058, %exp3A_3056 : vector<32x224xf32>
    %mul3A_3060 = arith.mulf %select_n3A_157, %select_n3A_227 : vector<32x224xf32>
    %mul3A_3061 = arith.mulf %mul3A_3059, %mul3A_3060 : vector<32x224xf32>
    %add3A_3062 = arith.addf %add3A_2947, %mul3A_3061 : vector<32x224xf32>
    %neg3A_3063 = arith.constant 0.000000e+00 : f32
    %neg3A_3064 = vector.broadcast %neg3A_3063 : f32 to vector<32x224xf32>
    %neg3A_3065 = arith.subf %neg3A_3064, %mul3A_3061 : vector<32x224xf32>
    %swap3A_3066 = arith.constant 0 : index
    %swap3A_3067 = arith.constant 24576 : index
    %swap3A_3068 = vector.load %arg2[%swap3A_3066, %swap3A_3067] : memref<32x28928xf32, #tpu.memory_space<vmem>>, vector<32x224xf32>
    tpu.vector_store %arg2[%swap3A_3066, %swap3A_3067], %neg3A_3065 {strides = array<i32>} : memref<32x28928xf32, #tpu.memory_space<vmem>>, vector<32x224xf32>,
    %slice3A_3069 = vector.extract_strided_slice %slice3A_3038 {offsets = [0, 3], sizes = [32, 224], strides = [1, 1]} : vector<32x256xf32> to vector<32x224xf32>
    %slice3A_3070 = vector.extract_strided_slice %slice3A_3039 {offsets = [0, 3], sizes = [32, 224], strides = [1, 1]} : vector<32x256xf32> to vector<32x224xf32>
    %slice3A_3071 = vector.extract_strided_slice %slice3A_3040 {offsets = [0, 3], sizes = [32, 224], strides = [1, 1]} : vector<32x256xf32> to vector<32x224xf32>
    %sub3A_3072 = arith.subf %slice3A, %slice3A_3069 : vector<32x224xf32>
    %integer_pow3A_3073 = arith.mulf %sub3A_3072, %sub3A_3072 : vector<32x224xf32>
    %sub3A_3074 = arith.subf %slice3A_15, %slice3A_3070 : vector<32x224xf32>
    %integer_pow3A_3075 = arith.mulf %sub3A_3074, %sub3A_3074 : vector<32x224xf32>
    %add3A_3076 = arith.addf %integer_pow3A_3073, %integer_pow3A_3075 : vector<32x224xf32>
    %sub3A_3077 = arith.subf %slice3A_16, %slice3A_3071 : vector<32x224xf32>
    %integer_pow3A_3078 = arith.mulf %sub3A_3077, %sub3A_3077 : vector<32x224xf32>
    %add3A_3079 = arith.addf %add3A_3076, %integer_pow3A_3078 : vector<32x224xf32>
    %sqrt3A_3080 = math.sqrt %add3A_3079 : vector<32x224xf32>
    %mul3A_3081 = arith.constant -6.66666651 : f32
    %mul3A_3082 = vector.broadcast %mul3A_3081 : f32 to vector<32x224xf32>
    %mul3A_3083 = arith.mulf %sqrt3A_3080, %mul3A_3082 : vector<32x224xf32>
    %exp3A_3084 = math.exp %mul3A_3083 : vector<32x224xf32>
    %mul3A_3085 = arith.constant 3.000000e-01 : f32
    %mul3A_3086 = vector.broadcast %mul3A_3085 : f32 to vector<32x224xf32>
    %mul3A_3087 = arith.mulf %mul3A_3086, %exp3A_3084 : vector<32x224xf32>
    %mul3A_3088 = arith.mulf %select_n3A_157, %select_n3A_241 : vector<32x224xf32>
    %mul3A_3089 = arith.mulf %mul3A_3087, %mul3A_3088 : vector<32x224xf32>
    %add3A_3090 = arith.addf %add3A_2975, %mul3A_3089 : vector<32x224xf32>
    %neg3A_3091 = arith.constant 0.000000e+00 : f32
    %neg3A_3092 = vector.broadcast %neg3A_3091 : f32 to vector<32x224xf32>
    %neg3A_3093 = arith.subf %neg3A_3092, %mul3A_3089 : vector<32x224xf32>
    %swap3A_3094 = arith.constant 0 : index
    %swap3A_3095 = arith.constant 24832 : index
    %swap3A_3096 = vector.load %arg2[%swap3A_3094, %swap3A_3095] : memref<32x28928xf32, #tpu.memory_space<vmem>>, vector<32x224xf32>
    tpu.vector_store %arg2[%swap3A_3094, %swap3A_3095], %neg3A_3093 {strides = array<i32>} : memref<32x28928xf32, #tpu.memory_space<vmem>>, vector<32x224xf32>,
    %slice3A_3097 = vector.extract_strided_slice %slice3A_3038 {offsets = [0, 4], sizes = [32, 224], strides = [1, 1]} : vector<32x256xf32> to vector<32x224xf32>
    %slice3A_3098 = vector.extract_strided_slice %slice3A_3039 {offsets = [0, 4], sizes = [32, 224], strides = [1, 1]} : vector<32x256xf32> to vector<32x224xf32>
    %slice3A_3099 = vector.extract_strided_slice %slice3A_3040 {offsets = [0, 4], sizes = [32, 224], strides = [1, 1]} : vector<32x256xf32> to vector<32x224xf32>
    %sub3A_3100 = arith.subf %slice3A, %slice3A_3097 : vector<32x224xf32>
    %integer_pow3A_3101 = arith.mulf %sub3A_3100, %sub3A_3100 : vector<32x224xf32>
    %sub3A_3102 = arith.subf %slice3A_15, %slice3A_3098 : vector<32x224xf32>
    %integer_pow3A_3103 = arith.mulf %sub3A_3102, %sub3A_3102 : vector<32x224xf32>
    %add3A_3104 = arith.addf %integer_pow3A_3101, %integer_pow3A_3103 : vector<32x224xf32>
    %sub3A_3105 = arith.subf %slice3A_16, %slice3A_3099 : vector<32x224xf32>
    %integer_pow3A_3106 = arith.mulf %sub3A_3105, %sub3A_3105 : vector<32x224xf32>
    %add3A_3107 = arith.addf %add3A_3104, %integer_pow3A_3106 : vector<32x224xf32>
    %sqrt3A_3108 = math.sqrt %add3A_3107 : vector<32x224xf32>
    %mul3A_3109 = arith.constant -6.66666651 : f32
    %mul3A_3110 = vector.broadcast %mul3A_3109 : f32 to vector<32x224xf32>
    %mul3A_3111 = arith.mulf %sqrt3A_3108, %mul3A_3110 : vector<32x224xf32>
    %exp3A_3112 = math.exp %mul3A_3111 : vector<32x224xf32>
    %mul3A_3113 = arith.constant 3.000000e-01 : f32
    %mul3A_3114 = vector.broadcast %mul3A_3113 : f32 to vector<32x224xf32>
    %mul3A_3115 = arith.mulf %mul3A_3114, %exp3A_3112 : vector<32x224xf32>
    %mul3A_3116 = arith.mulf %select_n3A_157, %select_n3A_255 : vector<32x224xf32>
    %mul3A_3117 = arith.mulf %mul3A_3115, %mul3A_3116 : vector<32x224xf32>
    %add3A_3118 = arith.addf %add3A_3003, %mul3A_3117 : vector<32x224xf32>
    %neg3A_3119 = arith.constant 0.000000e+00 : f32
    %neg3A_3120 = vector.broadcast %neg3A_3119 : f32 to vector<32x224xf32>
    %neg3A_3121 = arith.subf %neg3A_3120, %mul3A_3117 : vector<32x224xf32>
    %swap3A_3122 = arith.constant 0 : index
    %swap3A_3123 = arith.constant 25088 : index
    %swap3A_3124 = vector.load %arg2[%swap3A_3122, %swap3A_3123] : memref<32x28928xf32, #tpu.memory_space<vmem>>, vector<32x224xf32>
    tpu.vector_store %arg2[%swap3A_3122, %swap3A_3123], %neg3A_3121 {strides = array<i32>} : memref<32x28928xf32, #tpu.memory_space<vmem>>, vector<32x224xf32>,
    %slice3A_3125 = vector.extract_strided_slice %slice3A_3038 {offsets = [0, 5], sizes = [32, 224], strides = [1, 1]} : vector<32x256xf32> to vector<32x224xf32>
    %slice3A_3126 = vector.extract_strided_slice %slice3A_3039 {offsets = [0, 5], sizes = [32, 224], strides = [1, 1]} : vector<32x256xf32> to vector<32x224xf32>
    %slice3A_3127 = vector.extract_strided_slice %slice3A_3040 {offsets = [0, 5], sizes = [32, 224], strides = [1, 1]} : vector<32x256xf32> to vector<32x224xf32>
    %sub3A_3128 = arith.subf %slice3A, %slice3A_3125 : vector<32x224xf32>
    %integer_pow3A_3129 = arith.mulf %sub3A_3128, %sub3A_3128 : vector<32x224xf32>
    %sub3A_3130 = arith.subf %slice3A_15, %slice3A_3126 : vector<32x224xf32>
    %integer_pow3A_3131 = arith.mulf %sub3A_3130, %sub3A_3130 : vector<32x224xf32>
    %add3A_3132 = arith.addf %integer_pow3A_3129, %integer_pow3A_3131 : vector<32x224xf32>
    %sub3A_3133 = arith.subf %slice3A_16, %slice3A_3127 : vector<32x224xf32>
    %integer_pow3A_3134 = arith.mulf %sub3A_3133, %sub3A_3133 : vector<32x224xf32>
    %add3A_3135 = arith.addf %add3A_3132, %integer_pow3A_3134 : vector<32x224xf32>
    %sqrt3A_3136 = math.sqrt %add3A_3135 : vector<32x224xf32>
    %mul3A_3137 = arith.constant -6.66666651 : f32
    %mul3A_3138 = vector.broadcast %mul3A_3137 : f32 to vector<32x224xf32>
    %mul3A_3139 = arith.mulf %sqrt3A_3136, %mul3A_3138 : vector<32x224xf32>
    %exp3A_3140 = math.exp %mul3A_3139 : vector<32x224xf32>
    %mul3A_3141 = arith.constant 3.000000e-01 : f32
    %mul3A_3142 = vector.broadcast %mul3A_3141 : f32 to vector<32x224xf32>
    %mul3A_3143 = arith.mulf %mul3A_3142, %exp3A_3140 : vector<32x224xf32>
    %mul3A_3144 = arith.mulf %select_n3A_157, %select_n3A_269 : vector<32x224xf32>
    %mul3A_3145 = arith.mulf %mul3A_3143, %mul3A_3144 : vector<32x224xf32>
    %add3A_3146 = arith.addf %add3A_3031, %mul3A_3145 : vector<32x224xf32>
    %neg3A_3147 = arith.constant 0.000000e+00 : f32
    %neg3A_3148 = vector.broadcast %neg3A_3147 : f32 to vector<32x224xf32>
    %neg3A_3149 = arith.subf %neg3A_3148, %mul3A_3145 : vector<32x224xf32>
    %swap3A_3150 = arith.constant 0 : index
    %swap3A_3151 = arith.constant 25344 : index
    %swap3A_3152 = vector.load %arg2[%swap3A_3150, %swap3A_3151] : memref<32x28928xf32, #tpu.memory_space<vmem>>, vector<32x224xf32>
    tpu.vector_store %arg2[%swap3A_3150, %swap3A_3151], %neg3A_3149 {strides = array<i32>} : memref<32x28928xf32, #tpu.memory_space<vmem>>, vector<32x224xf32>,
    %slice3A_3153 = vector.extract_strided_slice %slice3A_3038 {offsets = [0, 6], sizes = [32, 224], strides = [1, 1]} : vector<32x256xf32> to vector<32x224xf32>
    %slice3A_3154 = vector.extract_strided_slice %slice3A_3039 {offsets = [0, 6], sizes = [32, 224], strides = [1, 1]} : vector<32x256xf32> to vector<32x224xf32>
    %slice3A_3155 = vector.extract_strided_slice %slice3A_3040 {offsets = [0, 6], sizes = [32, 224], strides = [1, 1]} : vector<32x256xf32> to vector<32x224xf32>
    %sub3A_3156 = arith.subf %slice3A, %slice3A_3153 : vector<32x224xf32>
    %integer_pow3A_3157 = arith.mulf %sub3A_3156, %sub3A_3156 : vector<32x224xf32>
    %sub3A_3158 = arith.subf %slice3A_15, %slice3A_3154 : vector<32x224xf32>
    %integer_pow3A_3159 = arith.mulf %sub3A_3158, %sub3A_3158 : vector<32x224xf32>
    %add3A_3160 = arith.addf %integer_pow3A_3157, %integer_pow3A_3159 : vector<32x224xf32>
    %sub3A_3161 = arith.subf %slice3A_16, %slice3A_3155 : vector<32x224xf32>
    %integer_pow3A_3162 = arith.mulf %sub3A_3161, %sub3A_3161 : vector<32x224xf32>
    %add3A_3163 = arith.addf %add3A_3160, %integer_pow3A_3162 : vector<32x224xf32>
    %sqrt3A_3164 = math.sqrt %add3A_3163 : vector<32x224xf32>
    %mul3A_3165 = arith.constant -6.66666651 : f32
    %mul3A_3166 = vector.broadcast %mul3A_3165 : f32 to vector<32x224xf32>
    %mul3A_3167 = arith.mulf %sqrt3A_3164, %mul3A_3166 : vector<32x224xf32>
    %exp3A_3168 = math.exp %mul3A_3167 : vector<32x224xf32>
    %mul3A_3169 = arith.constant 6.000000e-01 : f32
    %mul3A_3170 = vector.broadcast %mul3A_3169 : f32 to vector<32x224xf32>
    %mul3A_3171 = arith.mulf %mul3A_3170, %exp3A_3168 : vector<32x224xf32>
    %mul3A_3172 = arith.mulf %select_n3A_157, %broadcast_in_dim3A_19 : vector<32x224xf32>
    %mul3A_3173 = arith.mulf %mul3A_3171, %mul3A_3172 : vector<32x224xf32>
    %add3A_3174 = arith.addf %add3A_3062, %mul3A_3173 : vector<32x224xf32>
    %neg3A_3175 = arith.constant 0.000000e+00 : f32
    %neg3A_3176 = vector.broadcast %neg3A_3175 : f32 to vector<32x224xf32>
    %neg3A_3177 = arith.subf %neg3A_3176, %mul3A_3173 : vector<32x224xf32>
    %swap3A_3178 = arith.constant 0 : index
    %swap3A_3179 = arith.constant 25600 : index
    %swap3A_3180 = vector.load %arg2[%swap3A_3178, %swap3A_3179] : memref<32x28928xf32, #tpu.memory_space<vmem>>, vector<32x224xf32>
    tpu.vector_store %arg2[%swap3A_3178, %swap3A_3179], %neg3A_3177 {strides = array<i32>} : memref<32x28928xf32, #tpu.memory_space<vmem>>, vector<32x224xf32>,
    %slice3A_3181 = vector.extract_strided_slice %slice3A_3038 {offsets = [0, 7], sizes = [32, 224], strides = [1, 1]} : vector<32x256xf32> to vector<32x224xf32>
    %slice3A_3182 = vector.extract_strided_slice %slice3A_3039 {offsets = [0, 7], sizes = [32, 224], strides = [1, 1]} : vector<32x256xf32> to vector<32x224xf32>
    %slice3A_3183 = vector.extract_strided_slice %slice3A_3040 {offsets = [0, 7], sizes = [32, 224], strides = [1, 1]} : vector<32x256xf32> to vector<32x224xf32>
    %sub3A_3184 = arith.subf %slice3A, %slice3A_3181 : vector<32x224xf32>
    %integer_pow3A_3185 = arith.mulf %sub3A_3184, %sub3A_3184 : vector<32x224xf32>
    %sub3A_3186 = arith.subf %slice3A_15, %slice3A_3182 : vector<32x224xf32>
    %integer_pow3A_3187 = arith.mulf %sub3A_3186, %sub3A_3186 : vector<32x224xf32>
    %add3A_3188 = arith.addf %integer_pow3A_3185, %integer_pow3A_3187 : vector<32x224xf32>
    %sub3A_3189 = arith.subf %slice3A_16, %slice3A_3183 : vector<32x224xf32>
    %integer_pow3A_3190 = arith.mulf %sub3A_3189, %sub3A_3189 : vector<32x224xf32>
    %add3A_3191 = arith.addf %add3A_3188, %integer_pow3A_3190 : vector<32x224xf32>
    %sqrt3A_3192 = math.sqrt %add3A_3191 : vector<32x224xf32>
    %mul3A_3193 = arith.constant -6.66666651 : f32
    %mul3A_3194 = vector.broadcast %mul3A_3193 : f32 to vector<32x224xf32>
    %mul3A_3195 = arith.mulf %sqrt3A_3192, %mul3A_3194 : vector<32x224xf32>
    %exp3A_3196 = math.exp %mul3A_3195 : vector<32x224xf32>
    %mul3A_3197 = arith.constant 3.000000e-01 : f32
    %mul3A_3198 = vector.broadcast %mul3A_3197 : f32 to vector<32x224xf32>
    %mul3A_3199 = arith.mulf %mul3A_3198, %exp3A_3196 : vector<32x224xf32>
    %mul3A_3200 = arith.mulf %select_n3A_157, %select_n3A_283 : vector<32x224xf32>
    %mul3A_3201 = arith.mulf %mul3A_3199, %mul3A_3200 : vector<32x224xf32>
    %add3A_3202 = arith.addf %add3A_3090, %mul3A_3201 : vector<32x224xf32>
    %neg3A_3203 = arith.constant 0.000000e+00 : f32
    %neg3A_3204 = vector.broadcast %neg3A_3203 : f32 to vector<32x224xf32>
    %neg3A_3205 = arith.subf %neg3A_3204, %mul3A_3201 : vector<32x224xf32>
    %swap3A_3206 = arith.constant 0 : index
    %swap3A_3207 = arith.constant 25856 : index
    %swap3A_3208 = vector.load %arg2[%swap3A_3206, %swap3A_3207] : memref<32x28928xf32, #tpu.memory_space<vmem>>, vector<32x224xf32>
    tpu.vector_store %arg2[%swap3A_3206, %swap3A_3207], %neg3A_3205 {strides = array<i32>} : memref<32x28928xf32, #tpu.memory_space<vmem>>, vector<32x224xf32>,
    %slice3A_3209 = vector.extract_strided_slice %slice3A_3038 {offsets = [0, 8], sizes = [32, 224], strides = [1, 1]} : vector<32x256xf32> to vector<32x224xf32>
    %slice3A_3210 = vector.extract_strided_slice %slice3A_3039 {offsets = [0, 8], sizes = [32, 224], strides = [1, 1]} : vector<32x256xf32> to vector<32x224xf32>
    %slice3A_3211 = vector.extract_strided_slice %slice3A_3040 {offsets = [0, 8], sizes = [32, 224], strides = [1, 1]} : vector<32x256xf32> to vector<32x224xf32>
    %sub3A_3212 = arith.subf %slice3A, %slice3A_3209 : vector<32x224xf32>
    %integer_pow3A_3213 = arith.mulf %sub3A_3212, %sub3A_3212 : vector<32x224xf32>
    %sub3A_3214 = arith.subf %slice3A_15, %slice3A_3210 : vector<32x224xf32>
    %integer_pow3A_3215 = arith.mulf %sub3A_3214, %sub3A_3214 : vector<32x224xf32>
    %add3A_3216 = arith.addf %integer_pow3A_3213, %integer_pow3A_3215 : vector<32x224xf32>
    %sub3A_3217 = arith.subf %slice3A_16, %slice3A_3211 : vector<32x224xf32>
    %integer_pow3A_3218 = arith.mulf %sub3A_3217, %sub3A_3217 : vector<32x224xf32>
    %add3A_3219 = arith.addf %add3A_3216, %integer_pow3A_3218 : vector<32x224xf32>
    %sqrt3A_3220 = math.sqrt %add3A_3219 : vector<32x224xf32>
    %mul3A_3221 = arith.constant -6.66666651 : f32
    %mul3A_3222 = vector.broadcast %mul3A_3221 : f32 to vector<32x224xf32>
    %mul3A_3223 = arith.mulf %sqrt3A_3220, %mul3A_3222 : vector<32x224xf32>
    %exp3A_3224 = math.exp %mul3A_3223 : vector<32x224xf32>
    %mul3A_3225 = arith.constant 3.000000e-01 : f32
    %mul3A_3226 = vector.broadcast %mul3A_3225 : f32 to vector<32x224xf32>
    %mul3A_3227 = arith.mulf %mul3A_3226, %exp3A_3224 : vector<32x224xf32>
    %mul3A_3228 = arith.mulf %select_n3A_157, %select_n3A_297 : vector<32x224xf32>
    %mul3A_3229 = arith.mulf %mul3A_3227, %mul3A_3228 : vector<32x224xf32>
    %add3A_3230 = arith.addf %add3A_3118, %mul3A_3229 : vector<32x224xf32>
    %neg3A_3231 = arith.constant 0.000000e+00 : f32
    %neg3A_3232 = vector.broadcast %neg3A_3231 : f32 to vector<32x224xf32>
    %neg3A_3233 = arith.subf %neg3A_3232, %mul3A_3229 : vector<32x224xf32>
    %swap3A_3234 = arith.constant 0 : index
    %swap3A_3235 = arith.constant 26112 : index
    %swap3A_3236 = vector.load %arg2[%swap3A_3234, %swap3A_3235] : memref<32x28928xf32, #tpu.memory_space<vmem>>, vector<32x224xf32>
    tpu.vector_store %arg2[%swap3A_3234, %swap3A_3235], %neg3A_3233 {strides = array<i32>} : memref<32x28928xf32, #tpu.memory_space<vmem>>, vector<32x224xf32>,
    %slice3A_3237 = vector.extract_strided_slice %slice3A_3038 {offsets = [0, 9], sizes = [32, 224], strides = [1, 1]} : vector<32x256xf32> to vector<32x224xf32>
    %slice3A_3238 = vector.extract_strided_slice %slice3A_3039 {offsets = [0, 9], sizes = [32, 224], strides = [1, 1]} : vector<32x256xf32> to vector<32x224xf32>
    %slice3A_3239 = vector.extract_strided_slice %slice3A_3040 {offsets = [0, 9], sizes = [32, 224], strides = [1, 1]} : vector<32x256xf32> to vector<32x224xf32>
    %sub3A_3240 = arith.subf %slice3A, %slice3A_3237 : vector<32x224xf32>
    %integer_pow3A_3241 = arith.mulf %sub3A_3240, %sub3A_3240 : vector<32x224xf32>
    %sub3A_3242 = arith.subf %slice3A_15, %slice3A_3238 : vector<32x224xf32>
    %integer_pow3A_3243 = arith.mulf %sub3A_3242, %sub3A_3242 : vector<32x224xf32>
    %add3A_3244 = arith.addf %integer_pow3A_3241, %integer_pow3A_3243 : vector<32x224xf32>
    %sub3A_3245 = arith.subf %slice3A_16, %slice3A_3239 : vector<32x224xf32>
    %integer_pow3A_3246 = arith.mulf %sub3A_3245, %sub3A_3245 : vector<32x224xf32>
    %add3A_3247 = arith.addf %add3A_3244, %integer_pow3A_3246 : vector<32x224xf32>
    %sqrt3A_3248 = math.sqrt %add3A_3247 : vector<32x224xf32>
    %mul3A_3249 = arith.constant -6.66666651 : f32
    %mul3A_3250 = vector.broadcast %mul3A_3249 : f32 to vector<32x224xf32>
    %mul3A_3251 = arith.mulf %sqrt3A_3248, %mul3A_3250 : vector<32x224xf32>
    %exp3A_3252 = math.exp %mul3A_3251 : vector<32x224xf32>
    %mul3A_3253 = arith.constant 3.000000e-01 : f32
    %mul3A_3254 = vector.broadcast %mul3A_3253 : f32 to vector<32x224xf32>
    %mul3A_3255 = arith.mulf %mul3A_3254, %exp3A_3252 : vector<32x224xf32>
    %mul3A_3256 = arith.mulf %select_n3A_157, %select_n3A_311 : vector<32x224xf32>
    %mul3A_3257 = arith.mulf %mul3A_3255, %mul3A_3256 : vector<32x224xf32>
    %add3A_3258 = arith.addf %add3A_3146, %mul3A_3257 : vector<32x224xf32>
    %neg3A_3259 = arith.constant 0.000000e+00 : f32
    %neg3A_3260 = vector.broadcast %neg3A_3259 : f32 to vector<32x224xf32>
    %neg3A_3261 = arith.subf %neg3A_3260, %mul3A_3257 : vector<32x224xf32>
    %swap3A_3262 = arith.constant 0 : index
    %swap3A_3263 = arith.constant 26368 : index
    %swap3A_3264 = vector.load %arg2[%swap3A_3262, %swap3A_3263] : memref<32x28928xf32, #tpu.memory_space<vmem>>, vector<32x224xf32>
    tpu.vector_store %arg2[%swap3A_3262, %swap3A_3263], %neg3A_3261 {strides = array<i32>} : memref<32x28928xf32, #tpu.memory_space<vmem>>, vector<32x224xf32>,
    %slice3A_3265 = vector.extract_strided_slice %slice3A_3038 {offsets = [0, 10], sizes = [32, 224], strides = [1, 1]} : vector<32x256xf32> to vector<32x224xf32>
    %slice3A_3266 = vector.extract_strided_slice %slice3A_3039 {offsets = [0, 10], sizes = [32, 224], strides = [1, 1]} : vector<32x256xf32> to vector<32x224xf32>
    %slice3A_3267 = vector.extract_strided_slice %slice3A_3040 {offsets = [0, 10], sizes = [32, 224], strides = [1, 1]} : vector<32x256xf32> to vector<32x224xf32>
    %sub3A_3268 = arith.subf %slice3A, %slice3A_3265 : vector<32x224xf32>
    %integer_pow3A_3269 = arith.mulf %sub3A_3268, %sub3A_3268 : vector<32x224xf32>
    %sub3A_3270 = arith.subf %slice3A_15, %slice3A_3266 : vector<32x224xf32>
    %integer_pow3A_3271 = arith.mulf %sub3A_3270, %sub3A_3270 : vector<32x224xf32>
    %add3A_3272 = arith.addf %integer_pow3A_3269, %integer_pow3A_3271 : vector<32x224xf32>
    %sub3A_3273 = arith.subf %slice3A_16, %slice3A_3267 : vector<32x224xf32>
    %integer_pow3A_3274 = arith.mulf %sub3A_3273, %sub3A_3273 : vector<32x224xf32>
    %add3A_3275 = arith.addf %add3A_3272, %integer_pow3A_3274 : vector<32x224xf32>
    %sqrt3A_3276 = math.sqrt %add3A_3275 : vector<32x224xf32>
    %mul3A_3277 = arith.constant -6.66666651 : f32
    %mul3A_3278 = vector.broadcast %mul3A_3277 : f32 to vector<32x224xf32>
    %mul3A_3279 = arith.mulf %sqrt3A_3276, %mul3A_3278 : vector<32x224xf32>
    %exp3A_3280 = math.exp %mul3A_3279 : vector<32x224xf32>
    %mul3A_3281 = arith.constant 1.000000e-01 : f32
    %mul3A_3282 = vector.broadcast %mul3A_3281 : f32 to vector<32x224xf32>
    %mul3A_3283 = arith.mulf %mul3A_3282, %exp3A_3280 : vector<32x224xf32>
    %mul3A_3284 = arith.mulf %select_n3A_157, %select_n3A_325 : vector<32x224xf32>
    %mul3A_3285 = arith.mulf %mul3A_3283, %mul3A_3284 : vector<32x224xf32>
    %add3A_3286 = arith.addf %add3A_3174, %mul3A_3285 : vector<32x224xf32>
    %neg3A_3287 = arith.constant 0.000000e+00 : f32
    %neg3A_3288 = vector.broadcast %neg3A_3287 : f32 to vector<32x224xf32>
    %neg3A_3289 = arith.subf %neg3A_3288, %mul3A_3285 : vector<32x224xf32>
    %swap3A_3290 = arith.constant 0 : index
    %swap3A_3291 = arith.constant 26624 : index
    %swap3A_3292 = vector.load %arg2[%swap3A_3290, %swap3A_3291] : memref<32x28928xf32, #tpu.memory_space<vmem>>, vector<32x224xf32>
    tpu.vector_store %arg2[%swap3A_3290, %swap3A_3291], %neg3A_3289 {strides = array<i32>} : memref<32x28928xf32, #tpu.memory_space<vmem>>, vector<32x224xf32>,
    %slice3A_3293 = vector.extract_strided_slice %get3A_4 {offsets = [11, 0], sizes = [32, 256], strides = [1, 1]} : vector<48x256xf32> to vector<32x256xf32>
    %slice3A_3294 = vector.extract_strided_slice %get3A_9 {offsets = [11, 0], sizes = [32, 256], strides = [1, 1]} : vector<48x256xf32> to vector<32x256xf32>
    %slice3A_3295 = vector.extract_strided_slice %get3A_14 {offsets = [11, 0], sizes = [32, 256], strides = [1, 1]} : vector<48x256xf32> to vector<32x256xf32>
    %slice3A_3296 = vector.extract_strided_slice %slice3A_3293 {offsets = [0, 3], sizes = [32, 224], strides = [1, 1]} : vector<32x256xf32> to vector<32x224xf32>
    %slice3A_3297 = vector.extract_strided_slice %slice3A_3294 {offsets = [0, 3], sizes = [32, 224], strides = [1, 1]} : vector<32x256xf32> to vector<32x224xf32>
    %slice3A_3298 = vector.extract_strided_slice %slice3A_3295 {offsets = [0, 3], sizes = [32, 224], strides = [1, 1]} : vector<32x256xf32> to vector<32x224xf32>
    %sub3A_3299 = arith.subf %slice3A, %slice3A_3296 : vector<32x224xf32>
    %integer_pow3A_3300 = arith.mulf %sub3A_3299, %sub3A_3299 : vector<32x224xf32>
    %sub3A_3301 = arith.subf %slice3A_15, %slice3A_3297 : vector<32x224xf32>
    %integer_pow3A_3302 = arith.mulf %sub3A_3301, %sub3A_3301 : vector<32x224xf32>
    %add3A_3303 = arith.addf %integer_pow3A_3300, %integer_pow3A_3302 : vector<32x224xf32>
    %sub3A_3304 = arith.subf %slice3A_16, %slice3A_3298 : vector<32x224xf32>
    %integer_pow3A_3305 = arith.mulf %sub3A_3304, %sub3A_3304 : vector<32x224xf32>
    %add3A_3306 = arith.addf %add3A_3303, %integer_pow3A_3305 : vector<32x224xf32>
    %sqrt3A_3307 = math.sqrt %add3A_3306 : vector<32x224xf32>
    %mul3A_3308 = arith.constant -6.66666651 : f32
    %mul3A_3309 = vector.broadcast %mul3A_3308 : f32 to vector<32x224xf32>
    %mul3A_3310 = arith.mulf %sqrt3A_3307, %mul3A_3309 : vector<32x224xf32>
    %exp3A_3311 = math.exp %mul3A_3310 : vector<32x224xf32>
    %mul3A_3312 = arith.constant 1.000000e-01 : f32
    %mul3A_3313 = vector.broadcast %mul3A_3312 : f32 to vector<32x224xf32>
    %mul3A_3314 = arith.mulf %mul3A_3313, %exp3A_3311 : vector<32x224xf32>
    %mul3A_3315 = arith.mulf %select_n3A_171, %select_n3A_241 : vector<32x224xf32>
    %mul3A_3316 = arith.mulf %mul3A_3314, %mul3A_3315 : vector<32x224xf32>
    %add3A_3317 = arith.addf %add3A_3202, %mul3A_3316 : vector<32x224xf32>
    %neg3A_3318 = arith.constant 0.000000e+00 : f32
    %neg3A_3319 = vector.broadcast %neg3A_3318 : f32 to vector<32x224xf32>
    %neg3A_3320 = arith.subf %neg3A_3319, %mul3A_3316 : vector<32x224xf32>
    %swap3A_3321 = arith.constant 0 : index
    %swap3A_3322 = arith.constant 26880 : index
    %swap3A_3323 = vector.load %arg2[%swap3A_3321, %swap3A_3322] : memref<32x28928xf32, #tpu.memory_space<vmem>>, vector<32x224xf32>
    tpu.vector_store %arg2[%swap3A_3321, %swap3A_3322], %neg3A_3320 {strides = array<i32>} : memref<32x28928xf32, #tpu.memory_space<vmem>>, vector<32x224xf32>,
    %slice3A_3324 = vector.extract_strided_slice %slice3A_3293 {offsets = [0, 4], sizes = [32, 224], strides = [1, 1]} : vector<32x256xf32> to vector<32x224xf32>
    %slice3A_3325 = vector.extract_strided_slice %slice3A_3294 {offsets = [0, 4], sizes = [32, 224], strides = [1, 1]} : vector<32x256xf32> to vector<32x224xf32>
    %slice3A_3326 = vector.extract_strided_slice %slice3A_3295 {offsets = [0, 4], sizes = [32, 224], strides = [1, 1]} : vector<32x256xf32> to vector<32x224xf32>
    %sub3A_3327 = arith.subf %slice3A, %slice3A_3324 : vector<32x224xf32>
    %integer_pow3A_3328 = arith.mulf %sub3A_3327, %sub3A_3327 : vector<32x224xf32>
    %sub3A_3329 = arith.subf %slice3A_15, %slice3A_3325 : vector<32x224xf32>
    %integer_pow3A_3330 = arith.mulf %sub3A_3329, %sub3A_3329 : vector<32x224xf32>
    %add3A_3331 = arith.addf %integer_pow3A_3328, %integer_pow3A_3330 : vector<32x224xf32>
    %sub3A_3332 = arith.subf %slice3A_16, %slice3A_3326 : vector<32x224xf32>
    %integer_pow3A_3333 = arith.mulf %sub3A_3332, %sub3A_3332 : vector<32x224xf32>
    %add3A_3334 = arith.addf %add3A_3331, %integer_pow3A_3333 : vector<32x224xf32>
    %sqrt3A_3335 = math.sqrt %add3A_3334 : vector<32x224xf32>
    %mul3A_3336 = arith.constant -6.66666651 : f32
    %mul3A_3337 = vector.broadcast %mul3A_3336 : f32 to vector<32x224xf32>
    %mul3A_3338 = arith.mulf %sqrt3A_3335, %mul3A_3337 : vector<32x224xf32>
    %exp3A_3339 = math.exp %mul3A_3338 : vector<32x224xf32>
    %mul3A_3340 = arith.constant 1.000000e-01 : f32
    %mul3A_3341 = vector.broadcast %mul3A_3340 : f32 to vector<32x224xf32>
    %mul3A_3342 = arith.mulf %mul3A_3341, %exp3A_3339 : vector<32x224xf32>
    %mul3A_3343 = arith.mulf %select_n3A_171, %select_n3A_255 : vector<32x224xf32>
    %mul3A_3344 = arith.mulf %mul3A_3342, %mul3A_3343 : vector<32x224xf32>
    %add3A_3345 = arith.addf %add3A_3230, %mul3A_3344 : vector<32x224xf32>
    %neg3A_3346 = arith.constant 0.000000e+00 : f32
    %neg3A_3347 = vector.broadcast %neg3A_3346 : f32 to vector<32x224xf32>
    %neg3A_3348 = arith.subf %neg3A_3347, %mul3A_3344 : vector<32x224xf32>
    %swap3A_3349 = arith.constant 0 : index
    %swap3A_3350 = arith.constant 27136 : index
    %swap3A_3351 = vector.load %arg2[%swap3A_3349, %swap3A_3350] : memref<32x28928xf32, #tpu.memory_space<vmem>>, vector<32x224xf32>
    tpu.vector_store %arg2[%swap3A_3349, %swap3A_3350], %neg3A_3348 {strides = array<i32>} : memref<32x28928xf32, #tpu.memory_space<vmem>>, vector<32x224xf32>,
    %slice3A_3352 = vector.extract_strided_slice %slice3A_3293 {offsets = [0, 5], sizes = [32, 224], strides = [1, 1]} : vector<32x256xf32> to vector<32x224xf32>
    %slice3A_3353 = vector.extract_strided_slice %slice3A_3294 {offsets = [0, 5], sizes = [32, 224], strides = [1, 1]} : vector<32x256xf32> to vector<32x224xf32>
    %slice3A_3354 = vector.extract_strided_slice %slice3A_3295 {offsets = [0, 5], sizes = [32, 224], strides = [1, 1]} : vector<32x256xf32> to vector<32x224xf32>
    %sub3A_3355 = arith.subf %slice3A, %slice3A_3352 : vector<32x224xf32>
    %integer_pow3A_3356 = arith.mulf %sub3A_3355, %sub3A_3355 : vector<32x224xf32>
    %sub3A_3357 = arith.subf %slice3A_15, %slice3A_3353 : vector<32x224xf32>
    %integer_pow3A_3358 = arith.mulf %sub3A_3357, %sub3A_3357 : vector<32x224xf32>
    %add3A_3359 = arith.addf %integer_pow3A_3356, %integer_pow3A_3358 : vector<32x224xf32>
    %sub3A_3360 = arith.subf %slice3A_16, %slice3A_3354 : vector<32x224xf32>
    %integer_pow3A_3361 = arith.mulf %sub3A_3360, %sub3A_3360 : vector<32x224xf32>
    %add3A_3362 = arith.addf %add3A_3359, %integer_pow3A_3361 : vector<32x224xf32>
    %sqrt3A_3363 = math.sqrt %add3A_3362 : vector<32x224xf32>
    %mul3A_3364 = arith.constant -6.66666651 : f32
    %mul3A_3365 = vector.broadcast %mul3A_3364 : f32 to vector<32x224xf32>
    %mul3A_3366 = arith.mulf %sqrt3A_3363, %mul3A_3365 : vector<32x224xf32>
    %exp3A_3367 = math.exp %mul3A_3366 : vector<32x224xf32>
    %mul3A_3368 = arith.constant 1.000000e-01 : f32
    %mul3A_3369 = vector.broadcast %mul3A_3368 : f32 to vector<32x224xf32>
    %mul3A_3370 = arith.mulf %mul3A_3369, %exp3A_3367 : vector<32x224xf32>
    %mul3A_3371 = arith.mulf %select_n3A_171, %select_n3A_269 : vector<32x224xf32>
    %mul3A_3372 = arith.mulf %mul3A_3370, %mul3A_3371 : vector<32x224xf32>
    %add3A_3373 = arith.addf %add3A_3258, %mul3A_3372 : vector<32x224xf32>
    %neg3A_3374 = arith.constant 0.000000e+00 : f32
    %neg3A_3375 = vector.broadcast %neg3A_3374 : f32 to vector<32x224xf32>
    %neg3A_3376 = arith.subf %neg3A_3375, %mul3A_3372 : vector<32x224xf32>
    %swap3A_3377 = arith.constant 0 : index
    %swap3A_3378 = arith.constant 27392 : index
    %swap3A_3379 = vector.load %arg2[%swap3A_3377, %swap3A_3378] : memref<32x28928xf32, #tpu.memory_space<vmem>>, vector<32x224xf32>
    tpu.vector_store %arg2[%swap3A_3377, %swap3A_3378], %neg3A_3376 {strides = array<i32>} : memref<32x28928xf32, #tpu.memory_space<vmem>>, vector<32x224xf32>,
    %slice3A_3380 = vector.extract_strided_slice %slice3A_3293 {offsets = [0, 6], sizes = [32, 224], strides = [1, 1]} : vector<32x256xf32> to vector<32x224xf32>
    %slice3A_3381 = vector.extract_strided_slice %slice3A_3294 {offsets = [0, 6], sizes = [32, 224], strides = [1, 1]} : vector<32x256xf32> to vector<32x224xf32>
    %slice3A_3382 = vector.extract_strided_slice %slice3A_3295 {offsets = [0, 6], sizes = [32, 224], strides = [1, 1]} : vector<32x256xf32> to vector<32x224xf32>
    %sub3A_3383 = arith.subf %slice3A, %slice3A_3380 : vector<32x224xf32>
    %integer_pow3A_3384 = arith.mulf %sub3A_3383, %sub3A_3383 : vector<32x224xf32>
    %sub3A_3385 = arith.subf %slice3A_15, %slice3A_3381 : vector<32x224xf32>
    %integer_pow3A_3386 = arith.mulf %sub3A_3385, %sub3A_3385 : vector<32x224xf32>
    %add3A_3387 = arith.addf %integer_pow3A_3384, %integer_pow3A_3386 : vector<32x224xf32>
    %sub3A_3388 = arith.subf %slice3A_16, %slice3A_3382 : vector<32x224xf32>
    %integer_pow3A_3389 = arith.mulf %sub3A_3388, %sub3A_3388 : vector<32x224xf32>
    %add3A_3390 = arith.addf %add3A_3387, %integer_pow3A_3389 : vector<32x224xf32>
    %sqrt3A_3391 = math.sqrt %add3A_3390 : vector<32x224xf32>
    %mul3A_3392 = arith.constant -6.66666651 : f32
    %mul3A_3393 = vector.broadcast %mul3A_3392 : f32 to vector<32x224xf32>
    %mul3A_3394 = arith.mulf %sqrt3A_3391, %mul3A_3393 : vector<32x224xf32>
    %exp3A_3395 = math.exp %mul3A_3394 : vector<32x224xf32>
    %mul3A_3396 = arith.constant 3.000000e-01 : f32
    %mul3A_3397 = vector.broadcast %mul3A_3396 : f32 to vector<32x224xf32>
    %mul3A_3398 = arith.mulf %mul3A_3397, %exp3A_3395 : vector<32x224xf32>
    %mul3A_3399 = arith.mulf %select_n3A_171, %broadcast_in_dim3A_19 : vector<32x224xf32>
    %mul3A_3400 = arith.mulf %mul3A_3398, %mul3A_3399 : vector<32x224xf32>
    %add3A_3401 = arith.addf %add3A_3286, %mul3A_3400 : vector<32x224xf32>
    %neg3A_3402 = arith.constant 0.000000e+00 : f32
    %neg3A_3403 = vector.broadcast %neg3A_3402 : f32 to vector<32x224xf32>
    %neg3A_3404 = arith.subf %neg3A_3403, %mul3A_3400 : vector<32x224xf32>
    %swap3A_3405 = arith.constant 0 : index
    %swap3A_3406 = arith.constant 27648 : index
    %swap3A_3407 = vector.load %arg2[%swap3A_3405, %swap3A_3406] : memref<32x28928xf32, #tpu.memory_space<vmem>>, vector<32x224xf32>
    tpu.vector_store %arg2[%swap3A_3405, %swap3A_3406], %neg3A_3404 {strides = array<i32>} : memref<32x28928xf32, #tpu.memory_space<vmem>>, vector<32x224xf32>,
    %slice3A_3408 = vector.extract_strided_slice %slice3A_3293 {offsets = [0, 7], sizes = [32, 224], strides = [1, 1]} : vector<32x256xf32> to vector<32x224xf32>
    %slice3A_3409 = vector.extract_strided_slice %slice3A_3294 {offsets = [0, 7], sizes = [32, 224], strides = [1, 1]} : vector<32x256xf32> to vector<32x224xf32>
    %slice3A_3410 = vector.extract_strided_slice %slice3A_3295 {offsets = [0, 7], sizes = [32, 224], strides = [1, 1]} : vector<32x256xf32> to vector<32x224xf32>
    %sub3A_3411 = arith.subf %slice3A, %slice3A_3408 : vector<32x224xf32>
    %integer_pow3A_3412 = arith.mulf %sub3A_3411, %sub3A_3411 : vector<32x224xf32>
    %sub3A_3413 = arith.subf %slice3A_15, %slice3A_3409 : vector<32x224xf32>
    %integer_pow3A_3414 = arith.mulf %sub3A_3413, %sub3A_3413 : vector<32x224xf32>
    %add3A_3415 = arith.addf %integer_pow3A_3412, %integer_pow3A_3414 : vector<32x224xf32>
    %sub3A_3416 = arith.subf %slice3A_16, %slice3A_3410 : vector<32x224xf32>
    %integer_pow3A_3417 = arith.mulf %sub3A_3416, %sub3A_3416 : vector<32x224xf32>
    %add3A_3418 = arith.addf %add3A_3415, %integer_pow3A_3417 : vector<32x224xf32>
    %sqrt3A_3419 = math.sqrt %add3A_3418 : vector<32x224xf32>
    %mul3A_3420 = arith.constant -6.66666651 : f32
    %mul3A_3421 = vector.broadcast %mul3A_3420 : f32 to vector<32x224xf32>
    %mul3A_3422 = arith.mulf %sqrt3A_3419, %mul3A_3421 : vector<32x224xf32>
    %exp3A_3423 = math.exp %mul3A_3422 : vector<32x224xf32>
    %mul3A_3424 = arith.constant 1.000000e-01 : f32
    %mul3A_3425 = vector.broadcast %mul3A_3424 : f32 to vector<32x224xf32>
    %mul3A_3426 = arith.mulf %mul3A_3425, %exp3A_3423 : vector<32x224xf32>
    %mul3A_3427 = arith.mulf %select_n3A_171, %select_n3A_283 : vector<32x224xf32>
    %mul3A_3428 = arith.mulf %mul3A_3426, %mul3A_3427 : vector<32x224xf32>
    %add3A_3429 = arith.addf %add3A_3317, %mul3A_3428 : vector<32x224xf32>
    %neg3A_3430 = arith.constant 0.000000e+00 : f32
    %neg3A_3431 = vector.broadcast %neg3A_3430 : f32 to vector<32x224xf32>
    %neg3A_3432 = arith.subf %neg3A_3431, %mul3A_3428 : vector<32x224xf32>
    %swap3A_3433 = arith.constant 0 : index
    %swap3A_3434 = arith.constant 27904 : index
    %swap3A_3435 = vector.load %arg2[%swap3A_3433, %swap3A_3434] : memref<32x28928xf32, #tpu.memory_space<vmem>>, vector<32x224xf32>
    tpu.vector_store %arg2[%swap3A_3433, %swap3A_3434], %neg3A_3432 {strides = array<i32>} : memref<32x28928xf32, #tpu.memory_space<vmem>>, vector<32x224xf32>,
    %slice3A_3436 = vector.extract_strided_slice %slice3A_3293 {offsets = [0, 8], sizes = [32, 224], strides = [1, 1]} : vector<32x256xf32> to vector<32x224xf32>
    %slice3A_3437 = vector.extract_strided_slice %slice3A_3294 {offsets = [0, 8], sizes = [32, 224], strides = [1, 1]} : vector<32x256xf32> to vector<32x224xf32>
    %slice3A_3438 = vector.extract_strided_slice %slice3A_3295 {offsets = [0, 8], sizes = [32, 224], strides = [1, 1]} : vector<32x256xf32> to vector<32x224xf32>
    %sub3A_3439 = arith.subf %slice3A, %slice3A_3436 : vector<32x224xf32>
    %integer_pow3A_3440 = arith.mulf %sub3A_3439, %sub3A_3439 : vector<32x224xf32>
    %sub3A_3441 = arith.subf %slice3A_15, %slice3A_3437 : vector<32x224xf32>
    %integer_pow3A_3442 = arith.mulf %sub3A_3441, %sub3A_3441 : vector<32x224xf32>
    %add3A_3443 = arith.addf %integer_pow3A_3440, %integer_pow3A_3442 : vector<32x224xf32>
    %sub3A_3444 = arith.subf %slice3A_16, %slice3A_3438 : vector<32x224xf32>
    %integer_pow3A_3445 = arith.mulf %sub3A_3444, %sub3A_3444 : vector<32x224xf32>
    %add3A_3446 = arith.addf %add3A_3443, %integer_pow3A_3445 : vector<32x224xf32>
    %sqrt3A_3447 = math.sqrt %add3A_3446 : vector<32x224xf32>
    %mul3A_3448 = arith.constant -6.66666651 : f32
    %mul3A_3449 = vector.broadcast %mul3A_3448 : f32 to vector<32x224xf32>
    %mul3A_3450 = arith.mulf %sqrt3A_3447, %mul3A_3449 : vector<32x224xf32>
    %exp3A_3451 = math.exp %mul3A_3450 : vector<32x224xf32>
    %mul3A_3452 = arith.constant 1.000000e-01 : f32
    %mul3A_3453 = vector.broadcast %mul3A_3452 : f32 to vector<32x224xf32>
    %mul3A_3454 = arith.mulf %mul3A_3453, %exp3A_3451 : vector<32x224xf32>
    %mul3A_3455 = arith.mulf %select_n3A_171, %select_n3A_297 : vector<32x224xf32>
    %mul3A_3456 = arith.mulf %mul3A_3454, %mul3A_3455 : vector<32x224xf32>
    %add3A_3457 = arith.addf %add3A_3345, %mul3A_3456 : vector<32x224xf32>
    %neg3A_3458 = arith.constant 0.000000e+00 : f32
    %neg3A_3459 = vector.broadcast %neg3A_3458 : f32 to vector<32x224xf32>
    %neg3A_3460 = arith.subf %neg3A_3459, %mul3A_3456 : vector<32x224xf32>
    %swap3A_3461 = arith.constant 0 : index
    %swap3A_3462 = arith.constant 28160 : index
    %swap3A_3463 = vector.load %arg2[%swap3A_3461, %swap3A_3462] : memref<32x28928xf32, #tpu.memory_space<vmem>>, vector<32x224xf32>
    tpu.vector_store %arg2[%swap3A_3461, %swap3A_3462], %neg3A_3460 {strides = array<i32>} : memref<32x28928xf32, #tpu.memory_space<vmem>>, vector<32x224xf32>,
    %slice3A_3464 = vector.extract_strided_slice %slice3A_3293 {offsets = [0, 9], sizes = [32, 224], strides = [1, 1]} : vector<32x256xf32> to vector<32x224xf32>
    %slice3A_3465 = vector.extract_strided_slice %slice3A_3294 {offsets = [0, 9], sizes = [32, 224], strides = [1, 1]} : vector<32x256xf32> to vector<32x224xf32>
    %slice3A_3466 = vector.extract_strided_slice %slice3A_3295 {offsets = [0, 9], sizes = [32, 224], strides = [1, 1]} : vector<32x256xf32> to vector<32x224xf32>
    %sub3A_3467 = arith.subf %slice3A, %slice3A_3464 : vector<32x224xf32>
    %integer_pow3A_3468 = arith.mulf %sub3A_3467, %sub3A_3467 : vector<32x224xf32>
    %sub3A_3469 = arith.subf %slice3A_15, %slice3A_3465 : vector<32x224xf32>
    %integer_pow3A_3470 = arith.mulf %sub3A_3469, %sub3A_3469 : vector<32x224xf32>
    %add3A_3471 = arith.addf %integer_pow3A_3468, %integer_pow3A_3470 : vector<32x224xf32>
    %sub3A_3472 = arith.subf %slice3A_16, %slice3A_3466 : vector<32x224xf32>
    %integer_pow3A_3473 = arith.mulf %sub3A_3472, %sub3A_3472 : vector<32x224xf32>
    %add3A_3474 = arith.addf %add3A_3471, %integer_pow3A_3473 : vector<32x224xf32>
    %sqrt3A_3475 = math.sqrt %add3A_3474 : vector<32x224xf32>
    %mul3A_3476 = arith.constant -6.66666651 : f32
    %mul3A_3477 = vector.broadcast %mul3A_3476 : f32 to vector<32x224xf32>
    %mul3A_3478 = arith.mulf %sqrt3A_3475, %mul3A_3477 : vector<32x224xf32>
    %exp3A_3479 = math.exp %mul3A_3478 : vector<32x224xf32>
    %mul3A_3480 = arith.constant 1.000000e-01 : f32
    %mul3A_3481 = vector.broadcast %mul3A_3480 : f32 to vector<32x224xf32>
    %mul3A_3482 = arith.mulf %mul3A_3481, %exp3A_3479 : vector<32x224xf32>
    %mul3A_3483 = arith.mulf %select_n3A_171, %select_n3A_311 : vector<32x224xf32>
    %mul3A_3484 = arith.mulf %mul3A_3482, %mul3A_3483 : vector<32x224xf32>
    %add3A_3485 = arith.addf %add3A_3373, %mul3A_3484 : vector<32x224xf32>
    %neg3A_3486 = arith.constant 0.000000e+00 : f32
    %neg3A_3487 = vector.broadcast %neg3A_3486 : f32 to vector<32x224xf32>
    %neg3A_3488 = arith.subf %neg3A_3487, %mul3A_3484 : vector<32x224xf32>
    %swap3A_3489 = arith.constant 0 : index
    %swap3A_3490 = arith.constant 28416 : index
    %swap3A_3491 = vector.load %arg2[%swap3A_3489, %swap3A_3490] : memref<32x28928xf32, #tpu.memory_space<vmem>>, vector<32x224xf32>
    tpu.vector_store %arg2[%swap3A_3489, %swap3A_3490], %neg3A_3488 {strides = array<i32>} : memref<32x28928xf32, #tpu.memory_space<vmem>>, vector<32x224xf32>,
    %slice3A_3492 = vector.extract_strided_slice %get3A_4 {offsets = [12, 0], sizes = [32, 256], strides = [1, 1]} : vector<48x256xf32> to vector<32x256xf32>
    %slice3A_3493 = vector.extract_strided_slice %get3A_9 {offsets = [12, 0], sizes = [32, 256], strides = [1, 1]} : vector<48x256xf32> to vector<32x256xf32>
    %slice3A_3494 = vector.extract_strided_slice %get3A_14 {offsets = [12, 0], sizes = [32, 256], strides = [1, 1]} : vector<48x256xf32> to vector<32x256xf32>
    %slice3A_3495 = vector.extract_strided_slice %slice3A_3492 {offsets = [0, 6], sizes = [32, 224], strides = [1, 1]} : vector<32x256xf32> to vector<32x224xf32>
    %slice3A_3496 = vector.extract_strided_slice %slice3A_3493 {offsets = [0, 6], sizes = [32, 224], strides = [1, 1]} : vector<32x256xf32> to vector<32x224xf32>
    %slice3A_3497 = vector.extract_strided_slice %slice3A_3494 {offsets = [0, 6], sizes = [32, 224], strides = [1, 1]} : vector<32x256xf32> to vector<32x224xf32>
    %sub3A_3498 = arith.subf %slice3A, %slice3A_3495 : vector<32x224xf32>
    %integer_pow3A_3499 = arith.mulf %sub3A_3498, %sub3A_3498 : vector<32x224xf32>
    %sub3A_3500 = arith.subf %slice3A_15, %slice3A_3496 : vector<32x224xf32>
    %integer_pow3A_3501 = arith.mulf %sub3A_3500, %sub3A_3500 : vector<32x224xf32>
    %add3A_3502 = arith.addf %integer_pow3A_3499, %integer_pow3A_3501 : vector<32x224xf32>
    %sub3A_3503 = arith.subf %slice3A_16, %slice3A_3497 : vector<32x224xf32>
    %integer_pow3A_3504 = arith.mulf %sub3A_3503, %sub3A_3503 : vector<32x224xf32>
    %add3A_3505 = arith.addf %add3A_3502, %integer_pow3A_3504 : vector<32x224xf32>
    %sqrt3A_3506 = math.sqrt %add3A_3505 : vector<32x224xf32>
    %mul3A_3507 = arith.constant -6.66666651 : f32
    %mul3A_3508 = vector.broadcast %mul3A_3507 : f32 to vector<32x224xf32>
    %mul3A_3509 = arith.mulf %sqrt3A_3506, %mul3A_3508 : vector<32x224xf32>
    %exp3A_3510 = math.exp %mul3A_3509 : vector<32x224xf32>
    %mul3A_3511 = arith.constant 1.000000e-01 : f32
    %mul3A_3512 = vector.broadcast %mul3A_3511 : f32 to vector<32x224xf32>
    %mul3A_3513 = arith.mulf %mul3A_3512, %exp3A_3510 : vector<32x224xf32>
    %mul3A_3514 = arith.mulf %select_n3A_185, %broadcast_in_dim3A_19 : vector<32x224xf32>
    %mul3A_3515 = arith.mulf %mul3A_3513, %mul3A_3514 : vector<32x224xf32>
    %add3A_3516 = arith.addf %add3A_3401, %mul3A_3515 : vector<32x224xf32>
    %neg3A_3517 = arith.constant 0.000000e+00 : f32
    %neg3A_3518 = vector.broadcast %neg3A_3517 : f32 to vector<32x224xf32>
    %neg3A_3519 = arith.subf %neg3A_3518, %mul3A_3515 : vector<32x224xf32>
    %swap3A_3520 = arith.constant 0 : index
    %swap3A_3521 = arith.constant 28672 : index
    %swap3A_3522 = vector.load %arg2[%swap3A_3520, %swap3A_3521] : memref<32x28928xf32, #tpu.memory_space<vmem>>, vector<32x224xf32>
    tpu.vector_store %arg2[%swap3A_3520, %swap3A_3521], %neg3A_3519 {strides = array<i32>} : memref<32x28928xf32, #tpu.memory_space<vmem>>, vector<32x224xf32>,
    %add3A_3523 = arith.addf %add3A_3516, %add3A_3429 : vector<32x224xf32>
    %add3A_3524 = arith.addf %add3A_3457, %add3A_3485 : vector<32x224xf32>
    %add3A_3525 = arith.addf %add3A_3523, %add3A_3524 : vector<32x224xf32>
    %swap3A_3526 = arith.constant 0 : index
    %swap3A_3527 = arith.constant 14336 : index
    %swap3A_3528 = vector.load %arg2[%swap3A_3526, %swap3A_3527] : memref<32x28928xf32, #tpu.memory_space<vmem>>, vector<32x224xf32>
    tpu.vector_store %arg2[%swap3A_3526, %swap3A_3527], %add3A_3525 {strides = array<i32>} : memref<32x28928xf32, #tpu.memory_space<vmem>>, vector<32x224xf32>,
    return
  }
  func.func @transform_0(%arg0: i32) -> (i32, i32, i32) {
    %c0_i32 = arith.constant 0 : i32
    %c0_i32_0 = arith.constant 0 : i32
    %c0_i32_1 = arith.constant 0 : i32
    %c0_i32_2 = arith.constant 0 : i32
    return %c0_i32, %c0_i32_0, %c0_i32_1 : i32, i32, i32
  }
  func.func @transform_1(%arg0: i32) -> (i32, i32) {
    %c0_i32 = arith.constant 0 : i32
    %c0_i32_0 = arith.constant 0 : i32
    return %arg0, %c0_i32 : i32, i32
  }
}

</mosaic_0001>

<sc_bundles>
// kernel: kernel.4.cloned.1.call-start
scs
__scs_entry_jumppad:
0x0: {  	(pc) =	sbr.rel $0x88, $3  }
0x1: {  	(tag) =	ssettag $0x0;
	lr =	simm.s32 $0x1  }
0x2: {  	[smem:$0x3FA0] =	sst lr;
	_ =	strace $0xD0000000  }
0x3: {  	_ = 	snop  }
0x4: {  	_ = 	snop  }
0x5: {  	_ = 	snop  }
0x6: {  	_ = 	snop  }
0x7: {  	_ = 	snop  }
__scs_overlays_trampoline_lowered:
0x8: {  	[smem:$0x3FAF] =	sst s0  }
0x9: {  	[smem:$0x3FB0] =	sst s1  }
0xa: {  	[smem:$0x3FB1] =	sst s2  }
0xb: {  	[smem:$0x3FB2] =	sst s3  }
0xc: {  	[smem:$0x3FB3] =	sst s4  }
0xd: {  	[smem:$0x3FB4] =	sst s5  }
0xe: {  	[smem:$0x3FB5] =	sst s6  }
0xf: {  	[smem:$0x3FB6] =	sst s7  }
0x10: {  	[smem:$0x3FB7] =	sst s8  }
0x11: {  	[smem:$0x3FB8] =	sst s9;
	s0 =	simm.s32 @!p0 $0x0  }
0x12: {  	s1 =	sld [smem:$0x3F9E];
	s0 =	simm.s32 @p0 $0x1  }
0x13: {  	[smem:$0x3FB9] =	sst s0;
	s0 =	simm.s32 @!p1 $0x0  }
0x14: {  	s2 =	sld [smem:$0x3F9D];
	s0 =	simm.s32 @p1 $0x1  }
0x15: {  	[smem:$0x3FBA] =	sst s0;
	s0 =	simm.s32 @!p2 $0x0  }
0x16: {  	s3 =	sld [smem:$0x3FDB];
	s0 =	simm.s32 @p2 $0x1  }
0x17: {  	s4 =	simm.s32 $0x1BF5;
	[smem:$0x3FBC] =	sst s0  }
0x18: {  	s0 =	sld [smem:$0x3F9F];
	_ =	swait.ge [sflag:s4], $0x0  }
0x19: {  	s7 =	sld [smem:$0x3FA0]  }
0x1a: {  	s8 =	sadd.s32 $0xFFFFE003, lr  }
0x1b: {  	s9 =	sadd.s32 $0xFFFFFEF7, lr;
	s5 =	simm.s32 $0xFFFFFFFF;
	p2 =	slt.u32 s8, $0xFFFFF086  }
0x1c: {  	p1 =	slt.u32 s9, $0xF7A;
	s5 =	simm.s32 @!p2 $0x0  }
0x1d: {  	s5 =	simm.s32 @p1 $0x1;
	p0 =	seq.s32 s7, s2  }
0x1e: {  	s7 =	smul.u32 @!p0 $0xF7A, s2;
	p2 =	seq.s32 @!p0 s5, $0x0  }
0x1f: {  	s9 =	smul.u32 $0xF7A, s1;
	s8 =	simm.s32 @!p0 $0x1BF5;
	p2 =	por !p2, p0  }
0x20: {  	[sflag:s8] =	ssyncset.s32 @!p0 $0xFFFFF086;
	s6 =	sadd.s32 @!p0 s3, s7;
	s7 =	simm.s32 @!p0 $0x108  }
0x21: {  	s3 =	sadd.s32 s3, s9;
	s6 =	sadd.s32 @!p0 $0x88, s6;
	s7 =	simm.s32 @p2 $0x1082  }
0x22: {  	[simem:s7], [sflag:s8] =	dma.local @!p0 [hbm:s6], $0xF7A  }
0x23: {  	s9 =	sor.u32 $0xD0000000, s2;
	s6 =	simm.s32 $0x108;
	_ =	swait.ge @!p0 [sflag:s8], $0x0  }
0x24: {  	s3 =	sadd.s32 $0x88, s3;
	s6 =	simm.s32 @!p1 $0x1082;
	[sflag:s4] =	ssyncset.s32 $0xFFFFF086  }
0x25: {  	[simem:s6], [sflag:s4] =	dma.local [hbm:s3], $0xF7A  }
0x26: {  	[smem:$0x3FA0] =	sst s1;
	(tag) =	ssettag s2;
	_ =	strace s9  }
0x27: {  	s1 =	sld [smem:$0x3FB0]  }
0x28: {  	s2 =	sld [smem:$0x3FB1]  }
0x29: {  	s4 =	sld [smem:$0x3FB3]  }
0x2a: {  	p0 =	seq.s32 s5, $0x0;
	s5 =	sld [smem:$0x3FB4]  }
0x2b: {  	s6 =	sld [smem:$0x3FB5]  }
0x2c: {  	s7 =	sld [smem:$0x3FB6]  }
0x2d: {  	s3 =	simm.s32 $0x108;
	s8 =	sld [smem:$0x3FB7]  }
0x2e: {  	s3 =	simm.s32 @!p0 $0x1082;
	s9 =	sld [smem:$0x3FB8]  }
0x2f: {  	lr =	sadd.s32 s0, s3;
	s0 =	sld [smem:$0x3FAF]  }
0x30: {  	s3 =	sld [smem:$0x3FB2]  }
0x31: {  	[smem:$0x3FBB] =	sst s10  }
0x32: {  	s10 =	sld [smem:$0x3FB9];
	_ =	sdelay $0x3  }
0x33: {  	p0 =	seq.s32 s10, $0x1;
	s10 =	sld [smem:$0x3FBB];
	_ =	sdelay $0x3  }
0x34: {  	[smem:$0x3FBB] =	sst s10  }
0x35: {  	s10 =	sld [smem:$0x3FBA];
	_ =	sdelay $0x3  }
0x36: {  	p1 =	seq.s32 s10, $0x1;
	s10 =	sld [smem:$0x3FBB];
	_ =	sdelay $0x3  }
0x37: {  	[smem:$0x3FBB] =	sst s10  }
0x38: {  	s10 =	sld [smem:$0x3FBC]  }
0x39: {  	_ = 	snop;
	(pc) =	sbr.ind lr, $3  }
0x3a: {  	_ = 	snop  }
0x3b: {  	_ = 	snop  }
0x3c: {  	p2 =	seq.s32 s10, $0x1;
	s10 =	sld [smem:$0x3FBB]  }
0x3d: {  	_ =	shalt  }
0x3e: {  	_ =	shalt  }
0x3f: {  	_ =	shalt  }
0x40: {  	_ =	shalt  }
0x41: {  	_ =	shalt  }
0x42: {  	_ =	shalt  }
0x43: {  	_ =	shalt  }
0x44: {  	_ =	shalt  }
0x45: {  	_ =	shalt  }
0x46: {  	_ =	shalt  }
0x47: {  	_ =	shalt  }
0x48: {  	_ =	shalt  }
0x49: {  	_ =	shalt  }
0x4a: {  	_ =	shalt  }
0x4b: {  	_ =	shalt  }
0x4c: {  	_ =	shalt  }
0x4d: {  	_ =	shalt  }
0x4e: {  	_ =	shalt  }
0x4f: {  	_ =	shalt  }
0x50: {  	_ =	shalt  }
0x51: {  	_ =	shalt  }
0x52: {  	_ =	shalt  }
0x53: {  	_ =	shalt  }
0x54: {  	_ =	shalt  }
0x55: {  	_ =	shalt  }
0x56: {  	_ =	shalt  }
0x57: {  	_ =	shalt  }
0x58: {  	_ =	shalt  }
0x59: {  	_ =	shalt  }
0x5a: {  	_ =	shalt  }
0x5b: {  	_ =	shalt  }
0x5c: {  	_ =	shalt  }
0x5d: {  	_ =	shalt  }
0x5e: {  	_ =	shalt  }
0x5f: {  	_ =	shalt  }
0x60: {  	_ =	shalt  }
0x61: {  	_ =	shalt  }
0x62: {  	_ =	shalt  }
0x63: {  	_ =	shalt  }
0x64: {  	_ =	shalt  }
0x65: {  	_ =	shalt  }
0x66: {  	_ =	shalt  }
0x67: {  	_ =	shalt  }
0x68: {  	_ =	shalt  }
0x69: {  	_ =	shalt  }
0x6a: {  	_ =	shalt  }
0x6b: {  	_ =	shalt  }
0x6c: {  	_ =	shalt  }
0x6d: {  	_ =	shalt  }
0x6e: {  	_ =	shalt  }
0x6f: {  	_ =	shalt  }
0x70: {  	_ =	shalt  }
0x71: {  	_ =	shalt  }
0x72: {  	_ =	shalt  }
0x73: {  	_ =	shalt  }
0x74: {  	_ =	shalt  }
0x75: {  	_ =	shalt  }
0x76: {  	_ =	shalt  }
0x77: {  	_ =	shalt  }
0x78: {  	_ =	shalt  }
0x79: {  	_ =	shalt  }
0x7a: {  	_ =	shalt  }
0x7b: {  	_ =	shalt  }
0x7c: {  	_ =	shalt  }
0x7d: {  	_ =	shalt  }
0x7e: {  	_ =	shalt  }
0x7f: {  	_ =	shalt  }
0x80: {  	_ =	shalt  }
0x81: {  	_ =	shalt  }
0x82: {  	_ =	shalt  }
0x83: {  	_ =	shalt  }
0x84: {  	_ =	shalt  }
0x85: {  	_ =	shalt  }
0x86: {  	_ =	shalt  }
0x87: {  	_ =	shalt  }
.Lfunc_end0:
.L_simem_size_0:
called_computation_lowered:
.L_overlay_start_0:
0x88: {  	s2 =	sld [smem:$0x3FD9]  }
0x89: {  	s3 =	sld [smem:$0x3FFE];
	_ =	sdelay $0x1  }
0x8a: {  	s1 =	srdreg.scid  }
0x8b: {  	s0 =	sand.u32 $0x1, s1  }
0x8c: {  	s14 =	sshll.u32 s0, $0xA;
	s2 =	sadd.s32 s3, s2  }
0x8d: {  	s2 =	sadd.s32 s2, s14  }
0x8e: {  	[smem:$0x3FC7] =	sst s2  }
0x8f: {  	_ = 	snop  }
0x90: {  	s2 =	sld [smem:$0x3FD0];
	_ =	sdelay $0x2  }
0x91: {  	s15 =	simm.s32 $0xA;
	s4 =	simm.s32 $0x10  }
0x92: {  	[smem:s4], [sflag:s15] =	dma.local [hbm:s2], $0x1  }
0x93: {  	_ =	swait.eq [sflag:s15], $0x1  }
0x94: {  	[sflag:s15] =	ssyncset.done $0x0  }
0x95: {  	s16 =	sld [smem:$0x10];
	[sflag:s15] =	ssyncadd.s32 $0xFFFFFFFF  }
0x96: {  	s17 =	sld [smem:$0x11];
	(tm) =	ssettm $0x1  }
0x97: {  	s18 =	sld [smem:$0x3FFB];
	_ =	sdelay $0x3  }
0x98: {  	_ =	strace s18  }
0x99: {  	s4 =	sld [smem:$0x3FFC];
	_ =	sdelay $0x3  }
0x9a: {  	_ =	strace s4  }
0x9b: {  	s4 =	sld [smem:$0x3FFD];
	_ =	sdelay $0x3  }
0x9c: {  	_ =	strace s4  }
0x9d: {  	_ =	strace $0x8FFFFFFF  }
0x9e: {  	s19 =	sld [smem:$0x3FDB];
	_ =	sdelay $0x1  }
0x9f: {  	s5 =	simm.s32 $_scs_section_size  }
0xa0: {  	s6 =	simm.s32 $_size__tile_overlayer_lowered;
	s7 =	simm.s32 $_tile_overlayer_lowered  }
0xa1: {  	s22 =	simm.s32 $0x1BFF;
	s21 =	sshll.u32 s7, $0x1;
	s4 =	sadd.s32 s5, s19  }
0xa2: {  	s8 =	simm.s32 $0x0;
	s20 =	sshll.u32 s6, $0x1;
	s6 =	sadd.s32 s21, s4  }
0xa3: {  	[timem:s8], [sflag:s22] =	dma.local [hbm:s6], s20  }
0xa4: {  	_ =	swait.ge [sflag:s22], s20  }
0xa5: {  	s5 =	ssub.s32 $0x0, s20;
	[sflag:s22] =	ssyncset.done $0x0  }
0xa6: {  	[sflag:s22] =	ssyncadd.s32 s5;
	_ =	sdelay $0x1  }
0xa7: {  	s23 =	simm.s32 $0x1B8B  }
0xa8: {  	_ =	swait.ge [sflag:s23], $0x1  }
0xa9: {  	[sflag:s23] =	ssyncset.done $0x0  }
0xaa: {  	s25 =	simm.s32 $0x1B8E;
	s24 =	sld [smem:$0x3FFE];
	[sflag:s23] =	ssyncadd.s32 $0xFFFFFFFF  }
0xab: {  	s26 =	simm.s32 $execute0_lowered;
	[smem:$0x3FD2] =	sst s25  }
0xac: {  	s6 =	sshll.u32 s26, $0x1;
	_ =	strace $0x80000046;
	[dreg:$0x1] =	wrdreg $0xFFFFFFFF  }
0xad: {  	s28 =	simm.s32 $_size_execute0_lowered;
	s4 =	sadd.s32 s4, s6;
	[dreg:$0x0] =	wrdreg $0x0  }
0xae: {  	s6 =	sshll.u32 s28, $0x1;
	[dreg:$0x2] =	wrdreg s4  }
0xaf: {  	[dreg:$0x3] =	wrdreg s6  }
0xb0: {  	[dreg:$0x4] =	wrdreg $0xC0  }
0xb1: {  	_ =	task [dreg:s8], $0x5FFFF  }
0xb2: {  	[dreg:$0x1] =	wrdreg $0xFFFFFFFF  }
0xb3: {  	[dreg:$0x0] =	wrdreg $0x60  }
0xb4: {  	[dreg:$0x2] =	wrdreg s24  }
0xb5: {  	[dreg:$0x3] =	wrdreg s16  }
0xb6: {  	[dreg:$0x4] =	wrdreg s17  }
0xb7: {  	[dreg:$0x5] =	wrdreg $0x9  }
0xb8: {  	_ =	task.clear_ibuf [dreg:s8], $0x6FFFF;
	_ =	strace $0x90000046  }
0xb9: {  	s29 =	simm.s32 $0x9;
	_ =	strace $0x80000048  }
0xba: {  	_ =	swait.ge [sflag:s29], $0x1  }
0xbb: {  	[sflag:s29] =	ssyncadd.s32 $0xFFFFFFFF  }
0xbc: {  	_ =	strace $0x90000048  }
0xbd: {  	_ =	sfence  }
0xbe: {  	s30 =	sld [smem:$0x0];
	_ =	sdelay $0x2  }
0xbf: {  	s31 =	sshll.u32 s1, $0xD;
	s1 =	sshrl.u32 s1, $0x2  }
0xc0: {  	s3 =	sand.u32 $0x4000, s31;
	s1 =	sadd.s32 s1, s30  }
0xc1: {  	s0 =	sor.u32 s3, s0;
	s1 =	sshll.u32 s1, $0x11  }
0xc2: {  	s0 =	sor.u32 s1, s0  }
0xc3: {  	s0 =	sadd.s32 $0x8F2B, s0  }
0xc4: {  	[sflag:s0] =	ssyncadd.remote.s32 $0x1  }
0xc5: {  	_ =	sfence.sel $0xFFFF  }
0xc6: {  	[dreg:$0x0] =	wrdreg $0xFFFFFFFF;
	(pc) =	sbr.abs _section_cstart, $3  }
0xc7: {  	[dreg:$0x1] =	wrdreg $0xFFFFFFFF  }
0xc8: {  	_ =	task.clear_ibuf [dreg:s8], $0x2FFFF;
	_ =	strace $0x9FFFFFFF  }
0xc9: {  	(tm) =	ssettm $0x7FFFFFFF  }
tec
execute0_lowered:
.L_overlay_start_1:
0x0: {  	(tag) =	ssettag $0x1  }
0x1: {  	s1 =	srdreg.scid;
	s0 =	stileid.u32  }
0x2: {  	s2 =	sand.u32 $0x1, s1;
	s24 =	sshll.u32 s0, $0x1  }
0x3: {  	s6 =	sor.u32 s2, s24  }
0x4: {  	s1 =	smul.u32 $0x2A800, s6;
	_ =	sdelay $0x1  }
0x5: {  	s7 =	rddreg [dreg:$0x0];
	s14 =	simm.s32 $0x3;
	s5 =	sadd.s32 $0xFFFE3154, s1  }
0x6: {  	s15 =	simm.s32 $0xE200;
	s3 =	smulhi.u32 $0xA7990D3D, s5;
	s4 =	sshra.s32 s5, $0x1F  }
0x7: {  	s16 =	simm.s32 $0x1;
	s17 =	simm.s32 $0x10A00;
	s4 =	smul.u32 $0xA7990D3D, s4  }
0x8: {  	s18 =	simm.s32 $0x13200;
	s19 =	simm.s32 $0x2;
	s8 =	ssub.s32 s3, s1  }
0x9: {  	s20 =	simm.s32 $0x15A00;
	s2 =	ssub.s32 $0x2, s2;
	s8 =	sadd.s32 s4, s8  }
0xa: {  	p0 =	seq.s32 s6, $0x0;
	s25 =	sshrl.u32 s2, $0x1;
	s5 =	sadd.s32 s5, s8  }
0xb: {  	s2 =	ssub.s32 s2, s25;
	s29 =	sshrl.u32 s1, $0x3;
	s8 =	sadd.s32 $0x1CEAC, s5  }
0xc: {  	s3 =	rddreg [dreg:$0x1];
	s9 =	sshrl.u32 s8, $0x1F;
	s8 =	sshra.s32 s8, $0xE  }
0xd: {  	s4 =	rddreg [dreg:$0x2];
	s5 =	simm.s32 $0x0;
	s8 =	sadd.s32 s9, s8  }
0xe: {  	s30 =	sadd.s32 s3, s29;
	[smem:$0x7FF] =	sst s5;
	s0 =	sadd.s32 $0x6, s8  }
0xf: {  	_ =	strace $0x80000047;
	[dreg:$0x7] =	wrdreg s30;
	s0 =	simm.s32 @p0 $0x0  }
0x10: {  	s31 =	smax.u32 s2, $0x1;
	s26 =	sand.u32 $0x1, s0;
	[dreg:$0x4] =	wrdreg s0  }
0x11: {  	s10 =	smul.u32 $0xE20, s0;
	s0 =	simm.s32 $0x7100;
	p0 =	seq.s32 s26, $0x1  }
0x12: {  	s7 =	sadd.s32 $0x1C00, s7;
	[dreg:$0x8] =	wrdreg s31;
	s0 =	simm.s32 @!p0 $0x0  }
0x13: {  	s21 =	simm.s32 $0x0;
	s28 =	sadd.s32 s7, s10;
	[dreg:$0x5] =	wrdreg s0  }
0x14: {  	s11 =	sadd.s32 $0x2800, s1;
	s12 =	sadd.s32 $0x5000, s1;
	[dreg:$0x6] =	wrdreg s28  }
.LBB2_1:
0x15: {  	s0 =	rddreg [dreg:$0x5]  }
0x16: {  	s2 =	rddreg [dreg:$0x6]  }
0x17: {  	[tilespmem:s0], [sflag:$0x3] =	stream.linear.gather [hbm4b:s2+s5], $0x7100, $0x38;
	[tilespmem:$0x18200] =	vst v63  }
0x18: {  	_ =	swait.ge [sflag:s14], $0x7100  }
0x19: {  	[sflag:s14] =	ssyncset.done $0x0;
	s31 =	rddreg [dreg:$0x7]  }
0x1a: {  	s22 =	simm.s32 $0x0;
	s25 =	rddreg [dreg:$0x4];
	[sflag:s14] =	ssyncadd.s32 $0xFFFF8F00  }
0x1b: {  	[tilespmem:s15], [sflag:$0x1] =	stream.linear.gather [hbm4b:s31+s5], $0x2800, $0x38;
	[tilespmem:$0x18200] =	vst v63  }
.LBB2_2:
0x1c: {  	s28 =	smul.u32 $0x5000, s22;
	_ =	swait.ge [sflag:s16], $0x2800  }
0x1d: {  	s31 =	simm.s32 $0x1;
	s13 =	simm.s32 $0x1;
	[sflag:s16] =	ssyncset.done $0x0  }
0x1e: {  	s24 =	sadd.s32 s28, s11;
	s2 =	sadd.s32 s1, s28;
	[sflag:s16] =	ssyncadd.s32 $0xFFFFD800  }
0x1f: {  	p0 =	slt.s32 s24, $0x546A00;
	s26 =	smov.u32 s24;
	s30 =	smov.u32 s2  }
0x20: {  	p1 =	sgt.u32 s2, $0xE7C;
	s26 =	simm.s32 @!p0 $0x546A00;
	p0 =	slt.s32 s2, $0x546A00  }
0x21: {  	s23 =	sshrl.u32 s26, $0x3;
	s30 =	simm.s32 @!p0 $0x546A00;
	p0 =	sgt.u32 s2, $0x4E7A  }
0x22: {  	s29 =	sadd.s32 s3, s23;
	s0 =	sadd.s32 $0xFFFE5953, s30;
	s31 =	simm.s32 @!p0 $0x0  }
0x23: {  	[tilespmem:s17], [sflag:$0x1] =	stream.linear.gather [hbm4b:s29+s5], $0x2800, $0x38;
	[tilespmem:$0x18200] =	vst v63  }
0x24: {  	p0 =	sgt.u32 s2, $0x97FA;
	s29 =	simm.s32 $0x1;
	s9 =	smulhi.u32 $0xA7990D3D, s0  }
0x25: {  	s10 =	sshra.s32 s0, $0x1F;
	s13 =	simm.s32 @!p0 $0x0;
	p0 =	sgt.u32 s2, $0xEAFC  }
0x26: {  	s29 =	simm.s32 @!p1 $0x0;
	s8 =	smul.u32 $0xA7990D3D, s10;
	p1 =	sgt.u32 s2, $0x53AA06  }
0x27: {  	s29 =	sadd.s32 s31, s29;
	s9 =	ssub.s32 s9, s30;
	s31 =	simm.s32 $0x1  }
0x28: {  	s8 =	sadd.s32 s8, s9;
	s13 =	sadd.s32 s13, s29;
	s31 =	simm.s32 @!p0 $0x0  }
0x29: {  	p0 =	sgt.u32 s2, $0x145CA;
	s29 =	simm.s32 $0x1;
	s0 =	sadd.s32 s0, s8  }
0x2a: {  	s8 =	simm.s32 $0x1;
	s9 =	sadd.s32 s31, s13;
	s13 =	simm.s32 $0x1  }
0x2b: {  	s31 =	simm.s32 $0xDB;
	s0 =	sadd.s32 $0x1A6AD, s0;
	s8 =	simm.s32 @!p0 $0x0  }
0x2c: {  	p0 =	sgt.u32 s2, $0x52FC36;
	s6 =	sshrl.u32 s0, $0x1F;
	s0 =	sshra.s32 s0, $0xE  }
0x2d: {  	s29 =	simm.s32 @!p0 $0x0;
	p0 =	sgt.u32 s2, $0x535704;
	s0 =	sadd.s32 s6, s0  }
0x2e: {  	s31 =	simm.s32 @!p0 $0xDA;
	p0 =	sgt.u32 s2, $0x53F386;
	s6 =	simm.s32 $0x1  }
0x2f: {  	s13 =	simm.s32 @!p1 $0x0;
	s29 =	sadd.s32 s29, s31;
	s6 =	simm.s32 @!p0 $0x0  }
0x30: {  	p0 =	sgt.u32 s2, $0x543384;
	s13 =	sadd.s32 s13, s29;
	s29 =	simm.s32 $0x1  }
0x31: {  	s0 =	sadd.s32 s0, s10;
	s29 =	simm.s32 @!p0 $0x0;
	s6 =	sadd.s32 s6, s13  }
0x32: {  	s0 =	sadd.s32 $0x6, s0;
	p0 =	slt.u32 s2, $0x529B55;
	s29 =	sadd.s32 s29, s6  }
0x33: {  	p1 =	slt.u32 s2, $0x1A6AD;
	s6 =	sadd.s32 s8, s9;
	s29 =	smov.u32 @p0 s0  }
0x34: {  	s29 =	smov.u32 @p1 s6  }
0x35: {  	p0 =	seq.s32 s29, s25  }
0x36: {  	s0 =	sand.u32 @!p0 $0x1, s29  }
0x37: {  	p1 =	seq.s32 @!p0 s0, $0x1;
	s0 =	smul.u32 @!p0 $0xE20, s29  }
0x38: {  	s2 =	simm.s32 @!p0 $0x7100;
	p1 =	por !p1, p0  }
0x39: {  	s6 =	simm.s32 @!p0 $0x0;
	s2 =	simm.s32 @p1 $0x0;
	s0 =	sadd.s32 @!p0 s7, s0  }
0x3a: {  	[tilespmem:s2], [sflag:$0x3] =	stream.linear.gather @!p0 [hbm4b:s0+s6], $0x7100, $0x38;
	[tilespmem:$0x18200] =	vst v63  }
0x3b: {  	s0 =	simm.s32 @!p0 $0x3  }
0x3c: {  	_ =	swait.ge @!p0 [sflag:s0], $0x7100  }
0x3d: {  	[sflag:s0] =	ssyncset.done @!p0 $0x0  }
0x3e: {  	s25 =	simm.s32 $0xE240;
	[sflag:s0] =	ssyncadd.s32 @!p0 $0xFFFF8F00  }
0x3f: {  	v0 =	vld [tilespmem:s25+$0x30]  }
0x40: {  	v1 =	vld [tilespmem:s25+$0xFFFFFFD0]  }
0x41: {  	v2 =	vld [tilespmem:s25+$0xFFFFFFE0]  }
0x42: {  	v3 =	vld [tilespmem:s25+$0xFFFFFFF0]  }
0x43: {  	v4 =	vld [tilespmem:s25+$0x0]  }
0x44: {  	v6 =	vld [tilespmem:s25+$0x10]  }
0x45: {  	v7 =	vld [tilespmem:s25+$0x20]  }
0x46: {  	v8 =	vld [tilespmem:s25+$0xFFFFFFC0]  }
0x47: {  	v9 =	vld.idx.msk [tilespmem:v0+s5+$0x0], $0xffff  }
0x48: {  	v10 =	vld.idx.msk [tilespmem:v1+s5+$0x0], $0xffff  }
0x49: {  	v5 =	vld.idx.msk [tilespmem:v2+s5+$0x0], $0xffff  }
0x4a: {  	v3 =	vld.idx.msk [tilespmem:v3+s5+$0x0], $0xffff  }
0x4b: {  	v0 =	vld.idx.msk [tilespmem:v4+s5+$0x0], $0xffff  }
0x4c: {  	s25 =	simm.s32 $0x13240;
	v1 =	vld.idx.msk [tilespmem:v6+s5+$0x0], $0xffff  }
0x4d: {  	v2 =	vld.idx.msk [tilespmem:v7+s5+$0x0], $0xffff;
	[tilespmem:s25+$0x30] =	vst v9  }
0x4e: {  	s31 =	simm.s32 $0x0;
	s2 =	simm.s32 $0xE2C0;
	v4 =	vld.idx.msk [tilespmem:v8+s5+$0x0], $0xffff;
	[tilespmem:s25+$0xFFFFFFD0] =	vst v10  }
.LBB2_3:
0x4f: {  	v6 =	vld [tilespmem:s2+$0x30];
	s31 =	sadd.s32 $0x80, s31;
	[tilespmem:s25+$0xFFFFFFE0] =	vst v5  }
0x50: {  	v5 =	vld [tilespmem:s2+$0xFFFFFFD0];
	p0 =	slt.u32 s31, $0x2780;
	[tilespmem:s25+$0xFFFFFFF0] =	vst v3  }
0x51: {  	v3 =	vld [tilespmem:s2+$0xFFFFFFE0];
	[tilespmem:s25+$0x0] =	vst v0  }
0x52: {  	v0 =	vld [tilespmem:s2+$0xFFFFFFF0];
	[tilespmem:s25+$0x10] =	vst v1  }
0x53: {  	v1 =	vld [tilespmem:s2+$0x0];
	[tilespmem:s25+$0x20] =	vst v2  }
0x54: {  	v2 =	vld [tilespmem:s2+$0x10];
	[tilespmem:s25+$0xFFFFFFC0] =	vst v4  }
0x55: {  	v4 =	vld [tilespmem:s2+$0x20]  }
0x56: {  	v7 =	vld [tilespmem:s2+$0xFFFFFFC0]  }
0x57: {  	v6 =	vld.idx.msk [tilespmem:v6+s5+$0x0], $0xffff  }
0x58: {  	v8 =	vld.idx.msk [tilespmem:v5+s5+$0x0], $0xffff  }
0x59: {  	v5 =	vld.idx.msk [tilespmem:v3+s5+$0x0], $0xffff  }
.Ltmp0:
0x5a: {  	v3 =	vld.idx.msk [tilespmem:v0+s5+$0x0], $0xffff;
	(pc) =	sbr.rel @p0 .LBB2_3-.Ltmp0, $4  }
0x5b: {  	v0 =	vld.idx.msk [tilespmem:v1+s5+$0x0], $0xffff  }
0x5c: {  	s25 =	sadd.s32 $0x80, s25;
	v1 =	vld.idx.msk [tilespmem:v2+s5+$0x0], $0xffff  }
0x5d: {  	v2 =	vld.idx.msk [tilespmem:v4+s5+$0x0], $0xffff;
	[tilespmem:s25+$0x30] =	vst v6  }
0x5e: {  	s2 =	sadd.s32 $0x80, s2;
	v4 =	vld.idx.msk [tilespmem:v7+s5+$0x0], $0xffff;
	[tilespmem:s25+$0xFFFFFFD0] =	vst v8  }
0x5f: {  	[tilespmem:s25+$0xFFFFFFE0] =	vst v5  }
0x60: {  	[tilespmem:s25+$0xFFFFFFF0] =	vst v3  }
0x61: {  	[tilespmem:s25+$0x0] =	vst v0  }
0x62: {  	[tilespmem:s25+$0x10] =	vst v1  }
0x63: {  	s0 =	sshrl.u32 s30, $0x3;
	p1 =	sgt.u32 s24, $0x97FA;
	s9 =	simm.s32 $0x1;
	[tilespmem:s25+$0x20] =	vst v2  }
0x64: {  	s0 =	sadd.s32 s4, s0;
	s9 =	simm.s32 @!p1 $0x0;
	[tilespmem:s25+$0xFFFFFFC0] =	vst v4;
	s25 =	sadd.s32 $0xFFFE5953, s26  }
0x65: {  	[hbm4b:s0+s5] =	stream.linear.scatter [tilespmem:s18], [sflag:$0x2], $0x2800, $0x38;
	[tilespmem:$0x18200] =	vst v63  }
0x66: {  	p1 =	sgt.u32 s24, $0x53AA06;
	s0 =	sadd.s32 s28, s12;
	s6 =	smulhi.u32 $0xA7990D3D, s25  }
0x67: {  	s2 =	simm.s32 $0x2;
	s8 =	sshra.s32 s25, $0x1F;
	p0 =	slt.s32 s0, $0x546A00  }
0x68: {  	s13 =	simm.s32 $0x1;
	_ =	swait.ge [sflag:s16], $0x2800;
	s10 =	smul.u32 $0xA7990D3D, s8  }
0x69: {  	s0 =	simm.s32 @!p0 $0x546A00;
	[sflag:s16] =	ssyncset.done $0x0;
	p0 =	sgt.u32 s24, $0x4E7A  }
0x6a: {  	s6 =	ssub.s32 s6, s26;
	s0 =	sshrl.u32 s0, $0x3;
	[sflag:s16] =	ssyncadd.s32 $0xFFFFD800  }
0x6b: {  	s2 =	simm.s32 @!p0 $0x1;
	p0 =	sgt.u32 s24, $0xEAFC;
	s6 =	sadd.s32 s10, s6  }
0x6c: {  	s10 =	simm.s32 $0x1;
	s0 =	sadd.s32 s3, s0;
	s2 =	sadd.s32 s9, s2  }
0x6d: {  	s13 =	simm.s32 @!p0 $0x0;
	p0 =	sgt.u32 s24, $0x145CA;
	s9 =	simm.s32 $0x1  }
0x6e: {  	[tilespmem:s15], [sflag:$0x1] =	stream.linear.gather [hbm4b:s0+s5], $0x2800, $0x38;
	[tilespmem:$0x18200] =	vst v63  }
0x6f: {  	s0 =	sadd.s32 s25, s6;
	s6 =	simm.s32 $0x1;
	s2 =	sadd.s32 s13, s2  }
0x70: {  	s13 =	simm.s32 $0xDB;
	s25 =	simm.s32 $0x1;
	s9 =	simm.s32 @!p1 $0x0  }
0x71: {  	s0 =	sadd.s32 $0x1A6AD, s0;
	s6 =	simm.s32 @!p0 $0x0;
	p0 =	sgt.u32 s24, $0x52FC36  }
0x72: {  	s28 =	sshrl.u32 s0, $0x1F;
	s10 =	simm.s32 @!p0 $0x0;
	p0 =	sgt.u32 s24, $0x535704  }
0x73: {  	s0 =	sshra.s32 s0, $0xE;
	s13 =	simm.s32 @!p0 $0xDA;
	p0 =	sgt.u32 s24, $0x53F386  }
0x74: {  	s0 =	sadd.s32 s28, s0;
	s10 =	sadd.s32 s10, s13;
	s25 =	simm.s32 @!p0 $0x0  }
0x75: {  	p0 =	sgt.u32 s24, $0x543384;
	s9 =	sadd.s32 s9, s10;
	s10 =	simm.s32 $0x1  }
0x76: {  	s0 =	sadd.s32 s0, s8;
	s10 =	simm.s32 @!p0 $0x0;
	s30 =	sadd.s32 s25, s9  }
0x77: {  	s0 =	sadd.s32 $0x6, s0;
	p0 =	slt.u32 s24, $0x529B55;
	s25 =	sadd.s32 s10, s30  }
0x78: {  	p1 =	slt.u32 s24, $0x1A6AD;
	s2 =	sadd.s32 s6, s2;
	s25 =	smov.u32 @p0 s0  }
0x79: {  	s25 =	smov.u32 @p1 s2  }
0x7a: {  	p0 =	seq.s32 s25, s29  }
0x7b: {  	s0 =	sand.u32 @!p0 $0x1, s25  }
0x7c: {  	p1 =	seq.s32 @!p0 s0, $0x1;
	s0 =	smul.u32 @!p0 $0xE20, s25  }
0x7d: {  	s2 =	simm.s32 @!p0 $0x7100;
	p1 =	por !p1, p0  }
0x7e: {  	s6 =	simm.s32 @!p0 $0x0;
	s2 =	simm.s32 @p1 $0x0;
	s0 =	sadd.s32 @!p0 s7, s0  }
0x7f: {  	[tilespmem:s2], [sflag:$0x3] =	stream.linear.gather @!p0 [hbm4b:s0+s6], $0x7100, $0x38;
	[tilespmem:$0x18200] =	vst v63  }
0x80: {  	s0 =	simm.s32 @!p0 $0x3  }
0x81: {  	_ =	swait.ge @!p0 [sflag:s0], $0x7100  }
0x82: {  	[sflag:s0] =	ssyncset.done @!p0 $0x0  }
0x83: {  	s31 =	simm.s32 $0x10A40;
	[sflag:s0] =	ssyncadd.s32 @!p0 $0xFFFF8F00  }
0x84: {  	v0 =	vld [tilespmem:s31+$0x30]  }
0x85: {  	v1 =	vld [tilespmem:s31+$0xFFFFFFD0]  }
0x86: {  	v2 =	vld [tilespmem:s31+$0xFFFFFFE0]  }
0x87: {  	v3 =	vld [tilespmem:s31+$0xFFFFFFF0]  }
0x88: {  	v4 =	vld [tilespmem:s31+$0x0]  }
0x89: {  	v6 =	vld [tilespmem:s31+$0x10]  }
0x8a: {  	v7 =	vld [tilespmem:s31+$0x20]  }
0x8b: {  	v8 =	vld [tilespmem:s31+$0xFFFFFFC0]  }
0x8c: {  	v9 =	vld.idx.msk [tilespmem:v0+s5+$0x0], $0xffff  }
0x8d: {  	v10 =	vld.idx.msk [tilespmem:v1+s5+$0x0], $0xffff  }
0x8e: {  	v5 =	vld.idx.msk [tilespmem:v2+s5+$0x0], $0xffff  }
0x8f: {  	v3 =	vld.idx.msk [tilespmem:v3+s5+$0x0], $0xffff  }
0x90: {  	v0 =	vld.idx.msk [tilespmem:v4+s5+$0x0], $0xffff  }
0x91: {  	s24 =	simm.s32 $0x15A40;
	v1 =	vld.idx.msk [tilespmem:v6+s5+$0x0], $0xffff  }
0x92: {  	v2 =	vld.idx.msk [tilespmem:v7+s5+$0x0], $0xffff;
	[tilespmem:s24+$0x30] =	vst v9  }
0x93: {  	s26 =	simm.s32 $0x0;
	s2 =	simm.s32 $0x10AC0;
	v4 =	vld.idx.msk [tilespmem:v8+s5+$0x0], $0xffff;
	[tilespmem:s24+$0xFFFFFFD0] =	vst v10  }
.LBB2_5:
0x94: {  	v6 =	vld [tilespmem:s2+$0x30];
	s26 =	sadd.s32 $0x80, s26;
	[tilespmem:s24+$0xFFFFFFE0] =	vst v5  }
0x95: {  	v5 =	vld [tilespmem:s2+$0xFFFFFFD0];
	p0 =	slt.u32 s26, $0x2780;
	[tilespmem:s24+$0xFFFFFFF0] =	vst v3  }
0x96: {  	v3 =	vld [tilespmem:s2+$0xFFFFFFE0];
	[tilespmem:s24+$0x0] =	vst v0  }
0x97: {  	v0 =	vld [tilespmem:s2+$0xFFFFFFF0];
	[tilespmem:s24+$0x10] =	vst v1  }
0x98: {  	v1 =	vld [tilespmem:s2+$0x0];
	[tilespmem:s24+$0x20] =	vst v2  }
0x99: {  	v2 =	vld [tilespmem:s2+$0x10];
	[tilespmem:s24+$0xFFFFFFC0] =	vst v4  }
0x9a: {  	v4 =	vld [tilespmem:s2+$0x20]  }
0x9b: {  	v7 =	vld [tilespmem:s2+$0xFFFFFFC0]  }
0x9c: {  	v6 =	vld.idx.msk [tilespmem:v6+s5+$0x0], $0xffff  }
0x9d: {  	v8 =	vld.idx.msk [tilespmem:v5+s5+$0x0], $0xffff  }
0x9e: {  	v5 =	vld.idx.msk [tilespmem:v3+s5+$0x0], $0xffff  }
.Ltmp1:
0x9f: {  	v3 =	vld.idx.msk [tilespmem:v0+s5+$0x0], $0xffff;
	(pc) =	sbr.rel @p0 .LBB2_5-.Ltmp1, $4  }
0xa0: {  	v0 =	vld.idx.msk [tilespmem:v1+s5+$0x0], $0xffff  }
0xa1: {  	s24 =	sadd.s32 $0x80, s24;
	v1 =	vld.idx.msk [tilespmem:v2+s5+$0x0], $0xffff  }
0xa2: {  	v2 =	vld.idx.msk [tilespmem:v4+s5+$0x0], $0xffff;
	[tilespmem:s24+$0x30] =	vst v6  }
0xa3: {  	s2 =	sadd.s32 $0x80, s2;
	v4 =	vld.idx.msk [tilespmem:v7+s5+$0x0], $0xffff;
	[tilespmem:s24+$0xFFFFFFD0] =	vst v8  }
0xa4: {  	[tilespmem:s24+$0xFFFFFFE0] =	vst v5  }
0xa5: {  	[tilespmem:s24+$0xFFFFFFF0] =	vst v3  }
0xa6: {  	[tilespmem:s24+$0x0] =	vst v0  }
0xa7: {  	[tilespmem:s24+$0x10] =	vst v1  }
0xa8: {  	[tilespmem:s24+$0x20] =	vst v2  }
0xa9: {  	s0 =	sadd.s32 s4, s23;
	s22 =	sadd.s32 $0x1, s22;
	[tilespmem:s24+$0xFFFFFFC0] =	vst v4  }
0xaa: {  	[hbm4b:s0+s5] =	stream.linear.scatter [tilespmem:s20], [sflag:$0x2], $0x2800, $0x38;
	[tilespmem:$0x18200] =	vst v63  }
0xab: {  	p0 =	sne.s32 s22, $0x9;
	_ =	swait.ge [sflag:s19], $0x2800  }
.Ltmp2:
0xac: {  	[sflag:s19] =	ssyncset.done $0x0;
	(pc) =	sbr.rel @p0 .LBB2_2-.Ltmp2, $4  }
0xad: {  	[sflag:s19] =	ssyncadd.s32 $0xFFFFD800  }
0xae: {  	_ =	swait.ge [sflag:s19], $0x2800  }
0xaf: {  	[sflag:s19] =	ssyncset.done $0x0  }
0xb0: {  	[sflag:s19] =	ssyncadd.s32 $0xFFFFD800  }
0xb1: {  	_ =	swait.ge [sflag:s16], $0x2800  }
0xb2: {  	s21 =	sadd.s32 $0x1, s21;
	s0 =	rddreg [dreg:$0x8]  }
0xb3: {  	p0 =	sne.s32 s21, s0  }
.Ltmp3:
0xb4: {  	_ = 	snop;
	(pc) =	sbr.rel @p0 .LBB2_1-.Ltmp3, $3  }
0xb5: {  	_ =	sdelay $0x1  }
0xb6: {  	[sflag:s16] =	ssyncset.done $0x0  }
0xb7: {  	[sflag:s16] =	ssyncadd.s32 $0xFFFFD800  }
0xb8: {  	_ =	sfence.sel $0x180000  }
0xb9: {  	[bflag:$0x0] =	sbarrier.arrive $0xFFFF  }
0xba: {  	_ =	strace $0x90000047  }
0xbb: {  	s0 =	stileid.u32;
	[bflag:$0x2] =	sbarrier.arrive $0xFFFF  }
0xbc: {  	p0 =	sne.s32 s0, $0x0;
	s0 =	rddreg [dreg:$0x3]  }
0xbd: {  	s0 =	sadd.s32 @!p0 $0x100000, s0  }
0xbe: {  	[sflag:s0] =	ssyncadd.tile.s32 @!p0 $0x1;
	_ =	shalt  }
.Lfunc_end2:
_tile_overlayer_lowered:
.L_overlay_start_2:
0xbf: {  	(tag) =	ssettag $0x2  }
0xc0: {  	s0 =	rddreg [dreg:$0x0];
	s2 =	stileid.u32  }
0xc1: {  	s1 =	rddreg [dreg:$0x1];
	p0 =	sne.s32 s2, $0x0  }
0xc2: {  	s3 =	rddreg [dreg:$0x2];
	[bflag:$0x3] =	sbarrier.arrive $0xFFFF;
	s2 =	simm.s32 @!p0 $0x1C03  }
0xc3: {  	[timem:s3], [sflag:s2] =	dma.local @!p0 [hbm:s0], s1  }
0xc4: {  	s0 =	simm.s32 @!p0 $0x3  }
0xc5: {  	_ =	swait.ge @!p0 [sflag:s0], s1  }
0xc6: {  	s1 =	ssub.s32 @!p0 $0x0, s1;
	[sflag:s0] =	ssyncset.done @!p0 $0x0  }
0xc7: {  	[sflag:s0] =	ssyncadd.s32 @!p0 s1  }
0xc8: {  	[bflag:$0x3] =	sbarrier.arrive $0xFFFF  }
0xc9: {  	_ =	shalt  }

</sc_bundles>
